<compile_context>
chip_gen: v7x
topology: tpu7x:2x2x1
jax: 0.10.2.dev20260603
libtpu: 0.0.44.dev20260713+nightly
codegen_flags: <defaults>
</compile_context>

<pallas_src>
import functools

import jax
import jax.numpy as jnp
from jax import lax
from jax.experimental import pallas as pl
from jax.experimental.pallas import tpu as pltpu
from jax.experimental.pallas import tpu_sc as plsc

N = 50000
E = 800000
D = 64
W = 128

NPAD = 51200
EPAD = 819200
NW = 32
EHALF = EPAD // 2
EW = EHALF // NW
GC = 256
GCH = EW // GC
ET = EHALF // 16

_mesh = plsc.VectorSubcoreMesh(core_axis_name="c", subcore_axis_name="s")
_bf16 = jnp.bfloat16


@functools.partial(
    pl.kernel,
    mesh=_mesh,
    compiler_params=pltpu.CompilerParams(use_tc_tiling_on_sc=False),
    out_type=jax.ShapeDtypeStruct((256,), jnp.int32),
    scratch_types=[pltpu.VMEM((128,), jnp.int32)],
)
def _warmup_sc(in_hbm, out_hbm, buf):
    c = lax.axis_index("c")
    s = lax.axis_index("s")

    @pl.when(s == 0)
    def _():
        off = pl.multiple_of(c * 128, 8)
        pltpu.sync_copy(in_hbm.at[pl.ds(off, 128)], buf)
        pltpu.sync_copy(buf, out_hbm.at[pl.ds(off, 128)])


@functools.partial(
    pl.kernel,
    mesh=_mesh,
    compiler_params=pltpu.CompilerParams(use_tc_tiling_on_sc=False),
    out_type=jax.ShapeDtypeStruct((EHALF, W), jnp.float32),
    scratch_types=[
        pltpu.VMEM((GC,), jnp.int32),
        pltpu.VMEM((GC,), jnp.int32),
        pltpu.VMEM((GC, W), jnp.float32),
        pltpu.VMEM((GC, W), jnp.float32),
        pltpu.SemaphoreType.DMA,
    ],
)
def _gather_sc(ta0_hbm, tb0_hbm, ta1_hbm, tb1_hbm, row_hbm, col_hbm, wu_hbm,
               sr_out, rowv, colv, bufa, bufb, sem):
    del wu_hbm
    c = lax.axis_index("c")
    s = lax.axis_index("s")
    base = (s * 2 + c) * EW

    def run(ta_hbm, tb_hbm):
        def chunk(g, _):
            eb = pl.multiple_of(base + g * GC, 8)
            pltpu.sync_copy(row_hbm.at[pl.ds(eb, GC)], rowv)
            pltpu.sync_copy(col_hbm.at[pl.ds(eb, GC)], colv)
            h1 = pltpu.async_copy(ta_hbm.at[rowv], bufa, sem)
            h2 = pltpu.async_copy(tb_hbm.at[colv], bufb, sem)
            h1.wait()
            h2.wait()

            def vrow(i, _):
                r = i * 4
                for rr in range(4):
                    for j in range(4):
                        cs = pl.ds(j * 16, 16)
                        bufa[r + rr, cs] = bufa[r + rr, cs] + bufb[r + rr, cs]
                    cs = pl.ds(64, 16)
                    bufa[r + rr, cs] = bufa[r + rr, cs] - bufb[r + rr, cs]
                return 0

            lax.fori_loop(0, GC // 4, vrow, 0)
            pltpu.sync_copy(bufa, sr_out.at[pl.ds(eb, GC)])
            return 0

        lax.fori_loop(0, GCH, chunk, 0)

    @pl.when(c == 0)
    def _():
        run(ta0_hbm, tb0_hbm)

    @pl.when(c == 1)
    def _():
        run(ta1_hbm, tb1_hbm)


HALF = 25000
RSH = 25088
SSUB = 128
SCH = ET // SSUB


@functools.partial(
    pl.kernel,
    mesh=_mesh,
    compiler_params=pltpu.CompilerParams(use_tc_tiling_on_sc=False,
                                         needs_layout_passes=False),
    out_type=jax.ShapeDtypeStruct((N, W), _bf16),
    scratch_types=[
        pltpu.VMEM((SSUB,), jnp.int32),
        pltpu.VMEM((SSUB,), jnp.int32),
        pltpu.VMEM((SSUB, W), jnp.float32),
        pltpu.VMEM((SSUB, W), _bf16),
        pltpu.VMEM_SHARED((RSH, W), _bf16),
    ],
)
def _scatter_sc(mc_hbm, col_hbm, acc_out, colv, idxv, loadbuf, databuf, acc_sh):
    c = lax.axis_index("c")
    s = lax.axis_index("s")
    nbase = c * HALF

    def zrow(i, _):
        for j in range(W // 32):
            databuf[i, pl.ds(j * 32, 32)] = jnp.zeros((32,), _bf16)
        return 0

    lax.fori_loop(0, SSUB, zrow, 0)
    for q in range(12):
        r0 = pl.multiple_of(s * (RSH // 16) + q * SSUB, 8)
        pltpu.sync_copy(databuf, acc_sh.at[pl.ds(r0, SSUB)])
    r0 = pl.multiple_of(s * (RSH // 16) + 12 * SSUB, 8)
    pltpu.sync_copy(databuf.at[pl.ds(0, 32)], acc_sh.at[pl.ds(r0, 32)])
    plsc.subcore_barrier()

    def chunk(g, _):
        eb = pl.multiple_of(s * ET + g * SSUB, 8)
        pltpu.sync_copy(col_hbm.at[pl.ds(eb, SSUB)], colv)

        def ibody(i, _):
            v = colv[pl.ds(i * 16, 16)]
            l = v - nbase
            ok = (l >= 0) & (l < HALF)
            idxv[pl.ds(i * 16, 16)] = jnp.where(ok, l, HALF)
            return 0

        lax.fori_loop(0, SSUB // 16, ibody, 0)
        pltpu.sync_copy(mc_hbm.at[pl.ds(eb, SSUB)], loadbuf)

        def prow(r, _):
            for g in range(3):
                a = loadbuf[r, pl.ds(g * 32, 16)]
                b = loadbuf[r, pl.ds(g * 32 + 16, 16)]
                databuf[r, pl.ds(g * 32, 32)] = plsc.pack(
                    a, b, format=plsc.PackFormat.INTERLEAVED)
            return 0

        lax.fori_loop(0, SSUB, prow, 0)
        pltpu.sync_copy(databuf, acc_sh.at[idxv], add=True)
        return 0

    lax.fori_loop(0, SCH, chunk, 0)
    plsc.subcore_barrier()

    ob = s * 1560
    og = nbase + s * 1560
    pltpu.sync_copy(acc_sh.at[pl.ds(ob, 1560)], acc_out.at[pl.ds(og, 1560)])

    @pl.when(s == 0)
    def _():
        pltpu.sync_copy(acc_sh.at[pl.ds(24960, 40)], acc_out.at[pl.ds(nbase + 24960, 40)])


def _silu(v):
    return v * jax.nn.sigmoid(v)


def _pre_body(h_ref, x_ref, w1r_ref, w1c_ref, ta0_ref, tb0_ref, ta1_ref, tb1_ref):
    h = h_ref[...]
    x16 = x_ref[...]
    z = jnp.zeros((h.shape[0], W - D - 16), jnp.float32)
    ta = jnp.concatenate(
        [jnp.dot(h, w1r_ref[...], preferred_element_type=jnp.float32), x16, z],
        axis=1)
    tb = jnp.concatenate(
        [jnp.dot(h, w1c_ref[...], preferred_element_type=jnp.float32), x16, z],
        axis=1)
    ta0_ref[...] = ta
    tb0_ref[...] = tb
    ta1_ref[...] = ta
    tb1_ref[...] = tb


def _edge_body(sr_ref, w1d_ref, be1_ref, we2_ref, be2_ref,
               wc1_ref, bc1_ref, wc2_ref, mc_ref):
    sr = sr_ref[...]
    rel = sr[:, D:D + 16]
    dist = jnp.sqrt(jnp.sum(rel * rel, axis=-1, keepdims=True))
    pre = sr[:, :D] + dist * w1d_ref[...] + be1_ref[...]
    t = _silu(pre)
    msg = jnp.dot(t, we2_ref[...], preferred_element_type=jnp.float32) + be2_ref[...]
    cpre = jnp.dot(msg, wc1_ref[...], preferred_element_type=jnp.float32) + bc1_ref[...]
    cw = jnp.sum(_silu(cpre) * wc2_ref[...], axis=-1, keepdims=True)
    z = jnp.zeros((msg.shape[0], W - D - 16), jnp.float32)
    mc_ref[...] = jnp.concatenate([msg, rel * cw, z], axis=1)


_PSRC = []
for _g in range(4):
    for _i in range(16):
        _PSRC.extend([32 * _g + _i, 32 * _g + 16 + _i])
_XIDX = tuple(_PSRC.index(D + k) for k in range(16))


def _node_body(h_ref, acc1_ref, acc2_ref, x_ref, wn1a_ref, wn1bp_ref, bn1_ref,
               wn2_ref, bn2_ref, hn_ref, xn_ref):
    h = h_ref[...]
    acc = acc1_ref[...].astype(jnp.float32) + acc2_ref[...].astype(jnp.float32)
    pre = (jnp.dot(h, wn1a_ref[...], preferred_element_type=jnp.float32)
           + jnp.dot(acc[:, :D], wn1bp_ref[...], preferred_element_type=jnp.float32)
           + bn1_ref[...])
    hn_ref[...] = h + jnp.dot(_silu(pre), wn2_ref[...],
                              preferred_element_type=jnp.float32) + bn2_ref[...]
    xacc = jnp.concatenate([acc[:, j:j + 1] for j in _XIDX], axis=1)
    xn_ref[...] = x_ref[...] + xacc


def _full(shape):
    return pl.BlockSpec(shape, lambda i: (0, 0))


def kernel(h, x, edge_index, We1, be1, We2, be2, Wn1, bn1, Wn2, bn2, Wc1, bc1, Wc2):
    f32 = jnp.float32
    row = edge_index[0]
    col = edge_index[1]
    pad = jnp.full((EPAD - E,), N, dtype=jnp.int32)
    row_p = jnp.concatenate([row, pad])
    col_p = jnp.concatenate([col, pad])

    h_pad = jnp.zeros((NPAD, D), f32).at[:N].set(h)
    x_pad = jnp.zeros((NPAD, 16), f32).at[:N, :3].set(x)
    x16 = x_pad[:N]

    bn = 2048
    ta0, tb0, ta1, tb1 = pl.pallas_call(
        _pre_body,
        grid=(NPAD // bn,),
        in_specs=[pl.BlockSpec((bn, D), lambda i: (i, 0)),
                  pl.BlockSpec((bn, 16), lambda i: (i, 0)),
                  _full((D, D)), _full((D, D))],
        out_specs=[pl.BlockSpec((bn, W), lambda i: (i, 0))] * 4,
        out_shape=[jax.ShapeDtypeStruct((NPAD, W), f32)] * 4,
    )(h_pad, x_pad, We1[:D], We1[D:2 * D])

    be = 2048
    w1d = We1[2 * D:2 * D + 1]

    def edge_mlp(sr):
        return pl.pallas_call(
            _edge_body,
            grid=(EHALF // be,),
            in_specs=[pl.BlockSpec((be, W), lambda i: (i, 0)),
                      _full((1, D)), _full((1, D)), _full((D, D)), _full((1, D)),
                      _full((D, D)), _full((1, D)), _full((1, D))],
            out_specs=pl.BlockSpec((be, W), lambda i: (i, 0)),
            out_shape=jax.ShapeDtypeStruct((EHALF, W), jnp.float32),
        )(sr, w1d, be1.reshape(1, D), We2, be2.reshape(1, D),
          Wc1, bc1.reshape(1, D), Wc2.reshape(1, D))

    row1, row2 = row_p[:EHALF], row_p[EHALF:]
    col1, col2 = col_p[:EHALF], col_p[EHALF:]
    wu = _warmup_sc(col_p[:256])
    sr1 = _gather_sc(ta0, tb0, ta1, tb1, row1, col1, wu)
    sr2 = _gather_sc(ta0, tb0, ta1, tb1, row2, col2, wu)
    mc1 = edge_mlp(sr1)
    mc2 = edge_mlp(sr2)
    acc1 = _scatter_sc(mc1, col1)
    acc2 = _scatter_sc(mc2, col2)

    bnn = 2000
    _node_call = pl.pallas_call(
        _node_body,
        grid=(N // bnn,),
        in_specs=[pl.BlockSpec((bnn, D), lambda i: (i, 0)),
                  pl.BlockSpec((bnn, W), lambda i: (i, 0)),
                  pl.BlockSpec((bnn, W), lambda i: (i, 0)),
                  pl.BlockSpec((bnn, 16), lambda i: (i, 0)),
                  _full((D, D)), _full((D, D)), _full((1, D)),
                  _full((D, D)), _full((1, D))],
        out_specs=[pl.BlockSpec((bnn, D), lambda i: (i, 0)),
                   pl.BlockSpec((bnn, 16), lambda i: (i, 0))],
        out_shape=[jax.ShapeDtypeStruct((N, D), f32),
                   jax.ShapeDtypeStruct((N, 16), f32)],
    )
    wn1b_perm = Wn1[D:][jnp.array(_PSRC[:D]), :]
    h_new, x_new16 = _node_call(h, acc1, acc2, x16, Wn1[:D], wn1b_perm,
                                bn1.reshape(1, D), Wn2, bn2.reshape(1, D))

    return h_new, x_new16[:, :3]

# --- scband reference (transcript-rebuilt; emitter-appended) ---
"""Pipeline reference for scband-egnnlayer-10084583211152 (READ-ONLY COPY).

The authoritative reference and input builder live on the scoring server;
editing this copy changes nothing except your own understanding.
"""

import jax, jax.numpy as jnp
import numpy as np

N = 50000
E = 800000
D = 64

def _init_linear(key, fan_in, fan_out, bias=True):
    k1, k2 = jax.random.split(key)
    bound = 1.0 / np.sqrt(fan_in)
    W = jax.random.uniform(k1, (fan_in, fan_out), minval=-bound, maxval=bound, dtype=jnp.float32)
    if bias:
        b = jax.random.uniform(k2, (fan_out,), minval=-bound, maxval=bound, dtype=jnp.float32)
        return W, b
    return W

def setup_inputs(seed: int = 0) -> dict:
    key = jax.random.key(seed)
    ks = jax.random.split(key, 12)
    h = jax.random.normal(ks[0], (N, D), dtype=jnp.float32)
    x = jax.random.normal(ks[1], (N, 3), dtype=jnp.float32)
    edge_index = jax.random.randint(ks[2], (2, E), 0, N, dtype=jnp.int32)
    We1, be1 = _init_linear(ks[3], 2 * D + 1, D)
    We2, be2 = _init_linear(ks[4], D, D)
    Wn1, bn1 = _init_linear(ks[5], 2 * D, D)
    Wn2, bn2 = _init_linear(ks[6], D, D)
    Wc1, bc1 = _init_linear(ks[7], D, D)
    Wc2 = _init_linear(ks[8], D, 1, bias=False)
    return {"h": h, "x": x, "edge_index": edge_index,
            "We1": We1, "be1": be1, "We2": We2, "be2": be2,
            "Wn1": Wn1, "bn1": bn1, "Wn2": Wn2, "bn2": bn2,
            "Wc1": Wc1, "bc1": bc1, "Wc2": Wc2}

def reference(h, x, edge_index, We1, be1, We2, be2, Wn1, bn1, Wn2, bn2, Wc1, bc1, Wc2):
    row = edge_index[0]
    col = edge_index[1]
    rel_pos = x[row] - x[col]
    dist = jnp.linalg.norm(rel_pos, axis=-1, keepdims=True)
    edge_feat = jnp.concatenate([h[row], h[col], dist], axis=-1)
    edge_msg = jax.nn.silu(edge_feat @ We1 + be1) @ We2 + be2
    agg_msg = jnp.zeros_like(h).at[col].add(edge_msg)
    h_new = h + (jax.nn.silu(jnp.concatenate([h, agg_msg], axis=-1) @ Wn1 + bn1) @ Wn2 + bn2)
    coord_weight = jax.nn.silu(edge_msg @ Wc1 + bc1) @ Wc2
    coord_diff = rel_pos * coord_weight
    x_new = x.at[col].add(coord_diff)
    return (h_new, x_new)

if __name__ == "__main__":
    import jax
    _d = setup_inputs()
    print(jax.jit(kernel)(*tuple(_d.values())))

</pallas_src>

<mosaic_0001>
#map = affine_map<(d0, d1) -> (0, 0)>
#map1 = affine_map<(d0, d1) -> (0)>
module attributes {stable_mosaic.version = 14 : i64} {
  func.func @_gather_sc(%arg0: i32, %arg1: i32, %arg2: memref<51200x128xf32, #tpu.memory_space<hbm>>, %arg3: memref<51200x128xf32, #tpu.memory_space<hbm>>, %arg4: memref<51200x128xf32, #tpu.memory_space<hbm>>, %arg5: memref<51200x128xf32, #tpu.memory_space<hbm>>, %arg6: memref<409600xi32, #tpu.memory_space<hbm>>, %arg7: memref<409600xi32, #tpu.memory_space<hbm>>, %arg8: memref<256xi32, #tpu.memory_space<hbm>>, %arg9: memref<409600x128xf32, #tpu.memory_space<hbm>>, %arg10: memref<256xi32, #tpu.memory_space<vmem>>, %arg11: memref<256xi32, #tpu.memory_space<vmem>>, %arg12: memref<256x128xf32, #tpu.memory_space<vmem>>, %arg13: memref<256x128xf32, #tpu.memory_space<vmem>>, %arg14: memref<!tpu.dma_semaphore, #tpu.memory_space<semaphore_mem>>) attributes {dimension_semantics = [#tpu.dimension_semantics<core_parallel>, #tpu.dimension_semantics<subcore_parallel>], iteration_bounds = array<i64: 2, 16>, scalar_prefetch = 0 : i64, scratch_operands = 5 : i64, tpu.core_type = #tpu.core_type<sc_vector_subcore>, window_params = [{transform_indices = #map}, {transform_indices = #map}, {transform_indices = #map}, {transform_indices = #map}, {transform_indices = #map1}, {transform_indices = #map1}, {transform_indices = #map1}, {transform_indices = #map}]} {
    %mul3A = arith.constant 2 : i32
    %mul3A_0 = arith.muli %arg1, %mul3A : i32
    %add3A = arith.addi %mul3A_0, %arg0 : i32
    %mul3A_1 = arith.constant 12800 : i32
    %mul3A_2 = arith.muli %add3A, %mul3A_1 : i32
    %eq3A = arith.constant 0 : i32
    %eq3A_3 = arith.cmpi eq, %arg0, %eq3A : i32
    %convert_element_type3A = arith.extui %eq3A_3 : i1 to i32
    %cond3A = arith.constant 0 : i32
    %cond3A_4 = arith.cmpi ne, %convert_element_type3A, %cond3A : i32
    scf.if %cond3A_4 {
      %scan3A = arith.constant 0 : i32
      %scan3A_10 = arith.constant 0 : i32
      %scan3A_11 = arith.constant 50 : i32
      %scan3A_12 = arith.addi %scan3A_10, %scan3A_11 : i32
      %scan3A_13 = arith.constant 1 : i32
      %scan3A_14 = scf.for %scan3A_16 = %scan3A_10 to %scan3A_12 step %scan3A_13 iter_args(%scan3A_17 = %scan3A) -> (i32)  : i32 {
        %mul3A_18 = arith.constant 256 : i32
        %mul3A_19 = arith.muli %scan3A_16, %mul3A_18 : i32
        %add3A_20 = arith.addi %mul3A_2, %mul3A_19 : i32
        %multiple_of3A = tpu.assume_multiple %add3A_20, 8 : i32
        "tpu.region"() ({
          %run_scoped3A = tpu.sem_alloc : memref<!tpu.dma_semaphore, #tpu.memory_space<semaphore_mem>>
          %dma_start3A_39 = tpu.memref_slice %arg6[%multiple_of3A] : memref<409600xi32, #tpu.memory_space<hbm>> -> memref<256xi32, #tpu.memory_space<hbm>>
          %dma_start3A_40 = tpu.memref_slice %arg6[%multiple_of3A] : memref<409600xi32, #tpu.memory_space<hbm>> -> memref<256xi32, #tpu.memory_space<hbm>>
          tpu.enqueue_dma source(%dma_start3A_40 : memref<256xi32, #tpu.memory_space<hbm>>) target(%arg10 : memref<256xi32, #tpu.memory_space<vmem>>) target_semaphore(%run_scoped3A : memref<!tpu.dma_semaphore, #tpu.memory_space<semaphore_mem>>)
          %dma_wait3A_41 = tpu.memref_slice %arg6[%multiple_of3A] : memref<409600xi32, #tpu.memory_space<hbm>> -> memref<256xi32, #tpu.memory_space<hbm>>
          %dma_wait3A_42 = tpu.memref_slice %arg6[%multiple_of3A] : memref<409600xi32, #tpu.memory_space<hbm>> -> memref<256xi32, #tpu.memory_space<hbm>>
          tpu.wait_dma2 semaphore(%run_scoped3A : memref<!tpu.dma_semaphore, #tpu.memory_space<semaphore_mem>>) src(%dma_wait3A_42 : memref<256xi32, #tpu.memory_space<hbm>>) dst(%arg10 : memref<256xi32, #tpu.memory_space<vmem>>)
          tpu.yield
        }) : () -> ()
        "tpu.region"() ({
          %run_scoped3A = tpu.sem_alloc : memref<!tpu.dma_semaphore, #tpu.memory_space<semaphore_mem>>
          %dma_start3A_39 = tpu.memref_slice %arg7[%multiple_of3A] : memref<409600xi32, #tpu.memory_space<hbm>> -> memref<256xi32, #tpu.memory_space<hbm>>
          %dma_start3A_40 = tpu.memref_slice %arg7[%multiple_of3A] : memref<409600xi32, #tpu.memory_space<hbm>> -> memref<256xi32, #tpu.memory_space<hbm>>
          tpu.enqueue_dma source(%dma_start3A_40 : memref<256xi32, #tpu.memory_space<hbm>>) target(%arg11 : memref<256xi32, #tpu.memory_space<vmem>>) target_semaphore(%run_scoped3A : memref<!tpu.dma_semaphore, #tpu.memory_space<semaphore_mem>>)
          %dma_wait3A_41 = tpu.memref_slice %arg7[%multiple_of3A] : memref<409600xi32, #tpu.memory_space<hbm>> -> memref<256xi32, #tpu.memory_space<hbm>>
          %dma_wait3A_42 = tpu.memref_slice %arg7[%multiple_of3A] : memref<409600xi32, #tpu.memory_space<hbm>> -> memref<256xi32, #tpu.memory_space<hbm>>
          tpu.wait_dma2 semaphore(%run_scoped3A : memref<!tpu.dma_semaphore, #tpu.memory_space<semaphore_mem>>) src(%dma_wait3A_42 : memref<256xi32, #tpu.memory_space<hbm>>) dst(%arg11 : memref<256xi32, #tpu.memory_space<vmem>>)
          tpu.yield
        }) : () -> ()
        %dma_start3A = arith.constant 0 : i32
        %dma_start3A_21 = arith.constant 0 : i32
        %dma_start3A_22 = tpu.memref_slice %arg2[%dma_start3A, %dma_start3A_21] : memref<51200x128xf32, #tpu.memory_space<hbm>> -> memref<51200x128xf32, #tpu.memory_space<hbm>>
        tpu.enqueue_indirect_dma source(%dma_start3A_22 : memref<51200x128xf32, #tpu.memory_space<hbm>>) target(%arg12 : memref<256x128xf32, #tpu.memory_space<vmem>>) offsets(%arg10 : memref<256xi32, #tpu.memory_space<vmem>>) semaphore(%arg14 : memref<!tpu.dma_semaphore, #tpu.memory_space<semaphore_mem>>)
        %dma_start3A_23 = arith.constant 0 : i32
        %dma_start3A_24 = arith.constant 0 : i32
        %dma_start3A_25 = tpu.memref_slice %arg3[%dma_start3A_23, %dma_start3A_24] : memref<51200x128xf32, #tpu.memory_space<hbm>> -> memref<51200x128xf32, #tpu.memory_space<hbm>>
        tpu.enqueue_indirect_dma source(%dma_start3A_25 : memref<51200x128xf32, #tpu.memory_space<hbm>>) target(%arg13 : memref<256x128xf32, #tpu.memory_space<vmem>>) offsets(%arg11 : memref<256xi32, #tpu.memory_space<vmem>>) semaphore(%arg14 : memref<!tpu.dma_semaphore, #tpu.memory_space<semaphore_mem>>)
        %dma_wait3A = arith.constant 0 : i32
        %dma_wait3A_26 = arith.constant 0 : i32
        %dma_wait3A_27 = tpu.memref_slice %arg2[%dma_wait3A, %dma_wait3A_26] : memref<51200x128xf32, #tpu.memory_space<hbm>> -> memref<51200x128xf32, #tpu.memory_space<hbm>>
        tpu.wait_indirect_dma semaphore(%arg14 : memref<!tpu.dma_semaphore, #tpu.memory_space<semaphore_mem>>) src(%dma_wait3A_27 : memref<51200x128xf32, #tpu.memory_space<hbm>>) dst(%arg12 : memref<256x128xf32, #tpu.memory_space<vmem>>)
        %dma_wait3A_28 = arith.constant 0 : i32
        %dma_wait3A_29 = arith.constant 0 : i32
        %dma_wait3A_30 = tpu.memref_slice %arg3[%dma_wait3A_28, %dma_wait3A_29] : memref<51200x128xf32, #tpu.memory_space<hbm>> -> memref<51200x128xf32, #tpu.memory_space<hbm>>
        tpu.wait_indirect_dma semaphore(%arg14 : memref<!tpu.dma_semaphore, #tpu.memory_space<semaphore_mem>>) src(%dma_wait3A_30 : memref<51200x128xf32, #tpu.memory_space<hbm>>) dst(%arg13 : memref<256x128xf32, #tpu.memory_space<vmem>>)
        %scan3A_31 = arith.constant 0 : i32
        %scan3A_32 = arith.constant 0 : i32
        %scan3A_33 = arith.constant 64 : i32
        %scan3A_34 = arith.addi %scan3A_32, %scan3A_33 : i32
        %scan3A_35 = arith.constant 1 : i32
        %scan3A_36 = scf.for %scan3A_39 = %scan3A_32 to %scan3A_34 step %scan3A_35 iter_args(%scan3A_40 = %scan3A_31) -> (i32)  : i32 {
          %mul3A_41 = arith.constant 4 : i32
          %mul3A_42 = arith.muli %scan3A_39, %mul3A_41 : i32
          %add3A_43 = arith.constant 0 : i32
          %add3A_44 = arith.addi %mul3A_42, %add3A_43 : i32
          %get3A = arith.index_cast %add3A_44 : i32 to index
          %get3A_45 = arith.constant 0 : index
          %get3A_46 = tpu.vector_load %arg12[%get3A, %get3A_45] {strides = array<i32>} : memref<256x128xf32, #tpu.memory_space<vmem>>, vector<1x16xf32>,
          %get3A_47 = vector.shape_cast %get3A_46 : vector<1x16xf32> to vector<16xf32>
          %add3A_48 = arith.constant 0 : i32
          %add3A_49 = arith.addi %mul3A_42, %add3A_48 : i32
          %get3A_50 = arith.index_cast %add3A_49 : i32 to index
          %get3A_51 = arith.constant 0 : index
          %get3A_52 = tpu.vector_load %arg13[%get3A_50, %get3A_51] {strides = array<i32>} : memref<256x128xf32, #tpu.memory_space<vmem>>, vector<1x16xf32>,
          %get3A_53 = vector.shape_cast %get3A_52 : vector<1x16xf32> to vector<16xf32>
          %add3A_54 = arith.addf %get3A_47, %get3A_53 : vector<16xf32>
          %add3A_55 = arith.constant 0 : i32
          %add3A_56 = arith.addi %mul3A_42, %add3A_55 : i32
          %swap3A = arith.index_cast %add3A_56 : i32 to index
          %swap3A_57 = arith.constant 0 : index
          %swap3A_58 = tpu.vector_load %arg12[%swap3A, %swap3A_57] {strides = array<i32>} : memref<256x128xf32, #tpu.memory_space<vmem>>, vector<1x16xf32>,
          %swap3A_59 = vector.shape_cast %swap3A_58 : vector<1x16xf32> to vector<16xf32>
          %swap3A_60 = vector.shape_cast %add3A_54 : vector<16xf32> to vector<1x16xf32>
          tpu.vector_store %arg12[%swap3A, %swap3A_57], %swap3A_60 {strides = array<i32>} : memref<256x128xf32, #tpu.memory_space<vmem>>, vector<1x16xf32>,
          %add3A_61 = arith.constant 0 : i32
          %add3A_62 = arith.addi %mul3A_42, %add3A_61 : i32
          %get3A_63 = arith.index_cast %add3A_62 : i32 to index
          %get3A_64 = arith.constant 16 : index
          %get3A_65 = tpu.vector_load %arg12[%get3A_63, %get3A_64] {strides = array<i32>} : memref<256x128xf32, #tpu.memory_space<vmem>>, vector<1x16xf32>,
          %get3A_66 = vector.shape_cast %get3A_65 : vector<1x16xf32> to vector<16xf32>
          %add3A_67 = arith.constant 0 : i32
          %add3A_68 = arith.addi %mul3A_42, %add3A_67 : i32
          %get3A_69 = arith.index_cast %add3A_68 : i32 to index
          %get3A_70 = arith.constant 16 : index
          %get3A_71 = tpu.vector_load %arg13[%get3A_69, %get3A_70] {strides = array<i32>} : memref<256x128xf32, #tpu.memory_space<vmem>>, vector<1x16xf32>,
          %get3A_72 = vector.shape_cast %get3A_71 : vector<1x16xf32> to vector<16xf32>
          %add3A_73 = arith.addf %get3A_66, %get3A_72 : vector<16xf32>
          %add3A_74 = arith.constant 0 : i32
          %add3A_75 = arith.addi %mul3A_42, %add3A_74 : i32
          %swap3A_76 = arith.index_cast %add3A_75 : i32 to index
          %swap3A_77 = arith.constant 16 : index
          %swap3A_78 = tpu.vector_load %arg12[%swap3A_76, %swap3A_77] {strides = array<i32>} : memref<256x128xf32, #tpu.memory_space<vmem>>, vector<1x16xf32>,
          %swap3A_79 = vector.shape_cast %swap3A_78 : vector<1x16xf32> to vector<16xf32>
          %swap3A_80 = vector.shape_cast %add3A_73 : vector<16xf32> to vector<1x16xf32>
          tpu.vector_store %arg12[%swap3A_76, %swap3A_77], %swap3A_80 {strides = array<i32>} : memref<256x128xf32, #tpu.memory_space<vmem>>, vector<1x16xf32>,
          %add3A_81 = arith.constant 0 : i32
          %add3A_82 = arith.addi %mul3A_42, %add3A_81 : i32
          %get3A_83 = arith.index_cast %add3A_82 : i32 to index
          %get3A_84 = arith.constant 32 : index
          %get3A_85 = tpu.vector_load %arg12[%get3A_83, %get3A_84] {strides = array<i32>} : memref<256x128xf32, #tpu.memory_space<vmem>>, vector<1x16xf32>,
          %get3A_86 = vector.shape_cast %get3A_85 : vector<1x16xf32> to vector<16xf32>
          %add3A_87 = arith.constant 0 : i32
          %add3A_88 = arith.addi %mul3A_42, %add3A_87 : i32
          %get3A_89 = arith.index_cast %add3A_88 : i32 to index
          %get3A_90 = arith.constant 32 : index
          %get3A_91 = tpu.vector_load %arg13[%get3A_89, %get3A_90] {strides = array<i32>} : memref<256x128xf32, #tpu.memory_space<vmem>>, vector<1x16xf32>,
          %get3A_92 = vector.shape_cast %get3A_91 : vector<1x16xf32> to vector<16xf32>
          %add3A_93 = arith.addf %get3A_86, %get3A_92 : vector<16xf32>
          %add3A_94 = arith.constant 0 : i32
          %add3A_95 = arith.addi %mul3A_42, %add3A_94 : i32
          %swap3A_96 = arith.index_cast %add3A_95 : i32 to index
          %swap3A_97 = arith.constant 32 : index
          %swap3A_98 = tpu.vector_load %arg12[%swap3A_96, %swap3A_97] {strides = array<i32>} : memref<256x128xf32, #tpu.memory_space<vmem>>, vector<1x16xf32>,
          %swap3A_99 = vector.shape_cast %swap3A_98 : vector<1x16xf32> to vector<16xf32>
          %swap3A_100 = vector.shape_cast %add3A_93 : vector<16xf32> to vector<1x16xf32>
          tpu.vector_store %arg12[%swap3A_96, %swap3A_97], %swap3A_100 {strides = array<i32>} : memref<256x128xf32, #tpu.memory_space<vmem>>, vector<1x16xf32>,
          %add3A_101 = arith.constant 0 : i32
          %add3A_102 = arith.addi %mul3A_42, %add3A_101 : i32
          %get3A_103 = arith.index_cast %add3A_102 : i32 to index
          %get3A_104 = arith.constant 48 : index
          %get3A_105 = tpu.vector_load %arg12[%get3A_103, %get3A_104] {strides = array<i32>} : memref<256x128xf32, #tpu.memory_space<vmem>>, vector<1x16xf32>,
          %get3A_106 = vector.shape_cast %get3A_105 : vector<1x16xf32> to vector<16xf32>
          %add3A_107 = arith.constant 0 : i32
          %add3A_108 = arith.addi %mul3A_42, %add3A_107 : i32
          %get3A_109 = arith.index_cast %add3A_108 : i32 to index
          %get3A_110 = arith.constant 48 : index
          %get3A_111 = tpu.vector_load %arg13[%get3A_109, %get3A_110] {strides = array<i32>} : memref<256x128xf32, #tpu.memory_space<vmem>>, vector<1x16xf32>,
          %get3A_112 = vector.shape_cast %get3A_111 : vector<1x16xf32> to vector<16xf32>
          %add3A_113 = arith.addf %get3A_106, %get3A_112 : vector<16xf32>
          %add3A_114 = arith.constant 0 : i32
          %add3A_115 = arith.addi %mul3A_42, %add3A_114 : i32
          %swap3A_116 = arith.index_cast %add3A_115 : i32 to index
          %swap3A_117 = arith.constant 48 : index
          %swap3A_118 = tpu.vector_load %arg12[%swap3A_116, %swap3A_117] {strides = array<i32>} : memref<256x128xf32, #tpu.memory_space<vmem>>, vector<1x16xf32>,
          %swap3A_119 = vector.shape_cast %swap3A_118 : vector<1x16xf32> to vector<16xf32>
          %swap3A_120 = vector.shape_cast %add3A_113 : vector<16xf32> to vector<1x16xf32>
          tpu.vector_store %arg12[%swap3A_116, %swap3A_117], %swap3A_120 {strides = array<i32>} : memref<256x128xf32, #tpu.memory_space<vmem>>, vector<1x16xf32>,
          %add3A_121 = arith.constant 0 : i32
          %add3A_122 = arith.addi %mul3A_42, %add3A_121 : i32
          %get3A_123 = arith.index_cast %add3A_122 : i32 to index
          %get3A_124 = arith.constant 64 : index
          %get3A_125 = tpu.vector_load %arg12[%get3A_123, %get3A_124] {strides = array<i32>} : memref<256x128xf32, #tpu.memory_space<vmem>>, vector<1x16xf32>,
          %get3A_126 = vector.shape_cast %get3A_125 : vector<1x16xf32> to vector<16xf32>
          %add3A_127 = arith.constant 0 : i32
          %add3A_128 = arith.addi %mul3A_42, %add3A_127 : i32
          %get3A_129 = arith.index_cast %add3A_128 : i32 to index
          %get3A_130 = arith.constant 64 : index
          %get3A_131 = tpu.vector_load %arg13[%get3A_129, %get3A_130] {strides = array<i32>} : memref<256x128xf32, #tpu.memory_space<vmem>>, vector<1x16xf32>,
          %get3A_132 = vector.shape_cast %get3A_131 : vector<1x16xf32> to vector<16xf32>
          %sub3A = arith.subf %get3A_126, %get3A_132 : vector<16xf32>
          %add3A_133 = arith.constant 0 : i32
          %add3A_134 = arith.addi %mul3A_42, %add3A_133 : i32
          %swap3A_135 = arith.index_cast %add3A_134 : i32 to index
          %swap3A_136 = arith.constant 64 : index
          %swap3A_137 = tpu.vector_load %arg12[%swap3A_135, %swap3A_136] {strides = array<i32>} : memref<256x128xf32, #tpu.memory_space<vmem>>, vector<1x16xf32>,
          %swap3A_138 = vector.shape_cast %swap3A_137 : vector<1x16xf32> to vector<16xf32>
          %swap3A_139 = vector.shape_cast %sub3A : vector<16xf32> to vector<1x16xf32>
          tpu.vector_store %arg12[%swap3A_135, %swap3A_136], %swap3A_139 {strides = array<i32>} : memref<256x128xf32, #tpu.memory_space<vmem>>, vector<1x16xf32>,
          %add3A_140 = arith.constant 1 : i32
          %add3A_141 = arith.addi %mul3A_42, %add3A_140 : i32
          %get3A_142 = arith.index_cast %add3A_141 : i32 to index
          %get3A_143 = arith.constant 0 : index
          %get3A_144 = tpu.vector_load %arg12[%get3A_142, %get3A_143] {strides = array<i32>} : memref<256x128xf32, #tpu.memory_space<vmem>>, vector<1x16xf32>,
          %get3A_145 = vector.shape_cast %get3A_144 : vector<1x16xf32> to vector<16xf32>
          %add3A_146 = arith.constant 1 : i32
          %add3A_147 = arith.addi %mul3A_42, %add3A_146 : i32
          %get3A_148 = arith.index_cast %add3A_147 : i32 to index
          %get3A_149 = arith.constant 0 : index
          %get3A_150 = tpu.vector_load %arg13[%get3A_148, %get3A_149] {strides = array<i32>} : memref<256x128xf32, #tpu.memory_space<vmem>>, vector<1x16xf32>,
          %get3A_151 = vector.shape_cast %get3A_150 : vector<1x16xf32> to vector<16xf32>
          %add3A_152 = arith.addf %get3A_145, %get3A_151 : vector<16xf32>
          %add3A_153 = arith.constant 1 : i32
          %add3A_154 = arith.addi %mul3A_42, %add3A_153 : i32
          %swap3A_155 = arith.index_cast %add3A_154 : i32 to index
          %swap3A_156 = arith.constant 0 : index
          %swap3A_157 = tpu.vector_load %arg12[%swap3A_155, %swap3A_156] {strides = array<i32>} : memref<256x128xf32, #tpu.memory_space<vmem>>, vector<1x16xf32>,
          %swap3A_158 = vector.shape_cast %swap3A_157 : vector<1x16xf32> to vector<16xf32>
          %swap3A_159 = vector.shape_cast %add3A_152 : vector<16xf32> to vector<1x16xf32>
          tpu.vector_store %arg12[%swap3A_155, %swap3A_156], %swap3A_159 {strides = array<i32>} : memref<256x128xf32, #tpu.memory_space<vmem>>, vector<1x16xf32>,
          %add3A_160 = arith.constant 1 : i32
          %add3A_161 = arith.addi %mul3A_42, %add3A_160 : i32
          %get3A_162 = arith.index_cast %add3A_161 : i32 to index
          %get3A_163 = arith.constant 16 : index
          %get3A_164 = tpu.vector_load %arg12[%get3A_162, %get3A_163] {strides = array<i32>} : memref<256x128xf32, #tpu.memory_space<vmem>>, vector<1x16xf32>,
          %get3A_165 = vector.shape_cast %get3A_164 : vector<1x16xf32> to vector<16xf32>
          %add3A_166 = arith.constant 1 : i32
          %add3A_167 = arith.addi %mul3A_42, %add3A_166 : i32
          %get3A_168 = arith.index_cast %add3A_167 : i32 to index
          %get3A_169 = arith.constant 16 : index
          %get3A_170 = tpu.vector_load %arg13[%get3A_168, %get3A_169] {strides = array<i32>} : memref<256x128xf32, #tpu.memory_space<vmem>>, vector<1x16xf32>,
          %get3A_171 = vector.shape_cast %get3A_170 : vector<1x16xf32> to vector<16xf32>
          %add3A_172 = arith.addf %get3A_165, %get3A_171 : vector<16xf32>
          %add3A_173 = arith.constant 1 : i32
          %add3A_174 = arith.addi %mul3A_42, %add3A_173 : i32
          %swap3A_175 = arith.index_cast %add3A_174 : i32 to index
          %swap3A_176 = arith.constant 16 : index
          %swap3A_177 = tpu.vector_load %arg12[%swap3A_175, %swap3A_176] {strides = array<i32>} : memref<256x128xf32, #tpu.memory_space<vmem>>, vector<1x16xf32>,
          %swap3A_178 = vector.shape_cast %swap3A_177 : vector<1x16xf32> to vector<16xf32>
          %swap3A_179 = vector.shape_cast %add3A_172 : vector<16xf32> to vector<1x16xf32>
          tpu.vector_store %arg12[%swap3A_175, %swap3A_176], %swap3A_179 {strides = array<i32>} : memref<256x128xf32, #tpu.memory_space<vmem>>, vector<1x16xf32>,
          %add3A_180 = arith.constant 1 : i32
          %add3A_181 = arith.addi %mul3A_42, %add3A_180 : i32
          %get3A_182 = arith.index_cast %add3A_181 : i32 to index
          %get3A_183 = arith.constant 32 : index
          %get3A_184 = tpu.vector_load %arg12[%get3A_182, %get3A_183] {strides = array<i32>} : memref<256x128xf32, #tpu.memory_space<vmem>>, vector<1x16xf32>,
          %get3A_185 = vector.shape_cast %get3A_184 : vector<1x16xf32> to vector<16xf32>
          %add3A_186 = arith.constant 1 : i32
          %add3A_187 = arith.addi %mul3A_42, %add3A_186 : i32
          %get3A_188 = arith.index_cast %add3A_187 : i32 to index
          %get3A_189 = arith.constant 32 : index
          %get3A_190 = tpu.vector_load %arg13[%get3A_188, %get3A_189] {strides = array<i32>} : memref<256x128xf32, #tpu.memory_space<vmem>>, vector<1x16xf32>,
          %get3A_191 = vector.shape_cast %get3A_190 : vector<1x16xf32> to vector<16xf32>
          %add3A_192 = arith.addf %get3A_185, %get3A_191 : vector<16xf32>
          %add3A_193 = arith.constant 1 : i32
          %add3A_194 = arith.addi %mul3A_42, %add3A_193 : i32
          %swap3A_195 = arith.index_cast %add3A_194 : i32 to index
          %swap3A_196 = arith.constant 32 : index
          %swap3A_197 = tpu.vector_load %arg12[%swap3A_195, %swap3A_196] {strides = array<i32>} : memref<256x128xf32, #tpu.memory_space<vmem>>, vector<1x16xf32>,
          %swap3A_198 = vector.shape_cast %swap3A_197 : vector<1x16xf32> to vector<16xf32>
          %swap3A_199 = vector.shape_cast %add3A_192 : vector<16xf32> to vector<1x16xf32>
          tpu.vector_store %arg12[%swap3A_195, %swap3A_196], %swap3A_199 {strides = array<i32>} : memref<256x128xf32, #tpu.memory_space<vmem>>, vector<1x16xf32>,
          %add3A_200 = arith.constant 1 : i32
          %add3A_201 = arith.addi %mul3A_42, %add3A_200 : i32
          %get3A_202 = arith.index_cast %add3A_201 : i32 to index
          %get3A_203 = arith.constant 48 : index
          %get3A_204 = tpu.vector_load %arg12[%get3A_202, %get3A_203] {strides = array<i32>} : memref<256x128xf32, #tpu.memory_space<vmem>>, vector<1x16xf32>,
          %get3A_205 = vector.shape_cast %get3A_204 : vector<1x16xf32> to vector<16xf32>
          %add3A_206 = arith.constant 1 : i32
          %add3A_207 = arith.addi %mul3A_42, %add3A_206 : i32
          %get3A_208 = arith.index_cast %add3A_207 : i32 to index
          %get3A_209 = arith.constant 48 : index
          %get3A_210 = tpu.vector_load %arg13[%get3A_208, %get3A_209] {strides = array<i32>} : memref<256x128xf32, #tpu.memory_space<vmem>>, vector<1x16xf32>,
          %get3A_211 = vector.shape_cast %get3A_210 : vector<1x16xf32> to vector<16xf32>
          %add3A_212 = arith.addf %get3A_205, %get3A_211 : vector<16xf32>
          %add3A_213 = arith.constant 1 : i32
          %add3A_214 = arith.addi %mul3A_42, %add3A_213 : i32
          %swap3A_215 = arith.index_cast %add3A_214 : i32 to index
          %swap3A_216 = arith.constant 48 : index
          %swap3A_217 = tpu.vector_load %arg12[%swap3A_215, %swap3A_216] {strides = array<i32>} : memref<256x128xf32, #tpu.memory_space<vmem>>, vector<1x16xf32>,
          %swap3A_218 = vector.shape_cast %swap3A_217 : vector<1x16xf32> to vector<16xf32>
          %swap3A_219 = vector.shape_cast %add3A_212 : vector<16xf32> to vector<1x16xf32>
          tpu.vector_store %arg12[%swap3A_215, %swap3A_216], %swap3A_219 {strides = array<i32>} : memref<256x128xf32, #tpu.memory_space<vmem>>, vector<1x16xf32>,
          %add3A_220 = arith.constant 1 : i32
          %add3A_221 = arith.addi %mul3A_42, %add3A_220 : i32
          %get3A_222 = arith.index_cast %add3A_221 : i32 to index
          %get3A_223 = arith.constant 64 : index
          %get3A_224 = tpu.vector_load %arg12[%get3A_222, %get3A_223] {strides = array<i32>} : memref<256x128xf32, #tpu.memory_space<vmem>>, vector<1x16xf32>,
          %get3A_225 = vector.shape_cast %get3A_224 : vector<1x16xf32> to vector<16xf32>
          %add3A_226 = arith.constant 1 : i32
          %add3A_227 = arith.addi %mul3A_42, %add3A_226 : i32
          %get3A_228 = arith.index_cast %add3A_227 : i32 to index
          %get3A_229 = arith.constant 64 : index
          %get3A_230 = tpu.vector_load %arg13[%get3A_228, %get3A_229] {strides = array<i32>} : memref<256x128xf32, #tpu.memory_space<vmem>>, vector<1x16xf32>,
          %get3A_231 = vector.shape_cast %get3A_230 : vector<1x16xf32> to vector<16xf32>
          %sub3A_232 = arith.subf %get3A_225, %get3A_231 : vector<16xf32>
          %add3A_233 = arith.constant 1 : i32
          %add3A_234 = arith.addi %mul3A_42, %add3A_233 : i32
          %swap3A_235 = arith.index_cast %add3A_234 : i32 to index
          %swap3A_236 = arith.constant 64 : index
          %swap3A_237 = tpu.vector_load %arg12[%swap3A_235, %swap3A_236] {strides = array<i32>} : memref<256x128xf32, #tpu.memory_space<vmem>>, vector<1x16xf32>,
          %swap3A_238 = vector.shape_cast %swap3A_237 : vector<1x16xf32> to vector<16xf32>
          %swap3A_239 = vector.shape_cast %sub3A_232 : vector<16xf32> to vector<1x16xf32>
          tpu.vector_store %arg12[%swap3A_235, %swap3A_236], %swap3A_239 {strides = array<i32>} : memref<256x128xf32, #tpu.memory_space<vmem>>, vector<1x16xf32>,
          %add3A_240 = arith.constant 2 : i32
          %add3A_241 = arith.addi %mul3A_42, %add3A_240 : i32
          %get3A_242 = arith.index_cast %add3A_241 : i32 to index
          %get3A_243 = arith.constant 0 : index
          %get3A_244 = tpu.vector_load %arg12[%get3A_242, %get3A_243] {strides = array<i32>} : memref<256x128xf32, #tpu.memory_space<vmem>>, vector<1x16xf32>,
          %get3A_245 = vector.shape_cast %get3A_244 : vector<1x16xf32> to vector<16xf32>
          %add3A_246 = arith.constant 2 : i32
          %add3A_247 = arith.addi %mul3A_42, %add3A_246 : i32
          %get3A_248 = arith.index_cast %add3A_247 : i32 to index
          %get3A_249 = arith.constant 0 : index
          %get3A_250 = tpu.vector_load %arg13[%get3A_248, %get3A_249] {strides = array<i32>} : memref<256x128xf32, #tpu.memory_space<vmem>>, vector<1x16xf32>,
          %get3A_251 = vector.shape_cast %get3A_250 : vector<1x16xf32> to vector<16xf32>
          %add3A_252 = arith.addf %get3A_245, %get3A_251 : vector<16xf32>
          %add3A_253 = arith.constant 2 : i32
          %add3A_254 = arith.addi %mul3A_42, %add3A_253 : i32
          %swap3A_255 = arith.index_cast %add3A_254 : i32 to index
          %swap3A_256 = arith.constant 0 : index
          %swap3A_257 = tpu.vector_load %arg12[%swap3A_255, %swap3A_256] {strides = array<i32>} : memref<256x128xf32, #tpu.memory_space<vmem>>, vector<1x16xf32>,
          %swap3A_258 = vector.shape_cast %swap3A_257 : vector<1x16xf32> to vector<16xf32>
          %swap3A_259 = vector.shape_cast %add3A_252 : vector<16xf32> to vector<1x16xf32>
          tpu.vector_store %arg12[%swap3A_255, %swap3A_256], %swap3A_259 {strides = array<i32>} : memref<256x128xf32, #tpu.memory_space<vmem>>, vector<1x16xf32>,
          %add3A_260 = arith.constant 2 : i32
          %add3A_261 = arith.addi %mul3A_42, %add3A_260 : i32
          %get3A_262 = arith.index_cast %add3A_261 : i32 to index
          %get3A_263 = arith.constant 16 : index
          %get3A_264 = tpu.vector_load %arg12[%get3A_262, %get3A_263] {strides = array<i32>} : memref<256x128xf32, #tpu.memory_space<vmem>>, vector<1x16xf32>,
          %get3A_265 = vector.shape_cast %get3A_264 : vector<1x16xf32> to vector<16xf32>
          %add3A_266 = arith.constant 2 : i32
          %add3A_267 = arith.addi %mul3A_42, %add3A_266 : i32
          %get3A_268 = arith.index_cast %add3A_267 : i32 to index
          %get3A_269 = arith.constant 16 : index
          %get3A_270 = tpu.vector_load %arg13[%get3A_268, %get3A_269] {strides = array<i32>} : memref<256x128xf32, #tpu.memory_space<vmem>>, vector<1x16xf32>,
          %get3A_271 = vector.shape_cast %get3A_270 : vector<1x16xf32> to vector<16xf32>
          %add3A_272 = arith.addf %get3A_265, %get3A_271 : vector<16xf32>
          %add3A_273 = arith.constant 2 : i32
          %add3A_274 = arith.addi %mul3A_42, %add3A_273 : i32
          %swap3A_275 = arith.index_cast %add3A_274 : i32 to index
          %swap3A_276 = arith.constant 16 : index
          %swap3A_277 = tpu.vector_load %arg12[%swap3A_275, %swap3A_276] {strides = array<i32>} : memref<256x128xf32, #tpu.memory_space<vmem>>, vector<1x16xf32>,
          %swap3A_278 = vector.shape_cast %swap3A_277 : vector<1x16xf32> to vector<16xf32>
          %swap3A_279 = vector.shape_cast %add3A_272 : vector<16xf32> to vector<1x16xf32>
          tpu.vector_store %arg12[%swap3A_275, %swap3A_276], %swap3A_279 {strides = array<i32>} : memref<256x128xf32, #tpu.memory_space<vmem>>, vector<1x16xf32>,
          %add3A_280 = arith.constant 2 : i32
          %add3A_281 = arith.addi %mul3A_42, %add3A_280 : i32
          %get3A_282 = arith.index_cast %add3A_281 : i32 to index
          %get3A_283 = arith.constant 32 : index
          %get3A_284 = tpu.vector_load %arg12[%get3A_282, %get3A_283] {strides = array<i32>} : memref<256x128xf32, #tpu.memory_space<vmem>>, vector<1x16xf32>,
          %get3A_285 = vector.shape_cast %get3A_284 : vector<1x16xf32> to vector<16xf32>
          %add3A_286 = arith.constant 2 : i32
          %add3A_287 = arith.addi %mul3A_42, %add3A_286 : i32
          %get3A_288 = arith.index_cast %add3A_287 : i32 to index
          %get3A_289 = arith.constant 32 : index
          %get3A_290 = tpu.vector_load %arg13[%get3A_288, %get3A_289] {strides = array<i32>} : memref<256x128xf32, #tpu.memory_space<vmem>>, vector<1x16xf32>,
          %get3A_291 = vector.shape_cast %get3A_290 : vector<1x16xf32> to vector<16xf32>
          %add3A_292 = arith.addf %get3A_285, %get3A_291 : vector<16xf32>
          %add3A_293 = arith.constant 2 : i32
          %add3A_294 = arith.addi %mul3A_42, %add3A_293 : i32
          %swap3A_295 = arith.index_cast %add3A_294 : i32 to index
          %swap3A_296 = arith.constant 32 : index
          %swap3A_297 = tpu.vector_load %arg12[%swap3A_295, %swap3A_296] {strides = array<i32>} : memref<256x128xf32, #tpu.memory_space<vmem>>, vector<1x16xf32>,
          %swap3A_298 = vector.shape_cast %swap3A_297 : vector<1x16xf32> to vector<16xf32>
          %swap3A_299 = vector.shape_cast %add3A_292 : vector<16xf32> to vector<1x16xf32>
          tpu.vector_store %arg12[%swap3A_295, %swap3A_296], %swap3A_299 {strides = array<i32>} : memref<256x128xf32, #tpu.memory_space<vmem>>, vector<1x16xf32>,
          %add3A_300 = arith.constant 2 : i32
          %add3A_301 = arith.addi %mul3A_42, %add3A_300 : i32
          %get3A_302 = arith.index_cast %add3A_301 : i32 to index
          %get3A_303 = arith.constant 48 : index
          %get3A_304 = tpu.vector_load %arg12[%get3A_302, %get3A_303] {strides = array<i32>} : memref<256x128xf32, #tpu.memory_space<vmem>>, vector<1x16xf32>,
          %get3A_305 = vector.shape_cast %get3A_304 : vector<1x16xf32> to vector<16xf32>
          %add3A_306 = arith.constant 2 : i32
          %add3A_307 = arith.addi %mul3A_42, %add3A_306 : i32
          %get3A_308 = arith.index_cast %add3A_307 : i32 to index
          %get3A_309 = arith.constant 48 : index
          %get3A_310 = tpu.vector_load %arg13[%get3A_308, %get3A_309] {strides = array<i32>} : memref<256x128xf32, #tpu.memory_space<vmem>>, vector<1x16xf32>,
          %get3A_311 = vector.shape_cast %get3A_310 : vector<1x16xf32> to vector<16xf32>
          %add3A_312 = arith.addf %get3A_305, %get3A_311 : vector<16xf32>
          %add3A_313 = arith.constant 2 : i32
          %add3A_314 = arith.addi %mul3A_42, %add3A_313 : i32
          %swap3A_315 = arith.index_cast %add3A_314 : i32 to index
          %swap3A_316 = arith.constant 48 : index
          %swap3A_317 = tpu.vector_load %arg12[%swap3A_315, %swap3A_316] {strides = array<i32>} : memref<256x128xf32, #tpu.memory_space<vmem>>, vector<1x16xf32>,
          %swap3A_318 = vector.shape_cast %swap3A_317 : vector<1x16xf32> to vector<16xf32>
          %swap3A_319 = vector.shape_cast %add3A_312 : vector<16xf32> to vector<1x16xf32>
          tpu.vector_store %arg12[%swap3A_315, %swap3A_316], %swap3A_319 {strides = array<i32>} : memref<256x128xf32, #tpu.memory_space<vmem>>, vector<1x16xf32>,
          %add3A_320 = arith.constant 2 : i32
          %add3A_321 = arith.addi %mul3A_42, %add3A_320 : i32
          %get3A_322 = arith.index_cast %add3A_321 : i32 to index
          %get3A_323 = arith.constant 64 : index
          %get3A_324 = tpu.vector_load %arg12[%get3A_322, %get3A_323] {strides = array<i32>} : memref<256x128xf32, #tpu.memory_space<vmem>>, vector<1x16xf32>,
          %get3A_325 = vector.shape_cast %get3A_324 : vector<1x16xf32> to vector<16xf32>
          %add3A_326 = arith.constant 2 : i32
          %add3A_327 = arith.addi %mul3A_42, %add3A_326 : i32
          %get3A_328 = arith.index_cast %add3A_327 : i32 to index
          %get3A_329 = arith.constant 64 : index
          %get3A_330 = tpu.vector_load %arg13[%get3A_328, %get3A_329] {strides = array<i32>} : memref<256x128xf32, #tpu.memory_space<vmem>>, vector<1x16xf32>,
          %get3A_331 = vector.shape_cast %get3A_330 : vector<1x16xf32> to vector<16xf32>
          %sub3A_332 = arith.subf %get3A_325, %get3A_331 : vector<16xf32>
          %add3A_333 = arith.constant 2 : i32
          %add3A_334 = arith.addi %mul3A_42, %add3A_333 : i32
          %swap3A_335 = arith.index_cast %add3A_334 : i32 to index
          %swap3A_336 = arith.constant 64 : index
          %swap3A_337 = tpu.vector_load %arg12[%swap3A_335, %swap3A_336] {strides = array<i32>} : memref<256x128xf32, #tpu.memory_space<vmem>>, vector<1x16xf32>,
          %swap3A_338 = vector.shape_cast %swap3A_337 : vector<1x16xf32> to vector<16xf32>
          %swap3A_339 = vector.shape_cast %sub3A_332 : vector<16xf32> to vector<1x16xf32>
          tpu.vector_store %arg12[%swap3A_335, %swap3A_336], %swap3A_339 {strides = array<i32>} : memref<256x128xf32, #tpu.memory_space<vmem>>, vector<1x16xf32>,
          %add3A_340 = arith.constant 3 : i32
          %add3A_341 = arith.addi %mul3A_42, %add3A_340 : i32
          %get3A_342 = arith.index_cast %add3A_341 : i32 to index
          %get3A_343 = arith.constant 0 : index
          %get3A_344 = tpu.vector_load %arg12[%get3A_342, %get3A_343] {strides = array<i32>} : memref<256x128xf32, #tpu.memory_space<vmem>>, vector<1x16xf32>,
          %get3A_345 = vector.shape_cast %get3A_344 : vector<1x16xf32> to vector<16xf32>
          %add3A_346 = arith.constant 3 : i32
          %add3A_347 = arith.addi %mul3A_42, %add3A_346 : i32
          %get3A_348 = arith.index_cast %add3A_347 : i32 to index
          %get3A_349 = arith.constant 0 : index
          %get3A_350 = tpu.vector_load %arg13[%get3A_348, %get3A_349] {strides = array<i32>} : memref<256x128xf32, #tpu.memory_space<vmem>>, vector<1x16xf32>,
          %get3A_351 = vector.shape_cast %get3A_350 : vector<1x16xf32> to vector<16xf32>
          %add3A_352 = arith.addf %get3A_345, %get3A_351 : vector<16xf32>
          %add3A_353 = arith.constant 3 : i32
          %add3A_354 = arith.addi %mul3A_42, %add3A_353 : i32
          %swap3A_355 = arith.index_cast %add3A_354 : i32 to index
          %swap3A_356 = arith.constant 0 : index
          %swap3A_357 = tpu.vector_load %arg12[%swap3A_355, %swap3A_356] {strides = array<i32>} : memref<256x128xf32, #tpu.memory_space<vmem>>, vector<1x16xf32>,
          %swap3A_358 = vector.shape_cast %swap3A_357 : vector<1x16xf32> to vector<16xf32>
          %swap3A_359 = vector.shape_cast %add3A_352 : vector<16xf32> to vector<1x16xf32>
          tpu.vector_store %arg12[%swap3A_355, %swap3A_356], %swap3A_359 {strides = array<i32>} : memref<256x128xf32, #tpu.memory_space<vmem>>, vector<1x16xf32>,
          %add3A_360 = arith.constant 3 : i32
          %add3A_361 = arith.addi %mul3A_42, %add3A_360 : i32
          %get3A_362 = arith.index_cast %add3A_361 : i32 to index
          %get3A_363 = arith.constant 16 : index
          %get3A_364 = tpu.vector_load %arg12[%get3A_362, %get3A_363] {strides = array<i32>} : memref<256x128xf32, #tpu.memory_space<vmem>>, vector<1x16xf32>,
          %get3A_365 = vector.shape_cast %get3A_364 : vector<1x16xf32> to vector<16xf32>
          %add3A_366 = arith.constant 3 : i32
          %add3A_367 = arith.addi %mul3A_42, %add3A_366 : i32
          %get3A_368 = arith.index_cast %add3A_367 : i32 to index
          %get3A_369 = arith.constant 16 : index
          %get3A_370 = tpu.vector_load %arg13[%get3A_368, %get3A_369] {strides = array<i32>} : memref<256x128xf32, #tpu.memory_space<vmem>>, vector<1x16xf32>,
          %get3A_371 = vector.shape_cast %get3A_370 : vector<1x16xf32> to vector<16xf32>
          %add3A_372 = arith.addf %get3A_365, %get3A_371 : vector<16xf32>
          %add3A_373 = arith.constant 3 : i32
          %add3A_374 = arith.addi %mul3A_42, %add3A_373 : i32
          %swap3A_375 = arith.index_cast %add3A_374 : i32 to index
          %swap3A_376 = arith.constant 16 : index
          %swap3A_377 = tpu.vector_load %arg12[%swap3A_375, %swap3A_376] {strides = array<i32>} : memref<256x128xf32, #tpu.memory_space<vmem>>, vector<1x16xf32>,
          %swap3A_378 = vector.shape_cast %swap3A_377 : vector<1x16xf32> to vector<16xf32>
          %swap3A_379 = vector.shape_cast %add3A_372 : vector<16xf32> to vector<1x16xf32>
          tpu.vector_store %arg12[%swap3A_375, %swap3A_376], %swap3A_379 {strides = array<i32>} : memref<256x128xf32, #tpu.memory_space<vmem>>, vector<1x16xf32>,
          %add3A_380 = arith.constant 3 : i32
          %add3A_381 = arith.addi %mul3A_42, %add3A_380 : i32
          %get3A_382 = arith.index_cast %add3A_381 : i32 to index
          %get3A_383 = arith.constant 32 : index
          %get3A_384 = tpu.vector_load %arg12[%get3A_382, %get3A_383] {strides = array<i32>} : memref<256x128xf32, #tpu.memory_space<vmem>>, vector<1x16xf32>,
          %get3A_385 = vector.shape_cast %get3A_384 : vector<1x16xf32> to vector<16xf32>
          %add3A_386 = arith.constant 3 : i32
          %add3A_387 = arith.addi %mul3A_42, %add3A_386 : i32
          %get3A_388 = arith.index_cast %add3A_387 : i32 to index
          %get3A_389 = arith.constant 32 : index
          %get3A_390 = tpu.vector_load %arg13[%get3A_388, %get3A_389] {strides = array<i32>} : memref<256x128xf32, #tpu.memory_space<vmem>>, vector<1x16xf32>,
          %get3A_391 = vector.shape_cast %get3A_390 : vector<1x16xf32> to vector<16xf32>
          %add3A_392 = arith.addf %get3A_385, %get3A_391 : vector<16xf32>
          %add3A_393 = arith.constant 3 : i32
          %add3A_394 = arith.addi %mul3A_42, %add3A_393 : i32
          %swap3A_395 = arith.index_cast %add3A_394 : i32 to index
          %swap3A_396 = arith.constant 32 : index
          %swap3A_397 = tpu.vector_load %arg12[%swap3A_395, %swap3A_396] {strides = array<i32>} : memref<256x128xf32, #tpu.memory_space<vmem>>, vector<1x16xf32>,
          %swap3A_398 = vector.shape_cast %swap3A_397 : vector<1x16xf32> to vector<16xf32>
          %swap3A_399 = vector.shape_cast %add3A_392 : vector<16xf32> to vector<1x16xf32>
          tpu.vector_store %arg12[%swap3A_395, %swap3A_396], %swap3A_399 {strides = array<i32>} : memref<256x128xf32, #tpu.memory_space<vmem>>, vector<1x16xf32>,
          %add3A_400 = arith.constant 3 : i32
          %add3A_401 = arith.addi %mul3A_42, %add3A_400 : i32
          %get3A_402 = arith.index_cast %add3A_401 : i32 to index
          %get3A_403 = arith.constant 48 : index
          %get3A_404 = tpu.vector_load %arg12[%get3A_402, %get3A_403] {strides = array<i32>} : memref<256x128xf32, #tpu.memory_space<vmem>>, vector<1x16xf32>,
          %get3A_405 = vector.shape_cast %get3A_404 : vector<1x16xf32> to vector<16xf32>
          %add3A_406 = arith.constant 3 : i32
          %add3A_407 = arith.addi %mul3A_42, %add3A_406 : i32
          %get3A_408 = arith.index_cast %add3A_407 : i32 to index
          %get3A_409 = arith.constant 48 : index
          %get3A_410 = tpu.vector_load %arg13[%get3A_408, %get3A_409] {strides = array<i32>} : memref<256x128xf32, #tpu.memory_space<vmem>>, vector<1x16xf32>,
          %get3A_411 = vector.shape_cast %get3A_410 : vector<1x16xf32> to vector<16xf32>
          %add3A_412 = arith.addf %get3A_405, %get3A_411 : vector<16xf32>
          %add3A_413 = arith.constant 3 : i32
          %add3A_414 = arith.addi %mul3A_42, %add3A_413 : i32
          %swap3A_415 = arith.index_cast %add3A_414 : i32 to index
          %swap3A_416 = arith.constant 48 : index
          %swap3A_417 = tpu.vector_load %arg12[%swap3A_415, %swap3A_416] {strides = array<i32>} : memref<256x128xf32, #tpu.memory_space<vmem>>, vector<1x16xf32>,
          %swap3A_418 = vector.shape_cast %swap3A_417 : vector<1x16xf32> to vector<16xf32>
          %swap3A_419 = vector.shape_cast %add3A_412 : vector<16xf32> to vector<1x16xf32>
          tpu.vector_store %arg12[%swap3A_415, %swap3A_416], %swap3A_419 {strides = array<i32>} : memref<256x128xf32, #tpu.memory_space<vmem>>, vector<1x16xf32>,
          %add3A_420 = arith.constant 3 : i32
          %add3A_421 = arith.addi %mul3A_42, %add3A_420 : i32
          %get3A_422 = arith.index_cast %add3A_421 : i32 to index
          %get3A_423 = arith.constant 64 : index
          %get3A_424 = tpu.vector_load %arg12[%get3A_422, %get3A_423] {strides = array<i32>} : memref<256x128xf32, #tpu.memory_space<vmem>>, vector<1x16xf32>,
          %get3A_425 = vector.shape_cast %get3A_424 : vector<1x16xf32> to vector<16xf32>
          %add3A_426 = arith.constant 3 : i32
          %add3A_427 = arith.addi %mul3A_42, %add3A_426 : i32
          %get3A_428 = arith.index_cast %add3A_427 : i32 to index
          %get3A_429 = arith.constant 64 : index
          %get3A_430 = tpu.vector_load %arg13[%get3A_428, %get3A_429] {strides = array<i32>} : memref<256x128xf32, #tpu.memory_space<vmem>>, vector<1x16xf32>,
          %get3A_431 = vector.shape_cast %get3A_430 : vector<1x16xf32> to vector<16xf32>
          %sub3A_432 = arith.subf %get3A_425, %get3A_431 : vector<16xf32>
          %add3A_433 = arith.constant 3 : i32
          %add3A_434 = arith.addi %mul3A_42, %add3A_433 : i32
          %swap3A_435 = arith.index_cast %add3A_434 : i32 to index
          %swap3A_436 = arith.constant 64 : index
          %swap3A_437 = tpu.vector_load %arg12[%swap3A_435, %swap3A_436] {strides = array<i32>} : memref<256x128xf32, #tpu.memory_space<vmem>>, vector<1x16xf32>,
          %swap3A_438 = vector.shape_cast %swap3A_437 : vector<1x16xf32> to vector<16xf32>
          %swap3A_439 = vector.shape_cast %sub3A_432 : vector<16xf32> to vector<1x16xf32>
          tpu.vector_store %arg12[%swap3A_435, %swap3A_436], %swap3A_439 {strides = array<i32>} : memref<256x128xf32, #tpu.memory_space<vmem>>, vector<1x16xf32>,
          %scan3A_440 = arith.constant 0 : i32
          scf.yield %scan3A_440 : i32
        }
        %scan3A_37 = arith.constant 64 : i32
        "tpu.region"() ({
          %run_scoped3A = tpu.sem_alloc : memref<!tpu.dma_semaphore, #tpu.memory_space<semaphore_mem>>
          %dma_start3A_39 = arith.constant 0 : i32
          %dma_start3A_40 = tpu.memref_slice %arg9[%multiple_of3A, %dma_start3A_39] : memref<409600x128xf32, #tpu.memory_space<hbm>> -> memref<256x128xf32, #tpu.memory_space<hbm>>
          %dma_start3A_41 = arith.constant 0 : i32
          %dma_start3A_42 = tpu.memref_slice %arg9[%multiple_of3A, %dma_start3A_41] : memref<409600x128xf32, #tpu.memory_space<hbm>> -> memref<256x128xf32, #tpu.memory_space<hbm>>
          tpu.enqueue_dma source(%arg12 : memref<256x128xf32, #tpu.memory_space<vmem>>) target(%dma_start3A_42 : memref<256x128xf32, #tpu.memory_space<hbm>>) target_semaphore(%run_scoped3A : memref<!tpu.dma_semaphore, #tpu.memory_space<semaphore_mem>>)
          %dma_wait3A_43 = arith.constant 0 : i32
          %dma_wait3A_44 = tpu.memref_slice %arg9[%multiple_of3A, %dma_wait3A_43] : memref<409600x128xf32, #tpu.memory_space<hbm>> -> memref<256x128xf32, #tpu.memory_space<hbm>>
          %dma_wait3A_45 = arith.constant 0 : i32
          %dma_wait3A_46 = tpu.memref_slice %arg9[%multiple_of3A, %dma_wait3A_45] : memref<409600x128xf32, #tpu.memory_space<hbm>> -> memref<256x128xf32, #tpu.memory_space<hbm>>
          tpu.wait_dma2 semaphore(%run_scoped3A : memref<!tpu.dma_semaphore, #tpu.memory_space<semaphore_mem>>) src(%arg12 : memref<256x128xf32, #tpu.memory_space<vmem>>) dst(%dma_wait3A_46 : memref<256x128xf32, #tpu.memory_space<hbm>>)
          tpu.yield
        }) : () -> ()
        %scan3A_38 = arith.constant 0 : i32
        scf.yield %scan3A_38 : i32
      }
      %scan3A_15 = arith.constant 50 : i32
    } else {
    }
    %eq3A_5 = arith.constant 1 : i32
    %eq3A_6 = arith.cmpi eq, %arg0, %eq3A_5 : i32
    %convert_element_type3A_7 = arith.extui %eq3A_6 : i1 to i32
    %cond3A_8 = arith.constant 0 : i32
    %cond3A_9 = arith.cmpi ne, %convert_element_type3A_7, %cond3A_8 : i32
    scf.if %cond3A_9 {
      %scan3A = arith.constant 0 : i32
      %scan3A_10 = arith.constant 0 : i32
      %scan3A_11 = arith.constant 50 : i32
      %scan3A_12 = arith.addi %scan3A_10, %scan3A_11 : i32
      %scan3A_13 = arith.constant 1 : i32
      %scan3A_14 = scf.for %scan3A_16 = %scan3A_10 to %scan3A_12 step %scan3A_13 iter_args(%scan3A_17 = %scan3A) -> (i32)  : i32 {
        %mul3A_18 = arith.constant 256 : i32
        %mul3A_19 = arith.muli %scan3A_16, %mul3A_18 : i32
        %add3A_20 = arith.addi %mul3A_2, %mul3A_19 : i32
        %multiple_of3A = tpu.assume_multiple %add3A_20, 8 : i32
        "tpu.region"() ({
          %run_scoped3A = tpu.sem_alloc : memref<!tpu.dma_semaphore, #tpu.memory_space<semaphore_mem>>
          %dma_start3A_39 = tpu.memref_slice %arg6[%multiple_of3A] : memref<409600xi32, #tpu.memory_space<hbm>> -> memref<256xi32, #tpu.memory_space<hbm>>
          %dma_start3A_40 = tpu.memref_slice %arg6[%multiple_of3A] : memref<409600xi32, #tpu.memory_space<hbm>> -> memref<256xi32, #tpu.memory_space<hbm>>
          tpu.enqueue_dma source(%dma_start3A_40 : memref<256xi32, #tpu.memory_space<hbm>>) target(%arg10 : memref<256xi32, #tpu.memory_space<vmem>>) target_semaphore(%run_scoped3A : memref<!tpu.dma_semaphore, #tpu.memory_space<semaphore_mem>>)
          %dma_wait3A_41 = tpu.memref_slice %arg6[%multiple_of3A] : memref<409600xi32, #tpu.memory_space<hbm>> -> memref<256xi32, #tpu.memory_space<hbm>>
          %dma_wait3A_42 = tpu.memref_slice %arg6[%multiple_of3A] : memref<409600xi32, #tpu.memory_space<hbm>> -> memref<256xi32, #tpu.memory_space<hbm>>
          tpu.wait_dma2 semaphore(%run_scoped3A : memref<!tpu.dma_semaphore, #tpu.memory_space<semaphore_mem>>) src(%dma_wait3A_42 : memref<256xi32, #tpu.memory_space<hbm>>) dst(%arg10 : memref<256xi32, #tpu.memory_space<vmem>>)
          tpu.yield
        }) : () -> ()
        "tpu.region"() ({
          %run_scoped3A = tpu.sem_alloc : memref<!tpu.dma_semaphore, #tpu.memory_space<semaphore_mem>>
          %dma_start3A_39 = tpu.memref_slice %arg7[%multiple_of3A] : memref<409600xi32, #tpu.memory_space<hbm>> -> memref<256xi32, #tpu.memory_space<hbm>>
          %dma_start3A_40 = tpu.memref_slice %arg7[%multiple_of3A] : memref<409600xi32, #tpu.memory_space<hbm>> -> memref<256xi32, #tpu.memory_space<hbm>>
          tpu.enqueue_dma source(%dma_start3A_40 : memref<256xi32, #tpu.memory_space<hbm>>) target(%arg11 : memref<256xi32, #tpu.memory_space<vmem>>) target_semaphore(%run_scoped3A : memref<!tpu.dma_semaphore, #tpu.memory_space<semaphore_mem>>)
          %dma_wait3A_41 = tpu.memref_slice %arg7[%multiple_of3A] : memref<409600xi32, #tpu.memory_space<hbm>> -> memref<256xi32, #tpu.memory_space<hbm>>
          %dma_wait3A_42 = tpu.memref_slice %arg7[%multiple_of3A] : memref<409600xi32, #tpu.memory_space<hbm>> -> memref<256xi32, #tpu.memory_space<hbm>>
          tpu.wait_dma2 semaphore(%run_scoped3A : memref<!tpu.dma_semaphore, #tpu.memory_space<semaphore_mem>>) src(%dma_wait3A_42 : memref<256xi32, #tpu.memory_space<hbm>>) dst(%arg11 : memref<256xi32, #tpu.memory_space<vmem>>)
          tpu.yield
        }) : () -> ()
        %dma_start3A = arith.constant 0 : i32
        %dma_start3A_21 = arith.constant 0 : i32
        %dma_start3A_22 = tpu.memref_slice %arg4[%dma_start3A, %dma_start3A_21] : memref<51200x128xf32, #tpu.memory_space<hbm>> -> memref<51200x128xf32, #tpu.memory_space<hbm>>
        tpu.enqueue_indirect_dma source(%dma_start3A_22 : memref<51200x128xf32, #tpu.memory_space<hbm>>) target(%arg12 : memref<256x128xf32, #tpu.memory_space<vmem>>) offsets(%arg10 : memref<256xi32, #tpu.memory_space<vmem>>) semaphore(%arg14 : memref<!tpu.dma_semaphore, #tpu.memory_space<semaphore_mem>>)
        %dma_start3A_23 = arith.constant 0 : i32
        %dma_start3A_24 = arith.constant 0 : i32
        %dma_start3A_25 = tpu.memref_slice %arg5[%dma_start3A_23, %dma_start3A_24] : memref<51200x128xf32, #tpu.memory_space<hbm>> -> memref<51200x128xf32, #tpu.memory_space<hbm>>
        tpu.enqueue_indirect_dma source(%dma_start3A_25 : memref<51200x128xf32, #tpu.memory_space<hbm>>) target(%arg13 : memref<256x128xf32, #tpu.memory_space<vmem>>) offsets(%arg11 : memref<256xi32, #tpu.memory_space<vmem>>) semaphore(%arg14 : memref<!tpu.dma_semaphore, #tpu.memory_space<semaphore_mem>>)
        %dma_wait3A = arith.constant 0 : i32
        %dma_wait3A_26 = arith.constant 0 : i32
        %dma_wait3A_27 = tpu.memref_slice %arg4[%dma_wait3A, %dma_wait3A_26] : memref<51200x128xf32, #tpu.memory_space<hbm>> -> memref<51200x128xf32, #tpu.memory_space<hbm>>
        tpu.wait_indirect_dma semaphore(%arg14 : memref<!tpu.dma_semaphore, #tpu.memory_space<semaphore_mem>>) src(%dma_wait3A_27 : memref<51200x128xf32, #tpu.memory_space<hbm>>) dst(%arg12 : memref<256x128xf32, #tpu.memory_space<vmem>>)
        %dma_wait3A_28 = arith.constant 0 : i32
        %dma_wait3A_29 = arith.constant 0 : i32
        %dma_wait3A_30 = tpu.memref_slice %arg5[%dma_wait3A_28, %dma_wait3A_29] : memref<51200x128xf32, #tpu.memory_space<hbm>> -> memref<51200x128xf32, #tpu.memory_space<hbm>>
        tpu.wait_indirect_dma semaphore(%arg14 : memref<!tpu.dma_semaphore, #tpu.memory_space<semaphore_mem>>) src(%dma_wait3A_30 : memref<51200x128xf32, #tpu.memory_space<hbm>>) dst(%arg13 : memref<256x128xf32, #tpu.memory_space<vmem>>)
        %scan3A_31 = arith.constant 0 : i32
        %scan3A_32 = arith.constant 0 : i32
        %scan3A_33 = arith.constant 64 : i32
        %scan3A_34 = arith.addi %scan3A_32, %scan3A_33 : i32
        %scan3A_35 = arith.constant 1 : i32
        %scan3A_36 = scf.for %scan3A_39 = %scan3A_32 to %scan3A_34 step %scan3A_35 iter_args(%scan3A_40 = %scan3A_31) -> (i32)  : i32 {
          %mul3A_41 = arith.constant 4 : i32
          %mul3A_42 = arith.muli %scan3A_39, %mul3A_41 : i32
          %add3A_43 = arith.constant 0 : i32
          %add3A_44 = arith.addi %mul3A_42, %add3A_43 : i32
          %get3A = arith.index_cast %add3A_44 : i32 to index
          %get3A_45 = arith.constant 0 : index
          %get3A_46 = tpu.vector_load %arg12[%get3A, %get3A_45] {strides = array<i32>} : memref<256x128xf32, #tpu.memory_space<vmem>>, vector<1x16xf32>,
          %get3A_47 = vector.shape_cast %get3A_46 : vector<1x16xf32> to vector<16xf32>
          %add3A_48 = arith.constant 0 : i32
          %add3A_49 = arith.addi %mul3A_42, %add3A_48 : i32
          %get3A_50 = arith.index_cast %add3A_49 : i32 to index
          %get3A_51 = arith.constant 0 : index
          %get3A_52 = tpu.vector_load %arg13[%get3A_50, %get3A_51] {strides = array<i32>} : memref<256x128xf32, #tpu.memory_space<vmem>>, vector<1x16xf32>,
          %get3A_53 = vector.shape_cast %get3A_52 : vector<1x16xf32> to vector<16xf32>
          %add3A_54 = arith.addf %get3A_47, %get3A_53 : vector<16xf32>
          %add3A_55 = arith.constant 0 : i32
          %add3A_56 = arith.addi %mul3A_42, %add3A_55 : i32
          %swap3A = arith.index_cast %add3A_56 : i32 to index
          %swap3A_57 = arith.constant 0 : index
          %swap3A_58 = tpu.vector_load %arg12[%swap3A, %swap3A_57] {strides = array<i32>} : memref<256x128xf32, #tpu.memory_space<vmem>>, vector<1x16xf32>,
          %swap3A_59 = vector.shape_cast %swap3A_58 : vector<1x16xf32> to vector<16xf32>
          %swap3A_60 = vector.shape_cast %add3A_54 : vector<16xf32> to vector<1x16xf32>
          tpu.vector_store %arg12[%swap3A, %swap3A_57], %swap3A_60 {strides = array<i32>} : memref<256x128xf32, #tpu.memory_space<vmem>>, vector<1x16xf32>,
          %add3A_61 = arith.constant 0 : i32
          %add3A_62 = arith.addi %mul3A_42, %add3A_61 : i32
          %get3A_63 = arith.index_cast %add3A_62 : i32 to index
          %get3A_64 = arith.constant 16 : index
          %get3A_65 = tpu.vector_load %arg12[%get3A_63, %get3A_64] {strides = array<i32>} : memref<256x128xf32, #tpu.memory_space<vmem>>, vector<1x16xf32>,
          %get3A_66 = vector.shape_cast %get3A_65 : vector<1x16xf32> to vector<16xf32>
          %add3A_67 = arith.constant 0 : i32
          %add3A_68 = arith.addi %mul3A_42, %add3A_67 : i32
          %get3A_69 = arith.index_cast %add3A_68 : i32 to index
          %get3A_70 = arith.constant 16 : index
          %get3A_71 = tpu.vector_load %arg13[%get3A_69, %get3A_70] {strides = array<i32>} : memref<256x128xf32, #tpu.memory_space<vmem>>, vector<1x16xf32>,
          %get3A_72 = vector.shape_cast %get3A_71 : vector<1x16xf32> to vector<16xf32>
          %add3A_73 = arith.addf %get3A_66, %get3A_72 : vector<16xf32>
          %add3A_74 = arith.constant 0 : i32
          %add3A_75 = arith.addi %mul3A_42, %add3A_74 : i32
          %swap3A_76 = arith.index_cast %add3A_75 : i32 to index
          %swap3A_77 = arith.constant 16 : index
          %swap3A_78 = tpu.vector_load %arg12[%swap3A_76, %swap3A_77] {strides = array<i32>} : memref<256x128xf32, #tpu.memory_space<vmem>>, vector<1x16xf32>,
          %swap3A_79 = vector.shape_cast %swap3A_78 : vector<1x16xf32> to vector<16xf32>
          %swap3A_80 = vector.shape_cast %add3A_73 : vector<16xf32> to vector<1x16xf32>
          tpu.vector_store %arg12[%swap3A_76, %swap3A_77], %swap3A_80 {strides = array<i32>} : memref<256x128xf32, #tpu.memory_space<vmem>>, vector<1x16xf32>,
          %add3A_81 = arith.constant 0 : i32
          %add3A_82 = arith.addi %mul3A_42, %add3A_81 : i32
          %get3A_83 = arith.index_cast %add3A_82 : i32 to index
          %get3A_84 = arith.constant 32 : index
          %get3A_85 = tpu.vector_load %arg12[%get3A_83, %get3A_84] {strides = array<i32>} : memref<256x128xf32, #tpu.memory_space<vmem>>, vector<1x16xf32>,
          %get3A_86 = vector.shape_cast %get3A_85 : vector<1x16xf32> to vector<16xf32>
          %add3A_87 = arith.constant 0 : i32
          %add3A_88 = arith.addi %mul3A_42, %add3A_87 : i32
          %get3A_89 = arith.index_cast %add3A_88 : i32 to index
          %get3A_90 = arith.constant 32 : index
          %get3A_91 = tpu.vector_load %arg13[%get3A_89, %get3A_90] {strides = array<i32>} : memref<256x128xf32, #tpu.memory_space<vmem>>, vector<1x16xf32>,
          %get3A_92 = vector.shape_cast %get3A_91 : vector<1x16xf32> to vector<16xf32>
          %add3A_93 = arith.addf %get3A_86, %get3A_92 : vector<16xf32>
          %add3A_94 = arith.constant 0 : i32
          %add3A_95 = arith.addi %mul3A_42, %add3A_94 : i32
          %swap3A_96 = arith.index_cast %add3A_95 : i32 to index
          %swap3A_97 = arith.constant 32 : index
          %swap3A_98 = tpu.vector_load %arg12[%swap3A_96, %swap3A_97] {strides = array<i32>} : memref<256x128xf32, #tpu.memory_space<vmem>>, vector<1x16xf32>,
          %swap3A_99 = vector.shape_cast %swap3A_98 : vector<1x16xf32> to vector<16xf32>
          %swap3A_100 = vector.shape_cast %add3A_93 : vector<16xf32> to vector<1x16xf32>
          tpu.vector_store %arg12[%swap3A_96, %swap3A_97], %swap3A_100 {strides = array<i32>} : memref<256x128xf32, #tpu.memory_space<vmem>>, vector<1x16xf32>,
          %add3A_101 = arith.constant 0 : i32
          %add3A_102 = arith.addi %mul3A_42, %add3A_101 : i32
          %get3A_103 = arith.index_cast %add3A_102 : i32 to index
          %get3A_104 = arith.constant 48 : index
          %get3A_105 = tpu.vector_load %arg12[%get3A_103, %get3A_104] {strides = array<i32>} : memref<256x128xf32, #tpu.memory_space<vmem>>, vector<1x16xf32>,
          %get3A_106 = vector.shape_cast %get3A_105 : vector<1x16xf32> to vector<16xf32>
          %add3A_107 = arith.constant 0 : i32
          %add3A_108 = arith.addi %mul3A_42, %add3A_107 : i32
          %get3A_109 = arith.index_cast %add3A_108 : i32 to index
          %get3A_110 = arith.constant 48 : index
          %get3A_111 = tpu.vector_load %arg13[%get3A_109, %get3A_110] {strides = array<i32>} : memref<256x128xf32, #tpu.memory_space<vmem>>, vector<1x16xf32>,
          %get3A_112 = vector.shape_cast %get3A_111 : vector<1x16xf32> to vector<16xf32>
          %add3A_113 = arith.addf %get3A_106, %get3A_112 : vector<16xf32>
          %add3A_114 = arith.constant 0 : i32
          %add3A_115 = arith.addi %mul3A_42, %add3A_114 : i32
          %swap3A_116 = arith.index_cast %add3A_115 : i32 to index
          %swap3A_117 = arith.constant 48 : index
          %swap3A_118 = tpu.vector_load %arg12[%swap3A_116, %swap3A_117] {strides = array<i32>} : memref<256x128xf32, #tpu.memory_space<vmem>>, vector<1x16xf32>,
          %swap3A_119 = vector.shape_cast %swap3A_118 : vector<1x16xf32> to vector<16xf32>
          %swap3A_120 = vector.shape_cast %add3A_113 : vector<16xf32> to vector<1x16xf32>
          tpu.vector_store %arg12[%swap3A_116, %swap3A_117], %swap3A_120 {strides = array<i32>} : memref<256x128xf32, #tpu.memory_space<vmem>>, vector<1x16xf32>,
          %add3A_121 = arith.constant 0 : i32
          %add3A_122 = arith.addi %mul3A_42, %add3A_121 : i32
          %get3A_123 = arith.index_cast %add3A_122 : i32 to index
          %get3A_124 = arith.constant 64 : index
          %get3A_125 = tpu.vector_load %arg12[%get3A_123, %get3A_124] {strides = array<i32>} : memref<256x128xf32, #tpu.memory_space<vmem>>, vector<1x16xf32>,
          %get3A_126 = vector.shape_cast %get3A_125 : vector<1x16xf32> to vector<16xf32>
          %add3A_127 = arith.constant 0 : i32
          %add3A_128 = arith.addi %mul3A_42, %add3A_127 : i32
          %get3A_129 = arith.index_cast %add3A_128 : i32 to index
          %get3A_130 = arith.constant 64 : index
          %get3A_131 = tpu.vector_load %arg13[%get3A_129, %get3A_130] {strides = array<i32>} : memref<256x128xf32, #tpu.memory_space<vmem>>, vector<1x16xf32>,
          %get3A_132 = vector.shape_cast %get3A_131 : vector<1x16xf32> to vector<16xf32>
          %sub3A = arith.subf %get3A_126, %get3A_132 : vector<16xf32>
          %add3A_133 = arith.constant 0 : i32
          %add3A_134 = arith.addi %mul3A_42, %add3A_133 : i32
          %swap3A_135 = arith.index_cast %add3A_134 : i32 to index
          %swap3A_136 = arith.constant 64 : index
          %swap3A_137 = tpu.vector_load %arg12[%swap3A_135, %swap3A_136] {strides = array<i32>} : memref<256x128xf32, #tpu.memory_space<vmem>>, vector<1x16xf32>,
          %swap3A_138 = vector.shape_cast %swap3A_137 : vector<1x16xf32> to vector<16xf32>
          %swap3A_139 = vector.shape_cast %sub3A : vector<16xf32> to vector<1x16xf32>
          tpu.vector_store %arg12[%swap3A_135, %swap3A_136], %swap3A_139 {strides = array<i32>} : memref<256x128xf32, #tpu.memory_space<vmem>>, vector<1x16xf32>,
          %add3A_140 = arith.constant 1 : i32
          %add3A_141 = arith.addi %mul3A_42, %add3A_140 : i32
          %get3A_142 = arith.index_cast %add3A_141 : i32 to index
          %get3A_143 = arith.constant 0 : index
          %get3A_144 = tpu.vector_load %arg12[%get3A_142, %get3A_143] {strides = array<i32>} : memref<256x128xf32, #tpu.memory_space<vmem>>, vector<1x16xf32>,
          %get3A_145 = vector.shape_cast %get3A_144 : vector<1x16xf32> to vector<16xf32>
          %add3A_146 = arith.constant 1 : i32
          %add3A_147 = arith.addi %mul3A_42, %add3A_146 : i32
          %get3A_148 = arith.index_cast %add3A_147 : i32 to index
          %get3A_149 = arith.constant 0 : index
          %get3A_150 = tpu.vector_load %arg13[%get3A_148, %get3A_149] {strides = array<i32>} : memref<256x128xf32, #tpu.memory_space<vmem>>, vector<1x16xf32>,
          %get3A_151 = vector.shape_cast %get3A_150 : vector<1x16xf32> to vector<16xf32>
          %add3A_152 = arith.addf %get3A_145, %get3A_151 : vector<16xf32>
          %add3A_153 = arith.constant 1 : i32
          %add3A_154 = arith.addi %mul3A_42, %add3A_153 : i32
          %swap3A_155 = arith.index_cast %add3A_154 : i32 to index
          %swap3A_156 = arith.constant 0 : index
          %swap3A_157 = tpu.vector_load %arg12[%swap3A_155, %swap3A_156] {strides = array<i32>} : memref<256x128xf32, #tpu.memory_space<vmem>>, vector<1x16xf32>,
          %swap3A_158 = vector.shape_cast %swap3A_157 : vector<1x16xf32> to vector<16xf32>
          %swap3A_159 = vector.shape_cast %add3A_152 : vector<16xf32> to vector<1x16xf32>
          tpu.vector_store %arg12[%swap3A_155, %swap3A_156], %swap3A_159 {strides = array<i32>} : memref<256x128xf32, #tpu.memory_space<vmem>>, vector<1x16xf32>,
          %add3A_160 = arith.constant 1 : i32
          %add3A_161 = arith.addi %mul3A_42, %add3A_160 : i32
          %get3A_162 = arith.index_cast %add3A_161 : i32 to index
          %get3A_163 = arith.constant 16 : index
          %get3A_164 = tpu.vector_load %arg12[%get3A_162, %get3A_163] {strides = array<i32>} : memref<256x128xf32, #tpu.memory_space<vmem>>, vector<1x16xf32>,
          %get3A_165 = vector.shape_cast %get3A_164 : vector<1x16xf32> to vector<16xf32>
          %add3A_166 = arith.constant 1 : i32
          %add3A_167 = arith.addi %mul3A_42, %add3A_166 : i32
          %get3A_168 = arith.index_cast %add3A_167 : i32 to index
          %get3A_169 = arith.constant 16 : index
          %get3A_170 = tpu.vector_load %arg13[%get3A_168, %get3A_169] {strides = array<i32>} : memref<256x128xf32, #tpu.memory_space<vmem>>, vector<1x16xf32>,
          %get3A_171 = vector.shape_cast %get3A_170 : vector<1x16xf32> to vector<16xf32>
          %add3A_172 = arith.addf %get3A_165, %get3A_171 : vector<16xf32>
          %add3A_173 = arith.constant 1 : i32
          %add3A_174 = arith.addi %mul3A_42, %add3A_173 : i32
          %swap3A_175 = arith.index_cast %add3A_174 : i32 to index
          %swap3A_176 = arith.constant 16 : index
          %swap3A_177 = tpu.vector_load %arg12[%swap3A_175, %swap3A_176] {strides = array<i32>} : memref<256x128xf32, #tpu.memory_space<vmem>>, vector<1x16xf32>,
          %swap3A_178 = vector.shape_cast %swap3A_177 : vector<1x16xf32> to vector<16xf32>
          %swap3A_179 = vector.shape_cast %add3A_172 : vector<16xf32> to vector<1x16xf32>
          tpu.vector_store %arg12[%swap3A_175, %swap3A_176], %swap3A_179 {strides = array<i32>} : memref<256x128xf32, #tpu.memory_space<vmem>>, vector<1x16xf32>,
          %add3A_180 = arith.constant 1 : i32
          %add3A_181 = arith.addi %mul3A_42, %add3A_180 : i32
          %get3A_182 = arith.index_cast %add3A_181 : i32 to index
          %get3A_183 = arith.constant 32 : index
          %get3A_184 = tpu.vector_load %arg12[%get3A_182, %get3A_183] {strides = array<i32>} : memref<256x128xf32, #tpu.memory_space<vmem>>, vector<1x16xf32>,
          %get3A_185 = vector.shape_cast %get3A_184 : vector<1x16xf32> to vector<16xf32>
          %add3A_186 = arith.constant 1 : i32
          %add3A_187 = arith.addi %mul3A_42, %add3A_186 : i32
          %get3A_188 = arith.index_cast %add3A_187 : i32 to index
          %get3A_189 = arith.constant 32 : index
          %get3A_190 = tpu.vector_load %arg13[%get3A_188, %get3A_189] {strides = array<i32>} : memref<256x128xf32, #tpu.memory_space<vmem>>, vector<1x16xf32>,
          %get3A_191 = vector.shape_cast %get3A_190 : vector<1x16xf32> to vector<16xf32>
          %add3A_192 = arith.addf %get3A_185, %get3A_191 : vector<16xf32>
          %add3A_193 = arith.constant 1 : i32
          %add3A_194 = arith.addi %mul3A_42, %add3A_193 : i32
          %swap3A_195 = arith.index_cast %add3A_194 : i32 to index
          %swap3A_196 = arith.constant 32 : index
          %swap3A_197 = tpu.vector_load %arg12[%swap3A_195, %swap3A_196] {strides = array<i32>} : memref<256x128xf32, #tpu.memory_space<vmem>>, vector<1x16xf32>,
          %swap3A_198 = vector.shape_cast %swap3A_197 : vector<1x16xf32> to vector<16xf32>
          %swap3A_199 = vector.shape_cast %add3A_192 : vector<16xf32> to vector<1x16xf32>
          tpu.vector_store %arg12[%swap3A_195, %swap3A_196], %swap3A_199 {strides = array<i32>} : memref<256x128xf32, #tpu.memory_space<vmem>>, vector<1x16xf32>,
          %add3A_200 = arith.constant 1 : i32
          %add3A_201 = arith.addi %mul3A_42, %add3A_200 : i32
          %get3A_202 = arith.index_cast %add3A_201 : i32 to index
          %get3A_203 = arith.constant 48 : index
          %get3A_204 = tpu.vector_load %arg12[%get3A_202, %get3A_203] {strides = array<i32>} : memref<256x128xf32, #tpu.memory_space<vmem>>, vector<1x16xf32>,
          %get3A_205 = vector.shape_cast %get3A_204 : vector<1x16xf32> to vector<16xf32>
          %add3A_206 = arith.constant 1 : i32
          %add3A_207 = arith.addi %mul3A_42, %add3A_206 : i32
          %get3A_208 = arith.index_cast %add3A_207 : i32 to index
          %get3A_209 = arith.constant 48 : index
          %get3A_210 = tpu.vector_load %arg13[%get3A_208, %get3A_209] {strides = array<i32>} : memref<256x128xf32, #tpu.memory_space<vmem>>, vector<1x16xf32>,
          %get3A_211 = vector.shape_cast %get3A_210 : vector<1x16xf32> to vector<16xf32>
          %add3A_212 = arith.addf %get3A_205, %get3A_211 : vector<16xf32>
          %add3A_213 = arith.constant 1 : i32
          %add3A_214 = arith.addi %mul3A_42, %add3A_213 : i32
          %swap3A_215 = arith.index_cast %add3A_214 : i32 to index
          %swap3A_216 = arith.constant 48 : index
          %swap3A_217 = tpu.vector_load %arg12[%swap3A_215, %swap3A_216] {strides = array<i32>} : memref<256x128xf32, #tpu.memory_space<vmem>>, vector<1x16xf32>,
          %swap3A_218 = vector.shape_cast %swap3A_217 : vector<1x16xf32> to vector<16xf32>
          %swap3A_219 = vector.shape_cast %add3A_212 : vector<16xf32> to vector<1x16xf32>
          tpu.vector_store %arg12[%swap3A_215, %swap3A_216], %swap3A_219 {strides = array<i32>} : memref<256x128xf32, #tpu.memory_space<vmem>>, vector<1x16xf32>,
          %add3A_220 = arith.constant 1 : i32
          %add3A_221 = arith.addi %mul3A_42, %add3A_220 : i32
          %get3A_222 = arith.index_cast %add3A_221 : i32 to index
          %get3A_223 = arith.constant 64 : index
          %get3A_224 = tpu.vector_load %arg12[%get3A_222, %get3A_223] {strides = array<i32>} : memref<256x128xf32, #tpu.memory_space<vmem>>, vector<1x16xf32>,
          %get3A_225 = vector.shape_cast %get3A_224 : vector<1x16xf32> to vector<16xf32>
          %add3A_226 = arith.constant 1 : i32
          %add3A_227 = arith.addi %mul3A_42, %add3A_226 : i32
          %get3A_228 = arith.index_cast %add3A_227 : i32 to index
          %get3A_229 = arith.constant 64 : index
          %get3A_230 = tpu.vector_load %arg13[%get3A_228, %get3A_229] {strides = array<i32>} : memref<256x128xf32, #tpu.memory_space<vmem>>, vector<1x16xf32>,
          %get3A_231 = vector.shape_cast %get3A_230 : vector<1x16xf32> to vector<16xf32>
          %sub3A_232 = arith.subf %get3A_225, %get3A_231 : vector<16xf32>
          %add3A_233 = arith.constant 1 : i32
          %add3A_234 = arith.addi %mul3A_42, %add3A_233 : i32
          %swap3A_235 = arith.index_cast %add3A_234 : i32 to index
          %swap3A_236 = arith.constant 64 : index
          %swap3A_237 = tpu.vector_load %arg12[%swap3A_235, %swap3A_236] {strides = array<i32>} : memref<256x128xf32, #tpu.memory_space<vmem>>, vector<1x16xf32>,
          %swap3A_238 = vector.shape_cast %swap3A_237 : vector<1x16xf32> to vector<16xf32>
          %swap3A_239 = vector.shape_cast %sub3A_232 : vector<16xf32> to vector<1x16xf32>
          tpu.vector_store %arg12[%swap3A_235, %swap3A_236], %swap3A_239 {strides = array<i32>} : memref<256x128xf32, #tpu.memory_space<vmem>>, vector<1x16xf32>,
          %add3A_240 = arith.constant 2 : i32
          %add3A_241 = arith.addi %mul3A_42, %add3A_240 : i32
          %get3A_242 = arith.index_cast %add3A_241 : i32 to index
          %get3A_243 = arith.constant 0 : index
          %get3A_244 = tpu.vector_load %arg12[%get3A_242, %get3A_243] {strides = array<i32>} : memref<256x128xf32, #tpu.memory_space<vmem>>, vector<1x16xf32>,
          %get3A_245 = vector.shape_cast %get3A_244 : vector<1x16xf32> to vector<16xf32>
          %add3A_246 = arith.constant 2 : i32
          %add3A_247 = arith.addi %mul3A_42, %add3A_246 : i32
          %get3A_248 = arith.index_cast %add3A_247 : i32 to index
          %get3A_249 = arith.constant 0 : index
          %get3A_250 = tpu.vector_load %arg13[%get3A_248, %get3A_249] {strides = array<i32>} : memref<256x128xf32, #tpu.memory_space<vmem>>, vector<1x16xf32>,
          %get3A_251 = vector.shape_cast %get3A_250 : vector<1x16xf32> to vector<16xf32>
          %add3A_252 = arith.addf %get3A_245, %get3A_251 : vector<16xf32>
          %add3A_253 = arith.constant 2 : i32
          %add3A_254 = arith.addi %mul3A_42, %add3A_253 : i32
          %swap3A_255 = arith.index_cast %add3A_254 : i32 to index
          %swap3A_256 = arith.constant 0 : index
          %swap3A_257 = tpu.vector_load %arg12[%swap3A_255, %swap3A_256] {strides = array<i32>} : memref<256x128xf32, #tpu.memory_space<vmem>>, vector<1x16xf32>,
          %swap3A_258 = vector.shape_cast %swap3A_257 : vector<1x16xf32> to vector<16xf32>
          %swap3A_259 = vector.shape_cast %add3A_252 : vector<16xf32> to vector<1x16xf32>
          tpu.vector_store %arg12[%swap3A_255, %swap3A_256], %swap3A_259 {strides = array<i32>} : memref<256x128xf32, #tpu.memory_space<vmem>>, vector<1x16xf32>,
          %add3A_260 = arith.constant 2 : i32
          %add3A_261 = arith.addi %mul3A_42, %add3A_260 : i32
          %get3A_262 = arith.index_cast %add3A_261 : i32 to index
          %get3A_263 = arith.constant 16 : index
          %get3A_264 = tpu.vector_load %arg12[%get3A_262, %get3A_263] {strides = array<i32>} : memref<256x128xf32, #tpu.memory_space<vmem>>, vector<1x16xf32>,
          %get3A_265 = vector.shape_cast %get3A_264 : vector<1x16xf32> to vector<16xf32>
          %add3A_266 = arith.constant 2 : i32
          %add3A_267 = arith.addi %mul3A_42, %add3A_266 : i32
          %get3A_268 = arith.index_cast %add3A_267 : i32 to index
          %get3A_269 = arith.constant 16 : index
          %get3A_270 = tpu.vector_load %arg13[%get3A_268, %get3A_269] {strides = array<i32>} : memref<256x128xf32, #tpu.memory_space<vmem>>, vector<1x16xf32>,
          %get3A_271 = vector.shape_cast %get3A_270 : vector<1x16xf32> to vector<16xf32>
          %add3A_272 = arith.addf %get3A_265, %get3A_271 : vector<16xf32>
          %add3A_273 = arith.constant 2 : i32
          %add3A_274 = arith.addi %mul3A_42, %add3A_273 : i32
          %swap3A_275 = arith.index_cast %add3A_274 : i32 to index
          %swap3A_276 = arith.constant 16 : index
          %swap3A_277 = tpu.vector_load %arg12[%swap3A_275, %swap3A_276] {strides = array<i32>} : memref<256x128xf32, #tpu.memory_space<vmem>>, vector<1x16xf32>,
          %swap3A_278 = vector.shape_cast %swap3A_277 : vector<1x16xf32> to vector<16xf32>
          %swap3A_279 = vector.shape_cast %add3A_272 : vector<16xf32> to vector<1x16xf32>
          tpu.vector_store %arg12[%swap3A_275, %swap3A_276], %swap3A_279 {strides = array<i32>} : memref<256x128xf32, #tpu.memory_space<vmem>>, vector<1x16xf32>,
          %add3A_280 = arith.constant 2 : i32
          %add3A_281 = arith.addi %mul3A_42, %add3A_280 : i32
          %get3A_282 = arith.index_cast %add3A_281 : i32 to index
          %get3A_283 = arith.constant 32 : index
          %get3A_284 = tpu.vector_load %arg12[%get3A_282, %get3A_283] {strides = array<i32>} : memref<256x128xf32, #tpu.memory_space<vmem>>, vector<1x16xf32>,
          %get3A_285 = vector.shape_cast %get3A_284 : vector<1x16xf32> to vector<16xf32>
          %add3A_286 = arith.constant 2 : i32
          %add3A_287 = arith.addi %mul3A_42, %add3A_286 : i32
          %get3A_288 = arith.index_cast %add3A_287 : i32 to index
          %get3A_289 = arith.constant 32 : index
          %get3A_290 = tpu.vector_load %arg13[%get3A_288, %get3A_289] {strides = array<i32>} : memref<256x128xf32, #tpu.memory_space<vmem>>, vector<1x16xf32>,
          %get3A_291 = vector.shape_cast %get3A_290 : vector<1x16xf32> to vector<16xf32>
          %add3A_292 = arith.addf %get3A_285, %get3A_291 : vector<16xf32>
          %add3A_293 = arith.constant 2 : i32
          %add3A_294 = arith.addi %mul3A_42, %add3A_293 : i32
          %swap3A_295 = arith.index_cast %add3A_294 : i32 to index
          %swap3A_296 = arith.constant 32 : index
          %swap3A_297 = tpu.vector_load %arg12[%swap3A_295, %swap3A_296] {strides = array<i32>} : memref<256x128xf32, #tpu.memory_space<vmem>>, vector<1x16xf32>,
          %swap3A_298 = vector.shape_cast %swap3A_297 : vector<1x16xf32> to vector<16xf32>
          %swap3A_299 = vector.shape_cast %add3A_292 : vector<16xf32> to vector<1x16xf32>
          tpu.vector_store %arg12[%swap3A_295, %swap3A_296], %swap3A_299 {strides = array<i32>} : memref<256x128xf32, #tpu.memory_space<vmem>>, vector<1x16xf32>,
          %add3A_300 = arith.constant 2 : i32
          %add3A_301 = arith.addi %mul3A_42, %add3A_300 : i32
          %get3A_302 = arith.index_cast %add3A_301 : i32 to index
          %get3A_303 = arith.constant 48 : index
          %get3A_304 = tpu.vector_load %arg12[%get3A_302, %get3A_303] {strides = array<i32>} : memref<256x128xf32, #tpu.memory_space<vmem>>, vector<1x16xf32>,
          %get3A_305 = vector.shape_cast %get3A_304 : vector<1x16xf32> to vector<16xf32>
          %add3A_306 = arith.constant 2 : i32
          %add3A_307 = arith.addi %mul3A_42, %add3A_306 : i32
          %get3A_308 = arith.index_cast %add3A_307 : i32 to index
          %get3A_309 = arith.constant 48 : index
          %get3A_310 = tpu.vector_load %arg13[%get3A_308, %get3A_309] {strides = array<i32>} : memref<256x128xf32, #tpu.memory_space<vmem>>, vector<1x16xf32>,
          %get3A_311 = vector.shape_cast %get3A_310 : vector<1x16xf32> to vector<16xf32>
          %add3A_312 = arith.addf %get3A_305, %get3A_311 : vector<16xf32>
          %add3A_313 = arith.constant 2 : i32
          %add3A_314 = arith.addi %mul3A_42, %add3A_313 : i32
          %swap3A_315 = arith.index_cast %add3A_314 : i32 to index
          %swap3A_316 = arith.constant 48 : index
          %swap3A_317 = tpu.vector_load %arg12[%swap3A_315, %swap3A_316] {strides = array<i32>} : memref<256x128xf32, #tpu.memory_space<vmem>>, vector<1x16xf32>,
          %swap3A_318 = vector.shape_cast %swap3A_317 : vector<1x16xf32> to vector<16xf32>
          %swap3A_319 = vector.shape_cast %add3A_312 : vector<16xf32> to vector<1x16xf32>
          tpu.vector_store %arg12[%swap3A_315, %swap3A_316], %swap3A_319 {strides = array<i32>} : memref<256x128xf32, #tpu.memory_space<vmem>>, vector<1x16xf32>,
          %add3A_320 = arith.constant 2 : i32
          %add3A_321 = arith.addi %mul3A_42, %add3A_320 : i32
          %get3A_322 = arith.index_cast %add3A_321 : i32 to index
          %get3A_323 = arith.constant 64 : index
          %get3A_324 = tpu.vector_load %arg12[%get3A_322, %get3A_323] {strides = array<i32>} : memref<256x128xf32, #tpu.memory_space<vmem>>, vector<1x16xf32>,
          %get3A_325 = vector.shape_cast %get3A_324 : vector<1x16xf32> to vector<16xf32>
          %add3A_326 = arith.constant 2 : i32
          %add3A_327 = arith.addi %mul3A_42, %add3A_326 : i32
          %get3A_328 = arith.index_cast %add3A_327 : i32 to index
          %get3A_329 = arith.constant 64 : index
          %get3A_330 = tpu.vector_load %arg13[%get3A_328, %get3A_329] {strides = array<i32>} : memref<256x128xf32, #tpu.memory_space<vmem>>, vector<1x16xf32>,
          %get3A_331 = vector.shape_cast %get3A_330 : vector<1x16xf32> to vector<16xf32>
          %sub3A_332 = arith.subf %get3A_325, %get3A_331 : vector<16xf32>
          %add3A_333 = arith.constant 2 : i32
          %add3A_334 = arith.addi %mul3A_42, %add3A_333 : i32
          %swap3A_335 = arith.index_cast %add3A_334 : i32 to index
          %swap3A_336 = arith.constant 64 : index
          %swap3A_337 = tpu.vector_load %arg12[%swap3A_335, %swap3A_336] {strides = array<i32>} : memref<256x128xf32, #tpu.memory_space<vmem>>, vector<1x16xf32>,
          %swap3A_338 = vector.shape_cast %swap3A_337 : vector<1x16xf32> to vector<16xf32>
          %swap3A_339 = vector.shape_cast %sub3A_332 : vector<16xf32> to vector<1x16xf32>
          tpu.vector_store %arg12[%swap3A_335, %swap3A_336], %swap3A_339 {strides = array<i32>} : memref<256x128xf32, #tpu.memory_space<vmem>>, vector<1x16xf32>,
          %add3A_340 = arith.constant 3 : i32
          %add3A_341 = arith.addi %mul3A_42, %add3A_340 : i32
          %get3A_342 = arith.index_cast %add3A_341 : i32 to index
          %get3A_343 = arith.constant 0 : index
          %get3A_344 = tpu.vector_load %arg12[%get3A_342, %get3A_343] {strides = array<i32>} : memref<256x128xf32, #tpu.memory_space<vmem>>, vector<1x16xf32>,
          %get3A_345 = vector.shape_cast %get3A_344 : vector<1x16xf32> to vector<16xf32>
          %add3A_346 = arith.constant 3 : i32
          %add3A_347 = arith.addi %mul3A_42, %add3A_346 : i32
          %get3A_348 = arith.index_cast %add3A_347 : i32 to index
          %get3A_349 = arith.constant 0 : index
          %get3A_350 = tpu.vector_load %arg13[%get3A_348, %get3A_349] {strides = array<i32>} : memref<256x128xf32, #tpu.memory_space<vmem>>, vector<1x16xf32>,
          %get3A_351 = vector.shape_cast %get3A_350 : vector<1x16xf32> to vector<16xf32>
          %add3A_352 = arith.addf %get3A_345, %get3A_351 : vector<16xf32>
          %add3A_353 = arith.constant 3 : i32
          %add3A_354 = arith.addi %mul3A_42, %add3A_353 : i32
          %swap3A_355 = arith.index_cast %add3A_354 : i32 to index
          %swap3A_356 = arith.constant 0 : index
          %swap3A_357 = tpu.vector_load %arg12[%swap3A_355, %swap3A_356] {strides = array<i32>} : memref<256x128xf32, #tpu.memory_space<vmem>>, vector<1x16xf32>,
          %swap3A_358 = vector.shape_cast %swap3A_357 : vector<1x16xf32> to vector<16xf32>
          %swap3A_359 = vector.shape_cast %add3A_352 : vector<16xf32> to vector<1x16xf32>
          tpu.vector_store %arg12[%swap3A_355, %swap3A_356], %swap3A_359 {strides = array<i32>} : memref<256x128xf32, #tpu.memory_space<vmem>>, vector<1x16xf32>,
          %add3A_360 = arith.constant 3 : i32
          %add3A_361 = arith.addi %mul3A_42, %add3A_360 : i32
          %get3A_362 = arith.index_cast %add3A_361 : i32 to index
          %get3A_363 = arith.constant 16 : index
          %get3A_364 = tpu.vector_load %arg12[%get3A_362, %get3A_363] {strides = array<i32>} : memref<256x128xf32, #tpu.memory_space<vmem>>, vector<1x16xf32>,
          %get3A_365 = vector.shape_cast %get3A_364 : vector<1x16xf32> to vector<16xf32>
          %add3A_366 = arith.constant 3 : i32
          %add3A_367 = arith.addi %mul3A_42, %add3A_366 : i32
          %get3A_368 = arith.index_cast %add3A_367 : i32 to index
          %get3A_369 = arith.constant 16 : index
          %get3A_370 = tpu.vector_load %arg13[%get3A_368, %get3A_369] {strides = array<i32>} : memref<256x128xf32, #tpu.memory_space<vmem>>, vector<1x16xf32>,
          %get3A_371 = vector.shape_cast %get3A_370 : vector<1x16xf32> to vector<16xf32>
          %add3A_372 = arith.addf %get3A_365, %get3A_371 : vector<16xf32>
          %add3A_373 = arith.constant 3 : i32
          %add3A_374 = arith.addi %mul3A_42, %add3A_373 : i32
          %swap3A_375 = arith.index_cast %add3A_374 : i32 to index
          %swap3A_376 = arith.constant 16 : index
          %swap3A_377 = tpu.vector_load %arg12[%swap3A_375, %swap3A_376] {strides = array<i32>} : memref<256x128xf32, #tpu.memory_space<vmem>>, vector<1x16xf32>,
          %swap3A_378 = vector.shape_cast %swap3A_377 : vector<1x16xf32> to vector<16xf32>
          %swap3A_379 = vector.shape_cast %add3A_372 : vector<16xf32> to vector<1x16xf32>
          tpu.vector_store %arg12[%swap3A_375, %swap3A_376], %swap3A_379 {strides = array<i32>} : memref<256x128xf32, #tpu.memory_space<vmem>>, vector<1x16xf32>,
          %add3A_380 = arith.constant 3 : i32
          %add3A_381 = arith.addi %mul3A_42, %add3A_380 : i32
          %get3A_382 = arith.index_cast %add3A_381 : i32 to index
          %get3A_383 = arith.constant 32 : index
          %get3A_384 = tpu.vector_load %arg12[%get3A_382, %get3A_383] {strides = array<i32>} : memref<256x128xf32, #tpu.memory_space<vmem>>, vector<1x16xf32>,
          %get3A_385 = vector.shape_cast %get3A_384 : vector<1x16xf32> to vector<16xf32>
          %add3A_386 = arith.constant 3 : i32
          %add3A_387 = arith.addi %mul3A_42, %add3A_386 : i32
          %get3A_388 = arith.index_cast %add3A_387 : i32 to index
          %get3A_389 = arith.constant 32 : index
          %get3A_390 = tpu.vector_load %arg13[%get3A_388, %get3A_389] {strides = array<i32>} : memref<256x128xf32, #tpu.memory_space<vmem>>, vector<1x16xf32>,
          %get3A_391 = vector.shape_cast %get3A_390 : vector<1x16xf32> to vector<16xf32>
          %add3A_392 = arith.addf %get3A_385, %get3A_391 : vector<16xf32>
          %add3A_393 = arith.constant 3 : i32
          %add3A_394 = arith.addi %mul3A_42, %add3A_393 : i32
          %swap3A_395 = arith.index_cast %add3A_394 : i32 to index
          %swap3A_396 = arith.constant 32 : index
          %swap3A_397 = tpu.vector_load %arg12[%swap3A_395, %swap3A_396] {strides = array<i32>} : memref<256x128xf32, #tpu.memory_space<vmem>>, vector<1x16xf32>,
          %swap3A_398 = vector.shape_cast %swap3A_397 : vector<1x16xf32> to vector<16xf32>
          %swap3A_399 = vector.shape_cast %add3A_392 : vector<16xf32> to vector<1x16xf32>
          tpu.vector_store %arg12[%swap3A_395, %swap3A_396], %swap3A_399 {strides = array<i32>} : memref<256x128xf32, #tpu.memory_space<vmem>>, vector<1x16xf32>,
          %add3A_400 = arith.constant 3 : i32
          %add3A_401 = arith.addi %mul3A_42, %add3A_400 : i32
          %get3A_402 = arith.index_cast %add3A_401 : i32 to index
          %get3A_403 = arith.constant 48 : index
          %get3A_404 = tpu.vector_load %arg12[%get3A_402, %get3A_403] {strides = array<i32>} : memref<256x128xf32, #tpu.memory_space<vmem>>, vector<1x16xf32>,
          %get3A_405 = vector.shape_cast %get3A_404 : vector<1x16xf32> to vector<16xf32>
          %add3A_406 = arith.constant 3 : i32
          %add3A_407 = arith.addi %mul3A_42, %add3A_406 : i32
          %get3A_408 = arith.index_cast %add3A_407 : i32 to index
          %get3A_409 = arith.constant 48 : index
          %get3A_410 = tpu.vector_load %arg13[%get3A_408, %get3A_409] {strides = array<i32>} : memref<256x128xf32, #tpu.memory_space<vmem>>, vector<1x16xf32>,
          %get3A_411 = vector.shape_cast %get3A_410 : vector<1x16xf32> to vector<16xf32>
          %add3A_412 = arith.addf %get3A_405, %get3A_411 : vector<16xf32>
          %add3A_413 = arith.constant 3 : i32
          %add3A_414 = arith.addi %mul3A_42, %add3A_413 : i32
          %swap3A_415 = arith.index_cast %add3A_414 : i32 to index
          %swap3A_416 = arith.constant 48 : index
          %swap3A_417 = tpu.vector_load %arg12[%swap3A_415, %swap3A_416] {strides = array<i32>} : memref<256x128xf32, #tpu.memory_space<vmem>>, vector<1x16xf32>,
          %swap3A_418 = vector.shape_cast %swap3A_417 : vector<1x16xf32> to vector<16xf32>
          %swap3A_419 = vector.shape_cast %add3A_412 : vector<16xf32> to vector<1x16xf32>
          tpu.vector_store %arg12[%swap3A_415, %swap3A_416], %swap3A_419 {strides = array<i32>} : memref<256x128xf32, #tpu.memory_space<vmem>>, vector<1x16xf32>,
          %add3A_420 = arith.constant 3 : i32
          %add3A_421 = arith.addi %mul3A_42, %add3A_420 : i32
          %get3A_422 = arith.index_cast %add3A_421 : i32 to index
          %get3A_423 = arith.constant 64 : index
          %get3A_424 = tpu.vector_load %arg12[%get3A_422, %get3A_423] {strides = array<i32>} : memref<256x128xf32, #tpu.memory_space<vmem>>, vector<1x16xf32>,
          %get3A_425 = vector.shape_cast %get3A_424 : vector<1x16xf32> to vector<16xf32>
          %add3A_426 = arith.constant 3 : i32
          %add3A_427 = arith.addi %mul3A_42, %add3A_426 : i32
          %get3A_428 = arith.index_cast %add3A_427 : i32 to index
          %get3A_429 = arith.constant 64 : index
          %get3A_430 = tpu.vector_load %arg13[%get3A_428, %get3A_429] {strides = array<i32>} : memref<256x128xf32, #tpu.memory_space<vmem>>, vector<1x16xf32>,
          %get3A_431 = vector.shape_cast %get3A_430 : vector<1x16xf32> to vector<16xf32>
          %sub3A_432 = arith.subf %get3A_425, %get3A_431 : vector<16xf32>
          %add3A_433 = arith.constant 3 : i32
          %add3A_434 = arith.addi %mul3A_42, %add3A_433 : i32
          %swap3A_435 = arith.index_cast %add3A_434 : i32 to index
          %swap3A_436 = arith.constant 64 : index
          %swap3A_437 = tpu.vector_load %arg12[%swap3A_435, %swap3A_436] {strides = array<i32>} : memref<256x128xf32, #tpu.memory_space<vmem>>, vector<1x16xf32>,
          %swap3A_438 = vector.shape_cast %swap3A_437 : vector<1x16xf32> to vector<16xf32>
          %swap3A_439 = vector.shape_cast %sub3A_432 : vector<16xf32> to vector<1x16xf32>
          tpu.vector_store %arg12[%swap3A_435, %swap3A_436], %swap3A_439 {strides = array<i32>} : memref<256x128xf32, #tpu.memory_space<vmem>>, vector<1x16xf32>,
          %scan3A_440 = arith.constant 0 : i32
          scf.yield %scan3A_440 : i32
        }
        %scan3A_37 = arith.constant 64 : i32
        "tpu.region"() ({
          %run_scoped3A = tpu.sem_alloc : memref<!tpu.dma_semaphore, #tpu.memory_space<semaphore_mem>>
          %dma_start3A_39 = arith.constant 0 : i32
          %dma_start3A_40 = tpu.memref_slice %arg9[%multiple_of3A, %dma_start3A_39] : memref<409600x128xf32, #tpu.memory_space<hbm>> -> memref<256x128xf32, #tpu.memory_space<hbm>>
          %dma_start3A_41 = arith.constant 0 : i32
          %dma_start3A_42 = tpu.memref_slice %arg9[%multiple_of3A, %dma_start3A_41] : memref<409600x128xf32, #tpu.memory_space<hbm>> -> memref<256x128xf32, #tpu.memory_space<hbm>>
          tpu.enqueue_dma source(%arg12 : memref<256x128xf32, #tpu.memory_space<vmem>>) target(%dma_start3A_42 : memref<256x128xf32, #tpu.memory_space<hbm>>) target_semaphore(%run_scoped3A : memref<!tpu.dma_semaphore, #tpu.memory_space<semaphore_mem>>)
          %dma_wait3A_43 = arith.constant 0 : i32
          %dma_wait3A_44 = tpu.memref_slice %arg9[%multiple_of3A, %dma_wait3A_43] : memref<409600x128xf32, #tpu.memory_space<hbm>> -> memref<256x128xf32, #tpu.memory_space<hbm>>
          %dma_wait3A_45 = arith.constant 0 : i32
          %dma_wait3A_46 = tpu.memref_slice %arg9[%multiple_of3A, %dma_wait3A_45] : memref<409600x128xf32, #tpu.memory_space<hbm>> -> memref<256x128xf32, #tpu.memory_space<hbm>>
          tpu.wait_dma2 semaphore(%run_scoped3A : memref<!tpu.dma_semaphore, #tpu.memory_space<semaphore_mem>>) src(%arg12 : memref<256x128xf32, #tpu.memory_space<vmem>>) dst(%dma_wait3A_46 : memref<256x128xf32, #tpu.memory_space<hbm>>)
          tpu.yield
        }) : () -> ()
        %scan3A_38 = arith.constant 0 : i32
        scf.yield %scan3A_38 : i32
      }
      %scan3A_15 = arith.constant 50 : i32
    } else {
    }
    return
  }
}

#map = affine_map<(d0, d1) -> (0)>
module attributes {stable_mosaic.version = 14 : i64} {
  func.func @_warmup_sc(%arg0: i32, %arg1: i32, %arg2: memref<256xi32, #tpu.memory_space<hbm>>, %arg3: memref<256xi32, #tpu.memory_space<hbm>>, %arg4: memref<128xi32, #tpu.memory_space<vmem>>) attributes {dimension_semantics = [#tpu.dimension_semantics<core_parallel>, #tpu.dimension_semantics<subcore_parallel>], iteration_bounds = array<i64: 2, 16>, scalar_prefetch = 0 : i64, scratch_operands = 1 : i64, tpu.core_type = #tpu.core_type<sc_vector_subcore>, window_params = [{transform_indices = #map}, {transform_indices = #map}]} {
    %eq3A = arith.constant 0 : i32
    %eq3A_0 = arith.cmpi eq, %arg1, %eq3A : i32
    %convert_element_type3A = arith.extui %eq3A_0 : i1 to i32
    %cond3A = arith.constant 0 : i32
    %cond3A_1 = arith.cmpi ne, %convert_element_type3A, %cond3A : i32
    scf.if %cond3A_1 {
      %mul3A = arith.constant 128 : i32
      %mul3A_2 = arith.muli %arg0, %mul3A : i32
      %multiple_of3A = tpu.assume_multiple %mul3A_2, 8 : i32
      "tpu.region"() ({
        %run_scoped3A = tpu.sem_alloc : memref<!tpu.dma_semaphore, #tpu.memory_space<semaphore_mem>>
        %dma_start3A = tpu.memref_slice %arg2[%multiple_of3A] : memref<256xi32, #tpu.memory_space<hbm>> -> memref<128xi32, #tpu.memory_space<hbm>>
        %dma_start3A_3 = tpu.memref_slice %arg2[%multiple_of3A] : memref<256xi32, #tpu.memory_space<hbm>> -> memref<128xi32, #tpu.memory_space<hbm>>
        tpu.enqueue_dma source(%dma_start3A_3 : memref<128xi32, #tpu.memory_space<hbm>>) target(%arg4 : memref<128xi32, #tpu.memory_space<vmem>>) target_semaphore(%run_scoped3A : memref<!tpu.dma_semaphore, #tpu.memory_space<semaphore_mem>>)
        %dma_wait3A = tpu.memref_slice %arg2[%multiple_of3A] : memref<256xi32, #tpu.memory_space<hbm>> -> memref<128xi32, #tpu.memory_space<hbm>>
        %dma_wait3A_4 = tpu.memref_slice %arg2[%multiple_of3A] : memref<256xi32, #tpu.memory_space<hbm>> -> memref<128xi32, #tpu.memory_space<hbm>>
        tpu.wait_dma2 semaphore(%run_scoped3A : memref<!tpu.dma_semaphore, #tpu.memory_space<semaphore_mem>>) src(%dma_wait3A_4 : memref<128xi32, #tpu.memory_space<hbm>>) dst(%arg4 : memref<128xi32, #tpu.memory_space<vmem>>)
        tpu.yield
      }) : () -> ()
      "tpu.region"() ({
        %run_scoped3A = tpu.sem_alloc : memref<!tpu.dma_semaphore, #tpu.memory_space<semaphore_mem>>
        %dma_start3A = tpu.memref_slice %arg3[%multiple_of3A] : memref<256xi32, #tpu.memory_space<hbm>> -> memref<128xi32, #tpu.memory_space<hbm>>
        %dma_start3A_3 = tpu.memref_slice %arg3[%multiple_of3A] : memref<256xi32, #tpu.memory_space<hbm>> -> memref<128xi32, #tpu.memory_space<hbm>>
        tpu.enqueue_dma source(%arg4 : memref<128xi32, #tpu.memory_space<vmem>>) target(%dma_start3A_3 : memref<128xi32, #tpu.memory_space<hbm>>) target_semaphore(%run_scoped3A : memref<!tpu.dma_semaphore, #tpu.memory_space<semaphore_mem>>)
        %dma_wait3A = tpu.memref_slice %arg3[%multiple_of3A] : memref<256xi32, #tpu.memory_space<hbm>> -> memref<128xi32, #tpu.memory_space<hbm>>
        %dma_wait3A_4 = tpu.memref_slice %arg3[%multiple_of3A] : memref<256xi32, #tpu.memory_space<hbm>> -> memref<128xi32, #tpu.memory_space<hbm>>
        tpu.wait_dma2 semaphore(%run_scoped3A : memref<!tpu.dma_semaphore, #tpu.memory_space<semaphore_mem>>) src(%arg4 : memref<128xi32, #tpu.memory_space<vmem>>) dst(%dma_wait3A_4 : memref<128xi32, #tpu.memory_space<hbm>>)
        tpu.yield
      }) : () -> ()
    } else {
    }
    return
  }
}

#map = affine_map<(d0, d1) -> (0, 0)>
#map1 = affine_map<(d0, d1) -> (0)>
module attributes {stable_mosaic.version = 14 : i64} {
  func.func @_gather_sc(%arg0: i32, %arg1: i32, %arg2: memref<51200x128xf32, #tpu.memory_space<hbm>>, %arg3: memref<51200x128xf32, #tpu.memory_space<hbm>>, %arg4: memref<51200x128xf32, #tpu.memory_space<hbm>>, %arg5: memref<51200x128xf32, #tpu.memory_space<hbm>>, %arg6: memref<409600xi32, #tpu.memory_space<hbm>>, %arg7: memref<409600xi32, #tpu.memory_space<hbm>>, %arg8: memref<256xi32, #tpu.memory_space<hbm>>, %arg9: memref<409600x128xf32, #tpu.memory_space<hbm>>, %arg10: memref<256xi32, #tpu.memory_space<vmem>>, %arg11: memref<256xi32, #tpu.memory_space<vmem>>, %arg12: memref<256x128xf32, #tpu.memory_space<vmem>>, %arg13: memref<256x128xf32, #tpu.memory_space<vmem>>, %arg14: memref<!tpu.dma_semaphore, #tpu.memory_space<semaphore_mem>>) attributes {dimension_semantics = [#tpu.dimension_semantics<core_parallel>, #tpu.dimension_semantics<subcore_parallel>], iteration_bounds = array<i64: 2, 16>, scalar_prefetch = 0 : i64, scratch_operands = 5 : i64, tpu.core_type = #tpu.core_type<sc_vector_subcore>, window_params = [{transform_indices = #map}, {transform_indices = #map}, {transform_indices = #map}, {transform_indices = #map}, {transform_indices = #map1}, {transform_indices = #map1}, {transform_indices = #map1}, {transform_indices = #map}]} {
    %mul3A = arith.constant 2 : i32
    %mul3A_0 = arith.muli %arg1, %mul3A : i32
    %add3A = arith.addi %mul3A_0, %arg0 : i32
    %mul3A_1 = arith.constant 12800 : i32
    %mul3A_2 = arith.muli %add3A, %mul3A_1 : i32
    %eq3A = arith.constant 0 : i32
    %eq3A_3 = arith.cmpi eq, %arg0, %eq3A : i32
    %convert_element_type3A = arith.extui %eq3A_3 : i1 to i32
    %cond3A = arith.constant 0 : i32
    %cond3A_4 = arith.cmpi ne, %convert_element_type3A, %cond3A : i32
    scf.if %cond3A_4 {
      %scan3A = arith.constant 0 : i32
      %scan3A_10 = arith.constant 0 : i32
      %scan3A_11 = arith.constant 50 : i32
      %scan3A_12 = arith.addi %scan3A_10, %scan3A_11 : i32
      %scan3A_13 = arith.constant 1 : i32
      %scan3A_14 = scf.for %scan3A_16 = %scan3A_10 to %scan3A_12 step %scan3A_13 iter_args(%scan3A_17 = %scan3A) -> (i32)  : i32 {
        %mul3A_18 = arith.constant 256 : i32
        %mul3A_19 = arith.muli %scan3A_16, %mul3A_18 : i32
        %add3A_20 = arith.addi %mul3A_2, %mul3A_19 : i32
        %multiple_of3A = tpu.assume_multiple %add3A_20, 8 : i32
        "tpu.region"() ({
          %run_scoped3A = tpu.sem_alloc : memref<!tpu.dma_semaphore, #tpu.memory_space<semaphore_mem>>
          %dma_start3A_39 = tpu.memref_slice %arg6[%multiple_of3A] : memref<409600xi32, #tpu.memory_space<hbm>> -> memref<256xi32, #tpu.memory_space<hbm>>
          %dma_start3A_40 = tpu.memref_slice %arg6[%multiple_of3A] : memref<409600xi32, #tpu.memory_space<hbm>> -> memref<256xi32, #tpu.memory_space<hbm>>
          tpu.enqueue_dma source(%dma_start3A_40 : memref<256xi32, #tpu.memory_space<hbm>>) target(%arg10 : memref<256xi32, #tpu.memory_space<vmem>>) target_semaphore(%run_scoped3A : memref<!tpu.dma_semaphore, #tpu.memory_space<semaphore_mem>>)
          %dma_wait3A_41 = tpu.memref_slice %arg6[%multiple_of3A] : memref<409600xi32, #tpu.memory_space<hbm>> -> memref<256xi32, #tpu.memory_space<hbm>>
          %dma_wait3A_42 = tpu.memref_slice %arg6[%multiple_of3A] : memref<409600xi32, #tpu.memory_space<hbm>> -> memref<256xi32, #tpu.memory_space<hbm>>
          tpu.wait_dma2 semaphore(%run_scoped3A : memref<!tpu.dma_semaphore, #tpu.memory_space<semaphore_mem>>) src(%dma_wait3A_42 : memref<256xi32, #tpu.memory_space<hbm>>) dst(%arg10 : memref<256xi32, #tpu.memory_space<vmem>>)
          tpu.yield
        }) : () -> ()
        "tpu.region"() ({
          %run_scoped3A = tpu.sem_alloc : memref<!tpu.dma_semaphore, #tpu.memory_space<semaphore_mem>>
          %dma_start3A_39 = tpu.memref_slice %arg7[%multiple_of3A] : memref<409600xi32, #tpu.memory_space<hbm>> -> memref<256xi32, #tpu.memory_space<hbm>>
          %dma_start3A_40 = tpu.memref_slice %arg7[%multiple_of3A] : memref<409600xi32, #tpu.memory_space<hbm>> -> memref<256xi32, #tpu.memory_space<hbm>>
          tpu.enqueue_dma source(%dma_start3A_40 : memref<256xi32, #tpu.memory_space<hbm>>) target(%arg11 : memref<256xi32, #tpu.memory_space<vmem>>) target_semaphore(%run_scoped3A : memref<!tpu.dma_semaphore, #tpu.memory_space<semaphore_mem>>)
          %dma_wait3A_41 = tpu.memref_slice %arg7[%multiple_of3A] : memref<409600xi32, #tpu.memory_space<hbm>> -> memref<256xi32, #tpu.memory_space<hbm>>
          %dma_wait3A_42 = tpu.memref_slice %arg7[%multiple_of3A] : memref<409600xi32, #tpu.memory_space<hbm>> -> memref<256xi32, #tpu.memory_space<hbm>>
          tpu.wait_dma2 semaphore(%run_scoped3A : memref<!tpu.dma_semaphore, #tpu.memory_space<semaphore_mem>>) src(%dma_wait3A_42 : memref<256xi32, #tpu.memory_space<hbm>>) dst(%arg11 : memref<256xi32, #tpu.memory_space<vmem>>)
          tpu.yield
        }) : () -> ()
        %dma_start3A = arith.constant 0 : i32
        %dma_start3A_21 = arith.constant 0 : i32
        %dma_start3A_22 = tpu.memref_slice %arg2[%dma_start3A, %dma_start3A_21] : memref<51200x128xf32, #tpu.memory_space<hbm>> -> memref<51200x128xf32, #tpu.memory_space<hbm>>
        tpu.enqueue_indirect_dma source(%dma_start3A_22 : memref<51200x128xf32, #tpu.memory_space<hbm>>) target(%arg12 : memref<256x128xf32, #tpu.memory_space<vmem>>) offsets(%arg10 : memref<256xi32, #tpu.memory_space<vmem>>) semaphore(%arg14 : memref<!tpu.dma_semaphore, #tpu.memory_space<semaphore_mem>>)
        %dma_start3A_23 = arith.constant 0 : i32
        %dma_start3A_24 = arith.constant 0 : i32
        %dma_start3A_25 = tpu.memref_slice %arg3[%dma_start3A_23, %dma_start3A_24] : memref<51200x128xf32, #tpu.memory_space<hbm>> -> memref<51200x128xf32, #tpu.memory_space<hbm>>
        tpu.enqueue_indirect_dma source(%dma_start3A_25 : memref<51200x128xf32, #tpu.memory_space<hbm>>) target(%arg13 : memref<256x128xf32, #tpu.memory_space<vmem>>) offsets(%arg11 : memref<256xi32, #tpu.memory_space<vmem>>) semaphore(%arg14 : memref<!tpu.dma_semaphore, #tpu.memory_space<semaphore_mem>>)
        %dma_wait3A = arith.constant 0 : i32
        %dma_wait3A_26 = arith.constant 0 : i32
        %dma_wait3A_27 = tpu.memref_slice %arg2[%dma_wait3A, %dma_wait3A_26] : memref<51200x128xf32, #tpu.memory_space<hbm>> -> memref<51200x128xf32, #tpu.memory_space<hbm>>
        tpu.wait_indirect_dma semaphore(%arg14 : memref<!tpu.dma_semaphore, #tpu.memory_space<semaphore_mem>>) src(%dma_wait3A_27 : memref<51200x128xf32, #tpu.memory_space<hbm>>) dst(%arg12 : memref<256x128xf32, #tpu.memory_space<vmem>>)
        %dma_wait3A_28 = arith.constant 0 : i32
        %dma_wait3A_29 = arith.constant 0 : i32
        %dma_wait3A_30 = tpu.memref_slice %arg3[%dma_wait3A_28, %dma_wait3A_29] : memref<51200x128xf32, #tpu.memory_space<hbm>> -> memref<51200x128xf32, #tpu.memory_space<hbm>>
        tpu.wait_indirect_dma semaphore(%arg14 : memref<!tpu.dma_semaphore, #tpu.memory_space<semaphore_mem>>) src(%dma_wait3A_30 : memref<51200x128xf32, #tpu.memory_space<hbm>>) dst(%arg13 : memref<256x128xf32, #tpu.memory_space<vmem>>)
        %scan3A_31 = arith.constant 0 : i32
        %scan3A_32 = arith.constant 0 : i32
        %scan3A_33 = arith.constant 64 : i32
        %scan3A_34 = arith.addi %scan3A_32, %scan3A_33 : i32
        %scan3A_35 = arith.constant 1 : i32
        %scan3A_36 = scf.for %scan3A_39 = %scan3A_32 to %scan3A_34 step %scan3A_35 iter_args(%scan3A_40 = %scan3A_31) -> (i32)  : i32 {
          %mul3A_41 = arith.constant 4 : i32
          %mul3A_42 = arith.muli %scan3A_39, %mul3A_41 : i32
          %add3A_43 = arith.constant 0 : i32
          %add3A_44 = arith.addi %mul3A_42, %add3A_43 : i32
          %get3A = arith.index_cast %add3A_44 : i32 to index
          %get3A_45 = arith.constant 0 : index
          %get3A_46 = tpu.vector_load %arg12[%get3A, %get3A_45] {strides = array<i32>} : memref<256x128xf32, #tpu.memory_space<vmem>>, vector<1x16xf32>,
          %get3A_47 = vector.shape_cast %get3A_46 : vector<1x16xf32> to vector<16xf32>
          %add3A_48 = arith.constant 0 : i32
          %add3A_49 = arith.addi %mul3A_42, %add3A_48 : i32
          %get3A_50 = arith.index_cast %add3A_49 : i32 to index
          %get3A_51 = arith.constant 0 : index
          %get3A_52 = tpu.vector_load %arg13[%get3A_50, %get3A_51] {strides = array<i32>} : memref<256x128xf32, #tpu.memory_space<vmem>>, vector<1x16xf32>,
          %get3A_53 = vector.shape_cast %get3A_52 : vector<1x16xf32> to vector<16xf32>
          %add3A_54 = arith.addf %get3A_47, %get3A_53 : vector<16xf32>
          %add3A_55 = arith.constant 0 : i32
          %add3A_56 = arith.addi %mul3A_42, %add3A_55 : i32
          %swap3A = arith.index_cast %add3A_56 : i32 to index
          %swap3A_57 = arith.constant 0 : index
          %swap3A_58 = tpu.vector_load %arg12[%swap3A, %swap3A_57] {strides = array<i32>} : memref<256x128xf32, #tpu.memory_space<vmem>>, vector<1x16xf32>,
          %swap3A_59 = vector.shape_cast %swap3A_58 : vector<1x16xf32> to vector<16xf32>
          %swap3A_60 = vector.shape_cast %add3A_54 : vector<16xf32> to vector<1x16xf32>
          tpu.vector_store %arg12[%swap3A, %swap3A_57], %swap3A_60 {strides = array<i32>} : memref<256x128xf32, #tpu.memory_space<vmem>>, vector<1x16xf32>,
          %add3A_61 = arith.constant 0 : i32
          %add3A_62 = arith.addi %mul3A_42, %add3A_61 : i32
          %get3A_63 = arith.index_cast %add3A_62 : i32 to index
          %get3A_64 = arith.constant 16 : index
          %get3A_65 = tpu.vector_load %arg12[%get3A_63, %get3A_64] {strides = array<i32>} : memref<256x128xf32, #tpu.memory_space<vmem>>, vector<1x16xf32>,
          %get3A_66 = vector.shape_cast %get3A_65 : vector<1x16xf32> to vector<16xf32>
          %add3A_67 = arith.constant 0 : i32
          %add3A_68 = arith.addi %mul3A_42, %add3A_67 : i32
          %get3A_69 = arith.index_cast %add3A_68 : i32 to index
          %get3A_70 = arith.constant 16 : index
          %get3A_71 = tpu.vector_load %arg13[%get3A_69, %get3A_70] {strides = array<i32>} : memref<256x128xf32, #tpu.memory_space<vmem>>, vector<1x16xf32>,
          %get3A_72 = vector.shape_cast %get3A_71 : vector<1x16xf32> to vector<16xf32>
          %add3A_73 = arith.addf %get3A_66, %get3A_72 : vector<16xf32>
          %add3A_74 = arith.constant 0 : i32
          %add3A_75 = arith.addi %mul3A_42, %add3A_74 : i32
          %swap3A_76 = arith.index_cast %add3A_75 : i32 to index
          %swap3A_77 = arith.constant 16 : index
          %swap3A_78 = tpu.vector_load %arg12[%swap3A_76, %swap3A_77] {strides = array<i32>} : memref<256x128xf32, #tpu.memory_space<vmem>>, vector<1x16xf32>,
          %swap3A_79 = vector.shape_cast %swap3A_78 : vector<1x16xf32> to vector<16xf32>
          %swap3A_80 = vector.shape_cast %add3A_73 : vector<16xf32> to vector<1x16xf32>
          tpu.vector_store %arg12[%swap3A_76, %swap3A_77], %swap3A_80 {strides = array<i32>} : memref<256x128xf32, #tpu.memory_space<vmem>>, vector<1x16xf32>,
          %add3A_81 = arith.constant 0 : i32
          %add3A_82 = arith.addi %mul3A_42, %add3A_81 : i32
          %get3A_83 = arith.index_cast %add3A_82 : i32 to index
          %get3A_84 = arith.constant 32 : index
          %get3A_85 = tpu.vector_load %arg12[%get3A_83, %get3A_84] {strides = array<i32>} : memref<256x128xf32, #tpu.memory_space<vmem>>, vector<1x16xf32>,
          %get3A_86 = vector.shape_cast %get3A_85 : vector<1x16xf32> to vector<16xf32>
          %add3A_87 = arith.constant 0 : i32
          %add3A_88 = arith.addi %mul3A_42, %add3A_87 : i32
          %get3A_89 = arith.index_cast %add3A_88 : i32 to index
          %get3A_90 = arith.constant 32 : index
          %get3A_91 = tpu.vector_load %arg13[%get3A_89, %get3A_90] {strides = array<i32>} : memref<256x128xf32, #tpu.memory_space<vmem>>, vector<1x16xf32>,
          %get3A_92 = vector.shape_cast %get3A_91 : vector<1x16xf32> to vector<16xf32>
          %add3A_93 = arith.addf %get3A_86, %get3A_92 : vector<16xf32>
          %add3A_94 = arith.constant 0 : i32
          %add3A_95 = arith.addi %mul3A_42, %add3A_94 : i32
          %swap3A_96 = arith.index_cast %add3A_95 : i32 to index
          %swap3A_97 = arith.constant 32 : index
          %swap3A_98 = tpu.vector_load %arg12[%swap3A_96, %swap3A_97] {strides = array<i32>} : memref<256x128xf32, #tpu.memory_space<vmem>>, vector<1x16xf32>,
          %swap3A_99 = vector.shape_cast %swap3A_98 : vector<1x16xf32> to vector<16xf32>
          %swap3A_100 = vector.shape_cast %add3A_93 : vector<16xf32> to vector<1x16xf32>
          tpu.vector_store %arg12[%swap3A_96, %swap3A_97], %swap3A_100 {strides = array<i32>} : memref<256x128xf32, #tpu.memory_space<vmem>>, vector<1x16xf32>,
          %add3A_101 = arith.constant 0 : i32
          %add3A_102 = arith.addi %mul3A_42, %add3A_101 : i32
          %get3A_103 = arith.index_cast %add3A_102 : i32 to index
          %get3A_104 = arith.constant 48 : index
          %get3A_105 = tpu.vector_load %arg12[%get3A_103, %get3A_104] {strides = array<i32>} : memref<256x128xf32, #tpu.memory_space<vmem>>, vector<1x16xf32>,
          %get3A_106 = vector.shape_cast %get3A_105 : vector<1x16xf32> to vector<16xf32>
          %add3A_107 = arith.constant 0 : i32
          %add3A_108 = arith.addi %mul3A_42, %add3A_107 : i32
          %get3A_109 = arith.index_cast %add3A_108 : i32 to index
          %get3A_110 = arith.constant 48 : index
          %get3A_111 = tpu.vector_load %arg13[%get3A_109, %get3A_110] {strides = array<i32>} : memref<256x128xf32, #tpu.memory_space<vmem>>, vector<1x16xf32>,
          %get3A_112 = vector.shape_cast %get3A_111 : vector<1x16xf32> to vector<16xf32>
          %add3A_113 = arith.addf %get3A_106, %get3A_112 : vector<16xf32>
          %add3A_114 = arith.constant 0 : i32
          %add3A_115 = arith.addi %mul3A_42, %add3A_114 : i32
          %swap3A_116 = arith.index_cast %add3A_115 : i32 to index
          %swap3A_117 = arith.constant 48 : index
          %swap3A_118 = tpu.vector_load %arg12[%swap3A_116, %swap3A_117] {strides = array<i32>} : memref<256x128xf32, #tpu.memory_space<vmem>>, vector<1x16xf32>,
          %swap3A_119 = vector.shape_cast %swap3A_118 : vector<1x16xf32> to vector<16xf32>
          %swap3A_120 = vector.shape_cast %add3A_113 : vector<16xf32> to vector<1x16xf32>
          tpu.vector_store %arg12[%swap3A_116, %swap3A_117], %swap3A_120 {strides = array<i32>} : memref<256x128xf32, #tpu.memory_space<vmem>>, vector<1x16xf32>,
          %add3A_121 = arith.constant 0 : i32
          %add3A_122 = arith.addi %mul3A_42, %add3A_121 : i32
          %get3A_123 = arith.index_cast %add3A_122 : i32 to index
          %get3A_124 = arith.constant 64 : index
          %get3A_125 = tpu.vector_load %arg12[%get3A_123, %get3A_124] {strides = array<i32>} : memref<256x128xf32, #tpu.memory_space<vmem>>, vector<1x16xf32>,
          %get3A_126 = vector.shape_cast %get3A_125 : vector<1x16xf32> to vector<16xf32>
          %add3A_127 = arith.constant 0 : i32
          %add3A_128 = arith.addi %mul3A_42, %add3A_127 : i32
          %get3A_129 = arith.index_cast %add3A_128 : i32 to index
          %get3A_130 = arith.constant 64 : index
          %get3A_131 = tpu.vector_load %arg13[%get3A_129, %get3A_130] {strides = array<i32>} : memref<256x128xf32, #tpu.memory_space<vmem>>, vector<1x16xf32>,
          %get3A_132 = vector.shape_cast %get3A_131 : vector<1x16xf32> to vector<16xf32>
          %sub3A = arith.subf %get3A_126, %get3A_132 : vector<16xf32>
          %add3A_133 = arith.constant 0 : i32
          %add3A_134 = arith.addi %mul3A_42, %add3A_133 : i32
          %swap3A_135 = arith.index_cast %add3A_134 : i32 to index
          %swap3A_136 = arith.constant 64 : index
          %swap3A_137 = tpu.vector_load %arg12[%swap3A_135, %swap3A_136] {strides = array<i32>} : memref<256x128xf32, #tpu.memory_space<vmem>>, vector<1x16xf32>,
          %swap3A_138 = vector.shape_cast %swap3A_137 : vector<1x16xf32> to vector<16xf32>
          %swap3A_139 = vector.shape_cast %sub3A : vector<16xf32> to vector<1x16xf32>
          tpu.vector_store %arg12[%swap3A_135, %swap3A_136], %swap3A_139 {strides = array<i32>} : memref<256x128xf32, #tpu.memory_space<vmem>>, vector<1x16xf32>,
          %add3A_140 = arith.constant 1 : i32
          %add3A_141 = arith.addi %mul3A_42, %add3A_140 : i32
          %get3A_142 = arith.index_cast %add3A_141 : i32 to index
          %get3A_143 = arith.constant 0 : index
          %get3A_144 = tpu.vector_load %arg12[%get3A_142, %get3A_143] {strides = array<i32>} : memref<256x128xf32, #tpu.memory_space<vmem>>, vector<1x16xf32>,
          %get3A_145 = vector.shape_cast %get3A_144 : vector<1x16xf32> to vector<16xf32>
          %add3A_146 = arith.constant 1 : i32
          %add3A_147 = arith.addi %mul3A_42, %add3A_146 : i32
          %get3A_148 = arith.index_cast %add3A_147 : i32 to index
          %get3A_149 = arith.constant 0 : index
          %get3A_150 = tpu.vector_load %arg13[%get3A_148, %get3A_149] {strides = array<i32>} : memref<256x128xf32, #tpu.memory_space<vmem>>, vector<1x16xf32>,
          %get3A_151 = vector.shape_cast %get3A_150 : vector<1x16xf32> to vector<16xf32>
          %add3A_152 = arith.addf %get3A_145, %get3A_151 : vector<16xf32>
          %add3A_153 = arith.constant 1 : i32
          %add3A_154 = arith.addi %mul3A_42, %add3A_153 : i32
          %swap3A_155 = arith.index_cast %add3A_154 : i32 to index
          %swap3A_156 = arith.constant 0 : index
          %swap3A_157 = tpu.vector_load %arg12[%swap3A_155, %swap3A_156] {strides = array<i32>} : memref<256x128xf32, #tpu.memory_space<vmem>>, vector<1x16xf32>,
          %swap3A_158 = vector.shape_cast %swap3A_157 : vector<1x16xf32> to vector<16xf32>
          %swap3A_159 = vector.shape_cast %add3A_152 : vector<16xf32> to vector<1x16xf32>
          tpu.vector_store %arg12[%swap3A_155, %swap3A_156], %swap3A_159 {strides = array<i32>} : memref<256x128xf32, #tpu.memory_space<vmem>>, vector<1x16xf32>,
          %add3A_160 = arith.constant 1 : i32
          %add3A_161 = arith.addi %mul3A_42, %add3A_160 : i32
          %get3A_162 = arith.index_cast %add3A_161 : i32 to index
          %get3A_163 = arith.constant 16 : index
          %get3A_164 = tpu.vector_load %arg12[%get3A_162, %get3A_163] {strides = array<i32>} : memref<256x128xf32, #tpu.memory_space<vmem>>, vector<1x16xf32>,
          %get3A_165 = vector.shape_cast %get3A_164 : vector<1x16xf32> to vector<16xf32>
          %add3A_166 = arith.constant 1 : i32
          %add3A_167 = arith.addi %mul3A_42, %add3A_166 : i32
          %get3A_168 = arith.index_cast %add3A_167 : i32 to index
          %get3A_169 = arith.constant 16 : index
          %get3A_170 = tpu.vector_load %arg13[%get3A_168, %get3A_169] {strides = array<i32>} : memref<256x128xf32, #tpu.memory_space<vmem>>, vector<1x16xf32>,
          %get3A_171 = vector.shape_cast %get3A_170 : vector<1x16xf32> to vector<16xf32>
          %add3A_172 = arith.addf %get3A_165, %get3A_171 : vector<16xf32>
          %add3A_173 = arith.constant 1 : i32
          %add3A_174 = arith.addi %mul3A_42, %add3A_173 : i32
          %swap3A_175 = arith.index_cast %add3A_174 : i32 to index
          %swap3A_176 = arith.constant 16 : index
          %swap3A_177 = tpu.vector_load %arg12[%swap3A_175, %swap3A_176] {strides = array<i32>} : memref<256x128xf32, #tpu.memory_space<vmem>>, vector<1x16xf32>,
          %swap3A_178 = vector.shape_cast %swap3A_177 : vector<1x16xf32> to vector<16xf32>
          %swap3A_179 = vector.shape_cast %add3A_172 : vector<16xf32> to vector<1x16xf32>
          tpu.vector_store %arg12[%swap3A_175, %swap3A_176], %swap3A_179 {strides = array<i32>} : memref<256x128xf32, #tpu.memory_space<vmem>>, vector<1x16xf32>,
          %add3A_180 = arith.constant 1 : i32
          %add3A_181 = arith.addi %mul3A_42, %add3A_180 : i32
          %get3A_182 = arith.index_cast %add3A_181 : i32 to index
          %get3A_183 = arith.constant 32 : index
          %get3A_184 = tpu.vector_load %arg12[%get3A_182, %get3A_183] {strides = array<i32>} : memref<256x128xf32, #tpu.memory_space<vmem>>, vector<1x16xf32>,
          %get3A_185 = vector.shape_cast %get3A_184 : vector<1x16xf32> to vector<16xf32>
          %add3A_186 = arith.constant 1 : i32
          %add3A_187 = arith.addi %mul3A_42, %add3A_186 : i32
          %get3A_188 = arith.index_cast %add3A_187 : i32 to index
          %get3A_189 = arith.constant 32 : index
          %get3A_190 = tpu.vector_load %arg13[%get3A_188, %get3A_189] {strides = array<i32>} : memref<256x128xf32, #tpu.memory_space<vmem>>, vector<1x16xf32>,
          %get3A_191 = vector.shape_cast %get3A_190 : vector<1x16xf32> to vector<16xf32>
          %add3A_192 = arith.addf %get3A_185, %get3A_191 : vector<16xf32>
          %add3A_193 = arith.constant 1 : i32
          %add3A_194 = arith.addi %mul3A_42, %add3A_193 : i32
          %swap3A_195 = arith.index_cast %add3A_194 : i32 to index
          %swap3A_196 = arith.constant 32 : index
          %swap3A_197 = tpu.vector_load %arg12[%swap3A_195, %swap3A_196] {strides = array<i32>} : memref<256x128xf32, #tpu.memory_space<vmem>>, vector<1x16xf32>,
          %swap3A_198 = vector.shape_cast %swap3A_197 : vector<1x16xf32> to vector<16xf32>
          %swap3A_199 = vector.shape_cast %add3A_192 : vector<16xf32> to vector<1x16xf32>
          tpu.vector_store %arg12[%swap3A_195, %swap3A_196], %swap3A_199 {strides = array<i32>} : memref<256x128xf32, #tpu.memory_space<vmem>>, vector<1x16xf32>,
          %add3A_200 = arith.constant 1 : i32
          %add3A_201 = arith.addi %mul3A_42, %add3A_200 : i32
          %get3A_202 = arith.index_cast %add3A_201 : i32 to index
          %get3A_203 = arith.constant 48 : index
          %get3A_204 = tpu.vector_load %arg12[%get3A_202, %get3A_203] {strides = array<i32>} : memref<256x128xf32, #tpu.memory_space<vmem>>, vector<1x16xf32>,
          %get3A_205 = vector.shape_cast %get3A_204 : vector<1x16xf32> to vector<16xf32>
          %add3A_206 = arith.constant 1 : i32
          %add3A_207 = arith.addi %mul3A_42, %add3A_206 : i32
          %get3A_208 = arith.index_cast %add3A_207 : i32 to index
          %get3A_209 = arith.constant 48 : index
          %get3A_210 = tpu.vector_load %arg13[%get3A_208, %get3A_209] {strides = array<i32>} : memref<256x128xf32, #tpu.memory_space<vmem>>, vector<1x16xf32>,
          %get3A_211 = vector.shape_cast %get3A_210 : vector<1x16xf32> to vector<16xf32>
          %add3A_212 = arith.addf %get3A_205, %get3A_211 : vector<16xf32>
          %add3A_213 = arith.constant 1 : i32
          %add3A_214 = arith.addi %mul3A_42, %add3A_213 : i32
          %swap3A_215 = arith.index_cast %add3A_214 : i32 to index
          %swap3A_216 = arith.constant 48 : index
          %swap3A_217 = tpu.vector_load %arg12[%swap3A_215, %swap3A_216] {strides = array<i32>} : memref<256x128xf32, #tpu.memory_space<vmem>>, vector<1x16xf32>,
          %swap3A_218 = vector.shape_cast %swap3A_217 : vector<1x16xf32> to vector<16xf32>
          %swap3A_219 = vector.shape_cast %add3A_212 : vector<16xf32> to vector<1x16xf32>
          tpu.vector_store %arg12[%swap3A_215, %swap3A_216], %swap3A_219 {strides = array<i32>} : memref<256x128xf32, #tpu.memory_space<vmem>>, vector<1x16xf32>,
          %add3A_220 = arith.constant 1 : i32
          %add3A_221 = arith.addi %mul3A_42, %add3A_220 : i32
          %get3A_222 = arith.index_cast %add3A_221 : i32 to index
          %get3A_223 = arith.constant 64 : index
          %get3A_224 = tpu.vector_load %arg12[%get3A_222, %get3A_223] {strides = array<i32>} : memref<256x128xf32, #tpu.memory_space<vmem>>, vector<1x16xf32>,
          %get3A_225 = vector.shape_cast %get3A_224 : vector<1x16xf32> to vector<16xf32>
          %add3A_226 = arith.constant 1 : i32
          %add3A_227 = arith.addi %mul3A_42, %add3A_226 : i32
          %get3A_228 = arith.index_cast %add3A_227 : i32 to index
          %get3A_229 = arith.constant 64 : index
          %get3A_230 = tpu.vector_load %arg13[%get3A_228, %get3A_229] {strides = array<i32>} : memref<256x128xf32, #tpu.memory_space<vmem>>, vector<1x16xf32>,
          %get3A_231 = vector.shape_cast %get3A_230 : vector<1x16xf32> to vector<16xf32>
          %sub3A_232 = arith.subf %get3A_225, %get3A_231 : vector<16xf32>
          %add3A_233 = arith.constant 1 : i32
          %add3A_234 = arith.addi %mul3A_42, %add3A_233 : i32
          %swap3A_235 = arith.index_cast %add3A_234 : i32 to index
          %swap3A_236 = arith.constant 64 : index
          %swap3A_237 = tpu.vector_load %arg12[%swap3A_235, %swap3A_236] {strides = array<i32>} : memref<256x128xf32, #tpu.memory_space<vmem>>, vector<1x16xf32>,
          %swap3A_238 = vector.shape_cast %swap3A_237 : vector<1x16xf32> to vector<16xf32>
          %swap3A_239 = vector.shape_cast %sub3A_232 : vector<16xf32> to vector<1x16xf32>
          tpu.vector_store %arg12[%swap3A_235, %swap3A_236], %swap3A_239 {strides = array<i32>} : memref<256x128xf32, #tpu.memory_space<vmem>>, vector<1x16xf32>,
          %add3A_240 = arith.constant 2 : i32
          %add3A_241 = arith.addi %mul3A_42, %add3A_240 : i32
          %get3A_242 = arith.index_cast %add3A_241 : i32 to index
          %get3A_243 = arith.constant 0 : index
          %get3A_244 = tpu.vector_load %arg12[%get3A_242, %get3A_243] {strides = array<i32>} : memref<256x128xf32, #tpu.memory_space<vmem>>, vector<1x16xf32>,
          %get3A_245 = vector.shape_cast %get3A_244 : vector<1x16xf32> to vector<16xf32>
          %add3A_246 = arith.constant 2 : i32
          %add3A_247 = arith.addi %mul3A_42, %add3A_246 : i32
          %get3A_248 = arith.index_cast %add3A_247 : i32 to index
          %get3A_249 = arith.constant 0 : index
          %get3A_250 = tpu.vector_load %arg13[%get3A_248, %get3A_249] {strides = array<i32>} : memref<256x128xf32, #tpu.memory_space<vmem>>, vector<1x16xf32>,
          %get3A_251 = vector.shape_cast %get3A_250 : vector<1x16xf32> to vector<16xf32>
          %add3A_252 = arith.addf %get3A_245, %get3A_251 : vector<16xf32>
          %add3A_253 = arith.constant 2 : i32
          %add3A_254 = arith.addi %mul3A_42, %add3A_253 : i32
          %swap3A_255 = arith.index_cast %add3A_254 : i32 to index
          %swap3A_256 = arith.constant 0 : index
          %swap3A_257 = tpu.vector_load %arg12[%swap3A_255, %swap3A_256] {strides = array<i32>} : memref<256x128xf32, #tpu.memory_space<vmem>>, vector<1x16xf32>,
          %swap3A_258 = vector.shape_cast %swap3A_257 : vector<1x16xf32> to vector<16xf32>
          %swap3A_259 = vector.shape_cast %add3A_252 : vector<16xf32> to vector<1x16xf32>
          tpu.vector_store %arg12[%swap3A_255, %swap3A_256], %swap3A_259 {strides = array<i32>} : memref<256x128xf32, #tpu.memory_space<vmem>>, vector<1x16xf32>,
          %add3A_260 = arith.constant 2 : i32
          %add3A_261 = arith.addi %mul3A_42, %add3A_260 : i32
          %get3A_262 = arith.index_cast %add3A_261 : i32 to index
          %get3A_263 = arith.constant 16 : index
          %get3A_264 = tpu.vector_load %arg12[%get3A_262, %get3A_263] {strides = array<i32>} : memref<256x128xf32, #tpu.memory_space<vmem>>, vector<1x16xf32>,
          %get3A_265 = vector.shape_cast %get3A_264 : vector<1x16xf32> to vector<16xf32>
          %add3A_266 = arith.constant 2 : i32
          %add3A_267 = arith.addi %mul3A_42, %add3A_266 : i32
          %get3A_268 = arith.index_cast %add3A_267 : i32 to index
          %get3A_269 = arith.constant 16 : index
          %get3A_270 = tpu.vector_load %arg13[%get3A_268, %get3A_269] {strides = array<i32>} : memref<256x128xf32, #tpu.memory_space<vmem>>, vector<1x16xf32>,
          %get3A_271 = vector.shape_cast %get3A_270 : vector<1x16xf32> to vector<16xf32>
          %add3A_272 = arith.addf %get3A_265, %get3A_271 : vector<16xf32>
          %add3A_273 = arith.constant 2 : i32
          %add3A_274 = arith.addi %mul3A_42, %add3A_273 : i32
          %swap3A_275 = arith.index_cast %add3A_274 : i32 to index
          %swap3A_276 = arith.constant 16 : index
          %swap3A_277 = tpu.vector_load %arg12[%swap3A_275, %swap3A_276] {strides = array<i32>} : memref<256x128xf32, #tpu.memory_space<vmem>>, vector<1x16xf32>,
          %swap3A_278 = vector.shape_cast %swap3A_277 : vector<1x16xf32> to vector<16xf32>
          %swap3A_279 = vector.shape_cast %add3A_272 : vector<16xf32> to vector<1x16xf32>
          tpu.vector_store %arg12[%swap3A_275, %swap3A_276], %swap3A_279 {strides = array<i32>} : memref<256x128xf32, #tpu.memory_space<vmem>>, vector<1x16xf32>,
          %add3A_280 = arith.constant 2 : i32
          %add3A_281 = arith.addi %mul3A_42, %add3A_280 : i32
          %get3A_282 = arith.index_cast %add3A_281 : i32 to index
          %get3A_283 = arith.constant 32 : index
          %get3A_284 = tpu.vector_load %arg12[%get3A_282, %get3A_283] {strides = array<i32>} : memref<256x128xf32, #tpu.memory_space<vmem>>, vector<1x16xf32>,
          %get3A_285 = vector.shape_cast %get3A_284 : vector<1x16xf32> to vector<16xf32>
          %add3A_286 = arith.constant 2 : i32
          %add3A_287 = arith.addi %mul3A_42, %add3A_286 : i32
          %get3A_288 = arith.index_cast %add3A_287 : i32 to index
          %get3A_289 = arith.constant 32 : index
          %get3A_290 = tpu.vector_load %arg13[%get3A_288, %get3A_289] {strides = array<i32>} : memref<256x128xf32, #tpu.memory_space<vmem>>, vector<1x16xf32>,
          %get3A_291 = vector.shape_cast %get3A_290 : vector<1x16xf32> to vector<16xf32>
          %add3A_292 = arith.addf %get3A_285, %get3A_291 : vector<16xf32>
          %add3A_293 = arith.constant 2 : i32
          %add3A_294 = arith.addi %mul3A_42, %add3A_293 : i32
          %swap3A_295 = arith.index_cast %add3A_294 : i32 to index
          %swap3A_296 = arith.constant 32 : index
          %swap3A_297 = tpu.vector_load %arg12[%swap3A_295, %swap3A_296] {strides = array<i32>} : memref<256x128xf32, #tpu.memory_space<vmem>>, vector<1x16xf32>,
          %swap3A_298 = vector.shape_cast %swap3A_297 : vector<1x16xf32> to vector<16xf32>
          %swap3A_299 = vector.shape_cast %add3A_292 : vector<16xf32> to vector<1x16xf32>
          tpu.vector_store %arg12[%swap3A_295, %swap3A_296], %swap3A_299 {strides = array<i32>} : memref<256x128xf32, #tpu.memory_space<vmem>>, vector<1x16xf32>,
          %add3A_300 = arith.constant 2 : i32
          %add3A_301 = arith.addi %mul3A_42, %add3A_300 : i32
          %get3A_302 = arith.index_cast %add3A_301 : i32 to index
          %get3A_303 = arith.constant 48 : index
          %get3A_304 = tpu.vector_load %arg12[%get3A_302, %get3A_303] {strides = array<i32>} : memref<256x128xf32, #tpu.memory_space<vmem>>, vector<1x16xf32>,
          %get3A_305 = vector.shape_cast %get3A_304 : vector<1x16xf32> to vector<16xf32>
          %add3A_306 = arith.constant 2 : i32
          %add3A_307 = arith.addi %mul3A_42, %add3A_306 : i32
          %get3A_308 = arith.index_cast %add3A_307 : i32 to index
          %get3A_309 = arith.constant 48 : index
          %get3A_310 = tpu.vector_load %arg13[%get3A_308, %get3A_309] {strides = array<i32>} : memref<256x128xf32, #tpu.memory_space<vmem>>, vector<1x16xf32>,
          %get3A_311 = vector.shape_cast %get3A_310 : vector<1x16xf32> to vector<16xf32>
          %add3A_312 = arith.addf %get3A_305, %get3A_311 : vector<16xf32>
          %add3A_313 = arith.constant 2 : i32
          %add3A_314 = arith.addi %mul3A_42, %add3A_313 : i32
          %swap3A_315 = arith.index_cast %add3A_314 : i32 to index
          %swap3A_316 = arith.constant 48 : index
          %swap3A_317 = tpu.vector_load %arg12[%swap3A_315, %swap3A_316] {strides = array<i32>} : memref<256x128xf32, #tpu.memory_space<vmem>>, vector<1x16xf32>,
          %swap3A_318 = vector.shape_cast %swap3A_317 : vector<1x16xf32> to vector<16xf32>
          %swap3A_319 = vector.shape_cast %add3A_312 : vector<16xf32> to vector<1x16xf32>
          tpu.vector_store %arg12[%swap3A_315, %swap3A_316], %swap3A_319 {strides = array<i32>} : memref<256x128xf32, #tpu.memory_space<vmem>>, vector<1x16xf32>,
          %add3A_320 = arith.constant 2 : i32
          %add3A_321 = arith.addi %mul3A_42, %add3A_320 : i32
          %get3A_322 = arith.index_cast %add3A_321 : i32 to index
          %get3A_323 = arith.constant 64 : index
          %get3A_324 = tpu.vector_load %arg12[%get3A_322, %get3A_323] {strides = array<i32>} : memref<256x128xf32, #tpu.memory_space<vmem>>, vector<1x16xf32>,
          %get3A_325 = vector.shape_cast %get3A_324 : vector<1x16xf32> to vector<16xf32>
          %add3A_326 = arith.constant 2 : i32
          %add3A_327 = arith.addi %mul3A_42, %add3A_326 : i32
          %get3A_328 = arith.index_cast %add3A_327 : i32 to index
          %get3A_329 = arith.constant 64 : index
          %get3A_330 = tpu.vector_load %arg13[%get3A_328, %get3A_329] {strides = array<i32>} : memref<256x128xf32, #tpu.memory_space<vmem>>, vector<1x16xf32>,
          %get3A_331 = vector.shape_cast %get3A_330 : vector<1x16xf32> to vector<16xf32>
          %sub3A_332 = arith.subf %get3A_325, %get3A_331 : vector<16xf32>
          %add3A_333 = arith.constant 2 : i32
          %add3A_334 = arith.addi %mul3A_42, %add3A_333 : i32
          %swap3A_335 = arith.index_cast %add3A_334 : i32 to index
          %swap3A_336 = arith.constant 64 : index
          %swap3A_337 = tpu.vector_load %arg12[%swap3A_335, %swap3A_336] {strides = array<i32>} : memref<256x128xf32, #tpu.memory_space<vmem>>, vector<1x16xf32>,
          %swap3A_338 = vector.shape_cast %swap3A_337 : vector<1x16xf32> to vector<16xf32>
          %swap3A_339 = vector.shape_cast %sub3A_332 : vector<16xf32> to vector<1x16xf32>
          tpu.vector_store %arg12[%swap3A_335, %swap3A_336], %swap3A_339 {strides = array<i32>} : memref<256x128xf32, #tpu.memory_space<vmem>>, vector<1x16xf32>,
          %add3A_340 = arith.constant 3 : i32
          %add3A_341 = arith.addi %mul3A_42, %add3A_340 : i32
          %get3A_342 = arith.index_cast %add3A_341 : i32 to index
          %get3A_343 = arith.constant 0 : index
          %get3A_344 = tpu.vector_load %arg12[%get3A_342, %get3A_343] {strides = array<i32>} : memref<256x128xf32, #tpu.memory_space<vmem>>, vector<1x16xf32>,
          %get3A_345 = vector.shape_cast %get3A_344 : vector<1x16xf32> to vector<16xf32>
          %add3A_346 = arith.constant 3 : i32
          %add3A_347 = arith.addi %mul3A_42, %add3A_346 : i32
          %get3A_348 = arith.index_cast %add3A_347 : i32 to index
          %get3A_349 = arith.constant 0 : index
          %get3A_350 = tpu.vector_load %arg13[%get3A_348, %get3A_349] {strides = array<i32>} : memref<256x128xf32, #tpu.memory_space<vmem>>, vector<1x16xf32>,
          %get3A_351 = vector.shape_cast %get3A_350 : vector<1x16xf32> to vector<16xf32>
          %add3A_352 = arith.addf %get3A_345, %get3A_351 : vector<16xf32>
          %add3A_353 = arith.constant 3 : i32
          %add3A_354 = arith.addi %mul3A_42, %add3A_353 : i32
          %swap3A_355 = arith.index_cast %add3A_354 : i32 to index
          %swap3A_356 = arith.constant 0 : index
          %swap3A_357 = tpu.vector_load %arg12[%swap3A_355, %swap3A_356] {strides = array<i32>} : memref<256x128xf32, #tpu.memory_space<vmem>>, vector<1x16xf32>,
          %swap3A_358 = vector.shape_cast %swap3A_357 : vector<1x16xf32> to vector<16xf32>
          %swap3A_359 = vector.shape_cast %add3A_352 : vector<16xf32> to vector<1x16xf32>
          tpu.vector_store %arg12[%swap3A_355, %swap3A_356], %swap3A_359 {strides = array<i32>} : memref<256x128xf32, #tpu.memory_space<vmem>>, vector<1x16xf32>,
          %add3A_360 = arith.constant 3 : i32
          %add3A_361 = arith.addi %mul3A_42, %add3A_360 : i32
          %get3A_362 = arith.index_cast %add3A_361 : i32 to index
          %get3A_363 = arith.constant 16 : index
          %get3A_364 = tpu.vector_load %arg12[%get3A_362, %get3A_363] {strides = array<i32>} : memref<256x128xf32, #tpu.memory_space<vmem>>, vector<1x16xf32>,
          %get3A_365 = vector.shape_cast %get3A_364 : vector<1x16xf32> to vector<16xf32>
          %add3A_366 = arith.constant 3 : i32
          %add3A_367 = arith.addi %mul3A_42, %add3A_366 : i32
          %get3A_368 = arith.index_cast %add3A_367 : i32 to index
          %get3A_369 = arith.constant 16 : index
          %get3A_370 = tpu.vector_load %arg13[%get3A_368, %get3A_369] {strides = array<i32>} : memref<256x128xf32, #tpu.memory_space<vmem>>, vector<1x16xf32>,
          %get3A_371 = vector.shape_cast %get3A_370 : vector<1x16xf32> to vector<16xf32>
          %add3A_372 = arith.addf %get3A_365, %get3A_371 : vector<16xf32>
          %add3A_373 = arith.constant 3 : i32
          %add3A_374 = arith.addi %mul3A_42, %add3A_373 : i32
          %swap3A_375 = arith.index_cast %add3A_374 : i32 to index
          %swap3A_376 = arith.constant 16 : index
          %swap3A_377 = tpu.vector_load %arg12[%swap3A_375, %swap3A_376] {strides = array<i32>} : memref<256x128xf32, #tpu.memory_space<vmem>>, vector<1x16xf32>,
          %swap3A_378 = vector.shape_cast %swap3A_377 : vector<1x16xf32> to vector<16xf32>
          %swap3A_379 = vector.shape_cast %add3A_372 : vector<16xf32> to vector<1x16xf32>
          tpu.vector_store %arg12[%swap3A_375, %swap3A_376], %swap3A_379 {strides = array<i32>} : memref<256x128xf32, #tpu.memory_space<vmem>>, vector<1x16xf32>,
          %add3A_380 = arith.constant 3 : i32
          %add3A_381 = arith.addi %mul3A_42, %add3A_380 : i32
          %get3A_382 = arith.index_cast %add3A_381 : i32 to index
          %get3A_383 = arith.constant 32 : index
          %get3A_384 = tpu.vector_load %arg12[%get3A_382, %get3A_383] {strides = array<i32>} : memref<256x128xf32, #tpu.memory_space<vmem>>, vector<1x16xf32>,
          %get3A_385 = vector.shape_cast %get3A_384 : vector<1x16xf32> to vector<16xf32>
          %add3A_386 = arith.constant 3 : i32
          %add3A_387 = arith.addi %mul3A_42, %add3A_386 : i32
          %get3A_388 = arith.index_cast %add3A_387 : i32 to index
          %get3A_389 = arith.constant 32 : index
          %get3A_390 = tpu.vector_load %arg13[%get3A_388, %get3A_389] {strides = array<i32>} : memref<256x128xf32, #tpu.memory_space<vmem>>, vector<1x16xf32>,
          %get3A_391 = vector.shape_cast %get3A_390 : vector<1x16xf32> to vector<16xf32>
          %add3A_392 = arith.addf %get3A_385, %get3A_391 : vector<16xf32>
          %add3A_393 = arith.constant 3 : i32
          %add3A_394 = arith.addi %mul3A_42, %add3A_393 : i32
          %swap3A_395 = arith.index_cast %add3A_394 : i32 to index
          %swap3A_396 = arith.constant 32 : index
          %swap3A_397 = tpu.vector_load %arg12[%swap3A_395, %swap3A_396] {strides = array<i32>} : memref<256x128xf32, #tpu.memory_space<vmem>>, vector<1x16xf32>,
          %swap3A_398 = vector.shape_cast %swap3A_397 : vector<1x16xf32> to vector<16xf32>
          %swap3A_399 = vector.shape_cast %add3A_392 : vector<16xf32> to vector<1x16xf32>
          tpu.vector_store %arg12[%swap3A_395, %swap3A_396], %swap3A_399 {strides = array<i32>} : memref<256x128xf32, #tpu.memory_space<vmem>>, vector<1x16xf32>,
          %add3A_400 = arith.constant 3 : i32
          %add3A_401 = arith.addi %mul3A_42, %add3A_400 : i32
          %get3A_402 = arith.index_cast %add3A_401 : i32 to index
          %get3A_403 = arith.constant 48 : index
          %get3A_404 = tpu.vector_load %arg12[%get3A_402, %get3A_403] {strides = array<i32>} : memref<256x128xf32, #tpu.memory_space<vmem>>, vector<1x16xf32>,
          %get3A_405 = vector.shape_cast %get3A_404 : vector<1x16xf32> to vector<16xf32>
          %add3A_406 = arith.constant 3 : i32
          %add3A_407 = arith.addi %mul3A_42, %add3A_406 : i32
          %get3A_408 = arith.index_cast %add3A_407 : i32 to index
          %get3A_409 = arith.constant 48 : index
          %get3A_410 = tpu.vector_load %arg13[%get3A_408, %get3A_409] {strides = array<i32>} : memref<256x128xf32, #tpu.memory_space<vmem>>, vector<1x16xf32>,
          %get3A_411 = vector.shape_cast %get3A_410 : vector<1x16xf32> to vector<16xf32>
          %add3A_412 = arith.addf %get3A_405, %get3A_411 : vector<16xf32>
          %add3A_413 = arith.constant 3 : i32
          %add3A_414 = arith.addi %mul3A_42, %add3A_413 : i32
          %swap3A_415 = arith.index_cast %add3A_414 : i32 to index
          %swap3A_416 = arith.constant 48 : index
          %swap3A_417 = tpu.vector_load %arg12[%swap3A_415, %swap3A_416] {strides = array<i32>} : memref<256x128xf32, #tpu.memory_space<vmem>>, vector<1x16xf32>,
          %swap3A_418 = vector.shape_cast %swap3A_417 : vector<1x16xf32> to vector<16xf32>
          %swap3A_419 = vector.shape_cast %add3A_412 : vector<16xf32> to vector<1x16xf32>
          tpu.vector_store %arg12[%swap3A_415, %swap3A_416], %swap3A_419 {strides = array<i32>} : memref<256x128xf32, #tpu.memory_space<vmem>>, vector<1x16xf32>,
          %add3A_420 = arith.constant 3 : i32
          %add3A_421 = arith.addi %mul3A_42, %add3A_420 : i32
          %get3A_422 = arith.index_cast %add3A_421 : i32 to index
          %get3A_423 = arith.constant 64 : index
          %get3A_424 = tpu.vector_load %arg12[%get3A_422, %get3A_423] {strides = array<i32>} : memref<256x128xf32, #tpu.memory_space<vmem>>, vector<1x16xf32>,
          %get3A_425 = vector.shape_cast %get3A_424 : vector<1x16xf32> to vector<16xf32>
          %add3A_426 = arith.constant 3 : i32
          %add3A_427 = arith.addi %mul3A_42, %add3A_426 : i32
          %get3A_428 = arith.index_cast %add3A_427 : i32 to index
          %get3A_429 = arith.constant 64 : index
          %get3A_430 = tpu.vector_load %arg13[%get3A_428, %get3A_429] {strides = array<i32>} : memref<256x128xf32, #tpu.memory_space<vmem>>, vector<1x16xf32>,
          %get3A_431 = vector.shape_cast %get3A_430 : vector<1x16xf32> to vector<16xf32>
          %sub3A_432 = arith.subf %get3A_425, %get3A_431 : vector<16xf32>
          %add3A_433 = arith.constant 3 : i32
          %add3A_434 = arith.addi %mul3A_42, %add3A_433 : i32
          %swap3A_435 = arith.index_cast %add3A_434 : i32 to index
          %swap3A_436 = arith.constant 64 : index
          %swap3A_437 = tpu.vector_load %arg12[%swap3A_435, %swap3A_436] {strides = array<i32>} : memref<256x128xf32, #tpu.memory_space<vmem>>, vector<1x16xf32>,
          %swap3A_438 = vector.shape_cast %swap3A_437 : vector<1x16xf32> to vector<16xf32>
          %swap3A_439 = vector.shape_cast %sub3A_432 : vector<16xf32> to vector<1x16xf32>
          tpu.vector_store %arg12[%swap3A_435, %swap3A_436], %swap3A_439 {strides = array<i32>} : memref<256x128xf32, #tpu.memory_space<vmem>>, vector<1x16xf32>,
          %scan3A_440 = arith.constant 0 : i32
          scf.yield %scan3A_440 : i32
        }
        %scan3A_37 = arith.constant 64 : i32
        "tpu.region"() ({
          %run_scoped3A = tpu.sem_alloc : memref<!tpu.dma_semaphore, #tpu.memory_space<semaphore_mem>>
          %dma_start3A_39 = arith.constant 0 : i32
          %dma_start3A_40 = tpu.memref_slice %arg9[%multiple_of3A, %dma_start3A_39] : memref<409600x128xf32, #tpu.memory_space<hbm>> -> memref<256x128xf32, #tpu.memory_space<hbm>>
          %dma_start3A_41 = arith.constant 0 : i32
          %dma_start3A_42 = tpu.memref_slice %arg9[%multiple_of3A, %dma_start3A_41] : memref<409600x128xf32, #tpu.memory_space<hbm>> -> memref<256x128xf32, #tpu.memory_space<hbm>>
          tpu.enqueue_dma source(%arg12 : memref<256x128xf32, #tpu.memory_space<vmem>>) target(%dma_start3A_42 : memref<256x128xf32, #tpu.memory_space<hbm>>) target_semaphore(%run_scoped3A : memref<!tpu.dma_semaphore, #tpu.memory_space<semaphore_mem>>)
          %dma_wait3A_43 = arith.constant 0 : i32
          %dma_wait3A_44 = tpu.memref_slice %arg9[%multiple_of3A, %dma_wait3A_43] : memref<409600x128xf32, #tpu.memory_space<hbm>> -> memref<256x128xf32, #tpu.memory_space<hbm>>
          %dma_wait3A_45 = arith.constant 0 : i32
          %dma_wait3A_46 = tpu.memref_slice %arg9[%multiple_of3A, %dma_wait3A_45] : memref<409600x128xf32, #tpu.memory_space<hbm>> -> memref<256x128xf32, #tpu.memory_space<hbm>>
          tpu.wait_dma2 semaphore(%run_scoped3A : memref<!tpu.dma_semaphore, #tpu.memory_space<semaphore_mem>>) src(%arg12 : memref<256x128xf32, #tpu.memory_space<vmem>>) dst(%dma_wait3A_46 : memref<256x128xf32, #tpu.memory_space<hbm>>)
          tpu.yield
        }) : () -> ()
        %scan3A_38 = arith.constant 0 : i32
        scf.yield %scan3A_38 : i32
      }
      %scan3A_15 = arith.constant 50 : i32
    } else {
    }
    %eq3A_5 = arith.constant 1 : i32
    %eq3A_6 = arith.cmpi eq, %arg0, %eq3A_5 : i32
    %convert_element_type3A_7 = arith.extui %eq3A_6 : i1 to i32
    %cond3A_8 = arith.constant 0 : i32
    %cond3A_9 = arith.cmpi ne, %convert_element_type3A_7, %cond3A_8 : i32
    scf.if %cond3A_9 {
      %scan3A = arith.constant 0 : i32
      %scan3A_10 = arith.constant 0 : i32
      %scan3A_11 = arith.constant 50 : i32
      %scan3A_12 = arith.addi %scan3A_10, %scan3A_11 : i32
      %scan3A_13 = arith.constant 1 : i32
      %scan3A_14 = scf.for %scan3A_16 = %scan3A_10 to %scan3A_12 step %scan3A_13 iter_args(%scan3A_17 = %scan3A) -> (i32)  : i32 {
        %mul3A_18 = arith.constant 256 : i32
        %mul3A_19 = arith.muli %scan3A_16, %mul3A_18 : i32
        %add3A_20 = arith.addi %mul3A_2, %mul3A_19 : i32
        %multiple_of3A = tpu.assume_multiple %add3A_20, 8 : i32
        "tpu.region"() ({
          %run_scoped3A = tpu.sem_alloc : memref<!tpu.dma_semaphore, #tpu.memory_space<semaphore_mem>>
          %dma_start3A_39 = tpu.memref_slice %arg6[%multiple_of3A] : memref<409600xi32, #tpu.memory_space<hbm>> -> memref<256xi32, #tpu.memory_space<hbm>>
          %dma_start3A_40 = tpu.memref_slice %arg6[%multiple_of3A] : memref<409600xi32, #tpu.memory_space<hbm>> -> memref<256xi32, #tpu.memory_space<hbm>>
          tpu.enqueue_dma source(%dma_start3A_40 : memref<256xi32, #tpu.memory_space<hbm>>) target(%arg10 : memref<256xi32, #tpu.memory_space<vmem>>) target_semaphore(%run_scoped3A : memref<!tpu.dma_semaphore, #tpu.memory_space<semaphore_mem>>)
          %dma_wait3A_41 = tpu.memref_slice %arg6[%multiple_of3A] : memref<409600xi32, #tpu.memory_space<hbm>> -> memref<256xi32, #tpu.memory_space<hbm>>
          %dma_wait3A_42 = tpu.memref_slice %arg6[%multiple_of3A] : memref<409600xi32, #tpu.memory_space<hbm>> -> memref<256xi32, #tpu.memory_space<hbm>>
          tpu.wait_dma2 semaphore(%run_scoped3A : memref<!tpu.dma_semaphore, #tpu.memory_space<semaphore_mem>>) src(%dma_wait3A_42 : memref<256xi32, #tpu.memory_space<hbm>>) dst(%arg10 : memref<256xi32, #tpu.memory_space<vmem>>)
          tpu.yield
        }) : () -> ()
        "tpu.region"() ({
          %run_scoped3A = tpu.sem_alloc : memref<!tpu.dma_semaphore, #tpu.memory_space<semaphore_mem>>
          %dma_start3A_39 = tpu.memref_slice %arg7[%multiple_of3A] : memref<409600xi32, #tpu.memory_space<hbm>> -> memref<256xi32, #tpu.memory_space<hbm>>
          %dma_start3A_40 = tpu.memref_slice %arg7[%multiple_of3A] : memref<409600xi32, #tpu.memory_space<hbm>> -> memref<256xi32, #tpu.memory_space<hbm>>
          tpu.enqueue_dma source(%dma_start3A_40 : memref<256xi32, #tpu.memory_space<hbm>>) target(%arg11 : memref<256xi32, #tpu.memory_space<vmem>>) target_semaphore(%run_scoped3A : memref<!tpu.dma_semaphore, #tpu.memory_space<semaphore_mem>>)
          %dma_wait3A_41 = tpu.memref_slice %arg7[%multiple_of3A] : memref<409600xi32, #tpu.memory_space<hbm>> -> memref<256xi32, #tpu.memory_space<hbm>>
          %dma_wait3A_42 = tpu.memref_slice %arg7[%multiple_of3A] : memref<409600xi32, #tpu.memory_space<hbm>> -> memref<256xi32, #tpu.memory_space<hbm>>
          tpu.wait_dma2 semaphore(%run_scoped3A : memref<!tpu.dma_semaphore, #tpu.memory_space<semaphore_mem>>) src(%dma_wait3A_42 : memref<256xi32, #tpu.memory_space<hbm>>) dst(%arg11 : memref<256xi32, #tpu.memory_space<vmem>>)
          tpu.yield
        }) : () -> ()
        %dma_start3A = arith.constant 0 : i32
        %dma_start3A_21 = arith.constant 0 : i32
        %dma_start3A_22 = tpu.memref_slice %arg4[%dma_start3A, %dma_start3A_21] : memref<51200x128xf32, #tpu.memory_space<hbm>> -> memref<51200x128xf32, #tpu.memory_space<hbm>>
        tpu.enqueue_indirect_dma source(%dma_start3A_22 : memref<51200x128xf32, #tpu.memory_space<hbm>>) target(%arg12 : memref<256x128xf32, #tpu.memory_space<vmem>>) offsets(%arg10 : memref<256xi32, #tpu.memory_space<vmem>>) semaphore(%arg14 : memref<!tpu.dma_semaphore, #tpu.memory_space<semaphore_mem>>)
        %dma_start3A_23 = arith.constant 0 : i32
        %dma_start3A_24 = arith.constant 0 : i32
        %dma_start3A_25 = tpu.memref_slice %arg5[%dma_start3A_23, %dma_start3A_24] : memref<51200x128xf32, #tpu.memory_space<hbm>> -> memref<51200x128xf32, #tpu.memory_space<hbm>>
        tpu.enqueue_indirect_dma source(%dma_start3A_25 : memref<51200x128xf32, #tpu.memory_space<hbm>>) target(%arg13 : memref<256x128xf32, #tpu.memory_space<vmem>>) offsets(%arg11 : memref<256xi32, #tpu.memory_space<vmem>>) semaphore(%arg14 : memref<!tpu.dma_semaphore, #tpu.memory_space<semaphore_mem>>)
        %dma_wait3A = arith.constant 0 : i32
        %dma_wait3A_26 = arith.constant 0 : i32
        %dma_wait3A_27 = tpu.memref_slice %arg4[%dma_wait3A, %dma_wait3A_26] : memref<51200x128xf32, #tpu.memory_space<hbm>> -> memref<51200x128xf32, #tpu.memory_space<hbm>>
        tpu.wait_indirect_dma semaphore(%arg14 : memref<!tpu.dma_semaphore, #tpu.memory_space<semaphore_mem>>) src(%dma_wait3A_27 : memref<51200x128xf32, #tpu.memory_space<hbm>>) dst(%arg12 : memref<256x128xf32, #tpu.memory_space<vmem>>)
        %dma_wait3A_28 = arith.constant 0 : i32
        %dma_wait3A_29 = arith.constant 0 : i32
        %dma_wait3A_30 = tpu.memref_slice %arg5[%dma_wait3A_28, %dma_wait3A_29] : memref<51200x128xf32, #tpu.memory_space<hbm>> -> memref<51200x128xf32, #tpu.memory_space<hbm>>
        tpu.wait_indirect_dma semaphore(%arg14 : memref<!tpu.dma_semaphore, #tpu.memory_space<semaphore_mem>>) src(%dma_wait3A_30 : memref<51200x128xf32, #tpu.memory_space<hbm>>) dst(%arg13 : memref<256x128xf32, #tpu.memory_space<vmem>>)
        %scan3A_31 = arith.constant 0 : i32
        %scan3A_32 = arith.constant 0 : i32
        %scan3A_33 = arith.constant 64 : i32
        %scan3A_34 = arith.addi %scan3A_32, %scan3A_33 : i32
        %scan3A_35 = arith.constant 1 : i32
        %scan3A_36 = scf.for %scan3A_39 = %scan3A_32 to %scan3A_34 step %scan3A_35 iter_args(%scan3A_40 = %scan3A_31) -> (i32)  : i32 {
          %mul3A_41 = arith.constant 4 : i32
          %mul3A_42 = arith.muli %scan3A_39, %mul3A_41 : i32
          %add3A_43 = arith.constant 0 : i32
          %add3A_44 = arith.addi %mul3A_42, %add3A_43 : i32
          %get3A = arith.index_cast %add3A_44 : i32 to index
          %get3A_45 = arith.constant 0 : index
          %get3A_46 = tpu.vector_load %arg12[%get3A, %get3A_45] {strides = array<i32>} : memref<256x128xf32, #tpu.memory_space<vmem>>, vector<1x16xf32>,
          %get3A_47 = vector.shape_cast %get3A_46 : vector<1x16xf32> to vector<16xf32>
          %add3A_48 = arith.constant 0 : i32
          %add3A_49 = arith.addi %mul3A_42, %add3A_48 : i32
          %get3A_50 = arith.index_cast %add3A_49 : i32 to index
          %get3A_51 = arith.constant 0 : index
          %get3A_52 = tpu.vector_load %arg13[%get3A_50, %get3A_51] {strides = array<i32>} : memref<256x128xf32, #tpu.memory_space<vmem>>, vector<1x16xf32>,
          %get3A_53 = vector.shape_cast %get3A_52 : vector<1x16xf32> to vector<16xf32>
          %add3A_54 = arith.addf %get3A_47, %get3A_53 : vector<16xf32>
          %add3A_55 = arith.constant 0 : i32
          %add3A_56 = arith.addi %mul3A_42, %add3A_55 : i32
          %swap3A = arith.index_cast %add3A_56 : i32 to index
          %swap3A_57 = arith.constant 0 : index
          %swap3A_58 = tpu.vector_load %arg12[%swap3A, %swap3A_57] {strides = array<i32>} : memref<256x128xf32, #tpu.memory_space<vmem>>, vector<1x16xf32>,
          %swap3A_59 = vector.shape_cast %swap3A_58 : vector<1x16xf32> to vector<16xf32>
          %swap3A_60 = vector.shape_cast %add3A_54 : vector<16xf32> to vector<1x16xf32>
          tpu.vector_store %arg12[%swap3A, %swap3A_57], %swap3A_60 {strides = array<i32>} : memref<256x128xf32, #tpu.memory_space<vmem>>, vector<1x16xf32>,
          %add3A_61 = arith.constant 0 : i32
          %add3A_62 = arith.addi %mul3A_42, %add3A_61 : i32
          %get3A_63 = arith.index_cast %add3A_62 : i32 to index
          %get3A_64 = arith.constant 16 : index
          %get3A_65 = tpu.vector_load %arg12[%get3A_63, %get3A_64] {strides = array<i32>} : memref<256x128xf32, #tpu.memory_space<vmem>>, vector<1x16xf32>,
          %get3A_66 = vector.shape_cast %get3A_65 : vector<1x16xf32> to vector<16xf32>
          %add3A_67 = arith.constant 0 : i32
          %add3A_68 = arith.addi %mul3A_42, %add3A_67 : i32
          %get3A_69 = arith.index_cast %add3A_68 : i32 to index
          %get3A_70 = arith.constant 16 : index
          %get3A_71 = tpu.vector_load %arg13[%get3A_69, %get3A_70] {strides = array<i32>} : memref<256x128xf32, #tpu.memory_space<vmem>>, vector<1x16xf32>,
          %get3A_72 = vector.shape_cast %get3A_71 : vector<1x16xf32> to vector<16xf32>
          %add3A_73 = arith.addf %get3A_66, %get3A_72 : vector<16xf32>
          %add3A_74 = arith.constant 0 : i32
          %add3A_75 = arith.addi %mul3A_42, %add3A_74 : i32
          %swap3A_76 = arith.index_cast %add3A_75 : i32 to index
          %swap3A_77 = arith.constant 16 : index
          %swap3A_78 = tpu.vector_load %arg12[%swap3A_76, %swap3A_77] {strides = array<i32>} : memref<256x128xf32, #tpu.memory_space<vmem>>, vector<1x16xf32>,
          %swap3A_79 = vector.shape_cast %swap3A_78 : vector<1x16xf32> to vector<16xf32>
          %swap3A_80 = vector.shape_cast %add3A_73 : vector<16xf32> to vector<1x16xf32>
          tpu.vector_store %arg12[%swap3A_76, %swap3A_77], %swap3A_80 {strides = array<i32>} : memref<256x128xf32, #tpu.memory_space<vmem>>, vector<1x16xf32>,
          %add3A_81 = arith.constant 0 : i32
          %add3A_82 = arith.addi %mul3A_42, %add3A_81 : i32
          %get3A_83 = arith.index_cast %add3A_82 : i32 to index
          %get3A_84 = arith.constant 32 : index
          %get3A_85 = tpu.vector_load %arg12[%get3A_83, %get3A_84] {strides = array<i32>} : memref<256x128xf32, #tpu.memory_space<vmem>>, vector<1x16xf32>,
          %get3A_86 = vector.shape_cast %get3A_85 : vector<1x16xf32> to vector<16xf32>
          %add3A_87 = arith.constant 0 : i32
          %add3A_88 = arith.addi %mul3A_42, %add3A_87 : i32
          %get3A_89 = arith.index_cast %add3A_88 : i32 to index
          %get3A_90 = arith.constant 32 : index
          %get3A_91 = tpu.vector_load %arg13[%get3A_89, %get3A_90] {strides = array<i32>} : memref<256x128xf32, #tpu.memory_space<vmem>>, vector<1x16xf32>,
          %get3A_92 = vector.shape_cast %get3A_91 : vector<1x16xf32> to vector<16xf32>
          %add3A_93 = arith.addf %get3A_86, %get3A_92 : vector<16xf32>
          %add3A_94 = arith.constant 0 : i32
          %add3A_95 = arith.addi %mul3A_42, %add3A_94 : i32
          %swap3A_96 = arith.index_cast %add3A_95 : i32 to index
          %swap3A_97 = arith.constant 32 : index
          %swap3A_98 = tpu.vector_load %arg12[%swap3A_96, %swap3A_97] {strides = array<i32>} : memref<256x128xf32, #tpu.memory_space<vmem>>, vector<1x16xf32>,
          %swap3A_99 = vector.shape_cast %swap3A_98 : vector<1x16xf32> to vector<16xf32>
          %swap3A_100 = vector.shape_cast %add3A_93 : vector<16xf32> to vector<1x16xf32>
          tpu.vector_store %arg12[%swap3A_96, %swap3A_97], %swap3A_100 {strides = array<i32>} : memref<256x128xf32, #tpu.memory_space<vmem>>, vector<1x16xf32>,
          %add3A_101 = arith.constant 0 : i32
          %add3A_102 = arith.addi %mul3A_42, %add3A_101 : i32
          %get3A_103 = arith.index_cast %add3A_102 : i32 to index
          %get3A_104 = arith.constant 48 : index
          %get3A_105 = tpu.vector_load %arg12[%get3A_103, %get3A_104] {strides = array<i32>} : memref<256x128xf32, #tpu.memory_space<vmem>>, vector<1x16xf32>,
          %get3A_106 = vector.shape_cast %get3A_105 : vector<1x16xf32> to vector<16xf32>
          %add3A_107 = arith.constant 0 : i32
          %add3A_108 = arith.addi %mul3A_42, %add3A_107 : i32
          %get3A_109 = arith.index_cast %add3A_108 : i32 to index
          %get3A_110 = arith.constant 48 : index
          %get3A_111 = tpu.vector_load %arg13[%get3A_109, %get3A_110] {strides = array<i32>} : memref<256x128xf32, #tpu.memory_space<vmem>>, vector<1x16xf32>,
          %get3A_112 = vector.shape_cast %get3A_111 : vector<1x16xf32> to vector<16xf32>
          %add3A_113 = arith.addf %get3A_106, %get3A_112 : vector<16xf32>
          %add3A_114 = arith.constant 0 : i32
          %add3A_115 = arith.addi %mul3A_42, %add3A_114 : i32
          %swap3A_116 = arith.index_cast %add3A_115 : i32 to index
          %swap3A_117 = arith.constant 48 : index
          %swap3A_118 = tpu.vector_load %arg12[%swap3A_116, %swap3A_117] {strides = array<i32>} : memref<256x128xf32, #tpu.memory_space<vmem>>, vector<1x16xf32>,
          %swap3A_119 = vector.shape_cast %swap3A_118 : vector<1x16xf32> to vector<16xf32>
          %swap3A_120 = vector.shape_cast %add3A_113 : vector<16xf32> to vector<1x16xf32>
          tpu.vector_store %arg12[%swap3A_116, %swap3A_117], %swap3A_120 {strides = array<i32>} : memref<256x128xf32, #tpu.memory_space<vmem>>, vector<1x16xf32>,
          %add3A_121 = arith.constant 0 : i32
          %add3A_122 = arith.addi %mul3A_42, %add3A_121 : i32
          %get3A_123 = arith.index_cast %add3A_122 : i32 to index
          %get3A_124 = arith.constant 64 : index
          %get3A_125 = tpu.vector_load %arg12[%get3A_123, %get3A_124] {strides = array<i32>} : memref<256x128xf32, #tpu.memory_space<vmem>>, vector<1x16xf32>,
          %get3A_126 = vector.shape_cast %get3A_125 : vector<1x16xf32> to vector<16xf32>
          %add3A_127 = arith.constant 0 : i32
          %add3A_128 = arith.addi %mul3A_42, %add3A_127 : i32
          %get3A_129 = arith.index_cast %add3A_128 : i32 to index
          %get3A_130 = arith.constant 64 : index
          %get3A_131 = tpu.vector_load %arg13[%get3A_129, %get3A_130] {strides = array<i32>} : memref<256x128xf32, #tpu.memory_space<vmem>>, vector<1x16xf32>,
          %get3A_132 = vector.shape_cast %get3A_131 : vector<1x16xf32> to vector<16xf32>
          %sub3A = arith.subf %get3A_126, %get3A_132 : vector<16xf32>
          %add3A_133 = arith.constant 0 : i32
          %add3A_134 = arith.addi %mul3A_42, %add3A_133 : i32
          %swap3A_135 = arith.index_cast %add3A_134 : i32 to index
          %swap3A_136 = arith.constant 64 : index
          %swap3A_137 = tpu.vector_load %arg12[%swap3A_135, %swap3A_136] {strides = array<i32>} : memref<256x128xf32, #tpu.memory_space<vmem>>, vector<1x16xf32>,
          %swap3A_138 = vector.shape_cast %swap3A_137 : vector<1x16xf32> to vector<16xf32>
          %swap3A_139 = vector.shape_cast %sub3A : vector<16xf32> to vector<1x16xf32>
          tpu.vector_store %arg12[%swap3A_135, %swap3A_136], %swap3A_139 {strides = array<i32>} : memref<256x128xf32, #tpu.memory_space<vmem>>, vector<1x16xf32>,
          %add3A_140 = arith.constant 1 : i32
          %add3A_141 = arith.addi %mul3A_42, %add3A_140 : i32
          %get3A_142 = arith.index_cast %add3A_141 : i32 to index
          %get3A_143 = arith.constant 0 : index
          %get3A_144 = tpu.vector_load %arg12[%get3A_142, %get3A_143] {strides = array<i32>} : memref<256x128xf32, #tpu.memory_space<vmem>>, vector<1x16xf32>,
          %get3A_145 = vector.shape_cast %get3A_144 : vector<1x16xf32> to vector<16xf32>
          %add3A_146 = arith.constant 1 : i32
          %add3A_147 = arith.addi %mul3A_42, %add3A_146 : i32
          %get3A_148 = arith.index_cast %add3A_147 : i32 to index
          %get3A_149 = arith.constant 0 : index
          %get3A_150 = tpu.vector_load %arg13[%get3A_148, %get3A_149] {strides = array<i32>} : memref<256x128xf32, #tpu.memory_space<vmem>>, vector<1x16xf32>,
          %get3A_151 = vector.shape_cast %get3A_150 : vector<1x16xf32> to vector<16xf32>
          %add3A_152 = arith.addf %get3A_145, %get3A_151 : vector<16xf32>
          %add3A_153 = arith.constant 1 : i32
          %add3A_154 = arith.addi %mul3A_42, %add3A_153 : i32
          %swap3A_155 = arith.index_cast %add3A_154 : i32 to index
          %swap3A_156 = arith.constant 0 : index
          %swap3A_157 = tpu.vector_load %arg12[%swap3A_155, %swap3A_156] {strides = array<i32>} : memref<256x128xf32, #tpu.memory_space<vmem>>, vector<1x16xf32>,
          %swap3A_158 = vector.shape_cast %swap3A_157 : vector<1x16xf32> to vector<16xf32>
          %swap3A_159 = vector.shape_cast %add3A_152 : vector<16xf32> to vector<1x16xf32>
          tpu.vector_store %arg12[%swap3A_155, %swap3A_156], %swap3A_159 {strides = array<i32>} : memref<256x128xf32, #tpu.memory_space<vmem>>, vector<1x16xf32>,
          %add3A_160 = arith.constant 1 : i32
          %add3A_161 = arith.addi %mul3A_42, %add3A_160 : i32
          %get3A_162 = arith.index_cast %add3A_161 : i32 to index
          %get3A_163 = arith.constant 16 : index
          %get3A_164 = tpu.vector_load %arg12[%get3A_162, %get3A_163] {strides = array<i32>} : memref<256x128xf32, #tpu.memory_space<vmem>>, vector<1x16xf32>,
          %get3A_165 = vector.shape_cast %get3A_164 : vector<1x16xf32> to vector<16xf32>
          %add3A_166 = arith.constant 1 : i32
          %add3A_167 = arith.addi %mul3A_42, %add3A_166 : i32
          %get3A_168 = arith.index_cast %add3A_167 : i32 to index
          %get3A_169 = arith.constant 16 : index
          %get3A_170 = tpu.vector_load %arg13[%get3A_168, %get3A_169] {strides = array<i32>} : memref<256x128xf32, #tpu.memory_space<vmem>>, vector<1x16xf32>,
          %get3A_171 = vector.shape_cast %get3A_170 : vector<1x16xf32> to vector<16xf32>
          %add3A_172 = arith.addf %get3A_165, %get3A_171 : vector<16xf32>
          %add3A_173 = arith.constant 1 : i32
          %add3A_174 = arith.addi %mul3A_42, %add3A_173 : i32
          %swap3A_175 = arith.index_cast %add3A_174 : i32 to index
          %swap3A_176 = arith.constant 16 : index
          %swap3A_177 = tpu.vector_load %arg12[%swap3A_175, %swap3A_176] {strides = array<i32>} : memref<256x128xf32, #tpu.memory_space<vmem>>, vector<1x16xf32>,
          %swap3A_178 = vector.shape_cast %swap3A_177 : vector<1x16xf32> to vector<16xf32>
          %swap3A_179 = vector.shape_cast %add3A_172 : vector<16xf32> to vector<1x16xf32>
          tpu.vector_store %arg12[%swap3A_175, %swap3A_176], %swap3A_179 {strides = array<i32>} : memref<256x128xf32, #tpu.memory_space<vmem>>, vector<1x16xf32>,
          %add3A_180 = arith.constant 1 : i32
          %add3A_181 = arith.addi %mul3A_42, %add3A_180 : i32
          %get3A_182 = arith.index_cast %add3A_181 : i32 to index
          %get3A_183 = arith.constant 32 : index
          %get3A_184 = tpu.vector_load %arg12[%get3A_182, %get3A_183] {strides = array<i32>} : memref<256x128xf32, #tpu.memory_space<vmem>>, vector<1x16xf32>,
          %get3A_185 = vector.shape_cast %get3A_184 : vector<1x16xf32> to vector<16xf32>
          %add3A_186 = arith.constant 1 : i32
          %add3A_187 = arith.addi %mul3A_42, %add3A_186 : i32
          %get3A_188 = arith.index_cast %add3A_187 : i32 to index
          %get3A_189 = arith.constant 32 : index
          %get3A_190 = tpu.vector_load %arg13[%get3A_188, %get3A_189] {strides = array<i32>} : memref<256x128xf32, #tpu.memory_space<vmem>>, vector<1x16xf32>,
          %get3A_191 = vector.shape_cast %get3A_190 : vector<1x16xf32> to vector<16xf32>
          %add3A_192 = arith.addf %get3A_185, %get3A_191 : vector<16xf32>
          %add3A_193 = arith.constant 1 : i32
          %add3A_194 = arith.addi %mul3A_42, %add3A_193 : i32
          %swap3A_195 = arith.index_cast %add3A_194 : i32 to index
          %swap3A_196 = arith.constant 32 : index
          %swap3A_197 = tpu.vector_load %arg12[%swap3A_195, %swap3A_196] {strides = array<i32>} : memref<256x128xf32, #tpu.memory_space<vmem>>, vector<1x16xf32>,
          %swap3A_198 = vector.shape_cast %swap3A_197 : vector<1x16xf32> to vector<16xf32>
          %swap3A_199 = vector.shape_cast %add3A_192 : vector<16xf32> to vector<1x16xf32>
          tpu.vector_store %arg12[%swap3A_195, %swap3A_196], %swap3A_199 {strides = array<i32>} : memref<256x128xf32, #tpu.memory_space<vmem>>, vector<1x16xf32>,
          %add3A_200 = arith.constant 1 : i32
          %add3A_201 = arith.addi %mul3A_42, %add3A_200 : i32
          %get3A_202 = arith.index_cast %add3A_201 : i32 to index
          %get3A_203 = arith.constant 48 : index
          %get3A_204 = tpu.vector_load %arg12[%get3A_202, %get3A_203] {strides = array<i32>} : memref<256x128xf32, #tpu.memory_space<vmem>>, vector<1x16xf32>,
          %get3A_205 = vector.shape_cast %get3A_204 : vector<1x16xf32> to vector<16xf32>
          %add3A_206 = arith.constant 1 : i32
          %add3A_207 = arith.addi %mul3A_42, %add3A_206 : i32
          %get3A_208 = arith.index_cast %add3A_207 : i32 to index
          %get3A_209 = arith.constant 48 : index
          %get3A_210 = tpu.vector_load %arg13[%get3A_208, %get3A_209] {strides = array<i32>} : memref<256x128xf32, #tpu.memory_space<vmem>>, vector<1x16xf32>,
          %get3A_211 = vector.shape_cast %get3A_210 : vector<1x16xf32> to vector<16xf32>
          %add3A_212 = arith.addf %get3A_205, %get3A_211 : vector<16xf32>
          %add3A_213 = arith.constant 1 : i32
          %add3A_214 = arith.addi %mul3A_42, %add3A_213 : i32
          %swap3A_215 = arith.index_cast %add3A_214 : i32 to index
          %swap3A_216 = arith.constant 48 : index
          %swap3A_217 = tpu.vector_load %arg12[%swap3A_215, %swap3A_216] {strides = array<i32>} : memref<256x128xf32, #tpu.memory_space<vmem>>, vector<1x16xf32>,
          %swap3A_218 = vector.shape_cast %swap3A_217 : vector<1x16xf32> to vector<16xf32>
          %swap3A_219 = vector.shape_cast %add3A_212 : vector<16xf32> to vector<1x16xf32>
          tpu.vector_store %arg12[%swap3A_215, %swap3A_216], %swap3A_219 {strides = array<i32>} : memref<256x128xf32, #tpu.memory_space<vmem>>, vector<1x16xf32>,
          %add3A_220 = arith.constant 1 : i32
          %add3A_221 = arith.addi %mul3A_42, %add3A_220 : i32
          %get3A_222 = arith.index_cast %add3A_221 : i32 to index
          %get3A_223 = arith.constant 64 : index
          %get3A_224 = tpu.vector_load %arg12[%get3A_222, %get3A_223] {strides = array<i32>} : memref<256x128xf32, #tpu.memory_space<vmem>>, vector<1x16xf32>,
          %get3A_225 = vector.shape_cast %get3A_224 : vector<1x16xf32> to vector<16xf32>
          %add3A_226 = arith.constant 1 : i32
          %add3A_227 = arith.addi %mul3A_42, %add3A_226 : i32
          %get3A_228 = arith.index_cast %add3A_227 : i32 to index
          %get3A_229 = arith.constant 64 : index
          %get3A_230 = tpu.vector_load %arg13[%get3A_228, %get3A_229] {strides = array<i32>} : memref<256x128xf32, #tpu.memory_space<vmem>>, vector<1x16xf32>,
          %get3A_231 = vector.shape_cast %get3A_230 : vector<1x16xf32> to vector<16xf32>
          %sub3A_232 = arith.subf %get3A_225, %get3A_231 : vector<16xf32>
          %add3A_233 = arith.constant 1 : i32
          %add3A_234 = arith.addi %mul3A_42, %add3A_233 : i32
          %swap3A_235 = arith.index_cast %add3A_234 : i32 to index
          %swap3A_236 = arith.constant 64 : index
          %swap3A_237 = tpu.vector_load %arg12[%swap3A_235, %swap3A_236] {strides = array<i32>} : memref<256x128xf32, #tpu.memory_space<vmem>>, vector<1x16xf32>,
          %swap3A_238 = vector.shape_cast %swap3A_237 : vector<1x16xf32> to vector<16xf32>
          %swap3A_239 = vector.shape_cast %sub3A_232 : vector<16xf32> to vector<1x16xf32>
          tpu.vector_store %arg12[%swap3A_235, %swap3A_236], %swap3A_239 {strides = array<i32>} : memref<256x128xf32, #tpu.memory_space<vmem>>, vector<1x16xf32>,
          %add3A_240 = arith.constant 2 : i32
          %add3A_241 = arith.addi %mul3A_42, %add3A_240 : i32
          %get3A_242 = arith.index_cast %add3A_241 : i32 to index
          %get3A_243 = arith.constant 0 : index
          %get3A_244 = tpu.vector_load %arg12[%get3A_242, %get3A_243] {strides = array<i32>} : memref<256x128xf32, #tpu.memory_space<vmem>>, vector<1x16xf32>,
          %get3A_245 = vector.shape_cast %get3A_244 : vector<1x16xf32> to vector<16xf32>
          %add3A_246 = arith.constant 2 : i32
          %add3A_247 = arith.addi %mul3A_42, %add3A_246 : i32
          %get3A_248 = arith.index_cast %add3A_247 : i32 to index
          %get3A_249 = arith.constant 0 : index
          %get3A_250 = tpu.vector_load %arg13[%get3A_248, %get3A_249] {strides = array<i32>} : memref<256x128xf32, #tpu.memory_space<vmem>>, vector<1x16xf32>,
          %get3A_251 = vector.shape_cast %get3A_250 : vector<1x16xf32> to vector<16xf32>
          %add3A_252 = arith.addf %get3A_245, %get3A_251 : vector<16xf32>
          %add3A_253 = arith.constant 2 : i32
          %add3A_254 = arith.addi %mul3A_42, %add3A_253 : i32
          %swap3A_255 = arith.index_cast %add3A_254 : i32 to index
          %swap3A_256 = arith.constant 0 : index
          %swap3A_257 = tpu.vector_load %arg12[%swap3A_255, %swap3A_256] {strides = array<i32>} : memref<256x128xf32, #tpu.memory_space<vmem>>, vector<1x16xf32>,
          %swap3A_258 = vector.shape_cast %swap3A_257 : vector<1x16xf32> to vector<16xf32>
          %swap3A_259 = vector.shape_cast %add3A_252 : vector<16xf32> to vector<1x16xf32>
          tpu.vector_store %arg12[%swap3A_255, %swap3A_256], %swap3A_259 {strides = array<i32>} : memref<256x128xf32, #tpu.memory_space<vmem>>, vector<1x16xf32>,
          %add3A_260 = arith.constant 2 : i32
          %add3A_261 = arith.addi %mul3A_42, %add3A_260 : i32
          %get3A_262 = arith.index_cast %add3A_261 : i32 to index
          %get3A_263 = arith.constant 16 : index
          %get3A_264 = tpu.vector_load %arg12[%get3A_262, %get3A_263] {strides = array<i32>} : memref<256x128xf32, #tpu.memory_space<vmem>>, vector<1x16xf32>,
          %get3A_265 = vector.shape_cast %get3A_264 : vector<1x16xf32> to vector<16xf32>
          %add3A_266 = arith.constant 2 : i32
          %add3A_267 = arith.addi %mul3A_42, %add3A_266 : i32
          %get3A_268 = arith.index_cast %add3A_267 : i32 to index
          %get3A_269 = arith.constant 16 : index
          %get3A_270 = tpu.vector_load %arg13[%get3A_268, %get3A_269] {strides = array<i32>} : memref<256x128xf32, #tpu.memory_space<vmem>>, vector<1x16xf32>,
          %get3A_271 = vector.shape_cast %get3A_270 : vector<1x16xf32> to vector<16xf32>
          %add3A_272 = arith.addf %get3A_265, %get3A_271 : vector<16xf32>
          %add3A_273 = arith.constant 2 : i32
          %add3A_274 = arith.addi %mul3A_42, %add3A_273 : i32
          %swap3A_275 = arith.index_cast %add3A_274 : i32 to index
          %swap3A_276 = arith.constant 16 : index
          %swap3A_277 = tpu.vector_load %arg12[%swap3A_275, %swap3A_276] {strides = array<i32>} : memref<256x128xf32, #tpu.memory_space<vmem>>, vector<1x16xf32>,
          %swap3A_278 = vector.shape_cast %swap3A_277 : vector<1x16xf32> to vector<16xf32>
          %swap3A_279 = vector.shape_cast %add3A_272 : vector<16xf32> to vector<1x16xf32>
          tpu.vector_store %arg12[%swap3A_275, %swap3A_276], %swap3A_279 {strides = array<i32>} : memref<256x128xf32, #tpu.memory_space<vmem>>, vector<1x16xf32>,
          %add3A_280 = arith.constant 2 : i32
          %add3A_281 = arith.addi %mul3A_42, %add3A_280 : i32
          %get3A_282 = arith.index_cast %add3A_281 : i32 to index
          %get3A_283 = arith.constant 32 : index
          %get3A_284 = tpu.vector_load %arg12[%get3A_282, %get3A_283] {strides = array<i32>} : memref<256x128xf32, #tpu.memory_space<vmem>>, vector<1x16xf32>,
          %get3A_285 = vector.shape_cast %get3A_284 : vector<1x16xf32> to vector<16xf32>
          %add3A_286 = arith.constant 2 : i32
          %add3A_287 = arith.addi %mul3A_42, %add3A_286 : i32
          %get3A_288 = arith.index_cast %add3A_287 : i32 to index
          %get3A_289 = arith.constant 32 : index
          %get3A_290 = tpu.vector_load %arg13[%get3A_288, %get3A_289] {strides = array<i32>} : memref<256x128xf32, #tpu.memory_space<vmem>>, vector<1x16xf32>,
          %get3A_291 = vector.shape_cast %get3A_290 : vector<1x16xf32> to vector<16xf32>
          %add3A_292 = arith.addf %get3A_285, %get3A_291 : vector<16xf32>
          %add3A_293 = arith.constant 2 : i32
          %add3A_294 = arith.addi %mul3A_42, %add3A_293 : i32
          %swap3A_295 = arith.index_cast %add3A_294 : i32 to index
          %swap3A_296 = arith.constant 32 : index
          %swap3A_297 = tpu.vector_load %arg12[%swap3A_295, %swap3A_296] {strides = array<i32>} : memref<256x128xf32, #tpu.memory_space<vmem>>, vector<1x16xf32>,
          %swap3A_298 = vector.shape_cast %swap3A_297 : vector<1x16xf32> to vector<16xf32>
          %swap3A_299 = vector.shape_cast %add3A_292 : vector<16xf32> to vector<1x16xf32>
          tpu.vector_store %arg12[%swap3A_295, %swap3A_296], %swap3A_299 {strides = array<i32>} : memref<256x128xf32, #tpu.memory_space<vmem>>, vector<1x16xf32>,
          %add3A_300 = arith.constant 2 : i32
          %add3A_301 = arith.addi %mul3A_42, %add3A_300 : i32
          %get3A_302 = arith.index_cast %add3A_301 : i32 to index
          %get3A_303 = arith.constant 48 : index
          %get3A_304 = tpu.vector_load %arg12[%get3A_302, %get3A_303] {strides = array<i32>} : memref<256x128xf32, #tpu.memory_space<vmem>>, vector<1x16xf32>,
          %get3A_305 = vector.shape_cast %get3A_304 : vector<1x16xf32> to vector<16xf32>
          %add3A_306 = arith.constant 2 : i32
          %add3A_307 = arith.addi %mul3A_42, %add3A_306 : i32
          %get3A_308 = arith.index_cast %add3A_307 : i32 to index
          %get3A_309 = arith.constant 48 : index
          %get3A_310 = tpu.vector_load %arg13[%get3A_308, %get3A_309] {strides = array<i32>} : memref<256x128xf32, #tpu.memory_space<vmem>>, vector<1x16xf32>,
          %get3A_311 = vector.shape_cast %get3A_310 : vector<1x16xf32> to vector<16xf32>
          %add3A_312 = arith.addf %get3A_305, %get3A_311 : vector<16xf32>
          %add3A_313 = arith.constant 2 : i32
          %add3A_314 = arith.addi %mul3A_42, %add3A_313 : i32
          %swap3A_315 = arith.index_cast %add3A_314 : i32 to index
          %swap3A_316 = arith.constant 48 : index
          %swap3A_317 = tpu.vector_load %arg12[%swap3A_315, %swap3A_316] {strides = array<i32>} : memref<256x128xf32, #tpu.memory_space<vmem>>, vector<1x16xf32>,
          %swap3A_318 = vector.shape_cast %swap3A_317 : vector<1x16xf32> to vector<16xf32>
          %swap3A_319 = vector.shape_cast %add3A_312 : vector<16xf32> to vector<1x16xf32>
          tpu.vector_store %arg12[%swap3A_315, %swap3A_316], %swap3A_319 {strides = array<i32>} : memref<256x128xf32, #tpu.memory_space<vmem>>, vector<1x16xf32>,
          %add3A_320 = arith.constant 2 : i32
          %add3A_321 = arith.addi %mul3A_42, %add3A_320 : i32
          %get3A_322 = arith.index_cast %add3A_321 : i32 to index
          %get3A_323 = arith.constant 64 : index
          %get3A_324 = tpu.vector_load %arg12[%get3A_322, %get3A_323] {strides = array<i32>} : memref<256x128xf32, #tpu.memory_space<vmem>>, vector<1x16xf32>,
          %get3A_325 = vector.shape_cast %get3A_324 : vector<1x16xf32> to vector<16xf32>
          %add3A_326 = arith.constant 2 : i32
          %add3A_327 = arith.addi %mul3A_42, %add3A_326 : i32
          %get3A_328 = arith.index_cast %add3A_327 : i32 to index
          %get3A_329 = arith.constant 64 : index
          %get3A_330 = tpu.vector_load %arg13[%get3A_328, %get3A_329] {strides = array<i32>} : memref<256x128xf32, #tpu.memory_space<vmem>>, vector<1x16xf32>,
          %get3A_331 = vector.shape_cast %get3A_330 : vector<1x16xf32> to vector<16xf32>
          %sub3A_332 = arith.subf %get3A_325, %get3A_331 : vector<16xf32>
          %add3A_333 = arith.constant 2 : i32
          %add3A_334 = arith.addi %mul3A_42, %add3A_333 : i32
          %swap3A_335 = arith.index_cast %add3A_334 : i32 to index
          %swap3A_336 = arith.constant 64 : index
          %swap3A_337 = tpu.vector_load %arg12[%swap3A_335, %swap3A_336] {strides = array<i32>} : memref<256x128xf32, #tpu.memory_space<vmem>>, vector<1x16xf32>,
          %swap3A_338 = vector.shape_cast %swap3A_337 : vector<1x16xf32> to vector<16xf32>
          %swap3A_339 = vector.shape_cast %sub3A_332 : vector<16xf32> to vector<1x16xf32>
          tpu.vector_store %arg12[%swap3A_335, %swap3A_336], %swap3A_339 {strides = array<i32>} : memref<256x128xf32, #tpu.memory_space<vmem>>, vector<1x16xf32>,
          %add3A_340 = arith.constant 3 : i32
          %add3A_341 = arith.addi %mul3A_42, %add3A_340 : i32
          %get3A_342 = arith.index_cast %add3A_341 : i32 to index
          %get3A_343 = arith.constant 0 : index
          %get3A_344 = tpu.vector_load %arg12[%get3A_342, %get3A_343] {strides = array<i32>} : memref<256x128xf32, #tpu.memory_space<vmem>>, vector<1x16xf32>,
          %get3A_345 = vector.shape_cast %get3A_344 : vector<1x16xf32> to vector<16xf32>
          %add3A_346 = arith.constant 3 : i32
          %add3A_347 = arith.addi %mul3A_42, %add3A_346 : i32
          %get3A_348 = arith.index_cast %add3A_347 : i32 to index
          %get3A_349 = arith.constant 0 : index
          %get3A_350 = tpu.vector_load %arg13[%get3A_348, %get3A_349] {strides = array<i32>} : memref<256x128xf32, #tpu.memory_space<vmem>>, vector<1x16xf32>,
          %get3A_351 = vector.shape_cast %get3A_350 : vector<1x16xf32> to vector<16xf32>
          %add3A_352 = arith.addf %get3A_345, %get3A_351 : vector<16xf32>
          %add3A_353 = arith.constant 3 : i32
          %add3A_354 = arith.addi %mul3A_42, %add3A_353 : i32
          %swap3A_355 = arith.index_cast %add3A_354 : i32 to index
          %swap3A_356 = arith.constant 0 : index
          %swap3A_357 = tpu.vector_load %arg12[%swap3A_355, %swap3A_356] {strides = array<i32>} : memref<256x128xf32, #tpu.memory_space<vmem>>, vector<1x16xf32>,
          %swap3A_358 = vector.shape_cast %swap3A_357 : vector<1x16xf32> to vector<16xf32>
          %swap3A_359 = vector.shape_cast %add3A_352 : vector<16xf32> to vector<1x16xf32>
          tpu.vector_store %arg12[%swap3A_355, %swap3A_356], %swap3A_359 {strides = array<i32>} : memref<256x128xf32, #tpu.memory_space<vmem>>, vector<1x16xf32>,
          %add3A_360 = arith.constant 3 : i32
          %add3A_361 = arith.addi %mul3A_42, %add3A_360 : i32
          %get3A_362 = arith.index_cast %add3A_361 : i32 to index
          %get3A_363 = arith.constant 16 : index
          %get3A_364 = tpu.vector_load %arg12[%get3A_362, %get3A_363] {strides = array<i32>} : memref<256x128xf32, #tpu.memory_space<vmem>>, vector<1x16xf32>,
          %get3A_365 = vector.shape_cast %get3A_364 : vector<1x16xf32> to vector<16xf32>
          %add3A_366 = arith.constant 3 : i32
          %add3A_367 = arith.addi %mul3A_42, %add3A_366 : i32
          %get3A_368 = arith.index_cast %add3A_367 : i32 to index
          %get3A_369 = arith.constant 16 : index
          %get3A_370 = tpu.vector_load %arg13[%get3A_368, %get3A_369] {strides = array<i32>} : memref<256x128xf32, #tpu.memory_space<vmem>>, vector<1x16xf32>,
          %get3A_371 = vector.shape_cast %get3A_370 : vector<1x16xf32> to vector<16xf32>
          %add3A_372 = arith.addf %get3A_365, %get3A_371 : vector<16xf32>
          %add3A_373 = arith.constant 3 : i32
          %add3A_374 = arith.addi %mul3A_42, %add3A_373 : i32
          %swap3A_375 = arith.index_cast %add3A_374 : i32 to index
          %swap3A_376 = arith.constant 16 : index
          %swap3A_377 = tpu.vector_load %arg12[%swap3A_375, %swap3A_376] {strides = array<i32>} : memref<256x128xf32, #tpu.memory_space<vmem>>, vector<1x16xf32>,
          %swap3A_378 = vector.shape_cast %swap3A_377 : vector<1x16xf32> to vector<16xf32>
          %swap3A_379 = vector.shape_cast %add3A_372 : vector<16xf32> to vector<1x16xf32>
          tpu.vector_store %arg12[%swap3A_375, %swap3A_376], %swap3A_379 {strides = array<i32>} : memref<256x128xf32, #tpu.memory_space<vmem>>, vector<1x16xf32>,
          %add3A_380 = arith.constant 3 : i32
          %add3A_381 = arith.addi %mul3A_42, %add3A_380 : i32
          %get3A_382 = arith.index_cast %add3A_381 : i32 to index
          %get3A_383 = arith.constant 32 : index
          %get3A_384 = tpu.vector_load %arg12[%get3A_382, %get3A_383] {strides = array<i32>} : memref<256x128xf32, #tpu.memory_space<vmem>>, vector<1x16xf32>,
          %get3A_385 = vector.shape_cast %get3A_384 : vector<1x16xf32> to vector<16xf32>
          %add3A_386 = arith.constant 3 : i32
          %add3A_387 = arith.addi %mul3A_42, %add3A_386 : i32
          %get3A_388 = arith.index_cast %add3A_387 : i32 to index
          %get3A_389 = arith.constant 32 : index
          %get3A_390 = tpu.vector_load %arg13[%get3A_388, %get3A_389] {strides = array<i32>} : memref<256x128xf32, #tpu.memory_space<vmem>>, vector<1x16xf32>,
          %get3A_391 = vector.shape_cast %get3A_390 : vector<1x16xf32> to vector<16xf32>
          %add3A_392 = arith.addf %get3A_385, %get3A_391 : vector<16xf32>
          %add3A_393 = arith.constant 3 : i32
          %add3A_394 = arith.addi %mul3A_42, %add3A_393 : i32
          %swap3A_395 = arith.index_cast %add3A_394 : i32 to index
          %swap3A_396 = arith.constant 32 : index
          %swap3A_397 = tpu.vector_load %arg12[%swap3A_395, %swap3A_396] {strides = array<i32>} : memref<256x128xf32, #tpu.memory_space<vmem>>, vector<1x16xf32>,
          %swap3A_398 = vector.shape_cast %swap3A_397 : vector<1x16xf32> to vector<16xf32>
          %swap3A_399 = vector.shape_cast %add3A_392 : vector<16xf32> to vector<1x16xf32>
          tpu.vector_store %arg12[%swap3A_395, %swap3A_396], %swap3A_399 {strides = array<i32>} : memref<256x128xf32, #tpu.memory_space<vmem>>, vector<1x16xf32>,
          %add3A_400 = arith.constant 3 : i32
          %add3A_401 = arith.addi %mul3A_42, %add3A_400 : i32
          %get3A_402 = arith.index_cast %add3A_401 : i32 to index
          %get3A_403 = arith.constant 48 : index
          %get3A_404 = tpu.vector_load %arg12[%get3A_402, %get3A_403] {strides = array<i32>} : memref<256x128xf32, #tpu.memory_space<vmem>>, vector<1x16xf32>,
          %get3A_405 = vector.shape_cast %get3A_404 : vector<1x16xf32> to vector<16xf32>
          %add3A_406 = arith.constant 3 : i32
          %add3A_407 = arith.addi %mul3A_42, %add3A_406 : i32
          %get3A_408 = arith.index_cast %add3A_407 : i32 to index
          %get3A_409 = arith.constant 48 : index
          %get3A_410 = tpu.vector_load %arg13[%get3A_408, %get3A_409] {strides = array<i32>} : memref<256x128xf32, #tpu.memory_space<vmem>>, vector<1x16xf32>,
          %get3A_411 = vector.shape_cast %get3A_410 : vector<1x16xf32> to vector<16xf32>
          %add3A_412 = arith.addf %get3A_405, %get3A_411 : vector<16xf32>
          %add3A_413 = arith.constant 3 : i32
          %add3A_414 = arith.addi %mul3A_42, %add3A_413 : i32
          %swap3A_415 = arith.index_cast %add3A_414 : i32 to index
          %swap3A_416 = arith.constant 48 : index
          %swap3A_417 = tpu.vector_load %arg12[%swap3A_415, %swap3A_416] {strides = array<i32>} : memref<256x128xf32, #tpu.memory_space<vmem>>, vector<1x16xf32>,
          %swap3A_418 = vector.shape_cast %swap3A_417 : vector<1x16xf32> to vector<16xf32>
          %swap3A_419 = vector.shape_cast %add3A_412 : vector<16xf32> to vector<1x16xf32>
          tpu.vector_store %arg12[%swap3A_415, %swap3A_416], %swap3A_419 {strides = array<i32>} : memref<256x128xf32, #tpu.memory_space<vmem>>, vector<1x16xf32>,
          %add3A_420 = arith.constant 3 : i32
          %add3A_421 = arith.addi %mul3A_42, %add3A_420 : i32
          %get3A_422 = arith.index_cast %add3A_421 : i32 to index
          %get3A_423 = arith.constant 64 : index
          %get3A_424 = tpu.vector_load %arg12[%get3A_422, %get3A_423] {strides = array<i32>} : memref<256x128xf32, #tpu.memory_space<vmem>>, vector<1x16xf32>,
          %get3A_425 = vector.shape_cast %get3A_424 : vector<1x16xf32> to vector<16xf32>
          %add3A_426 = arith.constant 3 : i32
          %add3A_427 = arith.addi %mul3A_42, %add3A_426 : i32
          %get3A_428 = arith.index_cast %add3A_427 : i32 to index
          %get3A_429 = arith.constant 64 : index
          %get3A_430 = tpu.vector_load %arg13[%get3A_428, %get3A_429] {strides = array<i32>} : memref<256x128xf32, #tpu.memory_space<vmem>>, vector<1x16xf32>,
          %get3A_431 = vector.shape_cast %get3A_430 : vector<1x16xf32> to vector<16xf32>
          %sub3A_432 = arith.subf %get3A_425, %get3A_431 : vector<16xf32>
          %add3A_433 = arith.constant 3 : i32
          %add3A_434 = arith.addi %mul3A_42, %add3A_433 : i32
          %swap3A_435 = arith.index_cast %add3A_434 : i32 to index
          %swap3A_436 = arith.constant 64 : index
          %swap3A_437 = tpu.vector_load %arg12[%swap3A_435, %swap3A_436] {strides = array<i32>} : memref<256x128xf32, #tpu.memory_space<vmem>>, vector<1x16xf32>,
          %swap3A_438 = vector.shape_cast %swap3A_437 : vector<1x16xf32> to vector<16xf32>
          %swap3A_439 = vector.shape_cast %sub3A_432 : vector<16xf32> to vector<1x16xf32>
          tpu.vector_store %arg12[%swap3A_435, %swap3A_436], %swap3A_439 {strides = array<i32>} : memref<256x128xf32, #tpu.memory_space<vmem>>, vector<1x16xf32>,
          %scan3A_440 = arith.constant 0 : i32
          scf.yield %scan3A_440 : i32
        }
        %scan3A_37 = arith.constant 64 : i32
        "tpu.region"() ({
          %run_scoped3A = tpu.sem_alloc : memref<!tpu.dma_semaphore, #tpu.memory_space<semaphore_mem>>
          %dma_start3A_39 = arith.constant 0 : i32
          %dma_start3A_40 = tpu.memref_slice %arg9[%multiple_of3A, %dma_start3A_39] : memref<409600x128xf32, #tpu.memory_space<hbm>> -> memref<256x128xf32, #tpu.memory_space<hbm>>
          %dma_start3A_41 = arith.constant 0 : i32
          %dma_start3A_42 = tpu.memref_slice %arg9[%multiple_of3A, %dma_start3A_41] : memref<409600x128xf32, #tpu.memory_space<hbm>> -> memref<256x128xf32, #tpu.memory_space<hbm>>
          tpu.enqueue_dma source(%arg12 : memref<256x128xf32, #tpu.memory_space<vmem>>) target(%dma_start3A_42 : memref<256x128xf32, #tpu.memory_space<hbm>>) target_semaphore(%run_scoped3A : memref<!tpu.dma_semaphore, #tpu.memory_space<semaphore_mem>>)
          %dma_wait3A_43 = arith.constant 0 : i32
          %dma_wait3A_44 = tpu.memref_slice %arg9[%multiple_of3A, %dma_wait3A_43] : memref<409600x128xf32, #tpu.memory_space<hbm>> -> memref<256x128xf32, #tpu.memory_space<hbm>>
          %dma_wait3A_45 = arith.constant 0 : i32
          %dma_wait3A_46 = tpu.memref_slice %arg9[%multiple_of3A, %dma_wait3A_45] : memref<409600x128xf32, #tpu.memory_space<hbm>> -> memref<256x128xf32, #tpu.memory_space<hbm>>
          tpu.wait_dma2 semaphore(%run_scoped3A : memref<!tpu.dma_semaphore, #tpu.memory_space<semaphore_mem>>) src(%arg12 : memref<256x128xf32, #tpu.memory_space<vmem>>) dst(%dma_wait3A_46 : memref<256x128xf32, #tpu.memory_space<hbm>>)
          tpu.yield
        }) : () -> ()
        %scan3A_38 = arith.constant 0 : i32
        scf.yield %scan3A_38 : i32
      }
      %scan3A_15 = arith.constant 50 : i32
    } else {
    }
    return
  }
}

#map = affine_map<(d0, d1) -> (0, 0)>
#map1 = affine_map<(d0, d1) -> (0)>
module attributes {stable_mosaic.version = 14 : i64} {
  func.func @_scatter_sc(%arg0: i32, %arg1: i32, %arg2: memref<409600x128xf32, #tpu.memory_space<hbm>>, %arg3: memref<409600xi32, #tpu.memory_space<hbm>>, %arg4: memref<50000x128xbf16, #tpu.memory_space<hbm>>, %arg5: memref<128xi32, #tpu.memory_space<vmem>>, %arg6: memref<128xi32, #tpu.memory_space<vmem>>, %arg7: memref<128x128xf32, #tpu.memory_space<vmem>>, %arg8: memref<128x128xbf16, #tpu.memory_space<vmem>>, %arg9: memref<25088x128xbf16, #tpu.memory_space<vmem_shared>>) attributes {dimension_semantics = [#tpu.dimension_semantics<core_parallel>, #tpu.dimension_semantics<subcore_parallel>], iteration_bounds = array<i64: 2, 16>, scalar_prefetch = 0 : i64, scratch_operands = 5 : i64, tpu.core_type = #tpu.core_type<sc_vector_subcore>, window_params = [{transform_indices = #map}, {transform_indices = #map1}, {transform_indices = #map}]} {
    %mul3A = arith.constant 25000 : i32
    %mul3A_0 = arith.muli %arg0, %mul3A : i32
    %scan3A = arith.constant 0 : i32
    %scan3A_1 = arith.constant 0 : i32
    %scan3A_2 = arith.constant 128 : i32
    %scan3A_3 = arith.addi %scan3A_1, %scan3A_2 : i32
    %scan3A_4 = arith.constant 1 : i32
    %scan3A_5 = scf.for %scan3A_85 = %scan3A_1 to %scan3A_3 step %scan3A_4 iter_args(%scan3A_86 = %scan3A) -> (i32)  : i32 {
      %broadcast_in_dim3A = arith.constant 0.000000e+00 : bf16
      %broadcast_in_dim3A_87 = vector.broadcast %broadcast_in_dim3A : bf16 to vector<32xbf16>
      %swap3A = arith.index_cast %scan3A_85 : i32 to index
      %swap3A_88 = arith.constant 0 : index
      %swap3A_89 = tpu.vector_load %arg8[%swap3A, %swap3A_88] {strides = array<i32>} : memref<128x128xbf16, #tpu.memory_space<vmem>>, vector<32xbf16>,
      tpu.vector_store %arg8[%swap3A, %swap3A_88], %broadcast_in_dim3A_87 {strides = array<i32>} : memref<128x128xbf16, #tpu.memory_space<vmem>>, vector<32xbf16>,
      %broadcast_in_dim3A_90 = arith.constant 0.000000e+00 : bf16
      %broadcast_in_dim3A_91 = vector.broadcast %broadcast_in_dim3A_90 : bf16 to vector<32xbf16>
      %swap3A_92 = arith.index_cast %scan3A_85 : i32 to index
      %swap3A_93 = arith.constant 32 : index
      %swap3A_94 = tpu.vector_load %arg8[%swap3A_92, %swap3A_93] {strides = array<i32>} : memref<128x128xbf16, #tpu.memory_space<vmem>>, vector<32xbf16>,
      tpu.vector_store %arg8[%swap3A_92, %swap3A_93], %broadcast_in_dim3A_91 {strides = array<i32>} : memref<128x128xbf16, #tpu.memory_space<vmem>>, vector<32xbf16>,
      %broadcast_in_dim3A_95 = arith.constant 0.000000e+00 : bf16
      %broadcast_in_dim3A_96 = vector.broadcast %broadcast_in_dim3A_95 : bf16 to vector<32xbf16>
      %swap3A_97 = arith.index_cast %scan3A_85 : i32 to index
      %swap3A_98 = arith.constant 64 : index
      %swap3A_99 = tpu.vector_load %arg8[%swap3A_97, %swap3A_98] {strides = array<i32>} : memref<128x128xbf16, #tpu.memory_space<vmem>>, vector<32xbf16>,
      tpu.vector_store %arg8[%swap3A_97, %swap3A_98], %broadcast_in_dim3A_96 {strides = array<i32>} : memref<128x128xbf16, #tpu.memory_space<vmem>>, vector<32xbf16>,
      %broadcast_in_dim3A_100 = arith.constant 0.000000e+00 : bf16
      %broadcast_in_dim3A_101 = vector.broadcast %broadcast_in_dim3A_100 : bf16 to vector<32xbf16>
      %swap3A_102 = arith.index_cast %scan3A_85 : i32 to index
      %swap3A_103 = arith.constant 96 : index
      %swap3A_104 = tpu.vector_load %arg8[%swap3A_102, %swap3A_103] {strides = array<i32>} : memref<128x128xbf16, #tpu.memory_space<vmem>>, vector<32xbf16>,
      tpu.vector_store %arg8[%swap3A_102, %swap3A_103], %broadcast_in_dim3A_101 {strides = array<i32>} : memref<128x128xbf16, #tpu.memory_space<vmem>>, vector<32xbf16>,
      %scan3A_105 = arith.constant 0 : i32
      scf.yield %scan3A_105 : i32
    }
    %scan3A_6 = arith.constant 128 : i32
    %mul3A_7 = arith.constant 1568 : i32
    %mul3A_8 = arith.muli %arg1, %mul3A_7 : i32
    %add3A = arith.constant 0 : i32
    %add3A_9 = arith.addi %mul3A_8, %add3A : i32
    %multiple_of3A = tpu.assume_multiple %add3A_9, 8 : i32
    "tpu.region"() ({
      %run_scoped3A = tpu.sem_alloc : memref<!tpu.dma_semaphore, #tpu.memory_space<semaphore_mem>>
      %dma_start3A = arith.constant 0 : i32
      %dma_start3A_85 = tpu.memref_slice %arg9[%multiple_of3A, %dma_start3A] : memref<25088x128xbf16, #tpu.memory_space<vmem_shared>> -> memref<128x128xbf16, #tpu.memory_space<vmem_shared>>
      %dma_start3A_86 = arith.constant 0 : i32
      %dma_start3A_87 = tpu.memref_slice %arg9[%multiple_of3A, %dma_start3A_86] : memref<25088x128xbf16, #tpu.memory_space<vmem_shared>> -> memref<128x128xbf16, #tpu.memory_space<vmem_shared>>
      tpu.enqueue_dma source(%arg8 : memref<128x128xbf16, #tpu.memory_space<vmem>>) target(%dma_start3A_87 : memref<128x128xbf16, #tpu.memory_space<vmem_shared>>) target_semaphore(%run_scoped3A : memref<!tpu.dma_semaphore, #tpu.memory_space<semaphore_mem>>)
      %dma_wait3A = arith.constant 0 : i32
      %dma_wait3A_88 = tpu.memref_slice %arg9[%multiple_of3A, %dma_wait3A] : memref<25088x128xbf16, #tpu.memory_space<vmem_shared>> -> memref<128x128xbf16, #tpu.memory_space<vmem_shared>>
      %dma_wait3A_89 = arith.constant 0 : i32
      %dma_wait3A_90 = tpu.memref_slice %arg9[%multiple_of3A, %dma_wait3A_89] : memref<25088x128xbf16, #tpu.memory_space<vmem_shared>> -> memref<128x128xbf16, #tpu.memory_space<vmem_shared>>
      tpu.wait_dma2 semaphore(%run_scoped3A : memref<!tpu.dma_semaphore, #tpu.memory_space<semaphore_mem>>) src(%arg8 : memref<128x128xbf16, #tpu.memory_space<vmem>>) dst(%dma_wait3A_90 : memref<128x128xbf16, #tpu.memory_space<vmem_shared>>)
      tpu.yield
    }) : () -> ()
    %mul3A_10 = arith.constant 1568 : i32
    %mul3A_11 = arith.muli %arg1, %mul3A_10 : i32
    %add3A_12 = arith.constant 128 : i32
    %add3A_13 = arith.addi %mul3A_11, %add3A_12 : i32
    %multiple_of3A_14 = tpu.assume_multiple %add3A_13, 8 : i32
    "tpu.region"() ({
      %run_scoped3A = tpu.sem_alloc : memref<!tpu.dma_semaphore, #tpu.memory_space<semaphore_mem>>
      %dma_start3A = arith.constant 0 : i32
      %dma_start3A_85 = tpu.memref_slice %arg9[%multiple_of3A_14, %dma_start3A] : memref<25088x128xbf16, #tpu.memory_space<vmem_shared>> -> memref<128x128xbf16, #tpu.memory_space<vmem_shared>>
      %dma_start3A_86 = arith.constant 0 : i32
      %dma_start3A_87 = tpu.memref_slice %arg9[%multiple_of3A_14, %dma_start3A_86] : memref<25088x128xbf16, #tpu.memory_space<vmem_shared>> -> memref<128x128xbf16, #tpu.memory_space<vmem_shared>>
      tpu.enqueue_dma source(%arg8 : memref<128x128xbf16, #tpu.memory_space<vmem>>) target(%dma_start3A_87 : memref<128x128xbf16, #tpu.memory_space<vmem_shared>>) target_semaphore(%run_scoped3A : memref<!tpu.dma_semaphore, #tpu.memory_space<semaphore_mem>>)
      %dma_wait3A = arith.constant 0 : i32
      %dma_wait3A_88 = tpu.memref_slice %arg9[%multiple_of3A_14, %dma_wait3A] : memref<25088x128xbf16, #tpu.memory_space<vmem_shared>> -> memref<128x128xbf16, #tpu.memory_space<vmem_shared>>
      %dma_wait3A_89 = arith.constant 0 : i32
      %dma_wait3A_90 = tpu.memref_slice %arg9[%multiple_of3A_14, %dma_wait3A_89] : memref<25088x128xbf16, #tpu.memory_space<vmem_shared>> -> memref<128x128xbf16, #tpu.memory_space<vmem_shared>>
      tpu.wait_dma2 semaphore(%run_scoped3A : memref<!tpu.dma_semaphore, #tpu.memory_space<semaphore_mem>>) src(%arg8 : memref<128x128xbf16, #tpu.memory_space<vmem>>) dst(%dma_wait3A_90 : memref<128x128xbf16, #tpu.memory_space<vmem_shared>>)
      tpu.yield
    }) : () -> ()
    %mul3A_15 = arith.constant 1568 : i32
    %mul3A_16 = arith.muli %arg1, %mul3A_15 : i32
    %add3A_17 = arith.constant 256 : i32
    %add3A_18 = arith.addi %mul3A_16, %add3A_17 : i32
    %multiple_of3A_19 = tpu.assume_multiple %add3A_18, 8 : i32
    "tpu.region"() ({
      %run_scoped3A = tpu.sem_alloc : memref<!tpu.dma_semaphore, #tpu.memory_space<semaphore_mem>>
      %dma_start3A = arith.constant 0 : i32
      %dma_start3A_85 = tpu.memref_slice %arg9[%multiple_of3A_19, %dma_start3A] : memref<25088x128xbf16, #tpu.memory_space<vmem_shared>> -> memref<128x128xbf16, #tpu.memory_space<vmem_shared>>
      %dma_start3A_86 = arith.constant 0 : i32
      %dma_start3A_87 = tpu.memref_slice %arg9[%multiple_of3A_19, %dma_start3A_86] : memref<25088x128xbf16, #tpu.memory_space<vmem_shared>> -> memref<128x128xbf16, #tpu.memory_space<vmem_shared>>
      tpu.enqueue_dma source(%arg8 : memref<128x128xbf16, #tpu.memory_space<vmem>>) target(%dma_start3A_87 : memref<128x128xbf16, #tpu.memory_space<vmem_shared>>) target_semaphore(%run_scoped3A : memref<!tpu.dma_semaphore, #tpu.memory_space<semaphore_mem>>)
      %dma_wait3A = arith.constant 0 : i32
      %dma_wait3A_88 = tpu.memref_slice %arg9[%multiple_of3A_19, %dma_wait3A] : memref<25088x128xbf16, #tpu.memory_space<vmem_shared>> -> memref<128x128xbf16, #tpu.memory_space<vmem_shared>>
      %dma_wait3A_89 = arith.constant 0 : i32
      %dma_wait3A_90 = tpu.memref_slice %arg9[%multiple_of3A_19, %dma_wait3A_89] : memref<25088x128xbf16, #tpu.memory_space<vmem_shared>> -> memref<128x128xbf16, #tpu.memory_space<vmem_shared>>
      tpu.wait_dma2 semaphore(%run_scoped3A : memref<!tpu.dma_semaphore, #tpu.memory_space<semaphore_mem>>) src(%arg8 : memref<128x128xbf16, #tpu.memory_space<vmem>>) dst(%dma_wait3A_90 : memref<128x128xbf16, #tpu.memory_space<vmem_shared>>)
      tpu.yield
    }) : () -> ()
    %mul3A_20 = arith.constant 1568 : i32
    %mul3A_21 = arith.muli %arg1, %mul3A_20 : i32
    %add3A_22 = arith.constant 384 : i32
    %add3A_23 = arith.addi %mul3A_21, %add3A_22 : i32
    %multiple_of3A_24 = tpu.assume_multiple %add3A_23, 8 : i32
    "tpu.region"() ({
      %run_scoped3A = tpu.sem_alloc : memref<!tpu.dma_semaphore, #tpu.memory_space<semaphore_mem>>
      %dma_start3A = arith.constant 0 : i32
      %dma_start3A_85 = tpu.memref_slice %arg9[%multiple_of3A_24, %dma_start3A] : memref<25088x128xbf16, #tpu.memory_space<vmem_shared>> -> memref<128x128xbf16, #tpu.memory_space<vmem_shared>>
      %dma_start3A_86 = arith.constant 0 : i32
      %dma_start3A_87 = tpu.memref_slice %arg9[%multiple_of3A_24, %dma_start3A_86] : memref<25088x128xbf16, #tpu.memory_space<vmem_shared>> -> memref<128x128xbf16, #tpu.memory_space<vmem_shared>>
      tpu.enqueue_dma source(%arg8 : memref<128x128xbf16, #tpu.memory_space<vmem>>) target(%dma_start3A_87 : memref<128x128xbf16, #tpu.memory_space<vmem_shared>>) target_semaphore(%run_scoped3A : memref<!tpu.dma_semaphore, #tpu.memory_space<semaphore_mem>>)
      %dma_wait3A = arith.constant 0 : i32
      %dma_wait3A_88 = tpu.memref_slice %arg9[%multiple_of3A_24, %dma_wait3A] : memref<25088x128xbf16, #tpu.memory_space<vmem_shared>> -> memref<128x128xbf16, #tpu.memory_space<vmem_shared>>
      %dma_wait3A_89 = arith.constant 0 : i32
      %dma_wait3A_90 = tpu.memref_slice %arg9[%multiple_of3A_24, %dma_wait3A_89] : memref<25088x128xbf16, #tpu.memory_space<vmem_shared>> -> memref<128x128xbf16, #tpu.memory_space<vmem_shared>>
      tpu.wait_dma2 semaphore(%run_scoped3A : memref<!tpu.dma_semaphore, #tpu.memory_space<semaphore_mem>>) src(%arg8 : memref<128x128xbf16, #tpu.memory_space<vmem>>) dst(%dma_wait3A_90 : memref<128x128xbf16, #tpu.memory_space<vmem_shared>>)
      tpu.yield
    }) : () -> ()
    %mul3A_25 = arith.constant 1568 : i32
    %mul3A_26 = arith.muli %arg1, %mul3A_25 : i32
    %add3A_27 = arith.constant 512 : i32
    %add3A_28 = arith.addi %mul3A_26, %add3A_27 : i32
    %multiple_of3A_29 = tpu.assume_multiple %add3A_28, 8 : i32
    "tpu.region"() ({
      %run_scoped3A = tpu.sem_alloc : memref<!tpu.dma_semaphore, #tpu.memory_space<semaphore_mem>>
      %dma_start3A = arith.constant 0 : i32
      %dma_start3A_85 = tpu.memref_slice %arg9[%multiple_of3A_29, %dma_start3A] : memref<25088x128xbf16, #tpu.memory_space<vmem_shared>> -> memref<128x128xbf16, #tpu.memory_space<vmem_shared>>
      %dma_start3A_86 = arith.constant 0 : i32
      %dma_start3A_87 = tpu.memref_slice %arg9[%multiple_of3A_29, %dma_start3A_86] : memref<25088x128xbf16, #tpu.memory_space<vmem_shared>> -> memref<128x128xbf16, #tpu.memory_space<vmem_shared>>
      tpu.enqueue_dma source(%arg8 : memref<128x128xbf16, #tpu.memory_space<vmem>>) target(%dma_start3A_87 : memref<128x128xbf16, #tpu.memory_space<vmem_shared>>) target_semaphore(%run_scoped3A : memref<!tpu.dma_semaphore, #tpu.memory_space<semaphore_mem>>)
      %dma_wait3A = arith.constant 0 : i32
      %dma_wait3A_88 = tpu.memref_slice %arg9[%multiple_of3A_29, %dma_wait3A] : memref<25088x128xbf16, #tpu.memory_space<vmem_shared>> -> memref<128x128xbf16, #tpu.memory_space<vmem_shared>>
      %dma_wait3A_89 = arith.constant 0 : i32
      %dma_wait3A_90 = tpu.memref_slice %arg9[%multiple_of3A_29, %dma_wait3A_89] : memref<25088x128xbf16, #tpu.memory_space<vmem_shared>> -> memref<128x128xbf16, #tpu.memory_space<vmem_shared>>
      tpu.wait_dma2 semaphore(%run_scoped3A : memref<!tpu.dma_semaphore, #tpu.memory_space<semaphore_mem>>) src(%arg8 : memref<128x128xbf16, #tpu.memory_space<vmem>>) dst(%dma_wait3A_90 : memref<128x128xbf16, #tpu.memory_space<vmem_shared>>)
      tpu.yield
    }) : () -> ()
    %mul3A_30 = arith.constant 1568 : i32
    %mul3A_31 = arith.muli %arg1, %mul3A_30 : i32
    %add3A_32 = arith.constant 640 : i32
    %add3A_33 = arith.addi %mul3A_31, %add3A_32 : i32
    %multiple_of3A_34 = tpu.assume_multiple %add3A_33, 8 : i32
    "tpu.region"() ({
      %run_scoped3A = tpu.sem_alloc : memref<!tpu.dma_semaphore, #tpu.memory_space<semaphore_mem>>
      %dma_start3A = arith.constant 0 : i32
      %dma_start3A_85 = tpu.memref_slice %arg9[%multiple_of3A_34, %dma_start3A] : memref<25088x128xbf16, #tpu.memory_space<vmem_shared>> -> memref<128x128xbf16, #tpu.memory_space<vmem_shared>>
      %dma_start3A_86 = arith.constant 0 : i32
      %dma_start3A_87 = tpu.memref_slice %arg9[%multiple_of3A_34, %dma_start3A_86] : memref<25088x128xbf16, #tpu.memory_space<vmem_shared>> -> memref<128x128xbf16, #tpu.memory_space<vmem_shared>>
      tpu.enqueue_dma source(%arg8 : memref<128x128xbf16, #tpu.memory_space<vmem>>) target(%dma_start3A_87 : memref<128x128xbf16, #tpu.memory_space<vmem_shared>>) target_semaphore(%run_scoped3A : memref<!tpu.dma_semaphore, #tpu.memory_space<semaphore_mem>>)
      %dma_wait3A = arith.constant 0 : i32
      %dma_wait3A_88 = tpu.memref_slice %arg9[%multiple_of3A_34, %dma_wait3A] : memref<25088x128xbf16, #tpu.memory_space<vmem_shared>> -> memref<128x128xbf16, #tpu.memory_space<vmem_shared>>
      %dma_wait3A_89 = arith.constant 0 : i32
      %dma_wait3A_90 = tpu.memref_slice %arg9[%multiple_of3A_34, %dma_wait3A_89] : memref<25088x128xbf16, #tpu.memory_space<vmem_shared>> -> memref<128x128xbf16, #tpu.memory_space<vmem_shared>>
      tpu.wait_dma2 semaphore(%run_scoped3A : memref<!tpu.dma_semaphore, #tpu.memory_space<semaphore_mem>>) src(%arg8 : memref<128x128xbf16, #tpu.memory_space<vmem>>) dst(%dma_wait3A_90 : memref<128x128xbf16, #tpu.memory_space<vmem_shared>>)
      tpu.yield
    }) : () -> ()
    %mul3A_35 = arith.constant 1568 : i32
    %mul3A_36 = arith.muli %arg1, %mul3A_35 : i32
    %add3A_37 = arith.constant 768 : i32
    %add3A_38 = arith.addi %mul3A_36, %add3A_37 : i32
    %multiple_of3A_39 = tpu.assume_multiple %add3A_38, 8 : i32
    "tpu.region"() ({
      %run_scoped3A = tpu.sem_alloc : memref<!tpu.dma_semaphore, #tpu.memory_space<semaphore_mem>>
      %dma_start3A = arith.constant 0 : i32
      %dma_start3A_85 = tpu.memref_slice %arg9[%multiple_of3A_39, %dma_start3A] : memref<25088x128xbf16, #tpu.memory_space<vmem_shared>> -> memref<128x128xbf16, #tpu.memory_space<vmem_shared>>
      %dma_start3A_86 = arith.constant 0 : i32
      %dma_start3A_87 = tpu.memref_slice %arg9[%multiple_of3A_39, %dma_start3A_86] : memref<25088x128xbf16, #tpu.memory_space<vmem_shared>> -> memref<128x128xbf16, #tpu.memory_space<vmem_shared>>
      tpu.enqueue_dma source(%arg8 : memref<128x128xbf16, #tpu.memory_space<vmem>>) target(%dma_start3A_87 : memref<128x128xbf16, #tpu.memory_space<vmem_shared>>) target_semaphore(%run_scoped3A : memref<!tpu.dma_semaphore, #tpu.memory_space<semaphore_mem>>)
      %dma_wait3A = arith.constant 0 : i32
      %dma_wait3A_88 = tpu.memref_slice %arg9[%multiple_of3A_39, %dma_wait3A] : memref<25088x128xbf16, #tpu.memory_space<vmem_shared>> -> memref<128x128xbf16, #tpu.memory_space<vmem_shared>>
      %dma_wait3A_89 = arith.constant 0 : i32
      %dma_wait3A_90 = tpu.memref_slice %arg9[%multiple_of3A_39, %dma_wait3A_89] : memref<25088x128xbf16, #tpu.memory_space<vmem_shared>> -> memref<128x128xbf16, #tpu.memory_space<vmem_shared>>
      tpu.wait_dma2 semaphore(%run_scoped3A : memref<!tpu.dma_semaphore, #tpu.memory_space<semaphore_mem>>) src(%arg8 : memref<128x128xbf16, #tpu.memory_space<vmem>>) dst(%dma_wait3A_90 : memref<128x128xbf16, #tpu.memory_space<vmem_shared>>)
      tpu.yield
    }) : () -> ()
    %mul3A_40 = arith.constant 1568 : i32
    %mul3A_41 = arith.muli %arg1, %mul3A_40 : i32
    %add3A_42 = arith.constant 896 : i32
    %add3A_43 = arith.addi %mul3A_41, %add3A_42 : i32
    %multiple_of3A_44 = tpu.assume_multiple %add3A_43, 8 : i32
    "tpu.region"() ({
      %run_scoped3A = tpu.sem_alloc : memref<!tpu.dma_semaphore, #tpu.memory_space<semaphore_mem>>
      %dma_start3A = arith.constant 0 : i32
      %dma_start3A_85 = tpu.memref_slice %arg9[%multiple_of3A_44, %dma_start3A] : memref<25088x128xbf16, #tpu.memory_space<vmem_shared>> -> memref<128x128xbf16, #tpu.memory_space<vmem_shared>>
      %dma_start3A_86 = arith.constant 0 : i32
      %dma_start3A_87 = tpu.memref_slice %arg9[%multiple_of3A_44, %dma_start3A_86] : memref<25088x128xbf16, #tpu.memory_space<vmem_shared>> -> memref<128x128xbf16, #tpu.memory_space<vmem_shared>>
      tpu.enqueue_dma source(%arg8 : memref<128x128xbf16, #tpu.memory_space<vmem>>) target(%dma_start3A_87 : memref<128x128xbf16, #tpu.memory_space<vmem_shared>>) target_semaphore(%run_scoped3A : memref<!tpu.dma_semaphore, #tpu.memory_space<semaphore_mem>>)
      %dma_wait3A = arith.constant 0 : i32
      %dma_wait3A_88 = tpu.memref_slice %arg9[%multiple_of3A_44, %dma_wait3A] : memref<25088x128xbf16, #tpu.memory_space<vmem_shared>> -> memref<128x128xbf16, #tpu.memory_space<vmem_shared>>
      %dma_wait3A_89 = arith.constant 0 : i32
      %dma_wait3A_90 = tpu.memref_slice %arg9[%multiple_of3A_44, %dma_wait3A_89] : memref<25088x128xbf16, #tpu.memory_space<vmem_shared>> -> memref<128x128xbf16, #tpu.memory_space<vmem_shared>>
      tpu.wait_dma2 semaphore(%run_scoped3A : memref<!tpu.dma_semaphore, #tpu.memory_space<semaphore_mem>>) src(%arg8 : memref<128x128xbf16, #tpu.memory_space<vmem>>) dst(%dma_wait3A_90 : memref<128x128xbf16, #tpu.memory_space<vmem_shared>>)
      tpu.yield
    }) : () -> ()
    %mul3A_45 = arith.constant 1568 : i32
    %mul3A_46 = arith.muli %arg1, %mul3A_45 : i32
    %add3A_47 = arith.constant 1024 : i32
    %add3A_48 = arith.addi %mul3A_46, %add3A_47 : i32
    %multiple_of3A_49 = tpu.assume_multiple %add3A_48, 8 : i32
    "tpu.region"() ({
      %run_scoped3A = tpu.sem_alloc : memref<!tpu.dma_semaphore, #tpu.memory_space<semaphore_mem>>
      %dma_start3A = arith.constant 0 : i32
      %dma_start3A_85 = tpu.memref_slice %arg9[%multiple_of3A_49, %dma_start3A] : memref<25088x128xbf16, #tpu.memory_space<vmem_shared>> -> memref<128x128xbf16, #tpu.memory_space<vmem_shared>>
      %dma_start3A_86 = arith.constant 0 : i32
      %dma_start3A_87 = tpu.memref_slice %arg9[%multiple_of3A_49, %dma_start3A_86] : memref<25088x128xbf16, #tpu.memory_space<vmem_shared>> -> memref<128x128xbf16, #tpu.memory_space<vmem_shared>>
      tpu.enqueue_dma source(%arg8 : memref<128x128xbf16, #tpu.memory_space<vmem>>) target(%dma_start3A_87 : memref<128x128xbf16, #tpu.memory_space<vmem_shared>>) target_semaphore(%run_scoped3A : memref<!tpu.dma_semaphore, #tpu.memory_space<semaphore_mem>>)
      %dma_wait3A = arith.constant 0 : i32
      %dma_wait3A_88 = tpu.memref_slice %arg9[%multiple_of3A_49, %dma_wait3A] : memref<25088x128xbf16, #tpu.memory_space<vmem_shared>> -> memref<128x128xbf16, #tpu.memory_space<vmem_shared>>
      %dma_wait3A_89 = arith.constant 0 : i32
      %dma_wait3A_90 = tpu.memref_slice %arg9[%multiple_of3A_49, %dma_wait3A_89] : memref<25088x128xbf16, #tpu.memory_space<vmem_shared>> -> memref<128x128xbf16, #tpu.memory_space<vmem_shared>>
      tpu.wait_dma2 semaphore(%run_scoped3A : memref<!tpu.dma_semaphore, #tpu.memory_space<semaphore_mem>>) src(%arg8 : memref<128x128xbf16, #tpu.memory_space<vmem>>) dst(%dma_wait3A_90 : memref<128x128xbf16, #tpu.memory_space<vmem_shared>>)
      tpu.yield
    }) : () -> ()
    %mul3A_50 = arith.constant 1568 : i32
    %mul3A_51 = arith.muli %arg1, %mul3A_50 : i32
    %add3A_52 = arith.constant 1152 : i32
    %add3A_53 = arith.addi %mul3A_51, %add3A_52 : i32
    %multiple_of3A_54 = tpu.assume_multiple %add3A_53, 8 : i32
    "tpu.region"() ({
      %run_scoped3A = tpu.sem_alloc : memref<!tpu.dma_semaphore, #tpu.memory_space<semaphore_mem>>
      %dma_start3A = arith.constant 0 : i32
      %dma_start3A_85 = tpu.memref_slice %arg9[%multiple_of3A_54, %dma_start3A] : memref<25088x128xbf16, #tpu.memory_space<vmem_shared>> -> memref<128x128xbf16, #tpu.memory_space<vmem_shared>>
      %dma_start3A_86 = arith.constant 0 : i32
      %dma_start3A_87 = tpu.memref_slice %arg9[%multiple_of3A_54, %dma_start3A_86] : memref<25088x128xbf16, #tpu.memory_space<vmem_shared>> -> memref<128x128xbf16, #tpu.memory_space<vmem_shared>>
      tpu.enqueue_dma source(%arg8 : memref<128x128xbf16, #tpu.memory_space<vmem>>) target(%dma_start3A_87 : memref<128x128xbf16, #tpu.memory_space<vmem_shared>>) target_semaphore(%run_scoped3A : memref<!tpu.dma_semaphore, #tpu.memory_space<semaphore_mem>>)
      %dma_wait3A = arith.constant 0 : i32
      %dma_wait3A_88 = tpu.memref_slice %arg9[%multiple_of3A_54, %dma_wait3A] : memref<25088x128xbf16, #tpu.memory_space<vmem_shared>> -> memref<128x128xbf16, #tpu.memory_space<vmem_shared>>
      %dma_wait3A_89 = arith.constant 0 : i32
      %dma_wait3A_90 = tpu.memref_slice %arg9[%multiple_of3A_54, %dma_wait3A_89] : memref<25088x128xbf16, #tpu.memory_space<vmem_shared>> -> memref<128x128xbf16, #tpu.memory_space<vmem_shared>>
      tpu.wait_dma2 semaphore(%run_scoped3A : memref<!tpu.dma_semaphore, #tpu.memory_space<semaphore_mem>>) src(%arg8 : memref<128x128xbf16, #tpu.memory_space<vmem>>) dst(%dma_wait3A_90 : memref<128x128xbf16, #tpu.memory_space<vmem_shared>>)
      tpu.yield
    }) : () -> ()
    %mul3A_55 = arith.constant 1568 : i32
    %mul3A_56 = arith.muli %arg1, %mul3A_55 : i32
    %add3A_57 = arith.constant 1280 : i32
    %add3A_58 = arith.addi %mul3A_56, %add3A_57 : i32
    %multiple_of3A_59 = tpu.assume_multiple %add3A_58, 8 : i32
    "tpu.region"() ({
      %run_scoped3A = tpu.sem_alloc : memref<!tpu.dma_semaphore, #tpu.memory_space<semaphore_mem>>
      %dma_start3A = arith.constant 0 : i32
      %dma_start3A_85 = tpu.memref_slice %arg9[%multiple_of3A_59, %dma_start3A] : memref<25088x128xbf16, #tpu.memory_space<vmem_shared>> -> memref<128x128xbf16, #tpu.memory_space<vmem_shared>>
      %dma_start3A_86 = arith.constant 0 : i32
      %dma_start3A_87 = tpu.memref_slice %arg9[%multiple_of3A_59, %dma_start3A_86] : memref<25088x128xbf16, #tpu.memory_space<vmem_shared>> -> memref<128x128xbf16, #tpu.memory_space<vmem_shared>>
      tpu.enqueue_dma source(%arg8 : memref<128x128xbf16, #tpu.memory_space<vmem>>) target(%dma_start3A_87 : memref<128x128xbf16, #tpu.memory_space<vmem_shared>>) target_semaphore(%run_scoped3A : memref<!tpu.dma_semaphore, #tpu.memory_space<semaphore_mem>>)
      %dma_wait3A = arith.constant 0 : i32
      %dma_wait3A_88 = tpu.memref_slice %arg9[%multiple_of3A_59, %dma_wait3A] : memref<25088x128xbf16, #tpu.memory_space<vmem_shared>> -> memref<128x128xbf16, #tpu.memory_space<vmem_shared>>
      %dma_wait3A_89 = arith.constant 0 : i32
      %dma_wait3A_90 = tpu.memref_slice %arg9[%multiple_of3A_59, %dma_wait3A_89] : memref<25088x128xbf16, #tpu.memory_space<vmem_shared>> -> memref<128x128xbf16, #tpu.memory_space<vmem_shared>>
      tpu.wait_dma2 semaphore(%run_scoped3A : memref<!tpu.dma_semaphore, #tpu.memory_space<semaphore_mem>>) src(%arg8 : memref<128x128xbf16, #tpu.memory_space<vmem>>) dst(%dma_wait3A_90 : memref<128x128xbf16, #tpu.memory_space<vmem_shared>>)
      tpu.yield
    }) : () -> ()
    %mul3A_60 = arith.constant 1568 : i32
    %mul3A_61 = arith.muli %arg1, %mul3A_60 : i32
    %add3A_62 = arith.constant 1408 : i32
    %add3A_63 = arith.addi %mul3A_61, %add3A_62 : i32
    %multiple_of3A_64 = tpu.assume_multiple %add3A_63, 8 : i32
    "tpu.region"() ({
      %run_scoped3A = tpu.sem_alloc : memref<!tpu.dma_semaphore, #tpu.memory_space<semaphore_mem>>
      %dma_start3A = arith.constant 0 : i32
      %dma_start3A_85 = tpu.memref_slice %arg9[%multiple_of3A_64, %dma_start3A] : memref<25088x128xbf16, #tpu.memory_space<vmem_shared>> -> memref<128x128xbf16, #tpu.memory_space<vmem_shared>>
      %dma_start3A_86 = arith.constant 0 : i32
      %dma_start3A_87 = tpu.memref_slice %arg9[%multiple_of3A_64, %dma_start3A_86] : memref<25088x128xbf16, #tpu.memory_space<vmem_shared>> -> memref<128x128xbf16, #tpu.memory_space<vmem_shared>>
      tpu.enqueue_dma source(%arg8 : memref<128x128xbf16, #tpu.memory_space<vmem>>) target(%dma_start3A_87 : memref<128x128xbf16, #tpu.memory_space<vmem_shared>>) target_semaphore(%run_scoped3A : memref<!tpu.dma_semaphore, #tpu.memory_space<semaphore_mem>>)
      %dma_wait3A = arith.constant 0 : i32
      %dma_wait3A_88 = tpu.memref_slice %arg9[%multiple_of3A_64, %dma_wait3A] : memref<25088x128xbf16, #tpu.memory_space<vmem_shared>> -> memref<128x128xbf16, #tpu.memory_space<vmem_shared>>
      %dma_wait3A_89 = arith.constant 0 : i32
      %dma_wait3A_90 = tpu.memref_slice %arg9[%multiple_of3A_64, %dma_wait3A_89] : memref<25088x128xbf16, #tpu.memory_space<vmem_shared>> -> memref<128x128xbf16, #tpu.memory_space<vmem_shared>>
      tpu.wait_dma2 semaphore(%run_scoped3A : memref<!tpu.dma_semaphore, #tpu.memory_space<semaphore_mem>>) src(%arg8 : memref<128x128xbf16, #tpu.memory_space<vmem>>) dst(%dma_wait3A_90 : memref<128x128xbf16, #tpu.memory_space<vmem_shared>>)
      tpu.yield
    }) : () -> ()
    %mul3A_65 = arith.constant 1568 : i32
    %mul3A_66 = arith.muli %arg1, %mul3A_65 : i32
    %add3A_67 = arith.constant 1536 : i32
    %add3A_68 = arith.addi %mul3A_66, %add3A_67 : i32
    %multiple_of3A_69 = tpu.assume_multiple %add3A_68, 8 : i32
    "tpu.region"() ({
      %run_scoped3A = tpu.sem_alloc : memref<!tpu.dma_semaphore, #tpu.memory_space<semaphore_mem>>
      %dma_start3A = arith.constant 0 : i32
      %dma_start3A_85 = arith.constant 0 : i32
      %dma_start3A_86 = tpu.memref_slice %arg8[%dma_start3A, %dma_start3A_85] : memref<128x128xbf16, #tpu.memory_space<vmem>> -> memref<32x128xbf16, #tpu.memory_space<vmem>>
      %dma_start3A_87 = arith.constant 0 : i32
      %dma_start3A_88 = tpu.memref_slice %arg9[%multiple_of3A_69, %dma_start3A_87] : memref<25088x128xbf16, #tpu.memory_space<vmem_shared>> -> memref<32x128xbf16, #tpu.memory_space<vmem_shared>>
      %dma_start3A_89 = arith.constant 0 : i32
      %dma_start3A_90 = tpu.memref_slice %arg9[%multiple_of3A_69, %dma_start3A_89] : memref<25088x128xbf16, #tpu.memory_space<vmem_shared>> -> memref<32x128xbf16, #tpu.memory_space<vmem_shared>>
      %dma_start3A_91 = arith.constant 0 : i32
      %dma_start3A_92 = arith.constant 0 : i32
      %dma_start3A_93 = tpu.memref_slice %arg8[%dma_start3A_91, %dma_start3A_92] : memref<128x128xbf16, #tpu.memory_space<vmem>> -> memref<32x128xbf16, #tpu.memory_space<vmem>>
      tpu.enqueue_dma source(%dma_start3A_93 : memref<32x128xbf16, #tpu.memory_space<vmem>>) target(%dma_start3A_90 : memref<32x128xbf16, #tpu.memory_space<vmem_shared>>) target_semaphore(%run_scoped3A : memref<!tpu.dma_semaphore, #tpu.memory_space<semaphore_mem>>)
      %dma_wait3A = arith.constant 0 : i32
      %dma_wait3A_94 = arith.constant 0 : i32
      %dma_wait3A_95 = tpu.memref_slice %arg8[%dma_wait3A, %dma_wait3A_94] : memref<128x128xbf16, #tpu.memory_space<vmem>> -> memref<32x128xbf16, #tpu.memory_space<vmem>>
      %dma_wait3A_96 = arith.constant 0 : i32
      %dma_wait3A_97 = tpu.memref_slice %arg9[%multiple_of3A_69, %dma_wait3A_96] : memref<25088x128xbf16, #tpu.memory_space<vmem_shared>> -> memref<32x128xbf16, #tpu.memory_space<vmem_shared>>
      %dma_wait3A_98 = arith.constant 0 : i32
      %dma_wait3A_99 = tpu.memref_slice %arg9[%multiple_of3A_69, %dma_wait3A_98] : memref<25088x128xbf16, #tpu.memory_space<vmem_shared>> -> memref<32x128xbf16, #tpu.memory_space<vmem_shared>>
      %dma_wait3A_100 = arith.constant 0 : i32
      %dma_wait3A_101 = arith.constant 0 : i32
      %dma_wait3A_102 = tpu.memref_slice %arg8[%dma_wait3A_100, %dma_wait3A_101] : memref<128x128xbf16, #tpu.memory_space<vmem>> -> memref<32x128xbf16, #tpu.memory_space<vmem>>
      tpu.wait_dma2 semaphore(%run_scoped3A : memref<!tpu.dma_semaphore, #tpu.memory_space<semaphore_mem>>) src(%dma_wait3A_102 : memref<32x128xbf16, #tpu.memory_space<vmem>>) dst(%dma_wait3A_99 : memref<32x128xbf16, #tpu.memory_space<vmem_shared>>)
      tpu.yield
    }) : () -> ()
    %barrier3A = arith.constant 0 : index
    tpu.barrier barrier_id(%barrier3A)
    %scan3A_70 = arith.constant 0 : i32
    %scan3A_71 = arith.constant 0 : i32
    %scan3A_72 = arith.constant 200 : i32
    %scan3A_73 = arith.addi %scan3A_71, %scan3A_72 : i32
    %scan3A_74 = arith.constant 1 : i32
    %scan3A_75 = scf.for %scan3A_85 = %scan3A_71 to %scan3A_73 step %scan3A_74 iter_args(%scan3A_86 = %scan3A_70) -> (i32)  : i32 {
      %mul3A_87 = arith.constant 25600 : i32
      %mul3A_88 = arith.muli %arg1, %mul3A_87 : i32
      %mul3A_89 = arith.constant 128 : i32
      %mul3A_90 = arith.muli %scan3A_85, %mul3A_89 : i32
      %add3A_91 = arith.addi %mul3A_88, %mul3A_90 : i32
      %multiple_of3A_92 = tpu.assume_multiple %add3A_91, 8 : i32
      "tpu.region"() ({
        %run_scoped3A = tpu.sem_alloc : memref<!tpu.dma_semaphore, #tpu.memory_space<semaphore_mem>>
        %dma_start3A = tpu.memref_slice %arg3[%multiple_of3A_92] : memref<409600xi32, #tpu.memory_space<hbm>> -> memref<128xi32, #tpu.memory_space<hbm>>
        %dma_start3A_108 = tpu.memref_slice %arg3[%multiple_of3A_92] : memref<409600xi32, #tpu.memory_space<hbm>> -> memref<128xi32, #tpu.memory_space<hbm>>
        tpu.enqueue_dma source(%dma_start3A_108 : memref<128xi32, #tpu.memory_space<hbm>>) target(%arg5 : memref<128xi32, #tpu.memory_space<vmem>>) target_semaphore(%run_scoped3A : memref<!tpu.dma_semaphore, #tpu.memory_space<semaphore_mem>>)
        %dma_wait3A = tpu.memref_slice %arg3[%multiple_of3A_92] : memref<409600xi32, #tpu.memory_space<hbm>> -> memref<128xi32, #tpu.memory_space<hbm>>
        %dma_wait3A_109 = tpu.memref_slice %arg3[%multiple_of3A_92] : memref<409600xi32, #tpu.memory_space<hbm>> -> memref<128xi32, #tpu.memory_space<hbm>>
        tpu.wait_dma2 semaphore(%run_scoped3A : memref<!tpu.dma_semaphore, #tpu.memory_space<semaphore_mem>>) src(%dma_wait3A_109 : memref<128xi32, #tpu.memory_space<hbm>>) dst(%arg5 : memref<128xi32, #tpu.memory_space<vmem>>)
        tpu.yield
      }) : () -> ()
      %scan3A_93 = arith.constant 0 : i32
      %scan3A_94 = arith.constant 0 : i32
      %scan3A_95 = arith.constant 8 : i32
      %scan3A_96 = arith.addi %scan3A_94, %scan3A_95 : i32
      %scan3A_97 = arith.constant 1 : i32
      %scan3A_98 = scf.for %scan3A_108 = %scan3A_94 to %scan3A_96 step %scan3A_97 iter_args(%scan3A_109 = %scan3A_93) -> (i32)  : i32 {
        %mul3A_110 = arith.constant 16 : i32
        %mul3A_111 = arith.muli %scan3A_108, %mul3A_110 : i32
        %get3A = arith.index_cast %mul3A_111 : i32 to index
        %get3A_112 = tpu.vector_load %arg5[%get3A] {strides = array<i32>} : memref<128xi32, #tpu.memory_space<vmem>>, vector<16xi32>,
        %sub3A = vector.broadcast %mul3A_0 : i32 to vector<16xi32>
        %sub3A_113 = arith.subi %get3A_112, %sub3A : vector<16xi32>
        %ge3A = arith.constant 0 : i32
        %ge3A_114 = vector.broadcast %ge3A : i32 to vector<16xi32>
        %ge3A_115 = arith.cmpi sge, %sub3A_113, %ge3A_114 : vector<16xi32>
        %lt3A = arith.constant 25000 : i32
        %lt3A_116 = vector.broadcast %lt3A : i32 to vector<16xi32>
        %lt3A_117 = arith.cmpi slt, %sub3A_113, %lt3A_116 : vector<16xi32>
        %and3A = arith.andi %ge3A_115, %lt3A_117 : vector<16xi1>
        %jit3A = arith.constant 25000 : i32
        %broadcast_in_dim3A = vector.broadcast %jit3A : i32 to vector<16xi32>
        %select_n3A = arith.select %and3A, %sub3A_113, %broadcast_in_dim3A : vector<16xi1>, vector<16xi32>
        %mul3A_118 = arith.constant 16 : i32
        %mul3A_119 = arith.muli %scan3A_108, %mul3A_118 : i32
        %swap3A = arith.index_cast %mul3A_119 : i32 to index
        %swap3A_120 = tpu.vector_load %arg6[%swap3A] {strides = array<i32>} : memref<128xi32, #tpu.memory_space<vmem>>, vector<16xi32>,
        tpu.vector_store %arg6[%swap3A], %select_n3A {strides = array<i32>} : memref<128xi32, #tpu.memory_space<vmem>>, vector<16xi32>,
        %scan3A_121 = arith.constant 0 : i32
        scf.yield %scan3A_121 : i32
      }
      %scan3A_99 = arith.constant 8 : i32
      "tpu.region"() ({
        %run_scoped3A = tpu.sem_alloc : memref<!tpu.dma_semaphore, #tpu.memory_space<semaphore_mem>>
        %dma_start3A = arith.constant 0 : i32
        %dma_start3A_108 = tpu.memref_slice %arg2[%multiple_of3A_92, %dma_start3A] : memref<409600x128xf32, #tpu.memory_space<hbm>> -> memref<128x128xf32, #tpu.memory_space<hbm>>
        %dma_start3A_109 = arith.constant 0 : i32
        %dma_start3A_110 = tpu.memref_slice %arg2[%multiple_of3A_92, %dma_start3A_109] : memref<409600x128xf32, #tpu.memory_space<hbm>> -> memref<128x128xf32, #tpu.memory_space<hbm>>
        tpu.enqueue_dma source(%dma_start3A_110 : memref<128x128xf32, #tpu.memory_space<hbm>>) target(%arg7 : memref<128x128xf32, #tpu.memory_space<vmem>>) target_semaphore(%run_scoped3A : memref<!tpu.dma_semaphore, #tpu.memory_space<semaphore_mem>>)
        %dma_wait3A = arith.constant 0 : i32
        %dma_wait3A_111 = tpu.memref_slice %arg2[%multiple_of3A_92, %dma_wait3A] : memref<409600x128xf32, #tpu.memory_space<hbm>> -> memref<128x128xf32, #tpu.memory_space<hbm>>
        %dma_wait3A_112 = arith.constant 0 : i32
        %dma_wait3A_113 = tpu.memref_slice %arg2[%multiple_of3A_92, %dma_wait3A_112] : memref<409600x128xf32, #tpu.memory_space<hbm>> -> memref<128x128xf32, #tpu.memory_space<hbm>>
        tpu.wait_dma2 semaphore(%run_scoped3A : memref<!tpu.dma_semaphore, #tpu.memory_space<semaphore_mem>>) src(%dma_wait3A_113 : memref<128x128xf32, #tpu.memory_space<hbm>>) dst(%arg7 : memref<128x128xf32, #tpu.memory_space<vmem>>)
        tpu.yield
      }) : () -> ()
      %scan3A_100 = arith.constant 0 : i32
      %scan3A_101 = arith.constant 0 : i32
      %scan3A_102 = arith.constant 128 : i32
      %scan3A_103 = arith.addi %scan3A_101, %scan3A_102 : i32
      %scan3A_104 = arith.constant 1 : i32
      %scan3A_105 = scf.for %scan3A_108 = %scan3A_101 to %scan3A_103 step %scan3A_104 iter_args(%scan3A_109 = %scan3A_100) -> (i32)  : i32 {
        %get3A = arith.index_cast %scan3A_108 : i32 to index
        %get3A_110 = arith.constant 0 : index
        %get3A_111 = tpu.vector_load %arg7[%get3A, %get3A_110] {strides = array<i32>} : memref<128x128xf32, #tpu.memory_space<vmem>>, vector<16xf32>,
        %get3A_112 = arith.index_cast %scan3A_108 : i32 to index
        %get3A_113 = arith.constant 16 : index
        %get3A_114 = tpu.vector_load %arg7[%get3A_112, %get3A_113] {strides = array<i32>} : memref<128x128xf32, #tpu.memory_space<vmem>>, vector<16xf32>,
        %pack3A = tpu.pack_subelements %get3A_111, %get3A_114 {pack_format = #tpu.pack_format<interleaved>, positions = array<i32: 0, 1>} : vector<16xf32>, vector<16xf32> -> vector<32xbf16>
        %swap3A = arith.index_cast %scan3A_108 : i32 to index
        %swap3A_115 = arith.constant 0 : index
        %swap3A_116 = tpu.vector_load %arg8[%swap3A, %swap3A_115] {strides = array<i32>} : memref<128x128xbf16, #tpu.memory_space<vmem>>, vector<32xbf16>,
        tpu.vector_store %arg8[%swap3A, %swap3A_115], %pack3A {strides = array<i32>} : memref<128x128xbf16, #tpu.memory_space<vmem>>, vector<32xbf16>,
        %get3A_117 = arith.index_cast %scan3A_108 : i32 to index
        %get3A_118 = arith.constant 32 : index
        %get3A_119 = tpu.vector_load %arg7[%get3A_117, %get3A_118] {strides = array<i32>} : memref<128x128xf32, #tpu.memory_space<vmem>>, vector<16xf32>,
        %get3A_120 = arith.index_cast %scan3A_108 : i32 to index
        %get3A_121 = arith.constant 48 : index
        %get3A_122 = tpu.vector_load %arg7[%get3A_120, %get3A_121] {strides = array<i32>} : memref<128x128xf32, #tpu.memory_space<vmem>>, vector<16xf32>,
        %pack3A_123 = tpu.pack_subelements %get3A_119, %get3A_122 {pack_format = #tpu.pack_format<interleaved>, positions = array<i32: 0, 1>} : vector<16xf32>, vector<16xf32> -> vector<32xbf16>
        %swap3A_124 = arith.index_cast %scan3A_108 : i32 to index
        %swap3A_125 = arith.constant 32 : index
        %swap3A_126 = tpu.vector_load %arg8[%swap3A_124, %swap3A_125] {strides = array<i32>} : memref<128x128xbf16, #tpu.memory_space<vmem>>, vector<32xbf16>,
        tpu.vector_store %arg8[%swap3A_124, %swap3A_125], %pack3A_123 {strides = array<i32>} : memref<128x128xbf16, #tpu.memory_space<vmem>>, vector<32xbf16>,
        %get3A_127 = arith.index_cast %scan3A_108 : i32 to index
        %get3A_128 = arith.constant 64 : index
        %get3A_129 = tpu.vector_load %arg7[%get3A_127, %get3A_128] {strides = array<i32>} : memref<128x128xf32, #tpu.memory_space<vmem>>, vector<16xf32>,
        %get3A_130 = arith.index_cast %scan3A_108 : i32 to index
        %get3A_131 = arith.constant 80 : index
        %get3A_132 = tpu.vector_load %arg7[%get3A_130, %get3A_131] {strides = array<i32>} : memref<128x128xf32, #tpu.memory_space<vmem>>, vector<16xf32>,
        %pack3A_133 = tpu.pack_subelements %get3A_129, %get3A_132 {pack_format = #tpu.pack_format<interleaved>, positions = array<i32: 0, 1>} : vector<16xf32>, vector<16xf32> -> vector<32xbf16>
        %swap3A_134 = arith.index_cast %scan3A_108 : i32 to index
        %swap3A_135 = arith.constant 64 : index
        %swap3A_136 = tpu.vector_load %arg8[%swap3A_134, %swap3A_135] {strides = array<i32>} : memref<128x128xbf16, #tpu.memory_space<vmem>>, vector<32xbf16>,
        tpu.vector_store %arg8[%swap3A_134, %swap3A_135], %pack3A_133 {strides = array<i32>} : memref<128x128xbf16, #tpu.memory_space<vmem>>, vector<32xbf16>,
        %scan3A_137 = arith.constant 0 : i32
        scf.yield %scan3A_137 : i32
      }
      %scan3A_106 = arith.constant 128 : i32
      "tpu.region"() ({
        %run_scoped3A = tpu.sem_alloc : memref<!tpu.dma_semaphore, #tpu.memory_space<semaphore_mem>>
        %dma_start3A = arith.constant 0 : i32
        %dma_start3A_108 = arith.constant 0 : i32
        %dma_start3A_109 = tpu.memref_slice %arg9[%dma_start3A, %dma_start3A_108] : memref<25088x128xbf16, #tpu.memory_space<vmem_shared>> -> memref<25088x128xbf16, #tpu.memory_space<vmem_shared>>
        tpu.enqueue_indirect_dma source(%arg8 : memref<128x128xbf16, #tpu.memory_space<vmem>>) target(%dma_start3A_109 : memref<25088x128xbf16, #tpu.memory_space<vmem_shared>>) offsets(%arg6 : memref<128xi32, #tpu.memory_space<vmem>>) semaphore(%run_scoped3A : memref<!tpu.dma_semaphore, #tpu.memory_space<semaphore_mem>>) {add = true}
        %dma_wait3A = arith.constant 0 : i32
        %dma_wait3A_110 = arith.constant 0 : i32
        %dma_wait3A_111 = tpu.memref_slice %arg9[%dma_wait3A, %dma_wait3A_110] : memref<25088x128xbf16, #tpu.memory_space<vmem_shared>> -> memref<25088x128xbf16, #tpu.memory_space<vmem_shared>>
        tpu.wait_indirect_dma semaphore(%run_scoped3A : memref<!tpu.dma_semaphore, #tpu.memory_space<semaphore_mem>>) src(%arg8 : memref<128x128xbf16, #tpu.memory_space<vmem>>) dst(%dma_wait3A_111 : memref<25088x128xbf16, #tpu.memory_space<vmem_shared>>)
        tpu.yield
      }) : () -> ()
      %scan3A_107 = arith.constant 0 : i32
      scf.yield %scan3A_107 : i32
    }
    %scan3A_76 = arith.constant 200 : i32
    %barrier3A_77 = arith.constant 0 : index
    tpu.barrier barrier_id(%barrier3A_77)
    %mul3A_78 = arith.constant 1560 : i32
    %mul3A_79 = arith.muli %arg1, %mul3A_78 : i32
    %mul3A_80 = arith.constant 1560 : i32
    %mul3A_81 = arith.muli %arg1, %mul3A_80 : i32
    %add3A_82 = arith.addi %mul3A_0, %mul3A_81 : i32
    "tpu.region"() ({
      %run_scoped3A = tpu.sem_alloc : memref<!tpu.dma_semaphore, #tpu.memory_space<semaphore_mem>>
      %dma_start3A = arith.constant 0 : i32
      %dma_start3A_85 = tpu.memref_slice %arg4[%add3A_82, %dma_start3A] : memref<50000x128xbf16, #tpu.memory_space<hbm>> -> memref<1560x128xbf16, #tpu.memory_space<hbm>>
      %dma_start3A_86 = arith.constant 0 : i32
      %dma_start3A_87 = tpu.memref_slice %arg9[%mul3A_79, %dma_start3A_86] : memref<25088x128xbf16, #tpu.memory_space<vmem_shared>> -> memref<1560x128xbf16, #tpu.memory_space<vmem_shared>>
      tpu.enqueue_dma source(%dma_start3A_87 : memref<1560x128xbf16, #tpu.memory_space<vmem_shared>>) target(%dma_start3A_85 : memref<1560x128xbf16, #tpu.memory_space<hbm>>) target_semaphore(%run_scoped3A : memref<!tpu.dma_semaphore, #tpu.memory_space<semaphore_mem>>)
      %dma_wait3A = arith.constant 0 : i32
      %dma_wait3A_88 = tpu.memref_slice %arg4[%add3A_82, %dma_wait3A] : memref<50000x128xbf16, #tpu.memory_space<hbm>> -> memref<1560x128xbf16, #tpu.memory_space<hbm>>
      %dma_wait3A_89 = arith.constant 0 : i32
      %dma_wait3A_90 = tpu.memref_slice %arg9[%mul3A_79, %dma_wait3A_89] : memref<25088x128xbf16, #tpu.memory_space<vmem_shared>> -> memref<1560x128xbf16, #tpu.memory_space<vmem_shared>>
      tpu.wait_dma2 semaphore(%run_scoped3A : memref<!tpu.dma_semaphore, #tpu.memory_space<semaphore_mem>>) src(%dma_wait3A_90 : memref<1560x128xbf16, #tpu.memory_space<vmem_shared>>) dst(%dma_wait3A_88 : memref<1560x128xbf16, #tpu.memory_space<hbm>>)
      tpu.yield
    }) : () -> ()
    %eq3A = arith.constant 0 : i32
    %eq3A_83 = arith.cmpi eq, %arg1, %eq3A : i32
    %convert_element_type3A = arith.extui %eq3A_83 : i1 to i32
    %cond3A = arith.constant 0 : i32
    %cond3A_84 = arith.cmpi ne, %convert_element_type3A, %cond3A : i32
    scf.if %cond3A_84 {
      %add3A_85 = arith.constant 24960 : i32
      %add3A_86 = arith.addi %mul3A_0, %add3A_85 : i32
      "tpu.region"() ({
        %run_scoped3A = tpu.sem_alloc : memref<!tpu.dma_semaphore, #tpu.memory_space<semaphore_mem>>
        %dma_start3A = arith.constant 0 : i32
        %dma_start3A_87 = tpu.memref_slice %arg4[%add3A_86, %dma_start3A] : memref<50000x128xbf16, #tpu.memory_space<hbm>> -> memref<40x128xbf16, #tpu.memory_space<hbm>>
        %dma_start3A_88 = arith.constant 24960 : i32
        %dma_start3A_89 = arith.constant 0 : i32
        %dma_start3A_90 = tpu.memref_slice %arg9[%dma_start3A_88, %dma_start3A_89] : memref<25088x128xbf16, #tpu.memory_space<vmem_shared>> -> memref<40x128xbf16, #tpu.memory_space<vmem_shared>>
        tpu.enqueue_dma source(%dma_start3A_90 : memref<40x128xbf16, #tpu.memory_space<vmem_shared>>) target(%dma_start3A_87 : memref<40x128xbf16, #tpu.memory_space<hbm>>) target_semaphore(%run_scoped3A : memref<!tpu.dma_semaphore, #tpu.memory_space<semaphore_mem>>)
        %dma_wait3A = arith.constant 0 : i32
        %dma_wait3A_91 = tpu.memref_slice %arg4[%add3A_86, %dma_wait3A] : memref<50000x128xbf16, #tpu.memory_space<hbm>> -> memref<40x128xbf16, #tpu.memory_space<hbm>>
        %dma_wait3A_92 = arith.constant 24960 : i32
        %dma_wait3A_93 = arith.constant 0 : i32
        %dma_wait3A_94 = tpu.memref_slice %arg9[%dma_wait3A_92, %dma_wait3A_93] : memref<25088x128xbf16, #tpu.memory_space<vmem_shared>> -> memref<40x128xbf16, #tpu.memory_space<vmem_shared>>
        tpu.wait_dma2 semaphore(%run_scoped3A : memref<!tpu.dma_semaphore, #tpu.memory_space<semaphore_mem>>) src(%dma_wait3A_94 : memref<40x128xbf16, #tpu.memory_space<vmem_shared>>) dst(%dma_wait3A_91 : memref<40x128xbf16, #tpu.memory_space<hbm>>)
        tpu.yield
      }) : () -> ()
    } else {
    }
    return
  }
}

#map = affine_map<(d0, d1) -> (0, 0)>
#map1 = affine_map<(d0, d1) -> (0)>
module attributes {stable_mosaic.version = 14 : i64} {
  func.func @_scatter_sc(%arg0: i32, %arg1: i32, %arg2: memref<409600x128xf32, #tpu.memory_space<hbm>>, %arg3: memref<409600xi32, #tpu.memory_space<hbm>>, %arg4: memref<50000x128xbf16, #tpu.memory_space<hbm>>, %arg5: memref<128xi32, #tpu.memory_space<vmem>>, %arg6: memref<128xi32, #tpu.memory_space<vmem>>, %arg7: memref<128x128xf32, #tpu.memory_space<vmem>>, %arg8: memref<128x128xbf16, #tpu.memory_space<vmem>>, %arg9: memref<25088x128xbf16, #tpu.memory_space<vmem_shared>>) attributes {dimension_semantics = [#tpu.dimension_semantics<core_parallel>, #tpu.dimension_semantics<subcore_parallel>], iteration_bounds = array<i64: 2, 16>, scalar_prefetch = 0 : i64, scratch_operands = 5 : i64, tpu.core_type = #tpu.core_type<sc_vector_subcore>, window_params = [{transform_indices = #map}, {transform_indices = #map1}, {transform_indices = #map}]} {
    %mul3A = arith.constant 25000 : i32
    %mul3A_0 = arith.muli %arg0, %mul3A : i32
    %scan3A = arith.constant 0 : i32
    %scan3A_1 = arith.constant 0 : i32
    %scan3A_2 = arith.constant 128 : i32
    %scan3A_3 = arith.addi %scan3A_1, %scan3A_2 : i32
    %scan3A_4 = arith.constant 1 : i32
    %scan3A_5 = scf.for %scan3A_85 = %scan3A_1 to %scan3A_3 step %scan3A_4 iter_args(%scan3A_86 = %scan3A) -> (i32)  : i32 {
      %broadcast_in_dim3A = arith.constant 0.000000e+00 : bf16
      %broadcast_in_dim3A_87 = vector.broadcast %broadcast_in_dim3A : bf16 to vector<32xbf16>
      %swap3A = arith.index_cast %scan3A_85 : i32 to index
      %swap3A_88 = arith.constant 0 : index
      %swap3A_89 = tpu.vector_load %arg8[%swap3A, %swap3A_88] {strides = array<i32>} : memref<128x128xbf16, #tpu.memory_space<vmem>>, vector<32xbf16>,
      tpu.vector_store %arg8[%swap3A, %swap3A_88], %broadcast_in_dim3A_87 {strides = array<i32>} : memref<128x128xbf16, #tpu.memory_space<vmem>>, vector<32xbf16>,
      %broadcast_in_dim3A_90 = arith.constant 0.000000e+00 : bf16
      %broadcast_in_dim3A_91 = vector.broadcast %broadcast_in_dim3A_90 : bf16 to vector<32xbf16>
      %swap3A_92 = arith.index_cast %scan3A_85 : i32 to index
      %swap3A_93 = arith.constant 32 : index
      %swap3A_94 = tpu.vector_load %arg8[%swap3A_92, %swap3A_93] {strides = array<i32>} : memref<128x128xbf16, #tpu.memory_space<vmem>>, vector<32xbf16>,
      tpu.vector_store %arg8[%swap3A_92, %swap3A_93], %broadcast_in_dim3A_91 {strides = array<i32>} : memref<128x128xbf16, #tpu.memory_space<vmem>>, vector<32xbf16>,
      %broadcast_in_dim3A_95 = arith.constant 0.000000e+00 : bf16
      %broadcast_in_dim3A_96 = vector.broadcast %broadcast_in_dim3A_95 : bf16 to vector<32xbf16>
      %swap3A_97 = arith.index_cast %scan3A_85 : i32 to index
      %swap3A_98 = arith.constant 64 : index
      %swap3A_99 = tpu.vector_load %arg8[%swap3A_97, %swap3A_98] {strides = array<i32>} : memref<128x128xbf16, #tpu.memory_space<vmem>>, vector<32xbf16>,
      tpu.vector_store %arg8[%swap3A_97, %swap3A_98], %broadcast_in_dim3A_96 {strides = array<i32>} : memref<128x128xbf16, #tpu.memory_space<vmem>>, vector<32xbf16>,
      %broadcast_in_dim3A_100 = arith.constant 0.000000e+00 : bf16
      %broadcast_in_dim3A_101 = vector.broadcast %broadcast_in_dim3A_100 : bf16 to vector<32xbf16>
      %swap3A_102 = arith.index_cast %scan3A_85 : i32 to index
      %swap3A_103 = arith.constant 96 : index
      %swap3A_104 = tpu.vector_load %arg8[%swap3A_102, %swap3A_103] {strides = array<i32>} : memref<128x128xbf16, #tpu.memory_space<vmem>>, vector<32xbf16>,
      tpu.vector_store %arg8[%swap3A_102, %swap3A_103], %broadcast_in_dim3A_101 {strides = array<i32>} : memref<128x128xbf16, #tpu.memory_space<vmem>>, vector<32xbf16>,
      %scan3A_105 = arith.constant 0 : i32
      scf.yield %scan3A_105 : i32
    }
    %scan3A_6 = arith.constant 128 : i32
    %mul3A_7 = arith.constant 1568 : i32
    %mul3A_8 = arith.muli %arg1, %mul3A_7 : i32
    %add3A = arith.constant 0 : i32
    %add3A_9 = arith.addi %mul3A_8, %add3A : i32
    %multiple_of3A = tpu.assume_multiple %add3A_9, 8 : i32
    "tpu.region"() ({
      %run_scoped3A = tpu.sem_alloc : memref<!tpu.dma_semaphore, #tpu.memory_space<semaphore_mem>>
      %dma_start3A = arith.constant 0 : i32
      %dma_start3A_85 = tpu.memref_slice %arg9[%multiple_of3A, %dma_start3A] : memref<25088x128xbf16, #tpu.memory_space<vmem_shared>> -> memref<128x128xbf16, #tpu.memory_space<vmem_shared>>
      %dma_start3A_86 = arith.constant 0 : i32
      %dma_start3A_87 = tpu.memref_slice %arg9[%multiple_of3A, %dma_start3A_86] : memref<25088x128xbf16, #tpu.memory_space<vmem_shared>> -> memref<128x128xbf16, #tpu.memory_space<vmem_shared>>
      tpu.enqueue_dma source(%arg8 : memref<128x128xbf16, #tpu.memory_space<vmem>>) target(%dma_start3A_87 : memref<128x128xbf16, #tpu.memory_space<vmem_shared>>) target_semaphore(%run_scoped3A : memref<!tpu.dma_semaphore, #tpu.memory_space<semaphore_mem>>)
      %dma_wait3A = arith.constant 0 : i32
      %dma_wait3A_88 = tpu.memref_slice %arg9[%multiple_of3A, %dma_wait3A] : memref<25088x128xbf16, #tpu.memory_space<vmem_shared>> -> memref<128x128xbf16, #tpu.memory_space<vmem_shared>>
      %dma_wait3A_89 = arith.constant 0 : i32
      %dma_wait3A_90 = tpu.memref_slice %arg9[%multiple_of3A, %dma_wait3A_89] : memref<25088x128xbf16, #tpu.memory_space<vmem_shared>> -> memref<128x128xbf16, #tpu.memory_space<vmem_shared>>
      tpu.wait_dma2 semaphore(%run_scoped3A : memref<!tpu.dma_semaphore, #tpu.memory_space<semaphore_mem>>) src(%arg8 : memref<128x128xbf16, #tpu.memory_space<vmem>>) dst(%dma_wait3A_90 : memref<128x128xbf16, #tpu.memory_space<vmem_shared>>)
      tpu.yield
    }) : () -> ()
    %mul3A_10 = arith.constant 1568 : i32
    %mul3A_11 = arith.muli %arg1, %mul3A_10 : i32
    %add3A_12 = arith.constant 128 : i32
    %add3A_13 = arith.addi %mul3A_11, %add3A_12 : i32
    %multiple_of3A_14 = tpu.assume_multiple %add3A_13, 8 : i32
    "tpu.region"() ({
      %run_scoped3A = tpu.sem_alloc : memref<!tpu.dma_semaphore, #tpu.memory_space<semaphore_mem>>
      %dma_start3A = arith.constant 0 : i32
      %dma_start3A_85 = tpu.memref_slice %arg9[%multiple_of3A_14, %dma_start3A] : memref<25088x128xbf16, #tpu.memory_space<vmem_shared>> -> memref<128x128xbf16, #tpu.memory_space<vmem_shared>>
      %dma_start3A_86 = arith.constant 0 : i32
      %dma_start3A_87 = tpu.memref_slice %arg9[%multiple_of3A_14, %dma_start3A_86] : memref<25088x128xbf16, #tpu.memory_space<vmem_shared>> -> memref<128x128xbf16, #tpu.memory_space<vmem_shared>>
      tpu.enqueue_dma source(%arg8 : memref<128x128xbf16, #tpu.memory_space<vmem>>) target(%dma_start3A_87 : memref<128x128xbf16, #tpu.memory_space<vmem_shared>>) target_semaphore(%run_scoped3A : memref<!tpu.dma_semaphore, #tpu.memory_space<semaphore_mem>>)
      %dma_wait3A = arith.constant 0 : i32
      %dma_wait3A_88 = tpu.memref_slice %arg9[%multiple_of3A_14, %dma_wait3A] : memref<25088x128xbf16, #tpu.memory_space<vmem_shared>> -> memref<128x128xbf16, #tpu.memory_space<vmem_shared>>
      %dma_wait3A_89 = arith.constant 0 : i32
      %dma_wait3A_90 = tpu.memref_slice %arg9[%multiple_of3A_14, %dma_wait3A_89] : memref<25088x128xbf16, #tpu.memory_space<vmem_shared>> -> memref<128x128xbf16, #tpu.memory_space<vmem_shared>>
      tpu.wait_dma2 semaphore(%run_scoped3A : memref<!tpu.dma_semaphore, #tpu.memory_space<semaphore_mem>>) src(%arg8 : memref<128x128xbf16, #tpu.memory_space<vmem>>) dst(%dma_wait3A_90 : memref<128x128xbf16, #tpu.memory_space<vmem_shared>>)
      tpu.yield
    }) : () -> ()
    %mul3A_15 = arith.constant 1568 : i32
    %mul3A_16 = arith.muli %arg1, %mul3A_15 : i32
    %add3A_17 = arith.constant 256 : i32
    %add3A_18 = arith.addi %mul3A_16, %add3A_17 : i32
    %multiple_of3A_19 = tpu.assume_multiple %add3A_18, 8 : i32
    "tpu.region"() ({
      %run_scoped3A = tpu.sem_alloc : memref<!tpu.dma_semaphore, #tpu.memory_space<semaphore_mem>>
      %dma_start3A = arith.constant 0 : i32
      %dma_start3A_85 = tpu.memref_slice %arg9[%multiple_of3A_19, %dma_start3A] : memref<25088x128xbf16, #tpu.memory_space<vmem_shared>> -> memref<128x128xbf16, #tpu.memory_space<vmem_shared>>
      %dma_start3A_86 = arith.constant 0 : i32
      %dma_start3A_87 = tpu.memref_slice %arg9[%multiple_of3A_19, %dma_start3A_86] : memref<25088x128xbf16, #tpu.memory_space<vmem_shared>> -> memref<128x128xbf16, #tpu.memory_space<vmem_shared>>
      tpu.enqueue_dma source(%arg8 : memref<128x128xbf16, #tpu.memory_space<vmem>>) target(%dma_start3A_87 : memref<128x128xbf16, #tpu.memory_space<vmem_shared>>) target_semaphore(%run_scoped3A : memref<!tpu.dma_semaphore, #tpu.memory_space<semaphore_mem>>)
      %dma_wait3A = arith.constant 0 : i32
      %dma_wait3A_88 = tpu.memref_slice %arg9[%multiple_of3A_19, %dma_wait3A] : memref<25088x128xbf16, #tpu.memory_space<vmem_shared>> -> memref<128x128xbf16, #tpu.memory_space<vmem_shared>>
      %dma_wait3A_89 = arith.constant 0 : i32
      %dma_wait3A_90 = tpu.memref_slice %arg9[%multiple_of3A_19, %dma_wait3A_89] : memref<25088x128xbf16, #tpu.memory_space<vmem_shared>> -> memref<128x128xbf16, #tpu.memory_space<vmem_shared>>
      tpu.wait_dma2 semaphore(%run_scoped3A : memref<!tpu.dma_semaphore, #tpu.memory_space<semaphore_mem>>) src(%arg8 : memref<128x128xbf16, #tpu.memory_space<vmem>>) dst(%dma_wait3A_90 : memref<128x128xbf16, #tpu.memory_space<vmem_shared>>)
      tpu.yield
    }) : () -> ()
    %mul3A_20 = arith.constant 1568 : i32
    %mul3A_21 = arith.muli %arg1, %mul3A_20 : i32
    %add3A_22 = arith.constant 384 : i32
    %add3A_23 = arith.addi %mul3A_21, %add3A_22 : i32
    %multiple_of3A_24 = tpu.assume_multiple %add3A_23, 8 : i32
    "tpu.region"() ({
      %run_scoped3A = tpu.sem_alloc : memref<!tpu.dma_semaphore, #tpu.memory_space<semaphore_mem>>
      %dma_start3A = arith.constant 0 : i32
      %dma_start3A_85 = tpu.memref_slice %arg9[%multiple_of3A_24, %dma_start3A] : memref<25088x128xbf16, #tpu.memory_space<vmem_shared>> -> memref<128x128xbf16, #tpu.memory_space<vmem_shared>>
      %dma_start3A_86 = arith.constant 0 : i32
      %dma_start3A_87 = tpu.memref_slice %arg9[%multiple_of3A_24, %dma_start3A_86] : memref<25088x128xbf16, #tpu.memory_space<vmem_shared>> -> memref<128x128xbf16, #tpu.memory_space<vmem_shared>>
      tpu.enqueue_dma source(%arg8 : memref<128x128xbf16, #tpu.memory_space<vmem>>) target(%dma_start3A_87 : memref<128x128xbf16, #tpu.memory_space<vmem_shared>>) target_semaphore(%run_scoped3A : memref<!tpu.dma_semaphore, #tpu.memory_space<semaphore_mem>>)
      %dma_wait3A = arith.constant 0 : i32
      %dma_wait3A_88 = tpu.memref_slice %arg9[%multiple_of3A_24, %dma_wait3A] : memref<25088x128xbf16, #tpu.memory_space<vmem_shared>> -> memref<128x128xbf16, #tpu.memory_space<vmem_shared>>
      %dma_wait3A_89 = arith.constant 0 : i32
      %dma_wait3A_90 = tpu.memref_slice %arg9[%multiple_of3A_24, %dma_wait3A_89] : memref<25088x128xbf16, #tpu.memory_space<vmem_shared>> -> memref<128x128xbf16, #tpu.memory_space<vmem_shared>>
      tpu.wait_dma2 semaphore(%run_scoped3A : memref<!tpu.dma_semaphore, #tpu.memory_space<semaphore_mem>>) src(%arg8 : memref<128x128xbf16, #tpu.memory_space<vmem>>) dst(%dma_wait3A_90 : memref<128x128xbf16, #tpu.memory_space<vmem_shared>>)
      tpu.yield
    }) : () -> ()
    %mul3A_25 = arith.constant 1568 : i32
    %mul3A_26 = arith.muli %arg1, %mul3A_25 : i32
    %add3A_27 = arith.constant 512 : i32
    %add3A_28 = arith.addi %mul3A_26, %add3A_27 : i32
    %multiple_of3A_29 = tpu.assume_multiple %add3A_28, 8 : i32
    "tpu.region"() ({
      %run_scoped3A = tpu.sem_alloc : memref<!tpu.dma_semaphore, #tpu.memory_space<semaphore_mem>>
      %dma_start3A = arith.constant 0 : i32
      %dma_start3A_85 = tpu.memref_slice %arg9[%multiple_of3A_29, %dma_start3A] : memref<25088x128xbf16, #tpu.memory_space<vmem_shared>> -> memref<128x128xbf16, #tpu.memory_space<vmem_shared>>
      %dma_start3A_86 = arith.constant 0 : i32
      %dma_start3A_87 = tpu.memref_slice %arg9[%multiple_of3A_29, %dma_start3A_86] : memref<25088x128xbf16, #tpu.memory_space<vmem_shared>> -> memref<128x128xbf16, #tpu.memory_space<vmem_shared>>
      tpu.enqueue_dma source(%arg8 : memref<128x128xbf16, #tpu.memory_space<vmem>>) target(%dma_start3A_87 : memref<128x128xbf16, #tpu.memory_space<vmem_shared>>) target_semaphore(%run_scoped3A : memref<!tpu.dma_semaphore, #tpu.memory_space<semaphore_mem>>)
      %dma_wait3A = arith.constant 0 : i32
      %dma_wait3A_88 = tpu.memref_slice %arg9[%multiple_of3A_29, %dma_wait3A] : memref<25088x128xbf16, #tpu.memory_space<vmem_shared>> -> memref<128x128xbf16, #tpu.memory_space<vmem_shared>>
      %dma_wait3A_89 = arith.constant 0 : i32
      %dma_wait3A_90 = tpu.memref_slice %arg9[%multiple_of3A_29, %dma_wait3A_89] : memref<25088x128xbf16, #tpu.memory_space<vmem_shared>> -> memref<128x128xbf16, #tpu.memory_space<vmem_shared>>
      tpu.wait_dma2 semaphore(%run_scoped3A : memref<!tpu.dma_semaphore, #tpu.memory_space<semaphore_mem>>) src(%arg8 : memref<128x128xbf16, #tpu.memory_space<vmem>>) dst(%dma_wait3A_90 : memref<128x128xbf16, #tpu.memory_space<vmem_shared>>)
      tpu.yield
    }) : () -> ()
    %mul3A_30 = arith.constant 1568 : i32
    %mul3A_31 = arith.muli %arg1, %mul3A_30 : i32
    %add3A_32 = arith.constant 640 : i32
    %add3A_33 = arith.addi %mul3A_31, %add3A_32 : i32
    %multiple_of3A_34 = tpu.assume_multiple %add3A_33, 8 : i32
    "tpu.region"() ({
      %run_scoped3A = tpu.sem_alloc : memref<!tpu.dma_semaphore, #tpu.memory_space<semaphore_mem>>
      %dma_start3A = arith.constant 0 : i32
      %dma_start3A_85 = tpu.memref_slice %arg9[%multiple_of3A_34, %dma_start3A] : memref<25088x128xbf16, #tpu.memory_space<vmem_shared>> -> memref<128x128xbf16, #tpu.memory_space<vmem_shared>>
      %dma_start3A_86 = arith.constant 0 : i32
      %dma_start3A_87 = tpu.memref_slice %arg9[%multiple_of3A_34, %dma_start3A_86] : memref<25088x128xbf16, #tpu.memory_space<vmem_shared>> -> memref<128x128xbf16, #tpu.memory_space<vmem_shared>>
      tpu.enqueue_dma source(%arg8 : memref<128x128xbf16, #tpu.memory_space<vmem>>) target(%dma_start3A_87 : memref<128x128xbf16, #tpu.memory_space<vmem_shared>>) target_semaphore(%run_scoped3A : memref<!tpu.dma_semaphore, #tpu.memory_space<semaphore_mem>>)
      %dma_wait3A = arith.constant 0 : i32
      %dma_wait3A_88 = tpu.memref_slice %arg9[%multiple_of3A_34, %dma_wait3A] : memref<25088x128xbf16, #tpu.memory_space<vmem_shared>> -> memref<128x128xbf16, #tpu.memory_space<vmem_shared>>
      %dma_wait3A_89 = arith.constant 0 : i32
      %dma_wait3A_90 = tpu.memref_slice %arg9[%multiple_of3A_34, %dma_wait3A_89] : memref<25088x128xbf16, #tpu.memory_space<vmem_shared>> -> memref<128x128xbf16, #tpu.memory_space<vmem_shared>>
      tpu.wait_dma2 semaphore(%run_scoped3A : memref<!tpu.dma_semaphore, #tpu.memory_space<semaphore_mem>>) src(%arg8 : memref<128x128xbf16, #tpu.memory_space<vmem>>) dst(%dma_wait3A_90 : memref<128x128xbf16, #tpu.memory_space<vmem_shared>>)
      tpu.yield
    }) : () -> ()
    %mul3A_35 = arith.constant 1568 : i32
    %mul3A_36 = arith.muli %arg1, %mul3A_35 : i32
    %add3A_37 = arith.constant 768 : i32
    %add3A_38 = arith.addi %mul3A_36, %add3A_37 : i32
    %multiple_of3A_39 = tpu.assume_multiple %add3A_38, 8 : i32
    "tpu.region"() ({
      %run_scoped3A = tpu.sem_alloc : memref<!tpu.dma_semaphore, #tpu.memory_space<semaphore_mem>>
      %dma_start3A = arith.constant 0 : i32
      %dma_start3A_85 = tpu.memref_slice %arg9[%multiple_of3A_39, %dma_start3A] : memref<25088x128xbf16, #tpu.memory_space<vmem_shared>> -> memref<128x128xbf16, #tpu.memory_space<vmem_shared>>
      %dma_start3A_86 = arith.constant 0 : i32
      %dma_start3A_87 = tpu.memref_slice %arg9[%multiple_of3A_39, %dma_start3A_86] : memref<25088x128xbf16, #tpu.memory_space<vmem_shared>> -> memref<128x128xbf16, #tpu.memory_space<vmem_shared>>
      tpu.enqueue_dma source(%arg8 : memref<128x128xbf16, #tpu.memory_space<vmem>>) target(%dma_start3A_87 : memref<128x128xbf16, #tpu.memory_space<vmem_shared>>) target_semaphore(%run_scoped3A : memref<!tpu.dma_semaphore, #tpu.memory_space<semaphore_mem>>)
      %dma_wait3A = arith.constant 0 : i32
      %dma_wait3A_88 = tpu.memref_slice %arg9[%multiple_of3A_39, %dma_wait3A] : memref<25088x128xbf16, #tpu.memory_space<vmem_shared>> -> memref<128x128xbf16, #tpu.memory_space<vmem_shared>>
      %dma_wait3A_89 = arith.constant 0 : i32
      %dma_wait3A_90 = tpu.memref_slice %arg9[%multiple_of3A_39, %dma_wait3A_89] : memref<25088x128xbf16, #tpu.memory_space<vmem_shared>> -> memref<128x128xbf16, #tpu.memory_space<vmem_shared>>
      tpu.wait_dma2 semaphore(%run_scoped3A : memref<!tpu.dma_semaphore, #tpu.memory_space<semaphore_mem>>) src(%arg8 : memref<128x128xbf16, #tpu.memory_space<vmem>>) dst(%dma_wait3A_90 : memref<128x128xbf16, #tpu.memory_space<vmem_shared>>)
      tpu.yield
    }) : () -> ()
    %mul3A_40 = arith.constant 1568 : i32
    %mul3A_41 = arith.muli %arg1, %mul3A_40 : i32
    %add3A_42 = arith.constant 896 : i32
    %add3A_43 = arith.addi %mul3A_41, %add3A_42 : i32
    %multiple_of3A_44 = tpu.assume_multiple %add3A_43, 8 : i32
    "tpu.region"() ({
      %run_scoped3A = tpu.sem_alloc : memref<!tpu.dma_semaphore, #tpu.memory_space<semaphore_mem>>
      %dma_start3A = arith.constant 0 : i32
      %dma_start3A_85 = tpu.memref_slice %arg9[%multiple_of3A_44, %dma_start3A] : memref<25088x128xbf16, #tpu.memory_space<vmem_shared>> -> memref<128x128xbf16, #tpu.memory_space<vmem_shared>>
      %dma_start3A_86 = arith.constant 0 : i32
      %dma_start3A_87 = tpu.memref_slice %arg9[%multiple_of3A_44, %dma_start3A_86] : memref<25088x128xbf16, #tpu.memory_space<vmem_shared>> -> memref<128x128xbf16, #tpu.memory_space<vmem_shared>>
      tpu.enqueue_dma source(%arg8 : memref<128x128xbf16, #tpu.memory_space<vmem>>) target(%dma_start3A_87 : memref<128x128xbf16, #tpu.memory_space<vmem_shared>>) target_semaphore(%run_scoped3A : memref<!tpu.dma_semaphore, #tpu.memory_space<semaphore_mem>>)
      %dma_wait3A = arith.constant 0 : i32
      %dma_wait3A_88 = tpu.memref_slice %arg9[%multiple_of3A_44, %dma_wait3A] : memref<25088x128xbf16, #tpu.memory_space<vmem_shared>> -> memref<128x128xbf16, #tpu.memory_space<vmem_shared>>
      %dma_wait3A_89 = arith.constant 0 : i32
      %dma_wait3A_90 = tpu.memref_slice %arg9[%multiple_of3A_44, %dma_wait3A_89] : memref<25088x128xbf16, #tpu.memory_space<vmem_shared>> -> memref<128x128xbf16, #tpu.memory_space<vmem_shared>>
      tpu.wait_dma2 semaphore(%run_scoped3A : memref<!tpu.dma_semaphore, #tpu.memory_space<semaphore_mem>>) src(%arg8 : memref<128x128xbf16, #tpu.memory_space<vmem>>) dst(%dma_wait3A_90 : memref<128x128xbf16, #tpu.memory_space<vmem_shared>>)
      tpu.yield
    }) : () -> ()
    %mul3A_45 = arith.constant 1568 : i32
    %mul3A_46 = arith.muli %arg1, %mul3A_45 : i32
    %add3A_47 = arith.constant 1024 : i32
    %add3A_48 = arith.addi %mul3A_46, %add3A_47 : i32
    %multiple_of3A_49 = tpu.assume_multiple %add3A_48, 8 : i32
    "tpu.region"() ({
      %run_scoped3A = tpu.sem_alloc : memref<!tpu.dma_semaphore, #tpu.memory_space<semaphore_mem>>
      %dma_start3A = arith.constant 0 : i32
      %dma_start3A_85 = tpu.memref_slice %arg9[%multiple_of3A_49, %dma_start3A] : memref<25088x128xbf16, #tpu.memory_space<vmem_shared>> -> memref<128x128xbf16, #tpu.memory_space<vmem_shared>>
      %dma_start3A_86 = arith.constant 0 : i32
      %dma_start3A_87 = tpu.memref_slice %arg9[%multiple_of3A_49, %dma_start3A_86] : memref<25088x128xbf16, #tpu.memory_space<vmem_shared>> -> memref<128x128xbf16, #tpu.memory_space<vmem_shared>>
      tpu.enqueue_dma source(%arg8 : memref<128x128xbf16, #tpu.memory_space<vmem>>) target(%dma_start3A_87 : memref<128x128xbf16, #tpu.memory_space<vmem_shared>>) target_semaphore(%run_scoped3A : memref<!tpu.dma_semaphore, #tpu.memory_space<semaphore_mem>>)
      %dma_wait3A = arith.constant 0 : i32
      %dma_wait3A_88 = tpu.memref_slice %arg9[%multiple_of3A_49, %dma_wait3A] : memref<25088x128xbf16, #tpu.memory_space<vmem_shared>> -> memref<128x128xbf16, #tpu.memory_space<vmem_shared>>
      %dma_wait3A_89 = arith.constant 0 : i32
      %dma_wait3A_90 = tpu.memref_slice %arg9[%multiple_of3A_49, %dma_wait3A_89] : memref<25088x128xbf16, #tpu.memory_space<vmem_shared>> -> memref<128x128xbf16, #tpu.memory_space<vmem_shared>>
      tpu.wait_dma2 semaphore(%run_scoped3A : memref<!tpu.dma_semaphore, #tpu.memory_space<semaphore_mem>>) src(%arg8 : memref<128x128xbf16, #tpu.memory_space<vmem>>) dst(%dma_wait3A_90 : memref<128x128xbf16, #tpu.memory_space<vmem_shared>>)
      tpu.yield
    }) : () -> ()
    %mul3A_50 = arith.constant 1568 : i32
    %mul3A_51 = arith.muli %arg1, %mul3A_50 : i32
    %add3A_52 = arith.constant 1152 : i32
    %add3A_53 = arith.addi %mul3A_51, %add3A_52 : i32
    %multiple_of3A_54 = tpu.assume_multiple %add3A_53, 8 : i32
    "tpu.region"() ({
      %run_scoped3A = tpu.sem_alloc : memref<!tpu.dma_semaphore, #tpu.memory_space<semaphore_mem>>
      %dma_start3A = arith.constant 0 : i32
      %dma_start3A_85 = tpu.memref_slice %arg9[%multiple_of3A_54, %dma_start3A] : memref<25088x128xbf16, #tpu.memory_space<vmem_shared>> -> memref<128x128xbf16, #tpu.memory_space<vmem_shared>>
      %dma_start3A_86 = arith.constant 0 : i32
      %dma_start3A_87 = tpu.memref_slice %arg9[%multiple_of3A_54, %dma_start3A_86] : memref<25088x128xbf16, #tpu.memory_space<vmem_shared>> -> memref<128x128xbf16, #tpu.memory_space<vmem_shared>>
      tpu.enqueue_dma source(%arg8 : memref<128x128xbf16, #tpu.memory_space<vmem>>) target(%dma_start3A_87 : memref<128x128xbf16, #tpu.memory_space<vmem_shared>>) target_semaphore(%run_scoped3A : memref<!tpu.dma_semaphore, #tpu.memory_space<semaphore_mem>>)
      %dma_wait3A = arith.constant 0 : i32
      %dma_wait3A_88 = tpu.memref_slice %arg9[%multiple_of3A_54, %dma_wait3A] : memref<25088x128xbf16, #tpu.memory_space<vmem_shared>> -> memref<128x128xbf16, #tpu.memory_space<vmem_shared>>
      %dma_wait3A_89 = arith.constant 0 : i32
      %dma_wait3A_90 = tpu.memref_slice %arg9[%multiple_of3A_54, %dma_wait3A_89] : memref<25088x128xbf16, #tpu.memory_space<vmem_shared>> -> memref<128x128xbf16, #tpu.memory_space<vmem_shared>>
      tpu.wait_dma2 semaphore(%run_scoped3A : memref<!tpu.dma_semaphore, #tpu.memory_space<semaphore_mem>>) src(%arg8 : memref<128x128xbf16, #tpu.memory_space<vmem>>) dst(%dma_wait3A_90 : memref<128x128xbf16, #tpu.memory_space<vmem_shared>>)
      tpu.yield
    }) : () -> ()
    %mul3A_55 = arith.constant 1568 : i32
    %mul3A_56 = arith.muli %arg1, %mul3A_55 : i32
    %add3A_57 = arith.constant 1280 : i32
    %add3A_58 = arith.addi %mul3A_56, %add3A_57 : i32
    %multiple_of3A_59 = tpu.assume_multiple %add3A_58, 8 : i32
    "tpu.region"() ({
      %run_scoped3A = tpu.sem_alloc : memref<!tpu.dma_semaphore, #tpu.memory_space<semaphore_mem>>
      %dma_start3A = arith.constant 0 : i32
      %dma_start3A_85 = tpu.memref_slice %arg9[%multiple_of3A_59, %dma_start3A] : memref<25088x128xbf16, #tpu.memory_space<vmem_shared>> -> memref<128x128xbf16, #tpu.memory_space<vmem_shared>>
      %dma_start3A_86 = arith.constant 0 : i32
      %dma_start3A_87 = tpu.memref_slice %arg9[%multiple_of3A_59, %dma_start3A_86] : memref<25088x128xbf16, #tpu.memory_space<vmem_shared>> -> memref<128x128xbf16, #tpu.memory_space<vmem_shared>>
      tpu.enqueue_dma source(%arg8 : memref<128x128xbf16, #tpu.memory_space<vmem>>) target(%dma_start3A_87 : memref<128x128xbf16, #tpu.memory_space<vmem_shared>>) target_semaphore(%run_scoped3A : memref<!tpu.dma_semaphore, #tpu.memory_space<semaphore_mem>>)
      %dma_wait3A = arith.constant 0 : i32
      %dma_wait3A_88 = tpu.memref_slice %arg9[%multiple_of3A_59, %dma_wait3A] : memref<25088x128xbf16, #tpu.memory_space<vmem_shared>> -> memref<128x128xbf16, #tpu.memory_space<vmem_shared>>
      %dma_wait3A_89 = arith.constant 0 : i32
      %dma_wait3A_90 = tpu.memref_slice %arg9[%multiple_of3A_59, %dma_wait3A_89] : memref<25088x128xbf16, #tpu.memory_space<vmem_shared>> -> memref<128x128xbf16, #tpu.memory_space<vmem_shared>>
      tpu.wait_dma2 semaphore(%run_scoped3A : memref<!tpu.dma_semaphore, #tpu.memory_space<semaphore_mem>>) src(%arg8 : memref<128x128xbf16, #tpu.memory_space<vmem>>) dst(%dma_wait3A_90 : memref<128x128xbf16, #tpu.memory_space<vmem_shared>>)
      tpu.yield
    }) : () -> ()
    %mul3A_60 = arith.constant 1568 : i32
    %mul3A_61 = arith.muli %arg1, %mul3A_60 : i32
    %add3A_62 = arith.constant 1408 : i32
    %add3A_63 = arith.addi %mul3A_61, %add3A_62 : i32
    %multiple_of3A_64 = tpu.assume_multiple %add3A_63, 8 : i32
    "tpu.region"() ({
      %run_scoped3A = tpu.sem_alloc : memref<!tpu.dma_semaphore, #tpu.memory_space<semaphore_mem>>
      %dma_start3A = arith.constant 0 : i32
      %dma_start3A_85 = tpu.memref_slice %arg9[%multiple_of3A_64, %dma_start3A] : memref<25088x128xbf16, #tpu.memory_space<vmem_shared>> -> memref<128x128xbf16, #tpu.memory_space<vmem_shared>>
      %dma_start3A_86 = arith.constant 0 : i32
      %dma_start3A_87 = tpu.memref_slice %arg9[%multiple_of3A_64, %dma_start3A_86] : memref<25088x128xbf16, #tpu.memory_space<vmem_shared>> -> memref<128x128xbf16, #tpu.memory_space<vmem_shared>>
      tpu.enqueue_dma source(%arg8 : memref<128x128xbf16, #tpu.memory_space<vmem>>) target(%dma_start3A_87 : memref<128x128xbf16, #tpu.memory_space<vmem_shared>>) target_semaphore(%run_scoped3A : memref<!tpu.dma_semaphore, #tpu.memory_space<semaphore_mem>>)
      %dma_wait3A = arith.constant 0 : i32
      %dma_wait3A_88 = tpu.memref_slice %arg9[%multiple_of3A_64, %dma_wait3A] : memref<25088x128xbf16, #tpu.memory_space<vmem_shared>> -> memref<128x128xbf16, #tpu.memory_space<vmem_shared>>
      %dma_wait3A_89 = arith.constant 0 : i32
      %dma_wait3A_90 = tpu.memref_slice %arg9[%multiple_of3A_64, %dma_wait3A_89] : memref<25088x128xbf16, #tpu.memory_space<vmem_shared>> -> memref<128x128xbf16, #tpu.memory_space<vmem_shared>>
      tpu.wait_dma2 semaphore(%run_scoped3A : memref<!tpu.dma_semaphore, #tpu.memory_space<semaphore_mem>>) src(%arg8 : memref<128x128xbf16, #tpu.memory_space<vmem>>) dst(%dma_wait3A_90 : memref<128x128xbf16, #tpu.memory_space<vmem_shared>>)
      tpu.yield
    }) : () -> ()
    %mul3A_65 = arith.constant 1568 : i32
    %mul3A_66 = arith.muli %arg1, %mul3A_65 : i32
    %add3A_67 = arith.constant 1536 : i32
    %add3A_68 = arith.addi %mul3A_66, %add3A_67 : i32
    %multiple_of3A_69 = tpu.assume_multiple %add3A_68, 8 : i32
    "tpu.region"() ({
      %run_scoped3A = tpu.sem_alloc : memref<!tpu.dma_semaphore, #tpu.memory_space<semaphore_mem>>
      %dma_start3A = arith.constant 0 : i32
      %dma_start3A_85 = arith.constant 0 : i32
      %dma_start3A_86 = tpu.memref_slice %arg8[%dma_start3A, %dma_start3A_85] : memref<128x128xbf16, #tpu.memory_space<vmem>> -> memref<32x128xbf16, #tpu.memory_space<vmem>>
      %dma_start3A_87 = arith.constant 0 : i32
      %dma_start3A_88 = tpu.memref_slice %arg9[%multiple_of3A_69, %dma_start3A_87] : memref<25088x128xbf16, #tpu.memory_space<vmem_shared>> -> memref<32x128xbf16, #tpu.memory_space<vmem_shared>>
      %dma_start3A_89 = arith.constant 0 : i32
      %dma_start3A_90 = tpu.memref_slice %arg9[%multiple_of3A_69, %dma_start3A_89] : memref<25088x128xbf16, #tpu.memory_space<vmem_shared>> -> memref<32x128xbf16, #tpu.memory_space<vmem_shared>>
      %dma_start3A_91 = arith.constant 0 : i32
      %dma_start3A_92 = arith.constant 0 : i32
      %dma_start3A_93 = tpu.memref_slice %arg8[%dma_start3A_91, %dma_start3A_92] : memref<128x128xbf16, #tpu.memory_space<vmem>> -> memref<32x128xbf16, #tpu.memory_space<vmem>>
      tpu.enqueue_dma source(%dma_start3A_93 : memref<32x128xbf16, #tpu.memory_space<vmem>>) target(%dma_start3A_90 : memref<32x128xbf16, #tpu.memory_space<vmem_shared>>) target_semaphore(%run_scoped3A : memref<!tpu.dma_semaphore, #tpu.memory_space<semaphore_mem>>)
      %dma_wait3A = arith.constant 0 : i32
      %dma_wait3A_94 = arith.constant 0 : i32
      %dma_wait3A_95 = tpu.memref_slice %arg8[%dma_wait3A, %dma_wait3A_94] : memref<128x128xbf16, #tpu.memory_space<vmem>> -> memref<32x128xbf16, #tpu.memory_space<vmem>>
      %dma_wait3A_96 = arith.constant 0 : i32
      %dma_wait3A_97 = tpu.memref_slice %arg9[%multiple_of3A_69, %dma_wait3A_96] : memref<25088x128xbf16, #tpu.memory_space<vmem_shared>> -> memref<32x128xbf16, #tpu.memory_space<vmem_shared>>
      %dma_wait3A_98 = arith.constant 0 : i32
      %dma_wait3A_99 = tpu.memref_slice %arg9[%multiple_of3A_69, %dma_wait3A_98] : memref<25088x128xbf16, #tpu.memory_space<vmem_shared>> -> memref<32x128xbf16, #tpu.memory_space<vmem_shared>>
      %dma_wait3A_100 = arith.constant 0 : i32
      %dma_wait3A_101 = arith.constant 0 : i32
      %dma_wait3A_102 = tpu.memref_slice %arg8[%dma_wait3A_100, %dma_wait3A_101] : memref<128x128xbf16, #tpu.memory_space<vmem>> -> memref<32x128xbf16, #tpu.memory_space<vmem>>
      tpu.wait_dma2 semaphore(%run_scoped3A : memref<!tpu.dma_semaphore, #tpu.memory_space<semaphore_mem>>) src(%dma_wait3A_102 : memref<32x128xbf16, #tpu.memory_space<vmem>>) dst(%dma_wait3A_99 : memref<32x128xbf16, #tpu.memory_space<vmem_shared>>)
      tpu.yield
    }) : () -> ()
    %barrier3A = arith.constant 0 : index
    tpu.barrier barrier_id(%barrier3A)
    %scan3A_70 = arith.constant 0 : i32
    %scan3A_71 = arith.constant 0 : i32
    %scan3A_72 = arith.constant 200 : i32
    %scan3A_73 = arith.addi %scan3A_71, %scan3A_72 : i32
    %scan3A_74 = arith.constant 1 : i32
    %scan3A_75 = scf.for %scan3A_85 = %scan3A_71 to %scan3A_73 step %scan3A_74 iter_args(%scan3A_86 = %scan3A_70) -> (i32)  : i32 {
      %mul3A_87 = arith.constant 25600 : i32
      %mul3A_88 = arith.muli %arg1, %mul3A_87 : i32
      %mul3A_89 = arith.constant 128 : i32
      %mul3A_90 = arith.muli %scan3A_85, %mul3A_89 : i32
      %add3A_91 = arith.addi %mul3A_88, %mul3A_90 : i32
      %multiple_of3A_92 = tpu.assume_multiple %add3A_91, 8 : i32
      "tpu.region"() ({
        %run_scoped3A = tpu.sem_alloc : memref<!tpu.dma_semaphore, #tpu.memory_space<semaphore_mem>>
        %dma_start3A = tpu.memref_slice %arg3[%multiple_of3A_92] : memref<409600xi32, #tpu.memory_space<hbm>> -> memref<128xi32, #tpu.memory_space<hbm>>
        %dma_start3A_108 = tpu.memref_slice %arg3[%multiple_of3A_92] : memref<409600xi32, #tpu.memory_space<hbm>> -> memref<128xi32, #tpu.memory_space<hbm>>
        tpu.enqueue_dma source(%dma_start3A_108 : memref<128xi32, #tpu.memory_space<hbm>>) target(%arg5 : memref<128xi32, #tpu.memory_space<vmem>>) target_semaphore(%run_scoped3A : memref<!tpu.dma_semaphore, #tpu.memory_space<semaphore_mem>>)
        %dma_wait3A = tpu.memref_slice %arg3[%multiple_of3A_92] : memref<409600xi32, #tpu.memory_space<hbm>> -> memref<128xi32, #tpu.memory_space<hbm>>
        %dma_wait3A_109 = tpu.memref_slice %arg3[%multiple_of3A_92] : memref<409600xi32, #tpu.memory_space<hbm>> -> memref<128xi32, #tpu.memory_space<hbm>>
        tpu.wait_dma2 semaphore(%run_scoped3A : memref<!tpu.dma_semaphore, #tpu.memory_space<semaphore_mem>>) src(%dma_wait3A_109 : memref<128xi32, #tpu.memory_space<hbm>>) dst(%arg5 : memref<128xi32, #tpu.memory_space<vmem>>)
        tpu.yield
      }) : () -> ()
      %scan3A_93 = arith.constant 0 : i32
      %scan3A_94 = arith.constant 0 : i32
      %scan3A_95 = arith.constant 8 : i32
      %scan3A_96 = arith.addi %scan3A_94, %scan3A_95 : i32
      %scan3A_97 = arith.constant 1 : i32
      %scan3A_98 = scf.for %scan3A_108 = %scan3A_94 to %scan3A_96 step %scan3A_97 iter_args(%scan3A_109 = %scan3A_93) -> (i32)  : i32 {
        %mul3A_110 = arith.constant 16 : i32
        %mul3A_111 = arith.muli %scan3A_108, %mul3A_110 : i32
        %get3A = arith.index_cast %mul3A_111 : i32 to index
        %get3A_112 = tpu.vector_load %arg5[%get3A] {strides = array<i32>} : memref<128xi32, #tpu.memory_space<vmem>>, vector<16xi32>,
        %sub3A = vector.broadcast %mul3A_0 : i32 to vector<16xi32>
        %sub3A_113 = arith.subi %get3A_112, %sub3A : vector<16xi32>
        %ge3A = arith.constant 0 : i32
        %ge3A_114 = vector.broadcast %ge3A : i32 to vector<16xi32>
        %ge3A_115 = arith.cmpi sge, %sub3A_113, %ge3A_114 : vector<16xi32>
        %lt3A = arith.constant 25000 : i32
        %lt3A_116 = vector.broadcast %lt3A : i32 to vector<16xi32>
        %lt3A_117 = arith.cmpi slt, %sub3A_113, %lt3A_116 : vector<16xi32>
        %and3A = arith.andi %ge3A_115, %lt3A_117 : vector<16xi1>
        %jit3A = arith.constant 25000 : i32
        %broadcast_in_dim3A = vector.broadcast %jit3A : i32 to vector<16xi32>
        %select_n3A = arith.select %and3A, %sub3A_113, %broadcast_in_dim3A : vector<16xi1>, vector<16xi32>
        %mul3A_118 = arith.constant 16 : i32
        %mul3A_119 = arith.muli %scan3A_108, %mul3A_118 : i32
        %swap3A = arith.index_cast %mul3A_119 : i32 to index
        %swap3A_120 = tpu.vector_load %arg6[%swap3A] {strides = array<i32>} : memref<128xi32, #tpu.memory_space<vmem>>, vector<16xi32>,
        tpu.vector_store %arg6[%swap3A], %select_n3A {strides = array<i32>} : memref<128xi32, #tpu.memory_space<vmem>>, vector<16xi32>,
        %scan3A_121 = arith.constant 0 : i32
        scf.yield %scan3A_121 : i32
      }
      %scan3A_99 = arith.constant 8 : i32
      "tpu.region"() ({
        %run_scoped3A = tpu.sem_alloc : memref<!tpu.dma_semaphore, #tpu.memory_space<semaphore_mem>>
        %dma_start3A = arith.constant 0 : i32
        %dma_start3A_108 = tpu.memref_slice %arg2[%multiple_of3A_92, %dma_start3A] : memref<409600x128xf32, #tpu.memory_space<hbm>> -> memref<128x128xf32, #tpu.memory_space<hbm>>
        %dma_start3A_109 = arith.constant 0 : i32
        %dma_start3A_110 = tpu.memref_slice %arg2[%multiple_of3A_92, %dma_start3A_109] : memref<409600x128xf32, #tpu.memory_space<hbm>> -> memref<128x128xf32, #tpu.memory_space<hbm>>
        tpu.enqueue_dma source(%dma_start3A_110 : memref<128x128xf32, #tpu.memory_space<hbm>>) target(%arg7 : memref<128x128xf32, #tpu.memory_space<vmem>>) target_semaphore(%run_scoped3A : memref<!tpu.dma_semaphore, #tpu.memory_space<semaphore_mem>>)
        %dma_wait3A = arith.constant 0 : i32
        %dma_wait3A_111 = tpu.memref_slice %arg2[%multiple_of3A_92, %dma_wait3A] : memref<409600x128xf32, #tpu.memory_space<hbm>> -> memref<128x128xf32, #tpu.memory_space<hbm>>
        %dma_wait3A_112 = arith.constant 0 : i32
        %dma_wait3A_113 = tpu.memref_slice %arg2[%multiple_of3A_92, %dma_wait3A_112] : memref<409600x128xf32, #tpu.memory_space<hbm>> -> memref<128x128xf32, #tpu.memory_space<hbm>>
        tpu.wait_dma2 semaphore(%run_scoped3A : memref<!tpu.dma_semaphore, #tpu.memory_space<semaphore_mem>>) src(%dma_wait3A_113 : memref<128x128xf32, #tpu.memory_space<hbm>>) dst(%arg7 : memref<128x128xf32, #tpu.memory_space<vmem>>)
        tpu.yield
      }) : () -> ()
      %scan3A_100 = arith.constant 0 : i32
      %scan3A_101 = arith.constant 0 : i32
      %scan3A_102 = arith.constant 128 : i32
      %scan3A_103 = arith.addi %scan3A_101, %scan3A_102 : i32
      %scan3A_104 = arith.constant 1 : i32
      %scan3A_105 = scf.for %scan3A_108 = %scan3A_101 to %scan3A_103 step %scan3A_104 iter_args(%scan3A_109 = %scan3A_100) -> (i32)  : i32 {
        %get3A = arith.index_cast %scan3A_108 : i32 to index
        %get3A_110 = arith.constant 0 : index
        %get3A_111 = tpu.vector_load %arg7[%get3A, %get3A_110] {strides = array<i32>} : memref<128x128xf32, #tpu.memory_space<vmem>>, vector<16xf32>,
        %get3A_112 = arith.index_cast %scan3A_108 : i32 to index
        %get3A_113 = arith.constant 16 : index
        %get3A_114 = tpu.vector_load %arg7[%get3A_112, %get3A_113] {strides = array<i32>} : memref<128x128xf32, #tpu.memory_space<vmem>>, vector<16xf32>,
        %pack3A = tpu.pack_subelements %get3A_111, %get3A_114 {pack_format = #tpu.pack_format<interleaved>, positions = array<i32: 0, 1>} : vector<16xf32>, vector<16xf32> -> vector<32xbf16>
        %swap3A = arith.index_cast %scan3A_108 : i32 to index
        %swap3A_115 = arith.constant 0 : index
        %swap3A_116 = tpu.vector_load %arg8[%swap3A, %swap3A_115] {strides = array<i32>} : memref<128x128xbf16, #tpu.memory_space<vmem>>, vector<32xbf16>,
        tpu.vector_store %arg8[%swap3A, %swap3A_115], %pack3A {strides = array<i32>} : memref<128x128xbf16, #tpu.memory_space<vmem>>, vector<32xbf16>,
        %get3A_117 = arith.index_cast %scan3A_108 : i32 to index
        %get3A_118 = arith.constant 32 : index
        %get3A_119 = tpu.vector_load %arg7[%get3A_117, %get3A_118] {strides = array<i32>} : memref<128x128xf32, #tpu.memory_space<vmem>>, vector<16xf32>,
        %get3A_120 = arith.index_cast %scan3A_108 : i32 to index
        %get3A_121 = arith.constant 48 : index
        %get3A_122 = tpu.vector_load %arg7[%get3A_120, %get3A_121] {strides = array<i32>} : memref<128x128xf32, #tpu.memory_space<vmem>>, vector<16xf32>,
        %pack3A_123 = tpu.pack_subelements %get3A_119, %get3A_122 {pack_format = #tpu.pack_format<interleaved>, positions = array<i32: 0, 1>} : vector<16xf32>, vector<16xf32> -> vector<32xbf16>
        %swap3A_124 = arith.index_cast %scan3A_108 : i32 to index
        %swap3A_125 = arith.constant 32 : index
        %swap3A_126 = tpu.vector_load %arg8[%swap3A_124, %swap3A_125] {strides = array<i32>} : memref<128x128xbf16, #tpu.memory_space<vmem>>, vector<32xbf16>,
        tpu.vector_store %arg8[%swap3A_124, %swap3A_125], %pack3A_123 {strides = array<i32>} : memref<128x128xbf16, #tpu.memory_space<vmem>>, vector<32xbf16>,
        %get3A_127 = arith.index_cast %scan3A_108 : i32 to index
        %get3A_128 = arith.constant 64 : index
        %get3A_129 = tpu.vector_load %arg7[%get3A_127, %get3A_128] {strides = array<i32>} : memref<128x128xf32, #tpu.memory_space<vmem>>, vector<16xf32>,
        %get3A_130 = arith.index_cast %scan3A_108 : i32 to index
        %get3A_131 = arith.constant 80 : index
        %get3A_132 = tpu.vector_load %arg7[%get3A_130, %get3A_131] {strides = array<i32>} : memref<128x128xf32, #tpu.memory_space<vmem>>, vector<16xf32>,
        %pack3A_133 = tpu.pack_subelements %get3A_129, %get3A_132 {pack_format = #tpu.pack_format<interleaved>, positions = array<i32: 0, 1>} : vector<16xf32>, vector<16xf32> -> vector<32xbf16>
        %swap3A_134 = arith.index_cast %scan3A_108 : i32 to index
        %swap3A_135 = arith.constant 64 : index
        %swap3A_136 = tpu.vector_load %arg8[%swap3A_134, %swap3A_135] {strides = array<i32>} : memref<128x128xbf16, #tpu.memory_space<vmem>>, vector<32xbf16>,
        tpu.vector_store %arg8[%swap3A_134, %swap3A_135], %pack3A_133 {strides = array<i32>} : memref<128x128xbf16, #tpu.memory_space<vmem>>, vector<32xbf16>,
        %scan3A_137 = arith.constant 0 : i32
        scf.yield %scan3A_137 : i32
      }
      %scan3A_106 = arith.constant 128 : i32
      "tpu.region"() ({
        %run_scoped3A = tpu.sem_alloc : memref<!tpu.dma_semaphore, #tpu.memory_space<semaphore_mem>>
        %dma_start3A = arith.constant 0 : i32
        %dma_start3A_108 = arith.constant 0 : i32
        %dma_start3A_109 = tpu.memref_slice %arg9[%dma_start3A, %dma_start3A_108] : memref<25088x128xbf16, #tpu.memory_space<vmem_shared>> -> memref<25088x128xbf16, #tpu.memory_space<vmem_shared>>
        tpu.enqueue_indirect_dma source(%arg8 : memref<128x128xbf16, #tpu.memory_space<vmem>>) target(%dma_start3A_109 : memref<25088x128xbf16, #tpu.memory_space<vmem_shared>>) offsets(%arg6 : memref<128xi32, #tpu.memory_space<vmem>>) semaphore(%run_scoped3A : memref<!tpu.dma_semaphore, #tpu.memory_space<semaphore_mem>>) {add = true}
        %dma_wait3A = arith.constant 0 : i32
        %dma_wait3A_110 = arith.constant 0 : i32
        %dma_wait3A_111 = tpu.memref_slice %arg9[%dma_wait3A, %dma_wait3A_110] : memref<25088x128xbf16, #tpu.memory_space<vmem_shared>> -> memref<25088x128xbf16, #tpu.memory_space<vmem_shared>>
        tpu.wait_indirect_dma semaphore(%run_scoped3A : memref<!tpu.dma_semaphore, #tpu.memory_space<semaphore_mem>>) src(%arg8 : memref<128x128xbf16, #tpu.memory_space<vmem>>) dst(%dma_wait3A_111 : memref<25088x128xbf16, #tpu.memory_space<vmem_shared>>)
        tpu.yield
      }) : () -> ()
      %scan3A_107 = arith.constant 0 : i32
      scf.yield %scan3A_107 : i32
    }
    %scan3A_76 = arith.constant 200 : i32
    %barrier3A_77 = arith.constant 0 : index
    tpu.barrier barrier_id(%barrier3A_77)
    %mul3A_78 = arith.constant 1560 : i32
    %mul3A_79 = arith.muli %arg1, %mul3A_78 : i32
    %mul3A_80 = arith.constant 1560 : i32
    %mul3A_81 = arith.muli %arg1, %mul3A_80 : i32
    %add3A_82 = arith.addi %mul3A_0, %mul3A_81 : i32
    "tpu.region"() ({
      %run_scoped3A = tpu.sem_alloc : memref<!tpu.dma_semaphore, #tpu.memory_space<semaphore_mem>>
      %dma_start3A = arith.constant 0 : i32
      %dma_start3A_85 = tpu.memref_slice %arg4[%add3A_82, %dma_start3A] : memref<50000x128xbf16, #tpu.memory_space<hbm>> -> memref<1560x128xbf16, #tpu.memory_space<hbm>>
      %dma_start3A_86 = arith.constant 0 : i32
      %dma_start3A_87 = tpu.memref_slice %arg9[%mul3A_79, %dma_start3A_86] : memref<25088x128xbf16, #tpu.memory_space<vmem_shared>> -> memref<1560x128xbf16, #tpu.memory_space<vmem_shared>>
      tpu.enqueue_dma source(%dma_start3A_87 : memref<1560x128xbf16, #tpu.memory_space<vmem_shared>>) target(%dma_start3A_85 : memref<1560x128xbf16, #tpu.memory_space<hbm>>) target_semaphore(%run_scoped3A : memref<!tpu.dma_semaphore, #tpu.memory_space<semaphore_mem>>)
      %dma_wait3A = arith.constant 0 : i32
      %dma_wait3A_88 = tpu.memref_slice %arg4[%add3A_82, %dma_wait3A] : memref<50000x128xbf16, #tpu.memory_space<hbm>> -> memref<1560x128xbf16, #tpu.memory_space<hbm>>
      %dma_wait3A_89 = arith.constant 0 : i32
      %dma_wait3A_90 = tpu.memref_slice %arg9[%mul3A_79, %dma_wait3A_89] : memref<25088x128xbf16, #tpu.memory_space<vmem_shared>> -> memref<1560x128xbf16, #tpu.memory_space<vmem_shared>>
      tpu.wait_dma2 semaphore(%run_scoped3A : memref<!tpu.dma_semaphore, #tpu.memory_space<semaphore_mem>>) src(%dma_wait3A_90 : memref<1560x128xbf16, #tpu.memory_space<vmem_shared>>) dst(%dma_wait3A_88 : memref<1560x128xbf16, #tpu.memory_space<hbm>>)
      tpu.yield
    }) : () -> ()
    %eq3A = arith.constant 0 : i32
    %eq3A_83 = arith.cmpi eq, %arg1, %eq3A : i32
    %convert_element_type3A = arith.extui %eq3A_83 : i1 to i32
    %cond3A = arith.constant 0 : i32
    %cond3A_84 = arith.cmpi ne, %convert_element_type3A, %cond3A : i32
    scf.if %cond3A_84 {
      %add3A_85 = arith.constant 24960 : i32
      %add3A_86 = arith.addi %mul3A_0, %add3A_85 : i32
      "tpu.region"() ({
        %run_scoped3A = tpu.sem_alloc : memref<!tpu.dma_semaphore, #tpu.memory_space<semaphore_mem>>
        %dma_start3A = arith.constant 0 : i32
        %dma_start3A_87 = tpu.memref_slice %arg4[%add3A_86, %dma_start3A] : memref<50000x128xbf16, #tpu.memory_space<hbm>> -> memref<40x128xbf16, #tpu.memory_space<hbm>>
        %dma_start3A_88 = arith.constant 24960 : i32
        %dma_start3A_89 = arith.constant 0 : i32
        %dma_start3A_90 = tpu.memref_slice %arg9[%dma_start3A_88, %dma_start3A_89] : memref<25088x128xbf16, #tpu.memory_space<vmem_shared>> -> memref<40x128xbf16, #tpu.memory_space<vmem_shared>>
        tpu.enqueue_dma source(%dma_start3A_90 : memref<40x128xbf16, #tpu.memory_space<vmem_shared>>) target(%dma_start3A_87 : memref<40x128xbf16, #tpu.memory_space<hbm>>) target_semaphore(%run_scoped3A : memref<!tpu.dma_semaphore, #tpu.memory_space<semaphore_mem>>)
        %dma_wait3A = arith.constant 0 : i32
        %dma_wait3A_91 = tpu.memref_slice %arg4[%add3A_86, %dma_wait3A] : memref<50000x128xbf16, #tpu.memory_space<hbm>> -> memref<40x128xbf16, #tpu.memory_space<hbm>>
        %dma_wait3A_92 = arith.constant 24960 : i32
        %dma_wait3A_93 = arith.constant 0 : i32
        %dma_wait3A_94 = tpu.memref_slice %arg9[%dma_wait3A_92, %dma_wait3A_93] : memref<25088x128xbf16, #tpu.memory_space<vmem_shared>> -> memref<40x128xbf16, #tpu.memory_space<vmem_shared>>
        tpu.wait_dma2 semaphore(%run_scoped3A : memref<!tpu.dma_semaphore, #tpu.memory_space<semaphore_mem>>) src(%dma_wait3A_94 : memref<40x128xbf16, #tpu.memory_space<vmem_shared>>) dst(%dma_wait3A_91 : memref<40x128xbf16, #tpu.memory_space<hbm>>)
        tpu.yield
      }) : () -> ()
    } else {
    }
    return
  }
}

module attributes {stable_mosaic.version = 14 : i64} {
  func.func @_pre_body(%arg0: i32, %arg1: memref<2048x64xf32, #tpu.memory_space<vmem>>, %arg2: memref<2048x16xf32, #tpu.memory_space<vmem>>, %arg3: memref<64x64xf32, #tpu.memory_space<vmem>>, %arg4: memref<64x64xf32, #tpu.memory_space<vmem>>, %arg5: memref<2048x128xf32, #tpu.memory_space<vmem>>, %arg6: memref<2048x128xf32, #tpu.memory_space<vmem>>, %arg7: memref<2048x128xf32, #tpu.memory_space<vmem>>, %arg8: memref<2048x128xf32, #tpu.memory_space<vmem>>) attributes {dimension_semantics = [#tpu.dimension_semantics<arbitrary>], iteration_bounds = array<i64: 25>, scalar_prefetch = 0 : i64, scratch_operands = 0 : i64, tpu.core_type = #tpu.core_type<tc>, window_params = [{transform_indices = @transform_0, window_bounds = array<i64: 2048, 64>}, {transform_indices = @transform_1, window_bounds = array<i64: 2048, 16>}, {pipeline_mode = #tpu.pipeline_mode<synchronous>, transform_indices = @transform_2, window_bounds = array<i64: 64, 64>}, {pipeline_mode = #tpu.pipeline_mode<synchronous>, transform_indices = @transform_3, window_bounds = array<i64: 64, 64>}, {transform_indices = @transform_4, window_bounds = array<i64: 2048, 128>}, {transform_indices = @transform_5, window_bounds = array<i64: 2048, 128>}, {transform_indices = @transform_6, window_bounds = array<i64: 2048, 128>}, {transform_indices = @transform_7, window_bounds = array<i64: 2048, 128>}]} {
    %get3A = arith.constant 0 : index
    %get3A_0 = arith.constant 0 : index
    %get3A_1 = vector.load %arg1[%get3A, %get3A_0] : memref<2048x64xf32, #tpu.memory_space<vmem>>, vector<2048x64xf32>
    %get3A_2 = arith.constant 0 : index
    %get3A_3 = arith.constant 0 : index
    %get3A_4 = vector.load %arg2[%get3A_2, %get3A_3] : memref<2048x16xf32, #tpu.memory_space<vmem>>, vector<2048x16xf32>
    %broadcast_in_dim3A = arith.constant 0.000000e+00 : f32
    %broadcast_in_dim3A_5 = vector.broadcast %broadcast_in_dim3A : f32 to vector<2048x48xf32>
    %get3A_6 = arith.constant 0 : index
    %get3A_7 = arith.constant 0 : index
    %get3A_8 = vector.load %arg3[%get3A_6, %get3A_7] : memref<64x64xf32, #tpu.memory_space<vmem>>, vector<64x64xf32>
    %dot_general3A = arith.constant dense<0.000000e+00> : vector<2048x64xf32>
    %dot_general3A_9 = tpu.matmul %get3A_1, %get3A_8, %dot_general3A {dimension_numbers = #tpu.dot_dimension_numbers<[1], [0], [0], [1], [0, 0, 1, 1], [], []>, transpose_lhs_hint = false} : vector<2048x64xf32>, vector<64x64xf32>, vector<2048x64xf32> -> vector<2048x64xf32>
    %concatenate3A = tpu.concatenate %dot_general3A_9, %get3A_4, %broadcast_in_dim3A_5 in 1 : vector<2048x64xf32>, vector<2048x16xf32>, vector<2048x48xf32> -> vector<2048x128xf32>
    %get3A_10 = arith.constant 0 : index
    %get3A_11 = arith.constant 0 : index
    %get3A_12 = vector.load %arg4[%get3A_10, %get3A_11] : memref<64x64xf32, #tpu.memory_space<vmem>>, vector<64x64xf32>
    %dot_general3A_13 = arith.constant dense<0.000000e+00> : vector<2048x64xf32>
    %dot_general3A_14 = tpu.matmul %get3A_1, %get3A_12, %dot_general3A_13 {dimension_numbers = #tpu.dot_dimension_numbers<[1], [0], [0], [1], [0, 0, 1, 1], [], []>, transpose_lhs_hint = false} : vector<2048x64xf32>, vector<64x64xf32>, vector<2048x64xf32> -> vector<2048x64xf32>
    %concatenate3A_15 = tpu.concatenate %dot_general3A_14, %get3A_4, %broadcast_in_dim3A_5 in 1 : vector<2048x64xf32>, vector<2048x16xf32>, vector<2048x48xf32> -> vector<2048x128xf32>
    %swap3A = arith.constant 0 : index
    %swap3A_16 = arith.constant 0 : index
    %swap3A_17 = vector.load %arg5[%swap3A, %swap3A_16] : memref<2048x128xf32, #tpu.memory_space<vmem>>, vector<2048x128xf32>
    tpu.vector_store %arg5[%swap3A, %swap3A_16], %concatenate3A {strides = array<i32>} : memref<2048x128xf32, #tpu.memory_space<vmem>>, vector<2048x128xf32>,
    %swap3A_18 = arith.constant 0 : index
    %swap3A_19 = arith.constant 0 : index
    %swap3A_20 = vector.load %arg6[%swap3A_18, %swap3A_19] : memref<2048x128xf32, #tpu.memory_space<vmem>>, vector<2048x128xf32>
    tpu.vector_store %arg6[%swap3A_18, %swap3A_19], %concatenate3A_15 {strides = array<i32>} : memref<2048x128xf32, #tpu.memory_space<vmem>>, vector<2048x128xf32>,
    %swap3A_21 = arith.constant 0 : index
    %swap3A_22 = arith.constant 0 : index
    %swap3A_23 = vector.load %arg7[%swap3A_21, %swap3A_22] : memref<2048x128xf32, #tpu.memory_space<vmem>>, vector<2048x128xf32>
    tpu.vector_store %arg7[%swap3A_21, %swap3A_22], %concatenate3A {strides = array<i32>} : memref<2048x128xf32, #tpu.memory_space<vmem>>, vector<2048x128xf32>,
    %swap3A_24 = arith.constant 0 : index
    %swap3A_25 = arith.constant 0 : index
    %swap3A_26 = vector.load %arg8[%swap3A_24, %swap3A_25] : memref<2048x128xf32, #tpu.memory_space<vmem>>, vector<2048x128xf32>
    tpu.vector_store %arg8[%swap3A_24, %swap3A_25], %concatenate3A_15 {strides = array<i32>} : memref<2048x128xf32, #tpu.memory_space<vmem>>, vector<2048x128xf32>,
    return
  }
  func.func @transform_0(%arg0: i32) -> (i32, i32) {
    %c0_i32 = arith.constant 0 : i32
    %c0_i32_0 = arith.constant 0 : i32
    return %arg0, %c0_i32 : i32, i32
  }
  func.func @transform_1(%arg0: i32) -> (i32, i32) {
    %c0_i32 = arith.constant 0 : i32
    %c0_i32_0 = arith.constant 0 : i32
    return %arg0, %c0_i32 : i32, i32
  }
  func.func @transform_2(%arg0: i32) -> (i32, i32) {
    %c0_i32 = arith.constant 0 : i32
    %c0_i32_0 = arith.constant 0 : i32
    %c0_i32_1 = arith.constant 0 : i32
    return %c0_i32, %c0_i32_0 : i32, i32
  }
  func.func @transform_3(%arg0: i32) -> (i32, i32) {
    %c0_i32 = arith.constant 0 : i32
    %c0_i32_0 = arith.constant 0 : i32
    %c0_i32_1 = arith.constant 0 : i32
    return %c0_i32, %c0_i32_0 : i32, i32
  }
  func.func @transform_4(%arg0: i32) -> (i32, i32) {
    %c0_i32 = arith.constant 0 : i32
    %c0_i32_0 = arith.constant 0 : i32
    return %arg0, %c0_i32 : i32, i32
  }
  func.func @transform_5(%arg0: i32) -> (i32, i32) {
    %c0_i32 = arith.constant 0 : i32
    %c0_i32_0 = arith.constant 0 : i32
    return %arg0, %c0_i32 : i32, i32
  }
  func.func @transform_6(%arg0: i32) -> (i32, i32) {
    %c0_i32 = arith.constant 0 : i32
    %c0_i32_0 = arith.constant 0 : i32
    return %arg0, %c0_i32 : i32, i32
  }
  func.func @transform_7(%arg0: i32) -> (i32, i32) {
    %c0_i32 = arith.constant 0 : i32
    %c0_i32_0 = arith.constant 0 : i32
    return %arg0, %c0_i32 : i32, i32
  }
}

module attributes {stable_mosaic.version = 14 : i64} {
  func.func @_edge_body(%arg0: i32, %arg1: memref<2048x128xf32, #tpu.memory_space<vmem>>, %arg2: memref<1x64xf32, #tpu.memory_space<vmem>>, %arg3: memref<1x64xf32, #tpu.memory_space<vmem>>, %arg4: memref<64x64xf32, #tpu.memory_space<vmem>>, %arg5: memref<1x64xf32, #tpu.memory_space<vmem>>, %arg6: memref<64x64xf32, #tpu.memory_space<vmem>>, %arg7: memref<1x64xf32, #tpu.memory_space<vmem>>, %arg8: memref<1x64xf32, #tpu.memory_space<vmem>>, %arg9: memref<2048x128xf32, #tpu.memory_space<vmem>>) attributes {dimension_semantics = [#tpu.dimension_semantics<arbitrary>], iteration_bounds = array<i64: 200>, scalar_prefetch = 0 : i64, scratch_operands = 0 : i64, tpu.core_type = #tpu.core_type<tc>, window_params = [{transform_indices = @transform_0, window_bounds = array<i64: 2048, 128>}, {pipeline_mode = #tpu.pipeline_mode<synchronous>, transform_indices = @transform_1, window_bounds = array<i64: 1, 64>}, {pipeline_mode = #tpu.pipeline_mode<synchronous>, transform_indices = @transform_2, window_bounds = array<i64: 1, 64>}, {pipeline_mode = #tpu.pipeline_mode<synchronous>, transform_indices = @transform_3, window_bounds = array<i64: 64, 64>}, {pipeline_mode = #tpu.pipeline_mode<synchronous>, transform_indices = @transform_4, window_bounds = array<i64: 1, 64>}, {pipeline_mode = #tpu.pipeline_mode<synchronous>, transform_indices = @transform_5, window_bounds = array<i64: 64, 64>}, {pipeline_mode = #tpu.pipeline_mode<synchronous>, transform_indices = @transform_6, window_bounds = array<i64: 1, 64>}, {pipeline_mode = #tpu.pipeline_mode<synchronous>, transform_indices = @transform_7, window_bounds = array<i64: 1, 64>}, {transform_indices = @transform_8, window_bounds = array<i64: 2048, 128>}]} {
    %get3A = arith.constant 0 : index
    %get3A_0 = arith.constant 0 : index
    %get3A_1 = vector.load %arg1[%get3A, %get3A_0] : memref<2048x128xf32, #tpu.memory_space<vmem>>, vector<2048x128xf32>
    %slice3A = vector.extract_strided_slice %get3A_1 {offsets = [0, 64], sizes = [2048, 16], strides = [1, 1]} : vector<2048x128xf32> to vector<2048x16xf32>
    %mul3A = arith.mulf %slice3A, %slice3A : vector<2048x16xf32>
    %reduce_sum3A = arith.constant dense<0.000000e+00> : vector<2048xf32>
    %reduce_sum3A_2 = vector.multi_reduction <add>, %mul3A, %reduce_sum3A [1] : vector<2048x16xf32> to vector<2048xf32>
    %broadcast_in_dim3A = vector.shape_cast %reduce_sum3A_2 : vector<2048xf32> to vector<2048x1xf32>
    %sqrt3A = math.sqrt %broadcast_in_dim3A : vector<2048x1xf32>
    %slice3A_3 = vector.extract_strided_slice %get3A_1 {offsets = [0, 0], sizes = [2048, 64], strides = [1, 1]} : vector<2048x128xf32> to vector<2048x64xf32>
    %get3A_4 = arith.constant 0 : index
    %get3A_5 = arith.constant 0 : index
    %get3A_6 = vector.load %arg2[%get3A_4, %get3A_5] : memref<1x64xf32, #tpu.memory_space<vmem>>, vector<1x64xf32>
    %mul3A_7 = vector.broadcast %sqrt3A : vector<2048x1xf32> to vector<2048x64xf32>
    %mul3A_8 = vector.broadcast %get3A_6 : vector<1x64xf32> to vector<2048x64xf32>
    %mul3A_9 = arith.mulf %mul3A_7, %mul3A_8 : vector<2048x64xf32>
    %add3A = arith.addf %slice3A_3, %mul3A_9 : vector<2048x64xf32>
    %get3A_10 = arith.constant 0 : index
    %get3A_11 = arith.constant 0 : index
    %get3A_12 = vector.load %arg3[%get3A_10, %get3A_11] : memref<1x64xf32, #tpu.memory_space<vmem>>, vector<1x64xf32>
    %add3A_13 = vector.broadcast %get3A_12 : vector<1x64xf32> to vector<2048x64xf32>
    %add3A_14 = arith.addf %add3A, %add3A_13 : vector<2048x64xf32>
    %logistic3A = arith.negf %add3A_14 : vector<2048x64xf32>
    %logistic3A_15 = math.exp %logistic3A : vector<2048x64xf32>
    %logistic3A_16 = arith.constant 1.000000e+00 : f32
    %logistic3A_17 = vector.broadcast %logistic3A_16 : f32 to vector<2048x64xf32>
    %logistic3A_18 = arith.addf %logistic3A_17, %logistic3A_15 : vector<2048x64xf32>
    %logistic3A_19 = arith.divf %logistic3A_17, %logistic3A_18 : vector<2048x64xf32>
    %mul3A_20 = arith.mulf %add3A_14, %logistic3A_19 : vector<2048x64xf32>
    %get3A_21 = arith.constant 0 : index
    %get3A_22 = arith.constant 0 : index
    %get3A_23 = vector.load %arg4[%get3A_21, %get3A_22] : memref<64x64xf32, #tpu.memory_space<vmem>>, vector<64x64xf32>
    %dot_general3A = arith.constant dense<0.000000e+00> : vector<2048x64xf32>
    %dot_general3A_24 = tpu.matmul %mul3A_20, %get3A_23, %dot_general3A {dimension_numbers = #tpu.dot_dimension_numbers<[1], [0], [0], [1], [0, 0, 1, 1], [], []>, transpose_lhs_hint = false} : vector<2048x64xf32>, vector<64x64xf32>, vector<2048x64xf32> -> vector<2048x64xf32>
    %get3A_25 = arith.constant 0 : index
    %get3A_26 = arith.constant 0 : index
    %get3A_27 = vector.load %arg5[%get3A_25, %get3A_26] : memref<1x64xf32, #tpu.memory_space<vmem>>, vector<1x64xf32>
    %add3A_28 = vector.broadcast %get3A_27 : vector<1x64xf32> to vector<2048x64xf32>
    %add3A_29 = arith.addf %dot_general3A_24, %add3A_28 : vector<2048x64xf32>
    %get3A_30 = arith.constant 0 : index
    %get3A_31 = arith.constant 0 : index
    %get3A_32 = vector.load %arg6[%get3A_30, %get3A_31] : memref<64x64xf32, #tpu.memory_space<vmem>>, vector<64x64xf32>
    %dot_general3A_33 = arith.constant dense<0.000000e+00> : vector<2048x64xf32>
    %dot_general3A_34 = tpu.matmul %add3A_29, %get3A_32, %dot_general3A_33 {dimension_numbers = #tpu.dot_dimension_numbers<[1], [0], [0], [1], [0, 0, 1, 1], [], []>, transpose_lhs_hint = false} : vector<2048x64xf32>, vector<64x64xf32>, vector<2048x64xf32> -> vector<2048x64xf32>
    %get3A_35 = arith.constant 0 : index
    %get3A_36 = arith.constant 0 : index
    %get3A_37 = vector.load %arg7[%get3A_35, %get3A_36] : memref<1x64xf32, #tpu.memory_space<vmem>>, vector<1x64xf32>
    %add3A_38 = vector.broadcast %get3A_37 : vector<1x64xf32> to vector<2048x64xf32>
    %add3A_39 = arith.addf %dot_general3A_34, %add3A_38 : vector<2048x64xf32>
    %logistic3A_40 = arith.negf %add3A_39 : vector<2048x64xf32>
    %logistic3A_41 = math.exp %logistic3A_40 : vector<2048x64xf32>
    %logistic3A_42 = arith.constant 1.000000e+00 : f32
    %logistic3A_43 = vector.broadcast %logistic3A_42 : f32 to vector<2048x64xf32>
    %logistic3A_44 = arith.addf %logistic3A_43, %logistic3A_41 : vector<2048x64xf32>
    %logistic3A_45 = arith.divf %logistic3A_43, %logistic3A_44 : vector<2048x64xf32>
    %mul3A_46 = arith.mulf %add3A_39, %logistic3A_45 : vector<2048x64xf32>
    %get3A_47 = arith.constant 0 : index
    %get3A_48 = arith.constant 0 : index
    %get3A_49 = vector.load %arg8[%get3A_47, %get3A_48] : memref<1x64xf32, #tpu.memory_space<vmem>>, vector<1x64xf32>
    %mul3A_50 = vector.broadcast %get3A_49 : vector<1x64xf32> to vector<2048x64xf32>
    %mul3A_51 = arith.mulf %mul3A_46, %mul3A_50 : vector<2048x64xf32>
    %reduce_sum3A_52 = arith.constant dense<0.000000e+00> : vector<2048xf32>
    %reduce_sum3A_53 = vector.multi_reduction <add>, %mul3A_51, %reduce_sum3A_52 [1] : vector<2048x64xf32> to vector<2048xf32>
    %broadcast_in_dim3A_54 = vector.shape_cast %reduce_sum3A_53 : vector<2048xf32> to vector<2048x1xf32>
    %broadcast_in_dim3A_55 = arith.constant 0.000000e+00 : f32
    %broadcast_in_dim3A_56 = vector.broadcast %broadcast_in_dim3A_55 : f32 to vector<2048x48xf32>
    %mul3A_57 = vector.broadcast %broadcast_in_dim3A_54 : vector<2048x1xf32> to vector<2048x16xf32>
    %mul3A_58 = arith.mulf %slice3A, %mul3A_57 : vector<2048x16xf32>
    %concatenate3A = tpu.concatenate %add3A_29, %mul3A_58, %broadcast_in_dim3A_56 in 1 : vector<2048x64xf32>, vector<2048x16xf32>, vector<2048x48xf32> -> vector<2048x128xf32>
    %swap3A = arith.constant 0 : index
    %swap3A_59 = arith.constant 0 : index
    %swap3A_60 = vector.load %arg9[%swap3A, %swap3A_59] : memref<2048x128xf32, #tpu.memory_space<vmem>>, vector<2048x128xf32>
    tpu.vector_store %arg9[%swap3A, %swap3A_59], %concatenate3A {strides = array<i32>} : memref<2048x128xf32, #tpu.memory_space<vmem>>, vector<2048x128xf32>,
    return
  }
  func.func @transform_0(%arg0: i32) -> (i32, i32) {
    %c0_i32 = arith.constant 0 : i32
    %c0_i32_0 = arith.constant 0 : i32
    return %arg0, %c0_i32 : i32, i32
  }
  func.func @transform_1(%arg0: i32) -> (i32, i32) {
    %c0_i32 = arith.constant 0 : i32
    %c0_i32_0 = arith.constant 0 : i32
    %c0_i32_1 = arith.constant 0 : i32
    return %c0_i32, %c0_i32_0 : i32, i32
  }
  func.func @transform_2(%arg0: i32) -> (i32, i32) {
    %c0_i32 = arith.constant 0 : i32
    %c0_i32_0 = arith.constant 0 : i32
    %c0_i32_1 = arith.constant 0 : i32
    return %c0_i32, %c0_i32_0 : i32, i32
  }
  func.func @transform_3(%arg0: i32) -> (i32, i32) {
    %c0_i32 = arith.constant 0 : i32
    %c0_i32_0 = arith.constant 0 : i32
    %c0_i32_1 = arith.constant 0 : i32
    return %c0_i32, %c0_i32_0 : i32, i32
  }
  func.func @transform_4(%arg0: i32) -> (i32, i32) {
    %c0_i32 = arith.constant 0 : i32
    %c0_i32_0 = arith.constant 0 : i32
    %c0_i32_1 = arith.constant 0 : i32
    return %c0_i32, %c0_i32_0 : i32, i32
  }
  func.func @transform_5(%arg0: i32) -> (i32, i32) {
    %c0_i32 = arith.constant 0 : i32
    %c0_i32_0 = arith.constant 0 : i32
    %c0_i32_1 = arith.constant 0 : i32
    return %c0_i32, %c0_i32_0 : i32, i32
  }
  func.func @transform_6(%arg0: i32) -> (i32, i32) {
    %c0_i32 = arith.constant 0 : i32
    %c0_i32_0 = arith.constant 0 : i32
    %c0_i32_1 = arith.constant 0 : i32
    return %c0_i32, %c0_i32_0 : i32, i32
  }
  func.func @transform_7(%arg0: i32) -> (i32, i32) {
    %c0_i32 = arith.constant 0 : i32
    %c0_i32_0 = arith.constant 0 : i32
    %c0_i32_1 = arith.constant 0 : i32
    return %c0_i32, %c0_i32_0 : i32, i32
  }
  func.func @transform_8(%arg0: i32) -> (i32, i32) {
    %c0_i32 = arith.constant 0 : i32
    %c0_i32_0 = arith.constant 0 : i32
    return %arg0, %c0_i32 : i32, i32
  }
}

module attributes {stable_mosaic.version = 14 : i64} {
  func.func @_node_body(%arg0: i32, %arg1: memref<2000x64xf32, #tpu.memory_space<vmem>>, %arg2: memref<2000x128xbf16, #tpu.memory_space<vmem>>, %arg3: memref<2000x128xbf16, #tpu.memory_space<vmem>>, %arg4: memref<2000x16xf32, #tpu.memory_space<vmem>>, %arg5: memref<64x64xf32, #tpu.memory_space<vmem>>, %arg6: memref<64x64xf32, #tpu.memory_space<vmem>>, %arg7: memref<1x64xf32, #tpu.memory_space<vmem>>, %arg8: memref<64x64xf32, #tpu.memory_space<vmem>>, %arg9: memref<1x64xf32, #tpu.memory_space<vmem>>, %arg10: memref<2000x64xf32, #tpu.memory_space<vmem>>, %arg11: memref<2000x16xf32, #tpu.memory_space<vmem>>) attributes {dimension_semantics = [#tpu.dimension_semantics<arbitrary>], iteration_bounds = array<i64: 25>, scalar_prefetch = 0 : i64, scratch_operands = 0 : i64, tpu.core_type = #tpu.core_type<tc>, window_params = [{transform_indices = @transform_0, window_bounds = array<i64: 2000, 64>}, {transform_indices = @transform_1, window_bounds = array<i64: 2000, 128>}, {transform_indices = @transform_2, window_bounds = array<i64: 2000, 128>}, {transform_indices = @transform_3, window_bounds = array<i64: 2000, 16>}, {pipeline_mode = #tpu.pipeline_mode<synchronous>, transform_indices = @transform_4, window_bounds = array<i64: 64, 64>}, {pipeline_mode = #tpu.pipeline_mode<synchronous>, transform_indices = @transform_5, window_bounds = array<i64: 64, 64>}, {pipeline_mode = #tpu.pipeline_mode<synchronous>, transform_indices = @transform_6, window_bounds = array<i64: 1, 64>}, {pipeline_mode = #tpu.pipeline_mode<synchronous>, transform_indices = @transform_7, window_bounds = array<i64: 64, 64>}, {pipeline_mode = #tpu.pipeline_mode<synchronous>, transform_indices = @transform_8, window_bounds = array<i64: 1, 64>}, {transform_indices = @transform_9, window_bounds = array<i64: 2000, 64>}, {transform_indices = @transform_10, window_bounds = array<i64: 2000, 16>}]} {
    %get3A = arith.constant 0 : index
    %get3A_0 = arith.constant 0 : index
    %get3A_1 = vector.load %arg1[%get3A, %get3A_0] : memref<2000x64xf32, #tpu.memory_space<vmem>>, vector<2000x64xf32>
    %get3A_2 = arith.constant 0 : index
    %get3A_3 = arith.constant 0 : index
    %get3A_4 = vector.load %arg2[%get3A_2, %get3A_3] : memref<2000x128xbf16, #tpu.memory_space<vmem>>, vector<2000x128xbf16>
    %convert_element_type3A = arith.extf %get3A_4 : vector<2000x128xbf16> to vector<2000x128xf32>
    %get3A_5 = arith.constant 0 : index
    %get3A_6 = arith.constant 0 : index
    %get3A_7 = vector.load %arg3[%get3A_5, %get3A_6] : memref<2000x128xbf16, #tpu.memory_space<vmem>>, vector<2000x128xbf16>
    %convert_element_type3A_8 = arith.extf %get3A_7 : vector<2000x128xbf16> to vector<2000x128xf32>
    %add3A = arith.addf %convert_element_type3A, %convert_element_type3A_8 : vector<2000x128xf32>
    %get3A_9 = arith.constant 0 : index
    %get3A_10 = arith.constant 0 : index
    %get3A_11 = vector.load %arg5[%get3A_9, %get3A_10] : memref<64x64xf32, #tpu.memory_space<vmem>>, vector<64x64xf32>
    %dot_general3A = arith.constant dense<0.000000e+00> : vector<2000x64xf32>
    %dot_general3A_12 = tpu.matmul %get3A_1, %get3A_11, %dot_general3A {dimension_numbers = #tpu.dot_dimension_numbers<[1], [0], [0], [1], [0, 0, 1, 1], [], []>, transpose_lhs_hint = false} : vector<2000x64xf32>, vector<64x64xf32>, vector<2000x64xf32> -> vector<2000x64xf32>
    %slice3A = vector.extract_strided_slice %add3A {offsets = [0, 0], sizes = [2000, 64], strides = [1, 1]} : vector<2000x128xf32> to vector<2000x64xf32>
    %get3A_13 = arith.constant 0 : index
    %get3A_14 = arith.constant 0 : index
    %get3A_15 = vector.load %arg6[%get3A_13, %get3A_14] : memref<64x64xf32, #tpu.memory_space<vmem>>, vector<64x64xf32>
    %dot_general3A_16 = arith.constant dense<0.000000e+00> : vector<2000x64xf32>
    %dot_general3A_17 = tpu.matmul %slice3A, %get3A_15, %dot_general3A_16 {dimension_numbers = #tpu.dot_dimension_numbers<[1], [0], [0], [1], [0, 0, 1, 1], [], []>, transpose_lhs_hint = false} : vector<2000x64xf32>, vector<64x64xf32>, vector<2000x64xf32> -> vector<2000x64xf32>
    %add3A_18 = arith.addf %dot_general3A_12, %dot_general3A_17 : vector<2000x64xf32>
    %get3A_19 = arith.constant 0 : index
    %get3A_20 = arith.constant 0 : index
    %get3A_21 = vector.load %arg7[%get3A_19, %get3A_20] : memref<1x64xf32, #tpu.memory_space<vmem>>, vector<1x64xf32>
    %add3A_22 = vector.broadcast %get3A_21 : vector<1x64xf32> to vector<2000x64xf32>
    %add3A_23 = arith.addf %add3A_18, %add3A_22 : vector<2000x64xf32>
    %logistic3A = arith.negf %add3A_23 : vector<2000x64xf32>
    %logistic3A_24 = math.exp %logistic3A : vector<2000x64xf32>
    %logistic3A_25 = arith.constant 1.000000e+00 : f32
    %logistic3A_26 = vector.broadcast %logistic3A_25 : f32 to vector<2000x64xf32>
    %logistic3A_27 = arith.addf %logistic3A_26, %logistic3A_24 : vector<2000x64xf32>
    %logistic3A_28 = arith.divf %logistic3A_26, %logistic3A_27 : vector<2000x64xf32>
    %mul3A = arith.mulf %add3A_23, %logistic3A_28 : vector<2000x64xf32>
    %get3A_29 = arith.constant 0 : index
    %get3A_30 = arith.constant 0 : index
    %get3A_31 = vector.load %arg8[%get3A_29, %get3A_30] : memref<64x64xf32, #tpu.memory_space<vmem>>, vector<64x64xf32>
    %dot_general3A_32 = arith.constant dense<0.000000e+00> : vector<2000x64xf32>
    %dot_general3A_33 = tpu.matmul %mul3A, %get3A_31, %dot_general3A_32 {dimension_numbers = #tpu.dot_dimension_numbers<[1], [0], [0], [1], [0, 0, 1, 1], [], []>, transpose_lhs_hint = false} : vector<2000x64xf32>, vector<64x64xf32>, vector<2000x64xf32> -> vector<2000x64xf32>
    %add3A_34 = arith.addf %get3A_1, %dot_general3A_33 : vector<2000x64xf32>
    %get3A_35 = arith.constant 0 : index
    %get3A_36 = arith.constant 0 : index
    %get3A_37 = vector.load %arg9[%get3A_35, %get3A_36] : memref<1x64xf32, #tpu.memory_space<vmem>>, vector<1x64xf32>
    %add3A_38 = vector.broadcast %get3A_37 : vector<1x64xf32> to vector<2000x64xf32>
    %add3A_39 = arith.addf %add3A_34, %add3A_38 : vector<2000x64xf32>
    %swap3A = arith.constant 0 : index
    %swap3A_40 = arith.constant 0 : index
    %swap3A_41 = vector.load %arg10[%swap3A, %swap3A_40] : memref<2000x64xf32, #tpu.memory_space<vmem>>, vector<2000x64xf32>
    tpu.vector_store %arg10[%swap3A, %swap3A_40], %add3A_39 {strides = array<i32>} : memref<2000x64xf32, #tpu.memory_space<vmem>>, vector<2000x64xf32>,
    %slice3A_42 = vector.extract_strided_slice %add3A {offsets = [0, 64], sizes = [2000, 1], strides = [1, 1]} : vector<2000x128xf32> to vector<2000x1xf32>
    %slice3A_43 = vector.extract_strided_slice %add3A {offsets = [0, 66], sizes = [2000, 1], strides = [1, 1]} : vector<2000x128xf32> to vector<2000x1xf32>
    %slice3A_44 = vector.extract_strided_slice %add3A {offsets = [0, 68], sizes = [2000, 1], strides = [1, 1]} : vector<2000x128xf32> to vector<2000x1xf32>
    %slice3A_45 = vector.extract_strided_slice %add3A {offsets = [0, 70], sizes = [2000, 1], strides = [1, 1]} : vector<2000x128xf32> to vector<2000x1xf32>
    %slice3A_46 = vector.extract_strided_slice %add3A {offsets = [0, 72], sizes = [2000, 1], strides = [1, 1]} : vector<2000x128xf32> to vector<2000x1xf32>
    %slice3A_47 = vector.extract_strided_slice %add3A {offsets = [0, 74], sizes = [2000, 1], strides = [1, 1]} : vector<2000x128xf32> to vector<2000x1xf32>
    %slice3A_48 = vector.extract_strided_slice %add3A {offsets = [0, 76], sizes = [2000, 1], strides = [1, 1]} : vector<2000x128xf32> to vector<2000x1xf32>
    %slice3A_49 = vector.extract_strided_slice %add3A {offsets = [0, 78], sizes = [2000, 1], strides = [1, 1]} : vector<2000x128xf32> to vector<2000x1xf32>
    %slice3A_50 = vector.extract_strided_slice %add3A {offsets = [0, 80], sizes = [2000, 1], strides = [1, 1]} : vector<2000x128xf32> to vector<2000x1xf32>
    %slice3A_51 = vector.extract_strided_slice %add3A {offsets = [0, 82], sizes = [2000, 1], strides = [1, 1]} : vector<2000x128xf32> to vector<2000x1xf32>
    %slice3A_52 = vector.extract_strided_slice %add3A {offsets = [0, 84], sizes = [2000, 1], strides = [1, 1]} : vector<2000x128xf32> to vector<2000x1xf32>
    %slice3A_53 = vector.extract_strided_slice %add3A {offsets = [0, 86], sizes = [2000, 1], strides = [1, 1]} : vector<2000x128xf32> to vector<2000x1xf32>
    %slice3A_54 = vector.extract_strided_slice %add3A {offsets = [0, 88], sizes = [2000, 1], strides = [1, 1]} : vector<2000x128xf32> to vector<2000x1xf32>
    %slice3A_55 = vector.extract_strided_slice %add3A {offsets = [0, 90], sizes = [2000, 1], strides = [1, 1]} : vector<2000x128xf32> to vector<2000x1xf32>
    %slice3A_56 = vector.extract_strided_slice %add3A {offsets = [0, 92], sizes = [2000, 1], strides = [1, 1]} : vector<2000x128xf32> to vector<2000x1xf32>
    %slice3A_57 = vector.extract_strided_slice %add3A {offsets = [0, 94], sizes = [2000, 1], strides = [1, 1]} : vector<2000x128xf32> to vector<2000x1xf32>
    %concatenate3A = tpu.concatenate %slice3A_42, %slice3A_43, %slice3A_44, %slice3A_45, %slice3A_46, %slice3A_47, %slice3A_48, %slice3A_49, %slice3A_50, %slice3A_51, %slice3A_52, %slice3A_53, %slice3A_54, %slice3A_55, %slice3A_56, %slice3A_57 in 1 : vector<2000x1xf32>, vector<2000x1xf32>, vector<2000x1xf32>, vector<2000x1xf32>, vector<2000x1xf32>, vector<2000x1xf32>, vector<2000x1xf32>, vector<2000x1xf32>, vector<2000x1xf32>, vector<2000x1xf32>, vector<2000x1xf32>, vector<2000x1xf32>, vector<2000x1xf32>, vector<2000x1xf32>, vector<2000x1xf32>, vector<2000x1xf32> -> vector<2000x16xf32>
    %get3A_58 = arith.constant 0 : index
    %get3A_59 = arith.constant 0 : index
    %get3A_60 = vector.load %arg4[%get3A_58, %get3A_59] : memref<2000x16xf32, #tpu.memory_space<vmem>>, vector<2000x16xf32>
    %add3A_61 = arith.addf %get3A_60, %concatenate3A : vector<2000x16xf32>
    %swap3A_62 = arith.constant 0 : index
    %swap3A_63 = arith.constant 0 : index
    %swap3A_64 = vector.load %arg11[%swap3A_62, %swap3A_63] : memref<2000x16xf32, #tpu.memory_space<vmem>>, vector<2000x16xf32>
    tpu.vector_store %arg11[%swap3A_62, %swap3A_63], %add3A_61 {strides = array<i32>} : memref<2000x16xf32, #tpu.memory_space<vmem>>, vector<2000x16xf32>,
    return
  }
  func.func @transform_0(%arg0: i32) -> (i32, i32) {
    %c0_i32 = arith.constant 0 : i32
    %c0_i32_0 = arith.constant 0 : i32
    return %arg0, %c0_i32 : i32, i32
  }
  func.func @transform_1(%arg0: i32) -> (i32, i32) {
    %c0_i32 = arith.constant 0 : i32
    %c0_i32_0 = arith.constant 0 : i32
    return %arg0, %c0_i32 : i32, i32
  }
  func.func @transform_2(%arg0: i32) -> (i32, i32) {
    %c0_i32 = arith.constant 0 : i32
    %c0_i32_0 = arith.constant 0 : i32
    return %arg0, %c0_i32 : i32, i32
  }
  func.func @transform_3(%arg0: i32) -> (i32, i32) {
    %c0_i32 = arith.constant 0 : i32
    %c0_i32_0 = arith.constant 0 : i32
    return %arg0, %c0_i32 : i32, i32
  }
  func.func @transform_4(%arg0: i32) -> (i32, i32) {
    %c0_i32 = arith.constant 0 : i32
    %c0_i32_0 = arith.constant 0 : i32
    %c0_i32_1 = arith.constant 0 : i32
    return %c0_i32, %c0_i32_0 : i32, i32
  }
  func.func @transform_5(%arg0: i32) -> (i32, i32) {
    %c0_i32 = arith.constant 0 : i32
    %c0_i32_0 = arith.constant 0 : i32
    %c0_i32_1 = arith.constant 0 : i32
    return %c0_i32, %c0_i32_0 : i32, i32
  }
  func.func @transform_6(%arg0: i32) -> (i32, i32) {
    %c0_i32 = arith.constant 0 : i32
    %c0_i32_0 = arith.constant 0 : i32
    %c0_i32_1 = arith.constant 0 : i32
    return %c0_i32, %c0_i32_0 : i32, i32
  }
  func.func @transform_7(%arg0: i32) -> (i32, i32) {
    %c0_i32 = arith.constant 0 : i32
    %c0_i32_0 = arith.constant 0 : i32
    %c0_i32_1 = arith.constant 0 : i32
    return %c0_i32, %c0_i32_0 : i32, i32
  }
  func.func @transform_8(%arg0: i32) -> (i32, i32) {
    %c0_i32 = arith.constant 0 : i32
    %c0_i32_0 = arith.constant 0 : i32
    %c0_i32_1 = arith.constant 0 : i32
    return %c0_i32, %c0_i32_0 : i32, i32
  }
  func.func @transform_9(%arg0: i32) -> (i32, i32) {
    %c0_i32 = arith.constant 0 : i32
    %c0_i32_0 = arith.constant 0 : i32
    return %arg0, %c0_i32 : i32, i32
  }
  func.func @transform_10(%arg0: i32) -> (i32, i32) {
    %c0_i32 = arith.constant 0 : i32
    %c0_i32_0 = arith.constant 0 : i32
    return %arg0, %c0_i32 : i32, i32
  }
}

</mosaic_0001>

<sc_bundles>
// kernel: kernel.11.cloned.1.call-start
scs
__scs_entry_jumppad:
0x0: {  	(pc) =	sbr.rel $0x88, $3  }
0x1: {  	(tag) =	ssettag $0x0;
	lr =	simm.s32 $0x1  }
0x2: {  	[smem:$0x3F93] =	sst lr;
	_ =	strace $0xD0000000  }
0x3: {  	_ = 	snop  }
0x4: {  	_ = 	snop  }
0x5: {  	_ = 	snop  }
0x6: {  	_ = 	snop  }
0x7: {  	_ = 	snop  }
__scs_overlays_trampoline_lowered:
0x8: {  	[smem:$0x3FA2] =	sst s0  }
0x9: {  	[smem:$0x3FA3] =	sst s1  }
0xa: {  	[smem:$0x3FA4] =	sst s2  }
0xb: {  	[smem:$0x3FA5] =	sst s3  }
0xc: {  	[smem:$0x3FA6] =	sst s4  }
0xd: {  	[smem:$0x3FA7] =	sst s5  }
0xe: {  	[smem:$0x3FA8] =	sst s6  }
0xf: {  	[smem:$0x3FA9] =	sst s7  }
0x10: {  	[smem:$0x3FAA] =	sst s8  }
0x11: {  	[smem:$0x3FAB] =	sst s9;
	s0 =	simm.s32 @!p0 $0x0  }
0x12: {  	s1 =	sld [smem:$0x3F91];
	s0 =	simm.s32 @p0 $0x1  }
0x13: {  	[smem:$0x3FAC] =	sst s0;
	s0 =	simm.s32 @!p1 $0x0  }
0x14: {  	s2 =	sld [smem:$0x3F90];
	s0 =	simm.s32 @p1 $0x1  }
0x15: {  	[smem:$0x3FAD] =	sst s0;
	s0 =	simm.s32 @!p2 $0x0  }
0x16: {  	s3 =	sld [smem:$0x3FDB];
	s0 =	simm.s32 @p2 $0x1  }
0x17: {  	s4 =	simm.s32 $0x1BF5;
	[smem:$0x3FAF] =	sst s0  }
0x18: {  	s0 =	sld [smem:$0x3F92];
	_ =	swait.ge [sflag:s4], $0x0  }
0x19: {  	s7 =	sld [smem:$0x3F93]  }
0x1a: {  	s8 =	sadd.s32 $0xFFFFE003, lr  }
0x1b: {  	s9 =	sadd.s32 $0xFFFFFEF7, lr;
	s5 =	simm.s32 $0xFFFFFFFF;
	p2 =	slt.u32 s8, $0xFFFFF086  }
0x1c: {  	p1 =	slt.u32 s9, $0xF7A;
	s5 =	simm.s32 @!p2 $0x0  }
0x1d: {  	s5 =	simm.s32 @p1 $0x1;
	p0 =	seq.s32 s7, s2  }
0x1e: {  	s7 =	smul.u32 @!p0 $0xF7A, s2;
	p2 =	seq.s32 @!p0 s5, $0x0  }
0x1f: {  	s9 =	smul.u32 $0xF7A, s1;
	s8 =	simm.s32 @!p0 $0x1BF5;
	p2 =	por !p2, p0  }
0x20: {  	[sflag:s8] =	ssyncset.s32 @!p0 $0xFFFFF086;
	s6 =	sadd.s32 @!p0 s3, s7;
	s7 =	simm.s32 @!p0 $0x108  }
0x21: {  	s3 =	sadd.s32 s3, s9;
	s6 =	sadd.s32 @!p0 $0x88, s6;
	s7 =	simm.s32 @p2 $0x1082  }
0x22: {  	[simem:s7], [sflag:s8] =	dma.local @!p0 [hbm:s6], $0xF7A  }
0x23: {  	s9 =	sor.u32 $0xD0000000, s2;
	s6 =	simm.s32 $0x108;
	_ =	swait.ge @!p0 [sflag:s8], $0x0  }
0x24: {  	s3 =	sadd.s32 $0x88, s3;
	s6 =	simm.s32 @!p1 $0x1082;
	[sflag:s4] =	ssyncset.s32 $0xFFFFF086  }
0x25: {  	[simem:s6], [sflag:s4] =	dma.local [hbm:s3], $0xF7A  }
0x26: {  	[smem:$0x3F93] =	sst s1;
	(tag) =	ssettag s2;
	_ =	strace s9  }
0x27: {  	s1 =	sld [smem:$0x3FA3]  }
0x28: {  	s2 =	sld [smem:$0x3FA4]  }
0x29: {  	s4 =	sld [smem:$0x3FA6]  }
0x2a: {  	p0 =	seq.s32 s5, $0x0;
	s5 =	sld [smem:$0x3FA7]  }
0x2b: {  	s6 =	sld [smem:$0x3FA8]  }
0x2c: {  	s7 =	sld [smem:$0x3FA9]  }
0x2d: {  	s3 =	simm.s32 $0x108;
	s8 =	sld [smem:$0x3FAA]  }
0x2e: {  	s3 =	simm.s32 @!p0 $0x1082;
	s9 =	sld [smem:$0x3FAB]  }
0x2f: {  	lr =	sadd.s32 s0, s3;
	s0 =	sld [smem:$0x3FA2]  }
0x30: {  	s3 =	sld [smem:$0x3FA5]  }
0x31: {  	[smem:$0x3FAE] =	sst s10  }
0x32: {  	s10 =	sld [smem:$0x3FAC];
	_ =	sdelay $0x3  }
0x33: {  	p0 =	seq.s32 s10, $0x1;
	s10 =	sld [smem:$0x3FAE];
	_ =	sdelay $0x3  }
0x34: {  	[smem:$0x3FAE] =	sst s10  }
0x35: {  	s10 =	sld [smem:$0x3FAD];
	_ =	sdelay $0x3  }
0x36: {  	p1 =	seq.s32 s10, $0x1;
	s10 =	sld [smem:$0x3FAE];
	_ =	sdelay $0x3  }
0x37: {  	[smem:$0x3FAE] =	sst s10  }
0x38: {  	s10 =	sld [smem:$0x3FAF]  }
0x39: {  	_ = 	snop;
	(pc) =	sbr.ind lr, $3  }
0x3a: {  	_ = 	snop  }
0x3b: {  	_ = 	snop  }
0x3c: {  	p2 =	seq.s32 s10, $0x1;
	s10 =	sld [smem:$0x3FAE]  }
0x3d: {  	_ =	shalt  }
0x3e: {  	_ =	shalt  }
0x3f: {  	_ =	shalt  }
0x40: {  	_ =	shalt  }
0x41: {  	_ =	shalt  }
0x42: {  	_ =	shalt  }
0x43: {  	_ =	shalt  }
0x44: {  	_ =	shalt  }
0x45: {  	_ =	shalt  }
0x46: {  	_ =	shalt  }
0x47: {  	_ =	shalt  }
0x48: {  	_ =	shalt  }
0x49: {  	_ =	shalt  }
0x4a: {  	_ =	shalt  }
0x4b: {  	_ =	shalt  }
0x4c: {  	_ =	shalt  }
0x4d: {  	_ =	shalt  }
0x4e: {  	_ =	shalt  }
0x4f: {  	_ =	shalt  }
0x50: {  	_ =	shalt  }
0x51: {  	_ =	shalt  }
0x52: {  	_ =	shalt  }
0x53: {  	_ =	shalt  }
0x54: {  	_ =	shalt  }
0x55: {  	_ =	shalt  }
0x56: {  	_ =	shalt  }
0x57: {  	_ =	shalt  }
0x58: {  	_ =	shalt  }
0x59: {  	_ =	shalt  }
0x5a: {  	_ =	shalt  }
0x5b: {  	_ =	shalt  }
0x5c: {  	_ =	shalt  }
0x5d: {  	_ =	shalt  }
0x5e: {  	_ =	shalt  }
0x5f: {  	_ =	shalt  }
0x60: {  	_ =	shalt  }
0x61: {  	_ =	shalt  }
0x62: {  	_ =	shalt  }
0x63: {  	_ =	shalt  }
0x64: {  	_ =	shalt  }
0x65: {  	_ =	shalt  }
0x66: {  	_ =	shalt  }
0x67: {  	_ =	shalt  }
0x68: {  	_ =	shalt  }
0x69: {  	_ =	shalt  }
0x6a: {  	_ =	shalt  }
0x6b: {  	_ =	shalt  }
0x6c: {  	_ =	shalt  }
0x6d: {  	_ =	shalt  }
0x6e: {  	_ =	shalt  }
0x6f: {  	_ =	shalt  }
0x70: {  	_ =	shalt  }
0x71: {  	_ =	shalt  }
0x72: {  	_ =	shalt  }
0x73: {  	_ =	shalt  }
0x74: {  	_ =	shalt  }
0x75: {  	_ =	shalt  }
0x76: {  	_ =	shalt  }
0x77: {  	_ =	shalt  }
0x78: {  	_ =	shalt  }
0x79: {  	_ =	shalt  }
0x7a: {  	_ =	shalt  }
0x7b: {  	_ =	shalt  }
0x7c: {  	_ =	shalt  }
0x7d: {  	_ =	shalt  }
0x7e: {  	_ =	shalt  }
0x7f: {  	_ =	shalt  }
0x80: {  	_ =	shalt  }
0x81: {  	_ =	shalt  }
0x82: {  	_ =	shalt  }
0x83: {  	_ =	shalt  }
0x84: {  	_ =	shalt  }
0x85: {  	_ =	shalt  }
0x86: {  	_ =	shalt  }
0x87: {  	_ =	shalt  }
.Lfunc_end0:
.L_simem_size_0:
called_computation_lowered:
.L_overlay_start_0:
0x88: {  	s2 =	sld [smem:$0x3FD9]  }
0x89: {  	s3 =	sld [smem:$0x3FFE];
	_ =	sdelay $0x1  }
0x8a: {  	s1 =	srdreg.scid  }
0x8b: {  	s0 =	sand.u32 $0x1, s1  }
0x8c: {  	s14 =	sshll.u32 s0, $0xA;
	s2 =	sadd.s32 s3, s2  }
0x8d: {  	s2 =	sadd.s32 s2, s14  }
0x8e: {  	[smem:$0x3FBA] =	sst s2  }
0x8f: {  	_ = 	snop  }
0x90: {  	s2 =	sld [smem:$0x3FD0];
	_ =	sdelay $0x2  }
0x91: {  	s15 =	simm.s32 $0xB;
	s4 =	simm.s32 $0x10  }
0x92: {  	[smem:s4], [sflag:s15] =	dma.local [hbm:s2], $0x1  }
0x93: {  	_ =	swait.eq [sflag:s15], $0x1  }
0x94: {  	[sflag:s15] =	ssyncset.done $0x0  }
0x95: {  	[sflag:s15] =	ssyncadd.s32 $0xFFFFFFFF  }
0x96: {  	s16 =	sld [smem:$0x11];
	(tm) =	ssettm $0x1  }
0x97: {  	s17 =	sld [smem:$0x3FFB];
	_ =	sdelay $0x3  }
0x98: {  	_ =	strace s17  }
0x99: {  	s3 =	sld [smem:$0x3FFC];
	_ =	sdelay $0x3  }
0x9a: {  	_ =	strace s3  }
0x9b: {  	s3 =	sld [smem:$0x3FFD];
	_ =	sdelay $0x3  }
0x9c: {  	_ =	strace s3  }
0x9d: {  	_ =	strace $0x8FFFFFFF  }
0x9e: {  	s18 =	sld [smem:$0x3FDB];
	_ =	sdelay $0x1  }
0x9f: {  	s19 =	simm.s32 $_scs_section_size  }
0xa0: {  	s5 =	simm.s32 $_size__tile_overlayer_lowered;
	s6 =	simm.s32 $_tile_overlayer_lowered  }
0xa1: {  	s22 =	simm.s32 $0x1BFF;
	s21 =	sshll.u32 s6, $0x1;
	s3 =	sadd.s32 s19, s18  }
0xa2: {  	s7 =	simm.s32 $0x0;
	s20 =	sshll.u32 s5, $0x1;
	s5 =	sadd.s32 s21, s3  }
0xa3: {  	[timem:s7], [sflag:s22] =	dma.local [hbm:s5], s20  }
0xa4: {  	_ =	swait.ge [sflag:s22], s20  }
0xa5: {  	s4 =	ssub.s32 $0x0, s20;
	[sflag:s22] =	ssyncset.done $0x0  }
0xa6: {  	[sflag:s22] =	ssyncadd.s32 s4;
	_ =	sdelay $0x1  }
0xa7: {  	s23 =	simm.s32 $0x1B8B  }
0xa8: {  	_ =	swait.ge [sflag:s23], $0x1  }
0xa9: {  	[sflag:s23] =	ssyncset.done $0x0  }
0xaa: {  	s25 =	simm.s32 $0x1B8E;
	s24 =	sld [smem:$0x3FFE];
	[sflag:s23] =	ssyncadd.s32 $0xFFFFFFFF  }
0xab: {  	s26 =	simm.s32 $execute0_lowered;
	[smem:$0x3FD2] =	sst s25  }
0xac: {  	s5 =	sshll.u32 s26, $0x1;
	_ =	strace $0x80000046;
	[dreg:$0x1] =	wrdreg $0xFFFFFFFF  }
0xad: {  	s28 =	simm.s32 $_size_execute0_lowered;
	s3 =	sadd.s32 s3, s5;
	[dreg:$0x0] =	wrdreg $0x0  }
0xae: {  	s5 =	sshll.u32 s28, $0x1;
	[dreg:$0x2] =	wrdreg s3  }
0xaf: {  	[dreg:$0x3] =	wrdreg s5  }
0xb0: {  	[dreg:$0x4] =	wrdreg $0xC0  }
0xb1: {  	_ =	task [dreg:s7], $0x5FFFF  }
0xb2: {  	[dreg:$0x1] =	wrdreg $0xFFFFFFFF  }
0xb3: {  	[dreg:$0x0] =	wrdreg $0x60  }
0xb4: {  	[dreg:$0x2] =	wrdreg s16  }
0xb5: {  	[dreg:$0x3] =	wrdreg s24  }
0xb6: {  	[dreg:$0x4] =	wrdreg $0x9  }
0xb7: {  	_ =	task.clear_ibuf [dreg:s7], $0x5FFFF;
	_ =	strace $0x90000046  }
0xb8: {  	s29 =	simm.s32 $0x9;
	_ =	strace $0x80000048  }
0xb9: {  	_ =	swait.ge [sflag:s29], $0x1  }
0xba: {  	[sflag:s29] =	ssyncadd.s32 $0xFFFFFFFF  }
0xbb: {  	_ =	strace $0x90000048  }
0xbc: {  	_ =	sfence  }
0xbd: {  	s30 =	sld [smem:$0x0];
	_ =	sdelay $0x2  }
0xbe: {  	s31 =	sshll.u32 s1, $0xD;
	s1 =	sshrl.u32 s1, $0x2  }
0xbf: {  	s3 =	sand.u32 $0x4000, s31;
	s1 =	sadd.s32 s1, s30  }
0xc0: {  	s0 =	sor.u32 s3, s0;
	s1 =	sshll.u32 s1, $0x11  }
0xc1: {  	s0 =	sor.u32 s1, s0  }
0xc2: {  	s0 =	sadd.s32 $0x8F2B, s0  }
0xc3: {  	[sflag:s0] =	ssyncadd.remote.s32 $0x1  }
0xc4: {  	_ =	sfence.sel $0xFFFF  }
0xc5: {  	[dreg:$0x0] =	wrdreg $0xFFFFFFFF;
	(pc) =	sbr.abs _section_cstart, $3  }
0xc6: {  	[dreg:$0x1] =	wrdreg $0xFFFFFFFF  }
0xc7: {  	_ =	task.clear_ibuf [dreg:s7], $0x2FFFF;
	_ =	strace $0x9FFFFFFF  }
0xc8: {  	(tm) =	ssettm $0x7FFFFFFF  }
0xc9: {  	_ =	shalt  }
tec
execute0_lowered:
.L_overlay_start_1:
0x0: {  	(tag) =	ssettag $0x1  }
0x1: {  	s3 =	stileid.u32  }
0x2: {  	p0 =	sne.s32 s3, $0x0  }
.Ltmp0:
0x3: {  	_ = 	snop;
	(pc) =	sbr.rel @p0 .LBB2_4-.Ltmp0, $4  }
0x4: {  	s2 =	rddreg [dreg:$0x0]  }
0x5: {  	s4 =	rddreg [dreg:$0x1];
	s1 =	simm.s32 $0x0  }
0x6: {  	[smem:$0x7FF] =	sst s1  }
0x7: {  	s0 =	rddreg [dreg:$0x2];
	_ =	strace $0x80000047  }
0x8: {  	s3 =	srdreg.scid  }
0x9: {  	s3 =	sand.u32 $0x1, s3  }
0xa: {  	s5 =	sshll.u32 s3, $0x4;
	s6 =	ssub.s32 $0x2, s3  }
0xb: {  	s3 =	sadd.s32 s2, s5;
	s7 =	sshrl.u32 s6, $0x1  }
0xc: {  	[tilespmem:s1], [sflag:$0x1] =	stream.linear.gather [hbm4b:s3+s1], $0x80, $0x38;
	[tilespmem:$0x80] =	vst v63  }
0xd: {  	s31 =	ssub.s32 s6, s7  }
0xe: {  	s2 =	simm.s32 $0x1;
	s4 =	sadd.s32 s5, s4;
	s5 =	smax.u32 s31, $0x1  }
0xf: {  	_ =	swait.ge [sflag:s2], $0x80;
	p1 =	sne.s32 s5, $0x1  }
.Ltmp1:
0x10: {  	[sflag:s2] =	ssyncset.done $0x0;
	(pc) =	sbr.rel @!p1 .LBB2_3-.Ltmp1, $4  }
0x11: {  	s4 =	sadd.s32 $0x5400, s4;
	[sflag:s2] =	ssyncadd.s32 $0xFFFFFF80  }
0x12: {  	[hbm4b:s4+s1] =	stream.linear.scatter [tilespmem:s1], [sflag:$0x1], $0x80, $0x38;
	[tilespmem:$0x80] =	vst v63  }
0x13: {  	_ =	swait.ge [sflag:s2], $0x80  }
0x14: {  	s5 =	sadd.s32 $0xFFFFFFFF, s5;
	[sflag:s2] =	ssyncset.done $0x0  }
.LBB2_2:
0x15: {  	p1 =	sne.s32 s5, $0x1;
	s5 =	sadd.s32 $0xFFFFFFFF, s5;
	[sflag:s2] =	ssyncadd.s32 $0xFFFFFF80  }
0x16: {  	[tilespmem:s1], [sflag:$0x1] =	stream.linear.gather [hbm4b:s3+s1], $0x80, $0x38;
	[tilespmem:$0x80] =	vst v63  }
0x17: {  	_ =	swait.ge [sflag:s2], $0x80  }
.Ltmp2:
0x18: {  	[sflag:s2] =	ssyncset.done $0x0;
	(pc) =	sbr.rel @p1 .LBB2_2-.Ltmp2, $4  }
0x19: {  	[sflag:s2] =	ssyncadd.s32 $0xFFFFFF80  }
0x1a: {  	[hbm4b:s4+s1] =	stream.linear.scatter [tilespmem:s1], [sflag:$0x1], $0x80, $0x38;
	[tilespmem:$0x80] =	vst v63  }
0x1b: {  	_ =	swait.ge [sflag:s2], $0x80  }
0x1c: {  	[sflag:s2] =	ssyncset.done $0x0  }
.LBB2_3:
0x1d: {  	[sflag:s2] =	ssyncadd.s32 $0xFFFFFF80  }
.LBB2_4:
0x1e: {  	_ =	sfence.sel $0x180000  }
0x1f: {  	[bflag:$0x0] =	sbarrier.arrive $0xFFFF  }
0x20: {  	_ =	strace $0x90000047  }
0x21: {  	s0 =	sadd.s32 @!p0 $0x100000, s0;
	[bflag:$0x2] =	sbarrier.arrive $0xFFFF  }
0x22: {  	[sflag:s0] =	ssyncadd.tile.s32 @!p0 $0x1;
	_ =	shalt  }
.Lfunc_end2:
_tile_overlayer_lowered:
.L_overlay_start_2:
0x23: {  	(tag) =	ssettag $0x2  }
0x24: {  	s0 =	rddreg [dreg:$0x0];
	s2 =	stileid.u32  }
0x25: {  	s1 =	rddreg [dreg:$0x1];
	p0 =	sne.s32 s2, $0x0  }
0x26: {  	s3 =	rddreg [dreg:$0x2];
	[bflag:$0x3] =	sbarrier.arrive $0xFFFF;
	s2 =	simm.s32 @!p0 $0x1C01  }
0x27: {  	[timem:s3], [sflag:s2] =	dma.local @!p0 [hbm:s0], s1  }
0x28: {  	s0 =	simm.s32 @!p0 $0x1  }
0x29: {  	_ =	swait.ge @!p0 [sflag:s0], s1  }
0x2a: {  	s1 =	ssub.s32 @!p0 $0x0, s1;
	[sflag:s0] =	ssyncset.done @!p0 $0x0  }
0x2b: {  	[sflag:s0] =	ssyncadd.s32 @!p0 s1  }
0x2c: {  	[bflag:$0x3] =	sbarrier.arrive $0xFFFF  }
0x2d: {  	_ =	shalt  }

// kernel: kernel.14.cloned.1.call-start
scs
__scs_entry_jumppad:
0x0: {  	(pc) =	sbr.rel $0x88, $3  }
0x1: {  	(tag) =	ssettag $0x0;
	lr =	simm.s32 $0x1  }
0x2: {  	[smem:$0x3F93] =	sst lr;
	_ =	strace $0xD0000000  }
0x3: {  	_ = 	snop  }
0x4: {  	_ = 	snop  }
0x5: {  	_ = 	snop  }
0x6: {  	_ = 	snop  }
0x7: {  	_ = 	snop  }
__scs_overlays_trampoline_lowered:
0x8: {  	[smem:$0x3FA2] =	sst s0  }
0x9: {  	[smem:$0x3FA3] =	sst s1  }
0xa: {  	[smem:$0x3FA4] =	sst s2  }
0xb: {  	[smem:$0x3FA5] =	sst s3  }
0xc: {  	[smem:$0x3FA6] =	sst s4  }
0xd: {  	[smem:$0x3FA7] =	sst s5  }
0xe: {  	[smem:$0x3FA8] =	sst s6  }
0xf: {  	[smem:$0x3FA9] =	sst s7  }
0x10: {  	[smem:$0x3FAA] =	sst s8  }
0x11: {  	[smem:$0x3FAB] =	sst s9;
	s0 =	simm.s32 @!p0 $0x0  }
0x12: {  	s1 =	sld [smem:$0x3F91];
	s0 =	simm.s32 @p0 $0x1  }
0x13: {  	[smem:$0x3FAC] =	sst s0;
	s0 =	simm.s32 @!p1 $0x0  }
0x14: {  	s2 =	sld [smem:$0x3F90];
	s0 =	simm.s32 @p1 $0x1  }
0x15: {  	[smem:$0x3FAD] =	sst s0;
	s0 =	simm.s32 @!p2 $0x0  }
0x16: {  	s3 =	sld [smem:$0x3FDB];
	s0 =	simm.s32 @p2 $0x1  }
0x17: {  	s4 =	simm.s32 $0x1BF5;
	[smem:$0x3FAF] =	sst s0  }
0x18: {  	s0 =	sld [smem:$0x3F92];
	_ =	swait.ge [sflag:s4], $0x0  }
0x19: {  	s7 =	sld [smem:$0x3F93]  }
0x1a: {  	s8 =	sadd.s32 $0xFFFFE003, lr  }
0x1b: {  	s9 =	sadd.s32 $0xFFFFFEF7, lr;
	s5 =	simm.s32 $0xFFFFFFFF;
	p2 =	slt.u32 s8, $0xFFFFF086  }
0x1c: {  	p1 =	slt.u32 s9, $0xF7A;
	s5 =	simm.s32 @!p2 $0x0  }
0x1d: {  	s5 =	simm.s32 @p1 $0x1;
	p0 =	seq.s32 s7, s2  }
0x1e: {  	s7 =	smul.u32 @!p0 $0xF7A, s2;
	p2 =	seq.s32 @!p0 s5, $0x0  }
0x1f: {  	s9 =	smul.u32 $0xF7A, s1;
	s8 =	simm.s32 @!p0 $0x1BF5;
	p2 =	por !p2, p0  }
0x20: {  	[sflag:s8] =	ssyncset.s32 @!p0 $0xFFFFF086;
	s6 =	sadd.s32 @!p0 s3, s7;
	s7 =	simm.s32 @!p0 $0x108  }
0x21: {  	s3 =	sadd.s32 s3, s9;
	s6 =	sadd.s32 @!p0 $0x88, s6;
	s7 =	simm.s32 @p2 $0x1082  }
0x22: {  	[simem:s7], [sflag:s8] =	dma.local @!p0 [hbm:s6], $0xF7A  }
0x23: {  	s9 =	sor.u32 $0xD0000000, s2;
	s6 =	simm.s32 $0x108;
	_ =	swait.ge @!p0 [sflag:s8], $0x0  }
0x24: {  	s3 =	sadd.s32 $0x88, s3;
	s6 =	simm.s32 @!p1 $0x1082;
	[sflag:s4] =	ssyncset.s32 $0xFFFFF086  }
0x25: {  	[simem:s6], [sflag:s4] =	dma.local [hbm:s3], $0xF7A  }
0x26: {  	[smem:$0x3F93] =	sst s1;
	(tag) =	ssettag s2;
	_ =	strace s9  }
0x27: {  	s1 =	sld [smem:$0x3FA3]  }
0x28: {  	s2 =	sld [smem:$0x3FA4]  }
0x29: {  	s4 =	sld [smem:$0x3FA6]  }
0x2a: {  	p0 =	seq.s32 s5, $0x0;
	s5 =	sld [smem:$0x3FA7]  }
0x2b: {  	s6 =	sld [smem:$0x3FA8]  }
0x2c: {  	s7 =	sld [smem:$0x3FA9]  }
0x2d: {  	s3 =	simm.s32 $0x108;
	s8 =	sld [smem:$0x3FAA]  }
0x2e: {  	s3 =	simm.s32 @!p0 $0x1082;
	s9 =	sld [smem:$0x3FAB]  }
0x2f: {  	lr =	sadd.s32 s0, s3;
	s0 =	sld [smem:$0x3FA2]  }
0x30: {  	s3 =	sld [smem:$0x3FA5]  }
0x31: {  	[smem:$0x3FAE] =	sst s10  }
0x32: {  	s10 =	sld [smem:$0x3FAC];
	_ =	sdelay $0x3  }
0x33: {  	p0 =	seq.s32 s10, $0x1;
	s10 =	sld [smem:$0x3FAE];
	_ =	sdelay $0x3  }
0x34: {  	[smem:$0x3FAE] =	sst s10  }
0x35: {  	s10 =	sld [smem:$0x3FAD];
	_ =	sdelay $0x3  }
0x36: {  	p1 =	seq.s32 s10, $0x1;
	s10 =	sld [smem:$0x3FAE];
	_ =	sdelay $0x3  }
0x37: {  	[smem:$0x3FAE] =	sst s10  }
0x38: {  	s10 =	sld [smem:$0x3FAF]  }
0x39: {  	_ = 	snop;
	(pc) =	sbr.ind lr, $3  }
0x3a: {  	_ = 	snop  }
0x3b: {  	_ = 	snop  }
0x3c: {  	p2 =	seq.s32 s10, $0x1;
	s10 =	sld [smem:$0x3FAE]  }
0x3d: {  	_ =	shalt  }
0x3e: {  	_ =	shalt  }
0x3f: {  	_ =	shalt  }
0x40: {  	_ =	shalt  }
0x41: {  	_ =	shalt  }
0x42: {  	_ =	shalt  }
0x43: {  	_ =	shalt  }
0x44: {  	_ =	shalt  }
0x45: {  	_ =	shalt  }
0x46: {  	_ =	shalt  }
0x47: {  	_ =	shalt  }
0x48: {  	_ =	shalt  }
0x49: {  	_ =	shalt  }
0x4a: {  	_ =	shalt  }
0x4b: {  	_ =	shalt  }
0x4c: {  	_ =	shalt  }
0x4d: {  	_ =	shalt  }
0x4e: {  	_ =	shalt  }
0x4f: {  	_ =	shalt  }
0x50: {  	_ =	shalt  }
0x51: {  	_ =	shalt  }
0x52: {  	_ =	shalt  }
0x53: {  	_ =	shalt  }
0x54: {  	_ =	shalt  }
0x55: {  	_ =	shalt  }
0x56: {  	_ =	shalt  }
0x57: {  	_ =	shalt  }
0x58: {  	_ =	shalt  }
0x59: {  	_ =	shalt  }
0x5a: {  	_ =	shalt  }
0x5b: {  	_ =	shalt  }
0x5c: {  	_ =	shalt  }
0x5d: {  	_ =	shalt  }
0x5e: {  	_ =	shalt  }
0x5f: {  	_ =	shalt  }
0x60: {  	_ =	shalt  }
0x61: {  	_ =	shalt  }
0x62: {  	_ =	shalt  }
0x63: {  	_ =	shalt  }
0x64: {  	_ =	shalt  }
0x65: {  	_ =	shalt  }
0x66: {  	_ =	shalt  }
0x67: {  	_ =	shalt  }
0x68: {  	_ =	shalt  }
0x69: {  	_ =	shalt  }
0x6a: {  	_ =	shalt  }
0x6b: {  	_ =	shalt  }
0x6c: {  	_ =	shalt  }
0x6d: {  	_ =	shalt  }
0x6e: {  	_ =	shalt  }
0x6f: {  	_ =	shalt  }
0x70: {  	_ =	shalt  }
0x71: {  	_ =	shalt  }
0x72: {  	_ =	shalt  }
0x73: {  	_ =	shalt  }
0x74: {  	_ =	shalt  }
0x75: {  	_ =	shalt  }
0x76: {  	_ =	shalt  }
0x77: {  	_ =	shalt  }
0x78: {  	_ =	shalt  }
0x79: {  	_ =	shalt  }
0x7a: {  	_ =	shalt  }
0x7b: {  	_ =	shalt  }
0x7c: {  	_ =	shalt  }
0x7d: {  	_ =	shalt  }
0x7e: {  	_ =	shalt  }
0x7f: {  	_ =	shalt  }
0x80: {  	_ =	shalt  }
0x81: {  	_ =	shalt  }
0x82: {  	_ =	shalt  }
0x83: {  	_ =	shalt  }
0x84: {  	_ =	shalt  }
0x85: {  	_ =	shalt  }
0x86: {  	_ =	shalt  }
0x87: {  	_ =	shalt  }
.Lfunc_end0:
.L_simem_size_0:
called_computation.1_lowered:
.L_overlay_start_0:
0x88: {  	s2 =	sld [smem:$0x3FD9]  }
0x89: {  	s3 =	sld [smem:$0x3FFE];
	_ =	sdelay $0x1  }
0x8a: {  	s1 =	srdreg.scid  }
0x8b: {  	s0 =	sand.u32 $0x1, s1  }
0x8c: {  	s17 =	sshll.u32 s0, $0xA;
	s2 =	sadd.s32 s3, s2  }
0x8d: {  	s2 =	sadd.s32 s2, s17  }
0x8e: {  	[smem:$0x3FBA] =	sst s2  }
0x8f: {  	_ = 	snop  }
0x90: {  	(tm) =	ssettm $0x1  }
0x91: {  	s18 =	sld [smem:$0x3FFB];
	_ =	sdelay $0x3  }
0x92: {  	_ =	strace s18  }
0x93: {  	s2 =	sld [smem:$0x3FFC];
	_ =	sdelay $0x3  }
0x94: {  	_ =	strace s2  }
0x95: {  	s2 =	sld [smem:$0x3FFD];
	_ =	sdelay $0x3  }
0x96: {  	_ =	strace s2  }
0x97: {  	_ =	strace $0x8FFFFFFF  }
0x98: {  	s19 =	sld [smem:$0x3FDB];
	_ =	sdelay $0x1  }
0x99: {  	s20 =	simm.s32 $_scs_section_size  }
0x9a: {  	s4 =	simm.s32 $_size__tile_overlayer_lowered;
	s5 =	simm.s32 $_tile_overlayer_lowered  }
0x9b: {  	s6 =	simm.s32 $0x1BFF;
	s21 =	sshll.u32 s5, $0x1;
	s3 =	sadd.s32 s20, s19  }
0x9c: {  	s22 =	simm.s32 $0x0;
	s4 =	sshll.u32 s4, $0x1;
	s5 =	sadd.s32 s21, s3  }
0x9d: {  	[timem:s22], [sflag:s6] =	dma.local [hbm:s5], s4  }
0x9e: {  	_ =	swait.ge [sflag:s6], s4  }
0x9f: {  	s4 =	ssub.s32 $0x0, s4;
	[sflag:s6] =	ssyncset.done $0x0  }
0xa0: {  	[sflag:s6] =	ssyncadd.s32 s4;
	_ =	sdelay $0x1  }
0xa1: {  	s23 =	simm.s32 $0x1B8B  }
0xa2: {  	_ =	swait.ge [sflag:s23], $0x1  }
0xa3: {  	[sflag:s23] =	ssyncset.done $0x0  }
0xa4: {  	[sflag:s23] =	ssyncadd.s32 $0xFFFFFFFF  }
0xa5: {  	s4 =	sld [smem:$0x0]  }
0xa6: {  	s5 =	sand.u32 $0xFFFFFFFE, s1  }
0xa7: {  	p0 =	sne.s32 s1, s5  }
0xa8: {  	s5 =	sshll.u32 @p0 s5, $0xE  }
0xa9: {  	s5 =	sadd.s32 @p0 $0x11B8D, s5;
	s6 =	sshll.u32 @p0 s4, $0x11  }
0xaa: {  	s5 =	sor.u32 @p0 s6, s5  }
0xab: {  	[sflag:s5] =	ssyncadd.remote.s32 @p0 $0x1;
	_ =	sdelay $0x1  }
0xac: {  	s5 =	simm.s32 @p0 $0x1B8D  }
0xad: {  	_ =	swait.eq @p0 [sflag:s5], $0x1  }
0xae: {  	[sflag:s5] =	ssyncadd.s32 @p0 $0xFFFFFFFF  }
0xaf: {  	s6 =	sshll.u32 @!p0 s1, $0xE  }
0xb0: {  	s6 =	sor.u32 @!p0 $0x4000, s6;
	s5 =	simm.s32 @!p0 $0x1B8D  }
0xb1: {  	s4 =	sshll.u32 @!p0 s4, $0x11;
	s6 =	sadd.s32 @!p0 $0x11B8D, s6;
	_ =	swait.eq @!p0 [sflag:s5], $0x1  }
0xb2: {  	s4 =	sor.u32 @!p0 s4, s6;
	[sflag:s5] =	ssyncadd.s32 @!p0 $0xFFFFFFFF  }
0xb3: {  	s25 =	simm.s32 $0x1B8E;
	s24 =	sld [smem:$0x3FFE];
	[sflag:s4] =	ssyncadd.remote.s32 @!p0 $0x1  }
0xb4: {  	s26 =	simm.s32 $execute0_lowered;
	[smem:$0x3FD2] =	sst s25  }
0xb5: {  	s5 =	sshll.u32 s26, $0x1;
	_ =	strace $0x8000004C;
	[dreg:$0x1] =	wrdreg $0xFFFFFFFF  }
0xb6: {  	s28 =	simm.s32 $_size_execute0_lowered;
	s3 =	sadd.s32 s3, s5;
	[dreg:$0x0] =	wrdreg $0x0  }
0xb7: {  	s5 =	sshll.u32 s28, $0x1;
	[dreg:$0x2] =	wrdreg s3  }
0xb8: {  	[dreg:$0x3] =	wrdreg s5  }
0xb9: {  	[dreg:$0x4] =	wrdreg $0xC0  }
0xba: {  	_ =	task [dreg:s22], $0x5FFFF  }
0xbb: {  	[dreg:$0x1] =	wrdreg $0xFFFFFFFF  }
0xbc: {  	[dreg:$0x0] =	wrdreg $0x60  }
0xbd: {  	[dreg:$0x2] =	wrdreg s24  }
0xbe: {  	[dreg:$0x3] =	wrdreg $0x9  }
0xbf: {  	_ =	task.clear_ibuf [dreg:s22], $0x4FFFF;
	_ =	strace $0x9000004C  }
0xc0: {  	s29 =	simm.s32 $0x9;
	_ =	strace $0x8000004E  }
0xc1: {  	_ =	swait.ge [sflag:s29], $0x1  }
0xc2: {  	[sflag:s29] =	ssyncadd.s32 $0xFFFFFFFF  }
0xc3: {  	_ =	strace $0x9000004E  }
0xc4: {  	_ =	sfence  }
0xc5: {  	s30 =	sld [smem:$0x0];
	_ =	sdelay $0x2  }
0xc6: {  	s31 =	sshll.u32 s1, $0xD;
	s1 =	sshrl.u32 s1, $0x2  }
0xc7: {  	s4 =	sand.u32 $0x4000, s31;
	s1 =	sadd.s32 s1, s30  }
0xc8: {  	s0 =	sor.u32 s4, s0;
	s1 =	sshll.u32 s1, $0x11  }
0xc9: {  	s0 =	sor.u32 s1, s0  }
0xca: {  	s0 =	sadd.s32 $0x8F2B, s0  }
0xcb: {  	[sflag:s0] =	ssyncadd.remote.s32 $0x1  }
0xcc: {  	_ =	sfence.sel $0xFFFF  }
0xcd: {  	[dreg:$0x0] =	wrdreg $0xFFFFFFFF;
	(pc) =	sbr.abs _section_cstart, $3  }
0xce: {  	[dreg:$0x1] =	wrdreg $0xFFFFFFFF  }
0xcf: {  	_ =	task.clear_ibuf [dreg:s22], $0x2FFFF;
	_ =	strace $0x9FFFFFFF  }
0xd0: {  	(tm) =	ssettm $0x7FFFFFFF  }
0xd1: {  	_ =	shalt  }
tec
execute0_lowered:
.L_overlay_start_1:
0x0: {  	(tag) =	ssettag $0x1  }
0x1: {  	s9 =	rddreg [dreg:$0x0]  }
0x2: {  	s0 =	rddreg [dreg:$0x1];
	s1 =	simm.s32 $0x0  }
0x3: {  	s4 =	srdreg.scid;
	s14 =	simm.s32 $0x200;
	s15 =	simm.s32 $0x8200  }
0x4: {  	s16 =	simm.s32 $0x1;
	[smem:$0x7FF] =	sst s1;
	s2 =	sadd.s32 $0x31C200, s9  }
0x5: {  	s17 =	simm.s32 $0x0;
	s3 =	sadd.s32 $0x3E4200, s9;
	s5 =	sadd.s32 $0x4AC200, s9  }
0x6: {  	s6 =	sadd.s32 $0x574200, s9;
	s11 =	sand.u32 $0x1, s4;
	s7 =	sadd.s32 $0x198A00, s9  }
.Ltmp0:
0x7: {  	s4 =	stileid.u32;
	s8 =	sadd.s32 $0x1A5200, s9;
	(pc) =	sbr.rel .LBB2_1-.Ltmp0, $4  }
0x8: {  	s9 =	sadd.s32 $0xC7C200, s9;
	_ =	strace $0x8000004D;
	s10 =	ssub.s32 $0x2, s11  }
0x9: {  	s13 =	sshll.u32 s4, $0x1;
	p0 =	seq.s32 s11, $0x1;
	s12 =	sshrl.u32 s10, $0x1  }
0xa: {  	s31 =	sor.u32 s11, s13;
	s13 =	simm.s32 $0x100;
	s12 =	ssub.s32 s10, s12  }
0xb: {  	s10 =	smul.u32 $0x3200, s31;
	s11 =	smax.u32 s12, $0x1;
	s12 =	simm.s32 $0x2  }
.LBB2_8:
0xc: {  	s17 =	sadd.s32 $0x1, s17  }
0xd: {  	p1 =	sne.s32 s17, s11  }
.Ltmp1:
0xe: {  	_ = 	snop;
	(pc) =	sbr.rel @!p1 .LBB2_9-.Ltmp1, $1  }
0xf: {  	_ =	sdelay $0x3  }
.LBB2_1:
.Ltmp2:
0x10: {  	(pc) =	sbr.rel @!p0 .LBB2_2-.Ltmp2, $2  }
0x11: {  	_ =	sdelay $0x2  }
0x12: {  	s18 =	simm.s32 $0x0;
	s19 =	simm.s32 $0x0  }
.LBB2_5:
0x13: {  	s18 =	sshll.u32 s19, $0x8  }
0x14: {  	s18 =	sadd.s32 s10, s18  }
0x15: {  	s20 =	sshrl.u32 s18, $0x3  }
0x16: {  	s22 =	simm.s32 $0x0;
	s21 =	sadd.s32 s7, s20  }
0x17: {  	[tilespmem:s22], [sflag:$0x2] =	stream.linear.gather [hbm4b:s21+s22], $0x100, $0x38;
	[tilespmem:$0x10200] =	vst v63  }
0x18: {  	_ =	swait.ge [sflag:s12], $0x100  }
0x19: {  	[sflag:s12] =	ssyncset.done $0x0  }
0x1a: {  	s20 =	sadd.s32 s8, s20;
	[sflag:s12] =	ssyncadd.s32 $0xFFFFFF00  }
0x1b: {  	[tilespmem:s13], [sflag:$0x2] =	stream.linear.gather [hbm4b:s20+s22], $0x100, $0x38;
	[tilespmem:$0x10200] =	vst v63  }
0x1c: {  	_ =	swait.ge [sflag:s12], $0x100  }
0x1d: {  	[sflag:s12] =	ssyncset.done $0x0  }
0x1e: {  	[sflag:s12] =	ssyncadd.s32 $0xFFFFFF00  }
0x1f: {  	[tilespmem:s14], [sflag:$0x1] =	stream.indirect.gather [hbm4b:s5+s13], $0x80, s22, s13, $0xb8;
	[tilespmem:$0x10200] =	vst v63  }
0x20: {  	_ = 	snop  }
0x21: {  	[tilespmem:s15], [sflag:$0x1] =	stream.indirect.gather [hbm4b:s6+s13], $0x80, s13, s13, $0xb8;
	[tilespmem:$0x10200] =	vst v63  }
0x22: {  	_ =	swait.ge [sflag:s16], $0x8000  }
0x23: {  	[sflag:s16] =	ssyncset.done $0x0  }
0x24: {  	[sflag:s16] =	ssyncadd.s32 $0xFFFF8000  }
0x25: {  	_ =	swait.ge [sflag:s16], $0x8000  }
0x26: {  	[sflag:s16] =	ssyncset.done $0x0  }
0x27: {  	s20 =	simm.s32 $0x0;
	[sflag:s16] =	ssyncadd.s32 $0xFFFF8000  }
0x28: {  	v6 =	vld [tilespmem:s20+$0x8200]  }
0x29: {  	v7 =	vld [tilespmem:s20+$0x8210]  }
0x2a: {  	v8 =	vld [tilespmem:s20+$0x8220]  }
0x2b: {  	v9 =	vld [tilespmem:s20+$0x8230]  }
0x2c: {  	v10 =	vld [tilespmem:s20+$0x8240]  }
0x2d: {  	v11 =	vld [tilespmem:s20+$0x8280]  }
0x2e: {  	v12 =	vld [tilespmem:s20+$0x8290]  }
0x2f: {  	v13 =	vld [tilespmem:s20+$0x82A0]  }
0x30: {  	v14 =	vld [tilespmem:s20+$0x82B0]  }
0x31: {  	v15 =	vld [tilespmem:s20+$0x82C0]  }
0x32: {  	v16 =	vld [tilespmem:s20+$0x8300]  }
0x33: {  	v17 =	vld [tilespmem:s20+$0x8310]  }
0x34: {  	v18 =	vld [tilespmem:s20+$0x8320]  }
0x35: {  	v19 =	vld [tilespmem:s20+$0x8330]  }
0x36: {  	v5 =	vld [tilespmem:s20+$0x8340]  }
0x37: {  	v4 =	vld [tilespmem:s20+$0x8380]  }
0x38: {  	v3 =	vld [tilespmem:s20+$0x8390]  }
0x39: {  	v2 =	vld [tilespmem:s20+$0x83A0]  }
0x3a: {  	v1 =	vld [tilespmem:s20+$0x83B0]  }
0x3b: {  	v0 =	vld [tilespmem:s20+$0x83C0]  }
0x3c: {  	v20 =	vld [tilespmem:s20+$0x200]  }
0x3d: {  	v21 =	vld [tilespmem:s20+$0x210]  }
0x3e: {  	v22 =	vld [tilespmem:s20+$0x220]  }
0x3f: {  	v23 =	vld [tilespmem:s20+$0x230]  }
0x40: {  	v24 =	vld [tilespmem:s20+$0x240]  }
0x41: {  	v63 =	vld [tilespmem:s20+$0x280];
	v6 =	vadd.f32 v6, v20  }
0x42: {  	v25 =	vld [tilespmem:s20+$0x290];
	v7 =	vadd.f32 v7, v21  }
0x43: {  	v8 =	vadd.f32 v8, v22;
	[tilespmem:s20+$0x200] =	vst v6;
	v6 =	vld [tilespmem:s20+$0x2A0]  }
0x44: {  	v9 =	vadd.f32 v9, v23;
	[tilespmem:s20+$0x210] =	vst v7;
	v7 =	vld [tilespmem:s20+$0x2B0]  }
0x45: {  	v10 =	vsub.f32 v24, v10;
	[tilespmem:s20+$0x220] =	vst v8;
	v8 =	vld [tilespmem:s20+$0x2C0]  }
0x46: {  	v11 =	vadd.f32 v11, v63;
	[tilespmem:s20+$0x230] =	vst v9;
	v9 =	vld [tilespmem:s20+$0x300]  }
0x47: {  	v12 =	vadd.f32 v12, v25;
	[tilespmem:s20+$0x240] =	vst v10;
	v10 =	vld [tilespmem:s20+$0x310]  }
0x48: {  	[tilespmem:s20+$0x280] =	vst v11;
	v11 =	vld [tilespmem:s20+$0x320];
	v6 =	vadd.f32 v13, v6  }
0x49: {  	[tilespmem:s20+$0x290] =	vst v12;
	v13 =	vld [tilespmem:s20+$0x330];
	v12 =	vadd.f32 v14, v7  }
0x4a: {  	v7 =	vld [tilespmem:s20+$0x340];
	v8 =	vsub.f32 v8, v15;
	[tilespmem:s20+$0x2A0] =	vst v6  }
0x4b: {  	v9 =	vadd.f32 v16, v9;
	[tilespmem:s20+$0x2B0] =	vst v12;
	v6 =	vld [tilespmem:s20+$0x380]  }
0x4c: {  	v10 =	vadd.f32 v17, v10;
	[tilespmem:s20+$0x2C0] =	vst v8;
	v8 =	vld [tilespmem:s20+$0x390]  }
0x4d: {  	[tilespmem:s20+$0x300] =	vst v9;
	v9 =	vld [tilespmem:s20+$0x3A0];
	v12 =	vadd.f32 v18, v11  }
0x4e: {  	s21 =	simm.s32 $0x800;
	[tilespmem:s20+$0x310] =	vst v10;
	v10 =	vld [tilespmem:s20+$0x3B0];
	v11 =	vadd.f32 v19, v13  }
.LBB2_6:
0x4f: {  	s22 =	sshra.s32 s21, $0x2;
	p1 =	sne.s32 s21, $0x1F800;
	[tilespmem:s20+$0x320] =	vst v12;
	v5 =	vsub.f32 v7, v5;
	v7 =	vld [tilespmem:s20+$0x3C0]  }
0x50: {  	v12 =	vld [tilespmem:s22+$0x8200];
	[tilespmem:s20+$0x330] =	vst v11;
	v4 =	vadd.f32 v4, v6  }
0x51: {  	v6 =	vld [tilespmem:s22+$0x8210];
	[tilespmem:s20+$0x340] =	vst v5;
	v3 =	vadd.f32 v3, v8  }
0x52: {  	v8 =	vld [tilespmem:s22+$0x8220];
	[tilespmem:s20+$0x380] =	vst v4;
	v2 =	vadd.f32 v2, v9  }
0x53: {  	v9 =	vld [tilespmem:s22+$0x8230];
	[tilespmem:s20+$0x390] =	vst v3;
	v1 =	vadd.f32 v1, v10  }
0x54: {  	v10 =	vld [tilespmem:s22+$0x8240];
	[tilespmem:s20+$0x3A0] =	vst v2;
	v0 =	vsub.f32 v7, v0  }
0x55: {  	v7 =	vld [tilespmem:s22+$0x8280];
	[tilespmem:s20+$0x3B0] =	vst v1  }
0x56: {  	v11 =	vld [tilespmem:s22+$0x8290];
	[tilespmem:s20+$0x3C0] =	vst v0;
	s20 =	smov.u32 s22  }
0x57: {  	v13 =	vld [tilespmem:s20+$0x82A0]  }
0x58: {  	v14 =	vld [tilespmem:s20+$0x82B0]  }
0x59: {  	v15 =	vld [tilespmem:s20+$0x82C0]  }
0x5a: {  	v16 =	vld [tilespmem:s20+$0x8300]  }
0x5b: {  	v17 =	vld [tilespmem:s20+$0x8310]  }
0x5c: {  	v18 =	vld [tilespmem:s20+$0x8320]  }
0x5d: {  	v19 =	vld [tilespmem:s20+$0x8330]  }
0x5e: {  	v5 =	vld [tilespmem:s20+$0x8340]  }
0x5f: {  	v4 =	vld [tilespmem:s20+$0x8380]  }
0x60: {  	v3 =	vld [tilespmem:s20+$0x8390]  }
0x61: {  	v2 =	vld [tilespmem:s20+$0x83A0]  }
0x62: {  	v1 =	vld [tilespmem:s20+$0x83B0]  }
0x63: {  	v0 =	vld [tilespmem:s20+$0x83C0]  }
0x64: {  	v20 =	vld [tilespmem:s20+$0x200]  }
0x65: {  	v21 =	vld [tilespmem:s20+$0x210]  }
0x66: {  	v22 =	vld [tilespmem:s20+$0x220]  }
0x67: {  	v23 =	vld [tilespmem:s20+$0x230]  }
0x68: {  	v24 =	vld [tilespmem:s20+$0x240]  }
0x69: {  	v12 =	vadd.f32 v12, v20;
	v20 =	vld [tilespmem:s20+$0x280]  }
0x6a: {  	v6 =	vadd.f32 v6, v21;
	v21 =	vld [tilespmem:s20+$0x290]  }
0x6b: {  	[tilespmem:s20+$0x200] =	vst v12;
	v8 =	vadd.f32 v8, v22;
	v12 =	vld [tilespmem:s20+$0x2A0]  }
0x6c: {  	[tilespmem:s20+$0x210] =	vst v6;
	v6 =	vadd.f32 v9, v23;
	v9 =	vld [tilespmem:s20+$0x2B0]  }
0x6d: {  	[tilespmem:s20+$0x220] =	vst v8;
	v8 =	vsub.f32 v24, v10;
	v10 =	vld [tilespmem:s20+$0x2C0]  }
0x6e: {  	[tilespmem:s20+$0x230] =	vst v6;
	v6 =	vadd.f32 v7, v20;
	v20 =	vld [tilespmem:s20+$0x300]  }
0x6f: {  	[tilespmem:s20+$0x240] =	vst v8;
	v7 =	vadd.f32 v11, v21;
	v8 =	vld [tilespmem:s20+$0x310]  }
0x70: {  	[tilespmem:s20+$0x280] =	vst v6;
	v6 =	vadd.f32 v13, v12;
	v11 =	vld [tilespmem:s20+$0x320]  }
0x71: {  	[tilespmem:s20+$0x290] =	vst v7;
	v9 =	vadd.f32 v14, v9;
	v13 =	vld [tilespmem:s20+$0x330]  }
.Ltmp3:
0x72: {  	[tilespmem:s20+$0x2A0] =	vst v6;
	v10 =	vsub.f32 v10, v15;
	v7 =	vld [tilespmem:s20+$0x340];
	(pc) =	sbr.rel @p1 .LBB2_6-.Ltmp3, $4  }
0x73: {  	[tilespmem:s20+$0x2B0] =	vst v9;
	v9 =	vadd.f32 v16, v20;
	v6 =	vld [tilespmem:s20+$0x380]  }
0x74: {  	[tilespmem:s20+$0x2C0] =	vst v10;
	v10 =	vadd.f32 v17, v8;
	v8 =	vld [tilespmem:s20+$0x390]  }
0x75: {  	[tilespmem:s20+$0x300] =	vst v9;
	v12 =	vadd.f32 v18, v11;
	v9 =	vld [tilespmem:s20+$0x3A0]  }
0x76: {  	s21 =	sadd.s32 $0x800, s21;
	[tilespmem:s20+$0x310] =	vst v10;
	v11 =	vadd.f32 v19, v13;
	v10 =	vld [tilespmem:s20+$0x3B0]  }
0x77: {  	[tilespmem:s20+$0x320] =	vst v12;
	v5 =	vsub.f32 v7, v5;
	v63 =	vld [tilespmem:s20+$0x3C0]  }
0x78: {  	[tilespmem:s20+$0x330] =	vst v11;
	v4 =	vadd.f32 v4, v6  }
0x79: {  	[tilespmem:s20+$0x340] =	vst v5;
	v3 =	vadd.f32 v3, v8  }
0x7a: {  	[tilespmem:s20+$0x380] =	vst v4;
	v2 =	vadd.f32 v2, v9  }
0x7b: {  	[tilespmem:s20+$0x390] =	vst v3;
	v1 =	vadd.f32 v1, v10  }
0x7c: {  	[tilespmem:s20+$0x3A0] =	vst v2;
	v0 =	vsub.f32 v63, v0  }
0x7d: {  	s18 =	sshll.u32 s18, $0x4;
	s19 =	sadd.s32 $0x1, s19;
	[tilespmem:s20+$0x3B0] =	vst v1  }
0x7e: {  	s18 =	sadd.s32 s9, s18;
	p1 =	sne.s32 s19, $0x32;
	[tilespmem:s20+$0x3C0] =	vst v0  }
0x7f: {  	[hbm4b:s18+s1] =	stream.linear.scatter [tilespmem:s14], [sflag:$0x2], $0x8000, $0x38;
	[tilespmem:$0x10200] =	vst v63  }
.Ltmp4:
0x80: {  	_ = 	snop;
	(pc) =	sbr.rel @p1 .LBB2_5-.Ltmp4, $4  }
.Ltmp5:
0x81: {  	_ = 	snop;
	(pc) =	sbr.rel @!p1 .LBB2_8-.Ltmp5, $4  }
0x82: {  	_ =	swait.ge [sflag:s12], $0x8000  }
0x83: {  	[sflag:s12] =	ssyncset.done $0x0  }
0x84: {  	[sflag:s12] =	ssyncadd.s32 $0xFFFF8000  }
0x85: {  	_ = 	snop  }
.LBB2_2:
0x86: {  	s19 =	sshll.u32 s18, $0x8  }
0x87: {  	s19 =	sadd.s32 s10, s19  }
0x88: {  	s20 =	sshrl.u32 s19, $0x3  }
0x89: {  	s22 =	simm.s32 $0x0;
	s21 =	sadd.s32 s7, s20  }
0x8a: {  	[tilespmem:s22], [sflag:$0x2] =	stream.linear.gather [hbm4b:s21+s22], $0x100, $0x38;
	[tilespmem:$0x10200] =	vst v63  }
0x8b: {  	_ =	swait.ge [sflag:s12], $0x100  }
0x8c: {  	[sflag:s12] =	ssyncset.done $0x0  }
0x8d: {  	s20 =	sadd.s32 s8, s20;
	[sflag:s12] =	ssyncadd.s32 $0xFFFFFF00  }
0x8e: {  	[tilespmem:s13], [sflag:$0x2] =	stream.linear.gather [hbm4b:s20+s22], $0x100, $0x38;
	[tilespmem:$0x10200] =	vst v63  }
0x8f: {  	_ =	swait.ge [sflag:s12], $0x100  }
0x90: {  	[sflag:s12] =	ssyncset.done $0x0  }
0x91: {  	[sflag:s12] =	ssyncadd.s32 $0xFFFFFF00  }
0x92: {  	[tilespmem:s14], [sflag:$0x1] =	stream.indirect.gather [hbm4b:s2+s13], $0x80, s22, s13, $0xb8;
	[tilespmem:$0x10200] =	vst v63  }
0x93: {  	_ = 	snop  }
0x94: {  	[tilespmem:s15], [sflag:$0x1] =	stream.indirect.gather [hbm4b:s3+s13], $0x80, s13, s13, $0xb8;
	[tilespmem:$0x10200] =	vst v63  }
0x95: {  	_ =	swait.ge [sflag:s16], $0x8000  }
0x96: {  	[sflag:s16] =	ssyncset.done $0x0  }
0x97: {  	[sflag:s16] =	ssyncadd.s32 $0xFFFF8000  }
0x98: {  	_ =	swait.ge [sflag:s16], $0x8000  }
0x99: {  	[sflag:s16] =	ssyncset.done $0x0  }
0x9a: {  	s20 =	simm.s32 $0x0;
	[sflag:s16] =	ssyncadd.s32 $0xFFFF8000  }
0x9b: {  	v6 =	vld [tilespmem:s20+$0x8200]  }
0x9c: {  	v7 =	vld [tilespmem:s20+$0x8210]  }
0x9d: {  	v8 =	vld [tilespmem:s20+$0x8220]  }
0x9e: {  	v9 =	vld [tilespmem:s20+$0x8230]  }
0x9f: {  	v10 =	vld [tilespmem:s20+$0x8240]  }
0xa0: {  	v11 =	vld [tilespmem:s20+$0x8280]  }
0xa1: {  	v12 =	vld [tilespmem:s20+$0x8290]  }
0xa2: {  	v13 =	vld [tilespmem:s20+$0x82A0]  }
0xa3: {  	v14 =	vld [tilespmem:s20+$0x82B0]  }
0xa4: {  	v15 =	vld [tilespmem:s20+$0x82C0]  }
0xa5: {  	v16 =	vld [tilespmem:s20+$0x8300]  }
0xa6: {  	v17 =	vld [tilespmem:s20+$0x8310]  }
0xa7: {  	v18 =	vld [tilespmem:s20+$0x8320]  }
0xa8: {  	v19 =	vld [tilespmem:s20+$0x8330]  }
0xa9: {  	v5 =	vld [tilespmem:s20+$0x8340]  }
0xaa: {  	v4 =	vld [tilespmem:s20+$0x8380]  }
0xab: {  	v3 =	vld [tilespmem:s20+$0x8390]  }
0xac: {  	v2 =	vld [tilespmem:s20+$0x83A0]  }
0xad: {  	v1 =	vld [tilespmem:s20+$0x83B0]  }
0xae: {  	v0 =	vld [tilespmem:s20+$0x83C0]  }
0xaf: {  	v20 =	vld [tilespmem:s20+$0x200]  }
0xb0: {  	v21 =	vld [tilespmem:s20+$0x210]  }
0xb1: {  	v22 =	vld [tilespmem:s20+$0x220]  }
0xb2: {  	v23 =	vld [tilespmem:s20+$0x230]  }
0xb3: {  	v24 =	vld [tilespmem:s20+$0x240]  }
0xb4: {  	v63 =	vld [tilespmem:s20+$0x280];
	v6 =	vadd.f32 v6, v20  }
0xb5: {  	v25 =	vld [tilespmem:s20+$0x290];
	v7 =	vadd.f32 v7, v21  }
0xb6: {  	v8 =	vadd.f32 v8, v22;
	[tilespmem:s20+$0x200] =	vst v6;
	v6 =	vld [tilespmem:s20+$0x2A0]  }
0xb7: {  	v9 =	vadd.f32 v9, v23;
	[tilespmem:s20+$0x210] =	vst v7;
	v7 =	vld [tilespmem:s20+$0x2B0]  }
0xb8: {  	v10 =	vsub.f32 v24, v10;
	[tilespmem:s20+$0x220] =	vst v8;
	v8 =	vld [tilespmem:s20+$0x2C0]  }
0xb9: {  	v11 =	vadd.f32 v11, v63;
	[tilespmem:s20+$0x230] =	vst v9;
	v9 =	vld [tilespmem:s20+$0x300]  }
0xba: {  	v12 =	vadd.f32 v12, v25;
	[tilespmem:s20+$0x240] =	vst v10;
	v10 =	vld [tilespmem:s20+$0x310]  }
0xbb: {  	[tilespmem:s20+$0x280] =	vst v11;
	v11 =	vld [tilespmem:s20+$0x320];
	v6 =	vadd.f32 v13, v6  }
0xbc: {  	[tilespmem:s20+$0x290] =	vst v12;
	v13 =	vld [tilespmem:s20+$0x330];
	v12 =	vadd.f32 v14, v7  }
0xbd: {  	v7 =	vld [tilespmem:s20+$0x340];
	v8 =	vsub.f32 v8, v15;
	[tilespmem:s20+$0x2A0] =	vst v6  }
0xbe: {  	v9 =	vadd.f32 v16, v9;
	[tilespmem:s20+$0x2B0] =	vst v12;
	v6 =	vld [tilespmem:s20+$0x380]  }
0xbf: {  	v10 =	vadd.f32 v17, v10;
	[tilespmem:s20+$0x2C0] =	vst v8;
	v8 =	vld [tilespmem:s20+$0x390]  }
0xc0: {  	[tilespmem:s20+$0x300] =	vst v9;
	v9 =	vld [tilespmem:s20+$0x3A0];
	v12 =	vadd.f32 v18, v11  }
0xc1: {  	s21 =	simm.s32 $0x800;
	[tilespmem:s20+$0x310] =	vst v10;
	v10 =	vld [tilespmem:s20+$0x3B0];
	v11 =	vadd.f32 v19, v13  }
.LBB2_3:
0xc2: {  	s22 =	sshra.s32 s21, $0x2;
	p1 =	sne.s32 s21, $0x1F800;
	[tilespmem:s20+$0x320] =	vst v12;
	v5 =	vsub.f32 v7, v5;
	v7 =	vld [tilespmem:s20+$0x3C0]  }
0xc3: {  	v12 =	vld [tilespmem:s22+$0x8200];
	[tilespmem:s20+$0x330] =	vst v11;
	v4 =	vadd.f32 v4, v6  }
0xc4: {  	v6 =	vld [tilespmem:s22+$0x8210];
	[tilespmem:s20+$0x340] =	vst v5;
	v3 =	vadd.f32 v3, v8  }
0xc5: {  	v8 =	vld [tilespmem:s22+$0x8220];
	[tilespmem:s20+$0x380] =	vst v4;
	v2 =	vadd.f32 v2, v9  }
0xc6: {  	v9 =	vld [tilespmem:s22+$0x8230];
	[tilespmem:s20+$0x390] =	vst v3;
	v1 =	vadd.f32 v1, v10  }
0xc7: {  	v10 =	vld [tilespmem:s22+$0x8240];
	[tilespmem:s20+$0x3A0] =	vst v2;
	v0 =	vsub.f32 v7, v0  }
0xc8: {  	v7 =	vld [tilespmem:s22+$0x8280];
	[tilespmem:s20+$0x3B0] =	vst v1  }
0xc9: {  	v11 =	vld [tilespmem:s22+$0x8290];
	[tilespmem:s20+$0x3C0] =	vst v0;
	s20 =	smov.u32 s22  }
0xca: {  	v13 =	vld [tilespmem:s20+$0x82A0]  }
0xcb: {  	v14 =	vld [tilespmem:s20+$0x82B0]  }
0xcc: {  	v15 =	vld [tilespmem:s20+$0x82C0]  }
0xcd: {  	v16 =	vld [tilespmem:s20+$0x8300]  }
0xce: {  	v17 =	vld [tilespmem:s20+$0x8310]  }
0xcf: {  	v18 =	vld [tilespmem:s20+$0x8320]  }
0xd0: {  	v19 =	vld [tilespmem:s20+$0x8330]  }
0xd1: {  	v5 =	vld [tilespmem:s20+$0x8340]  }
0xd2: {  	v4 =	vld [tilespmem:s20+$0x8380]  }
0xd3: {  	v3 =	vld [tilespmem:s20+$0x8390]  }
0xd4: {  	v2 =	vld [tilespmem:s20+$0x83A0]  }
0xd5: {  	v1 =	vld [tilespmem:s20+$0x83B0]  }
0xd6: {  	v0 =	vld [tilespmem:s20+$0x83C0]  }
0xd7: {  	v20 =	vld [tilespmem:s20+$0x200]  }
0xd8: {  	v21 =	vld [tilespmem:s20+$0x210]  }
0xd9: {  	v22 =	vld [tilespmem:s20+$0x220]  }
0xda: {  	v23 =	vld [tilespmem:s20+$0x230]  }
0xdb: {  	v24 =	vld [tilespmem:s20+$0x240]  }
0xdc: {  	v12 =	vadd.f32 v12, v20;
	v20 =	vld [tilespmem:s20+$0x280]  }
0xdd: {  	v6 =	vadd.f32 v6, v21;
	v21 =	vld [tilespmem:s20+$0x290]  }
0xde: {  	[tilespmem:s20+$0x200] =	vst v12;
	v8 =	vadd.f32 v8, v22;
	v12 =	vld [tilespmem:s20+$0x2A0]  }
0xdf: {  	[tilespmem:s20+$0x210] =	vst v6;
	v6 =	vadd.f32 v9, v23;
	v9 =	vld [tilespmem:s20+$0x2B0]  }
0xe0: {  	[tilespmem:s20+$0x220] =	vst v8;
	v8 =	vsub.f32 v24, v10;
	v10 =	vld [tilespmem:s20+$0x2C0]  }
0xe1: {  	[tilespmem:s20+$0x230] =	vst v6;
	v6 =	vadd.f32 v7, v20;
	v20 =	vld [tilespmem:s20+$0x300]  }
0xe2: {  	[tilespmem:s20+$0x240] =	vst v8;
	v7 =	vadd.f32 v11, v21;
	v8 =	vld [tilespmem:s20+$0x310]  }
0xe3: {  	[tilespmem:s20+$0x280] =	vst v6;
	v6 =	vadd.f32 v13, v12;
	v11 =	vld [tilespmem:s20+$0x320]  }
0xe4: {  	[tilespmem:s20+$0x290] =	vst v7;
	v9 =	vadd.f32 v14, v9;
	v13 =	vld [tilespmem:s20+$0x330]  }
.Ltmp6:
0xe5: {  	[tilespmem:s20+$0x2A0] =	vst v6;
	v10 =	vsub.f32 v10, v15;
	v7 =	vld [tilespmem:s20+$0x340];
	(pc) =	sbr.rel @p1 .LBB2_3-.Ltmp6, $4  }
0xe6: {  	[tilespmem:s20+$0x2B0] =	vst v9;
	v9 =	vadd.f32 v16, v20;
	v6 =	vld [tilespmem:s20+$0x380]  }
0xe7: {  	[tilespmem:s20+$0x2C0] =	vst v10;
	v10 =	vadd.f32 v17, v8;
	v8 =	vld [tilespmem:s20+$0x390]  }
0xe8: {  	[tilespmem:s20+$0x300] =	vst v9;
	v12 =	vadd.f32 v18, v11;
	v9 =	vld [tilespmem:s20+$0x3A0]  }
0xe9: {  	s21 =	sadd.s32 $0x800, s21;
	[tilespmem:s20+$0x310] =	vst v10;
	v11 =	vadd.f32 v19, v13;
	v10 =	vld [tilespmem:s20+$0x3B0]  }
0xea: {  	[tilespmem:s20+$0x320] =	vst v12;
	v5 =	vsub.f32 v7, v5;
	v63 =	vld [tilespmem:s20+$0x3C0]  }
0xeb: {  	[tilespmem:s20+$0x330] =	vst v11;
	v4 =	vadd.f32 v4, v6  }
0xec: {  	[tilespmem:s20+$0x340] =	vst v5;
	v3 =	vadd.f32 v3, v8  }
0xed: {  	[tilespmem:s20+$0x380] =	vst v4;
	v2 =	vadd.f32 v2, v9  }
0xee: {  	[tilespmem:s20+$0x390] =	vst v3;
	v1 =	vadd.f32 v1, v10  }
0xef: {  	[tilespmem:s20+$0x3A0] =	vst v2;
	v0 =	vsub.f32 v63, v0  }
0xf0: {  	s19 =	sshll.u32 s19, $0x4;
	s18 =	sadd.s32 $0x1, s18;
	[tilespmem:s20+$0x3B0] =	vst v1  }
0xf1: {  	s19 =	sadd.s32 s9, s19;
	p1 =	seq.s32 s18, $0x32;
	[tilespmem:s20+$0x3C0] =	vst v0  }
0xf2: {  	[hbm4b:s19+s1] =	stream.linear.scatter [tilespmem:s14], [sflag:$0x2], $0x8000, $0x38;
	[tilespmem:$0x10200] =	vst v63  }
.Ltmp7:
0xf3: {  	_ = 	snop;
	(pc) =	sbr.rel @!p1 .LBB2_2-.Ltmp7, $4  }
.Ltmp8:
0xf4: {  	_ = 	snop;
	(pc) =	sbr.rel @p1 .LBB2_8-.Ltmp8, $4  }
0xf5: {  	_ =	swait.ge [sflag:s12], $0x8000  }
0xf6: {  	[sflag:s12] =	ssyncset.done $0x0  }
0xf7: {  	[sflag:s12] =	ssyncadd.s32 $0xFFFF8000  }
0xf8: {  	_ = 	snop  }
.LBB2_9:
0xf9: {  	_ =	sfence.sel $0x180000  }
0xfa: {  	[bflag:$0x0] =	sbarrier.arrive $0xFFFF  }
0xfb: {  	p0 =	sne.s32 s4, $0x0;
	_ =	strace $0x9000004D  }
0xfc: {  	s0 =	sadd.s32 @!p0 $0x100000, s0;
	[bflag:$0x2] =	sbarrier.arrive $0xFFFF  }
0xfd: {  	[sflag:s0] =	ssyncadd.tile.s32 @!p0 $0x1;
	_ =	shalt  }
.Lfunc_end2:
_tile_overlayer_lowered:
.L_overlay_start_2:
0xfe: {  	(tag) =	ssettag $0x2  }
0xff: {  	s0 =	rddreg [dreg:$0x0];
	s2 =	stileid.u32  }
0x100: {  	s1 =	rddreg [dreg:$0x1];
	p0 =	sne.s32 s2, $0x0  }
0x101: {  	s3 =	rddreg [dreg:$0x2];
	[bflag:$0x3] =	sbarrier.arrive $0xFFFF;
	s2 =	simm.s32 @!p0 $0x1C02  }
0x102: {  	[timem:s3], [sflag:s2] =	dma.local @!p0 [hbm:s0], s1  }
0x103: {  	s0 =	simm.s32 @!p0 $0x2  }
0x104: {  	_ =	swait.ge @!p0 [sflag:s0], s1  }
0x105: {  	s1 =	ssub.s32 @!p0 $0x0, s1;
	[sflag:s0] =	ssyncset.done @!p0 $0x0  }
0x106: {  	[sflag:s0] =	ssyncadd.s32 @!p0 s1  }
0x107: {  	[bflag:$0x3] =	sbarrier.arrive $0xFFFF  }
0x108: {  	_ =	shalt  }

// kernel: kernel.17.cloned.1.call-start
scs
__scs_entry_jumppad:
0x0: {  	(pc) =	sbr.rel $0x88, $3  }
0x1: {  	(tag) =	ssettag $0x0;
	lr =	simm.s32 $0x1  }
0x2: {  	[smem:$0x3F93] =	sst lr;
	_ =	strace $0xD0000000  }
0x3: {  	_ = 	snop  }
0x4: {  	_ = 	snop  }
0x5: {  	_ = 	snop  }
0x6: {  	_ = 	snop  }
0x7: {  	_ = 	snop  }
__scs_overlays_trampoline_lowered:
0x8: {  	[smem:$0x3FA2] =	sst s0  }
0x9: {  	[smem:$0x3FA3] =	sst s1  }
0xa: {  	[smem:$0x3FA4] =	sst s2  }
0xb: {  	[smem:$0x3FA5] =	sst s3  }
0xc: {  	[smem:$0x3FA6] =	sst s4  }
0xd: {  	[smem:$0x3FA7] =	sst s5  }
0xe: {  	[smem:$0x3FA8] =	sst s6  }
0xf: {  	[smem:$0x3FA9] =	sst s7  }
0x10: {  	[smem:$0x3FAA] =	sst s8  }
0x11: {  	[smem:$0x3FAB] =	sst s9;
	s0 =	simm.s32 @!p0 $0x0  }
0x12: {  	s1 =	sld [smem:$0x3F91];
	s0 =	simm.s32 @p0 $0x1  }
0x13: {  	[smem:$0x3FAC] =	sst s0;
	s0 =	simm.s32 @!p1 $0x0  }
0x14: {  	s2 =	sld [smem:$0x3F90];
	s0 =	simm.s32 @p1 $0x1  }
0x15: {  	[smem:$0x3FAD] =	sst s0;
	s0 =	simm.s32 @!p2 $0x0  }
0x16: {  	s3 =	sld [smem:$0x3FDB];
	s0 =	simm.s32 @p2 $0x1  }
0x17: {  	s4 =	simm.s32 $0x1BF5;
	[smem:$0x3FAF] =	sst s0  }
0x18: {  	s0 =	sld [smem:$0x3F92];
	_ =	swait.ge [sflag:s4], $0x0  }
0x19: {  	s7 =	sld [smem:$0x3F93]  }
0x1a: {  	s8 =	sadd.s32 $0xFFFFE003, lr  }
0x1b: {  	s9 =	sadd.s32 $0xFFFFFEF7, lr;
	s5 =	simm.s32 $0xFFFFFFFF;
	p2 =	slt.u32 s8, $0xFFFFF086  }
0x1c: {  	p1 =	slt.u32 s9, $0xF7A;
	s5 =	simm.s32 @!p2 $0x0  }
0x1d: {  	s5 =	simm.s32 @p1 $0x1;
	p0 =	seq.s32 s7, s2  }
0x1e: {  	s7 =	smul.u32 @!p0 $0xF7A, s2;
	p2 =	seq.s32 @!p0 s5, $0x0  }
0x1f: {  	s9 =	smul.u32 $0xF7A, s1;
	s8 =	simm.s32 @!p0 $0x1BF5;
	p2 =	por !p2, p0  }
0x20: {  	[sflag:s8] =	ssyncset.s32 @!p0 $0xFFFFF086;
	s6 =	sadd.s32 @!p0 s3, s7;
	s7 =	simm.s32 @!p0 $0x108  }
0x21: {  	s3 =	sadd.s32 s3, s9;
	s6 =	sadd.s32 @!p0 $0x88, s6;
	s7 =	simm.s32 @p2 $0x1082  }
0x22: {  	[simem:s7], [sflag:s8] =	dma.local @!p0 [hbm:s6], $0xF7A  }
0x23: {  	s9 =	sor.u32 $0xD0000000, s2;
	s6 =	simm.s32 $0x108;
	_ =	swait.ge @!p0 [sflag:s8], $0x0  }
0x24: {  	s3 =	sadd.s32 $0x88, s3;
	s6 =	simm.s32 @!p1 $0x1082;
	[sflag:s4] =	ssyncset.s32 $0xFFFFF086  }
0x25: {  	[simem:s6], [sflag:s4] =	dma.local [hbm:s3], $0xF7A  }
0x26: {  	[smem:$0x3F93] =	sst s1;
	(tag) =	ssettag s2;
	_ =	strace s9  }
0x27: {  	s1 =	sld [smem:$0x3FA3]  }
0x28: {  	s2 =	sld [smem:$0x3FA4]  }
0x29: {  	s4 =	sld [smem:$0x3FA6]  }
0x2a: {  	p0 =	seq.s32 s5, $0x0;
	s5 =	sld [smem:$0x3FA7]  }
0x2b: {  	s6 =	sld [smem:$0x3FA8]  }
0x2c: {  	s7 =	sld [smem:$0x3FA9]  }
0x2d: {  	s3 =	simm.s32 $0x108;
	s8 =	sld [smem:$0x3FAA]  }
0x2e: {  	s3 =	simm.s32 @!p0 $0x1082;
	s9 =	sld [smem:$0x3FAB]  }
0x2f: {  	lr =	sadd.s32 s0, s3;
	s0 =	sld [smem:$0x3FA2]  }
0x30: {  	s3 =	sld [smem:$0x3FA5]  }
0x31: {  	[smem:$0x3FAE] =	sst s10  }
0x32: {  	s10 =	sld [smem:$0x3FAC];
	_ =	sdelay $0x3  }
0x33: {  	p0 =	seq.s32 s10, $0x1;
	s10 =	sld [smem:$0x3FAE];
	_ =	sdelay $0x3  }
0x34: {  	[smem:$0x3FAE] =	sst s10  }
0x35: {  	s10 =	sld [smem:$0x3FAD];
	_ =	sdelay $0x3  }
0x36: {  	p1 =	seq.s32 s10, $0x1;
	s10 =	sld [smem:$0x3FAE];
	_ =	sdelay $0x3  }
0x37: {  	[smem:$0x3FAE] =	sst s10  }
0x38: {  	s10 =	sld [smem:$0x3FAF]  }
0x39: {  	_ = 	snop;
	(pc) =	sbr.ind lr, $3  }
0x3a: {  	_ = 	snop  }
0x3b: {  	_ = 	snop  }
0x3c: {  	p2 =	seq.s32 s10, $0x1;
	s10 =	sld [smem:$0x3FAE]  }
0x3d: {  	_ =	shalt  }
0x3e: {  	_ =	shalt  }
0x3f: {  	_ =	shalt  }
0x40: {  	_ =	shalt  }
0x41: {  	_ =	shalt  }
0x42: {  	_ =	shalt  }
0x43: {  	_ =	shalt  }
0x44: {  	_ =	shalt  }
0x45: {  	_ =	shalt  }
0x46: {  	_ =	shalt  }
0x47: {  	_ =	shalt  }
0x48: {  	_ =	shalt  }
0x49: {  	_ =	shalt  }
0x4a: {  	_ =	shalt  }
0x4b: {  	_ =	shalt  }
0x4c: {  	_ =	shalt  }
0x4d: {  	_ =	shalt  }
0x4e: {  	_ =	shalt  }
0x4f: {  	_ =	shalt  }
0x50: {  	_ =	shalt  }
0x51: {  	_ =	shalt  }
0x52: {  	_ =	shalt  }
0x53: {  	_ =	shalt  }
0x54: {  	_ =	shalt  }
0x55: {  	_ =	shalt  }
0x56: {  	_ =	shalt  }
0x57: {  	_ =	shalt  }
0x58: {  	_ =	shalt  }
0x59: {  	_ =	shalt  }
0x5a: {  	_ =	shalt  }
0x5b: {  	_ =	shalt  }
0x5c: {  	_ =	shalt  }
0x5d: {  	_ =	shalt  }
0x5e: {  	_ =	shalt  }
0x5f: {  	_ =	shalt  }
0x60: {  	_ =	shalt  }
0x61: {  	_ =	shalt  }
0x62: {  	_ =	shalt  }
0x63: {  	_ =	shalt  }
0x64: {  	_ =	shalt  }
0x65: {  	_ =	shalt  }
0x66: {  	_ =	shalt  }
0x67: {  	_ =	shalt  }
0x68: {  	_ =	shalt  }
0x69: {  	_ =	shalt  }
0x6a: {  	_ =	shalt  }
0x6b: {  	_ =	shalt  }
0x6c: {  	_ =	shalt  }
0x6d: {  	_ =	shalt  }
0x6e: {  	_ =	shalt  }
0x6f: {  	_ =	shalt  }
0x70: {  	_ =	shalt  }
0x71: {  	_ =	shalt  }
0x72: {  	_ =	shalt  }
0x73: {  	_ =	shalt  }
0x74: {  	_ =	shalt  }
0x75: {  	_ =	shalt  }
0x76: {  	_ =	shalt  }
0x77: {  	_ =	shalt  }
0x78: {  	_ =	shalt  }
0x79: {  	_ =	shalt  }
0x7a: {  	_ =	shalt  }
0x7b: {  	_ =	shalt  }
0x7c: {  	_ =	shalt  }
0x7d: {  	_ =	shalt  }
0x7e: {  	_ =	shalt  }
0x7f: {  	_ =	shalt  }
0x80: {  	_ =	shalt  }
0x81: {  	_ =	shalt  }
0x82: {  	_ =	shalt  }
0x83: {  	_ =	shalt  }
0x84: {  	_ =	shalt  }
0x85: {  	_ =	shalt  }
0x86: {  	_ =	shalt  }
0x87: {  	_ =	shalt  }
.Lfunc_end0:
.L_simem_size_0:
called_computation.2_lowered:
.L_overlay_start_0:
0x88: {  	s2 =	sld [smem:$0x3FD9]  }
0x89: {  	s3 =	sld [smem:$0x3FFE];
	_ =	sdelay $0x1  }
0x8a: {  	s1 =	srdreg.scid  }
0x8b: {  	s0 =	sand.u32 $0x1, s1  }
0x8c: {  	s14 =	sshll.u32 s0, $0xA;
	s2 =	sadd.s32 s3, s2  }
0x8d: {  	s2 =	sadd.s32 s2, s14  }
0x8e: {  	[smem:$0x3FBA] =	sst s2  }
0x8f: {  	_ = 	snop  }
0x90: {  	s2 =	sld [smem:$0x3FD0];
	_ =	sdelay $0x2  }
0x91: {  	s15 =	simm.s32 $0xB;
	s4 =	simm.s32 $0x10  }
0x92: {  	[smem:s4], [sflag:s15] =	dma.local [hbm:s2], $0x1  }
0x93: {  	_ =	swait.eq [sflag:s15], $0x1  }
0x94: {  	[sflag:s15] =	ssyncset.done $0x0  }
0x95: {  	[sflag:s15] =	ssyncadd.s32 $0xFFFFFFFF  }
0x96: {  	s16 =	sld [smem:$0x10];
	(tm) =	ssettm $0x1  }
0x97: {  	s17 =	sld [smem:$0x3FFB];
	_ =	sdelay $0x3  }
0x98: {  	_ =	strace s17  }
0x99: {  	s3 =	sld [smem:$0x3FFC];
	_ =	sdelay $0x3  }
0x9a: {  	_ =	strace s3  }
0x9b: {  	s3 =	sld [smem:$0x3FFD];
	_ =	sdelay $0x3  }
0x9c: {  	_ =	strace s3  }
0x9d: {  	_ =	strace $0x8FFFFFFF  }
0x9e: {  	s18 =	sld [smem:$0x3FDB];
	_ =	sdelay $0x1  }
0x9f: {  	s19 =	simm.s32 $_scs_section_size  }
0xa0: {  	s5 =	simm.s32 $_size__tile_overlayer_lowered;
	s6 =	simm.s32 $_tile_overlayer_lowered  }
0xa1: {  	s22 =	simm.s32 $0x1BFF;
	s21 =	sshll.u32 s6, $0x1;
	s3 =	sadd.s32 s19, s18  }
0xa2: {  	s7 =	simm.s32 $0x0;
	s20 =	sshll.u32 s5, $0x1;
	s5 =	sadd.s32 s21, s3  }
0xa3: {  	[timem:s7], [sflag:s22] =	dma.local [hbm:s5], s20  }
0xa4: {  	_ =	swait.ge [sflag:s22], s20  }
0xa5: {  	s4 =	ssub.s32 $0x0, s20;
	[sflag:s22] =	ssyncset.done $0x0  }
0xa6: {  	[sflag:s22] =	ssyncadd.s32 s4;
	_ =	sdelay $0x1  }
0xa7: {  	s23 =	simm.s32 $0x1B8B  }
0xa8: {  	_ =	swait.ge [sflag:s23], $0x1  }
0xa9: {  	[sflag:s23] =	ssyncset.done $0x0  }
0xaa: {  	s25 =	simm.s32 $0x1B8E;
	s24 =	sld [smem:$0x3FFE];
	[sflag:s23] =	ssyncadd.s32 $0xFFFFFFFF  }
0xab: {  	s26 =	simm.s32 $execute0_lowered;
	[smem:$0x3FD2] =	sst s25  }
0xac: {  	s5 =	sshll.u32 s26, $0x1;
	_ =	strace $0x80000049;
	[dreg:$0x1] =	wrdreg $0xFFFFFFFF  }
0xad: {  	s28 =	simm.s32 $_size_execute0_lowered;
	s3 =	sadd.s32 s3, s5;
	[dreg:$0x0] =	wrdreg $0x0  }
0xae: {  	s5 =	sshll.u32 s28, $0x1;
	[dreg:$0x2] =	wrdreg s3  }
0xaf: {  	[dreg:$0x3] =	wrdreg s5  }
0xb0: {  	[dreg:$0x4] =	wrdreg $0xC0  }
0xb1: {  	_ =	task [dreg:s7], $0x5FFFF  }
0xb2: {  	[dreg:$0x1] =	wrdreg $0xFFFFFFFF  }
0xb3: {  	[dreg:$0x0] =	wrdreg $0x60  }
0xb4: {  	[dreg:$0x2] =	wrdreg s24  }
0xb5: {  	[dreg:$0x3] =	wrdreg s16  }
0xb6: {  	[dreg:$0x4] =	wrdreg $0xA  }
0xb7: {  	_ =	task.clear_ibuf [dreg:s7], $0x5FFFF;
	_ =	strace $0x90000049  }
0xb8: {  	s29 =	simm.s32 $0xA;
	_ =	strace $0x8000004B  }
0xb9: {  	_ =	swait.ge [sflag:s29], $0x1  }
0xba: {  	[sflag:s29] =	ssyncadd.s32 $0xFFFFFFFF  }
0xbb: {  	_ =	strace $0x9000004B  }
0xbc: {  	_ =	sfence  }
0xbd: {  	s30 =	sld [smem:$0x0];
	_ =	sdelay $0x2  }
0xbe: {  	s31 =	sshll.u32 s1, $0xD;
	s1 =	sshrl.u32 s1, $0x2  }
0xbf: {  	s3 =	sand.u32 $0x4000, s31;
	s1 =	sadd.s32 s1, s30  }
0xc0: {  	s0 =	sor.u32 s3, s0;
	s1 =	sshll.u32 s1, $0x11  }
0xc1: {  	s0 =	sor.u32 s1, s0  }
0xc2: {  	s0 =	sadd.s32 $0x8F2B, s0  }
0xc3: {  	[sflag:s0] =	ssyncadd.remote.s32 $0x1  }
0xc4: {  	_ =	sfence.sel $0xFFFF  }
0xc5: {  	[dreg:$0x0] =	wrdreg $0xFFFFFFFF;
	(pc) =	sbr.abs _section_cstart, $3  }
0xc6: {  	[dreg:$0x1] =	wrdreg $0xFFFFFFFF  }
0xc7: {  	_ =	task.clear_ibuf [dreg:s7], $0x2FFFF;
	_ =	strace $0x9FFFFFFF  }
0xc8: {  	(tm) =	ssettm $0x7FFFFFFF  }
0xc9: {  	_ =	shalt  }
tec
execute0_lowered:
.L_overlay_start_1:
0x0: {  	(tag) =	ssettag $0x1  }
0x1: {  	s9 =	rddreg [dreg:$0x0]  }
0x2: {  	s1 =	rddreg [dreg:$0x1]  }
0x3: {  	s0 =	rddreg [dreg:$0x2]  }
0x4: {  	s2 =	simm.s32 $0x0;
	s4 =	srdreg.scid;
	s14 =	simm.s32 $0x200  }
0x5: {  	s15 =	simm.s32 $0x8200;
	s16 =	simm.s32 $0x1;
	[smem:$0x7FF] =	sst s2  }
0x6: {  	s17 =	simm.s32 $0x0;
	s3 =	sadd.s32 $0x31C200, s9;
	s5 =	sadd.s32 $0x3E4200, s9  }
0x7: {  	s6 =	sadd.s32 $0x4AC200, s9;
	s11 =	sand.u32 $0x1, s4;
	s7 =	sadd.s32 $0x574200, s9  }
.Ltmp0:
0x8: {  	s4 =	stileid.u32;
	s8 =	sadd.s32 $0x18C200, s9;
	(pc) =	sbr.rel .LBB2_1-.Ltmp0, $4  }
0x9: {  	s9 =	sadd.s32 $0x63C200, s9;
	_ =	strace $0x8000004A;
	s10 =	ssub.s32 $0x2, s11  }
0xa: {  	s13 =	sshll.u32 s4, $0x1;
	p0 =	seq.s32 s11, $0x1;
	s12 =	sshrl.u32 s10, $0x1  }
0xb: {  	s31 =	sor.u32 s11, s13;
	s13 =	simm.s32 $0x100;
	s12 =	ssub.s32 s10, s12  }
0xc: {  	s10 =	smul.u32 $0x3200, s31;
	s11 =	smax.u32 s12, $0x1;
	s12 =	simm.s32 $0x2  }
.LBB2_8:
0xd: {  	s17 =	sadd.s32 $0x1, s17  }
0xe: {  	p1 =	sne.s32 s17, s11  }
.Ltmp1:
0xf: {  	_ = 	snop;
	(pc) =	sbr.rel @!p1 .LBB2_9-.Ltmp1, $1  }
0x10: {  	_ =	sdelay $0x3  }
.LBB2_1:
.Ltmp2:
0x11: {  	(pc) =	sbr.rel @!p0 .LBB2_2-.Ltmp2, $2  }
0x12: {  	_ =	sdelay $0x2  }
0x13: {  	s18 =	simm.s32 $0x0;
	s19 =	simm.s32 $0x0  }
.LBB2_5:
0x14: {  	s18 =	sshll.u32 s19, $0x8  }
0x15: {  	s18 =	sadd.s32 s10, s18  }
0x16: {  	s20 =	sshrl.u32 s18, $0x3  }
0x17: {  	s22 =	simm.s32 $0x0;
	s21 =	sadd.s32 s1, s20  }
0x18: {  	[tilespmem:s22], [sflag:$0x2] =	stream.linear.gather [hbm4b:s21+s22], $0x100, $0x38;
	[tilespmem:$0x10200] =	vst v63  }
0x19: {  	_ =	swait.ge [sflag:s12], $0x100  }
0x1a: {  	[sflag:s12] =	ssyncset.done $0x0  }
0x1b: {  	s20 =	sadd.s32 s8, s20;
	[sflag:s12] =	ssyncadd.s32 $0xFFFFFF00  }
0x1c: {  	[tilespmem:s13], [sflag:$0x2] =	stream.linear.gather [hbm4b:s20+s22], $0x100, $0x38;
	[tilespmem:$0x10200] =	vst v63  }
0x1d: {  	_ =	swait.ge [sflag:s12], $0x100  }
0x1e: {  	[sflag:s12] =	ssyncset.done $0x0  }
0x1f: {  	[sflag:s12] =	ssyncadd.s32 $0xFFFFFF00  }
0x20: {  	[tilespmem:s14], [sflag:$0x1] =	stream.indirect.gather [hbm4b:s6+s13], $0x80, s22, s13, $0xb8;
	[tilespmem:$0x10200] =	vst v63  }
0x21: {  	_ = 	snop  }
0x22: {  	[tilespmem:s15], [sflag:$0x1] =	stream.indirect.gather [hbm4b:s7+s13], $0x80, s13, s13, $0xb8;
	[tilespmem:$0x10200] =	vst v63  }
0x23: {  	_ =	swait.ge [sflag:s16], $0x8000  }
0x24: {  	[sflag:s16] =	ssyncset.done $0x0  }
0x25: {  	[sflag:s16] =	ssyncadd.s32 $0xFFFF8000  }
0x26: {  	_ =	swait.ge [sflag:s16], $0x8000  }
0x27: {  	[sflag:s16] =	ssyncset.done $0x0  }
0x28: {  	s20 =	simm.s32 $0x0;
	[sflag:s16] =	ssyncadd.s32 $0xFFFF8000  }
0x29: {  	v6 =	vld [tilespmem:s20+$0x8200]  }
0x2a: {  	v7 =	vld [tilespmem:s20+$0x8210]  }
0x2b: {  	v8 =	vld [tilespmem:s20+$0x8220]  }
0x2c: {  	v9 =	vld [tilespmem:s20+$0x8230]  }
0x2d: {  	v10 =	vld [tilespmem:s20+$0x8240]  }
0x2e: {  	v11 =	vld [tilespmem:s20+$0x8280]  }
0x2f: {  	v12 =	vld [tilespmem:s20+$0x8290]  }
0x30: {  	v13 =	vld [tilespmem:s20+$0x82A0]  }
0x31: {  	v14 =	vld [tilespmem:s20+$0x82B0]  }
0x32: {  	v15 =	vld [tilespmem:s20+$0x82C0]  }
0x33: {  	v16 =	vld [tilespmem:s20+$0x8300]  }
0x34: {  	v17 =	vld [tilespmem:s20+$0x8310]  }
0x35: {  	v18 =	vld [tilespmem:s20+$0x8320]  }
0x36: {  	v19 =	vld [tilespmem:s20+$0x8330]  }
0x37: {  	v5 =	vld [tilespmem:s20+$0x8340]  }
0x38: {  	v4 =	vld [tilespmem:s20+$0x8380]  }
0x39: {  	v3 =	vld [tilespmem:s20+$0x8390]  }
0x3a: {  	v2 =	vld [tilespmem:s20+$0x83A0]  }
0x3b: {  	v1 =	vld [tilespmem:s20+$0x83B0]  }
0x3c: {  	v0 =	vld [tilespmem:s20+$0x83C0]  }
0x3d: {  	v20 =	vld [tilespmem:s20+$0x200]  }
0x3e: {  	v21 =	vld [tilespmem:s20+$0x210]  }
0x3f: {  	v22 =	vld [tilespmem:s20+$0x220]  }
0x40: {  	v23 =	vld [tilespmem:s20+$0x230]  }
0x41: {  	v24 =	vld [tilespmem:s20+$0x240]  }
0x42: {  	v63 =	vld [tilespmem:s20+$0x280];
	v6 =	vadd.f32 v6, v20  }
0x43: {  	v25 =	vld [tilespmem:s20+$0x290];
	v7 =	vadd.f32 v7, v21  }
0x44: {  	v8 =	vadd.f32 v8, v22;
	[tilespmem:s20+$0x200] =	vst v6;
	v6 =	vld [tilespmem:s20+$0x2A0]  }
0x45: {  	v9 =	vadd.f32 v9, v23;
	[tilespmem:s20+$0x210] =	vst v7;
	v7 =	vld [tilespmem:s20+$0x2B0]  }
0x46: {  	v10 =	vsub.f32 v24, v10;
	[tilespmem:s20+$0x220] =	vst v8;
	v8 =	vld [tilespmem:s20+$0x2C0]  }
0x47: {  	v11 =	vadd.f32 v11, v63;
	[tilespmem:s20+$0x230] =	vst v9;
	v9 =	vld [tilespmem:s20+$0x300]  }
0x48: {  	v12 =	vadd.f32 v12, v25;
	[tilespmem:s20+$0x240] =	vst v10;
	v10 =	vld [tilespmem:s20+$0x310]  }
0x49: {  	[tilespmem:s20+$0x280] =	vst v11;
	v11 =	vld [tilespmem:s20+$0x320];
	v6 =	vadd.f32 v13, v6  }
0x4a: {  	[tilespmem:s20+$0x290] =	vst v12;
	v13 =	vld [tilespmem:s20+$0x330];
	v12 =	vadd.f32 v14, v7  }
0x4b: {  	v7 =	vld [tilespmem:s20+$0x340];
	v8 =	vsub.f32 v8, v15;
	[tilespmem:s20+$0x2A0] =	vst v6  }
0x4c: {  	v9 =	vadd.f32 v16, v9;
	[tilespmem:s20+$0x2B0] =	vst v12;
	v6 =	vld [tilespmem:s20+$0x380]  }
0x4d: {  	v10 =	vadd.f32 v17, v10;
	[tilespmem:s20+$0x2C0] =	vst v8;
	v8 =	vld [tilespmem:s20+$0x390]  }
0x4e: {  	[tilespmem:s20+$0x300] =	vst v9;
	v9 =	vld [tilespmem:s20+$0x3A0];
	v12 =	vadd.f32 v18, v11  }
0x4f: {  	s21 =	simm.s32 $0x800;
	[tilespmem:s20+$0x310] =	vst v10;
	v10 =	vld [tilespmem:s20+$0x3B0];
	v11 =	vadd.f32 v19, v13  }
.LBB2_6:
0x50: {  	s22 =	sshra.s32 s21, $0x2;
	p1 =	sne.s32 s21, $0x1F800;
	[tilespmem:s20+$0x320] =	vst v12;
	v5 =	vsub.f32 v7, v5;
	v7 =	vld [tilespmem:s20+$0x3C0]  }
0x51: {  	v12 =	vld [tilespmem:s22+$0x8200];
	[tilespmem:s20+$0x330] =	vst v11;
	v4 =	vadd.f32 v4, v6  }
0x52: {  	v6 =	vld [tilespmem:s22+$0x8210];
	[tilespmem:s20+$0x340] =	vst v5;
	v3 =	vadd.f32 v3, v8  }
0x53: {  	v8 =	vld [tilespmem:s22+$0x8220];
	[tilespmem:s20+$0x380] =	vst v4;
	v2 =	vadd.f32 v2, v9  }
0x54: {  	v9 =	vld [tilespmem:s22+$0x8230];
	[tilespmem:s20+$0x390] =	vst v3;
	v1 =	vadd.f32 v1, v10  }
0x55: {  	v10 =	vld [tilespmem:s22+$0x8240];
	[tilespmem:s20+$0x3A0] =	vst v2;
	v0 =	vsub.f32 v7, v0  }
0x56: {  	v7 =	vld [tilespmem:s22+$0x8280];
	[tilespmem:s20+$0x3B0] =	vst v1  }
0x57: {  	v11 =	vld [tilespmem:s22+$0x8290];
	[tilespmem:s20+$0x3C0] =	vst v0;
	s20 =	smov.u32 s22  }
0x58: {  	v13 =	vld [tilespmem:s20+$0x82A0]  }
0x59: {  	v14 =	vld [tilespmem:s20+$0x82B0]  }
0x5a: {  	v15 =	vld [tilespmem:s20+$0x82C0]  }
0x5b: {  	v16 =	vld [tilespmem:s20+$0x8300]  }
0x5c: {  	v17 =	vld [tilespmem:s20+$0x8310]  }
0x5d: {  	v18 =	vld [tilespmem:s20+$0x8320]  }
0x5e: {  	v19 =	vld [tilespmem:s20+$0x8330]  }
0x5f: {  	v5 =	vld [tilespmem:s20+$0x8340]  }
0x60: {  	v4 =	vld [tilespmem:s20+$0x8380]  }
0x61: {  	v3 =	vld [tilespmem:s20+$0x8390]  }
0x62: {  	v2 =	vld [tilespmem:s20+$0x83A0]  }
0x63: {  	v1 =	vld [tilespmem:s20+$0x83B0]  }
0x64: {  	v0 =	vld [tilespmem:s20+$0x83C0]  }
0x65: {  	v20 =	vld [tilespmem:s20+$0x200]  }
0x66: {  	v21 =	vld [tilespmem:s20+$0x210]  }
0x67: {  	v22 =	vld [tilespmem:s20+$0x220]  }
0x68: {  	v23 =	vld [tilespmem:s20+$0x230]  }
0x69: {  	v24 =	vld [tilespmem:s20+$0x240]  }
0x6a: {  	v12 =	vadd.f32 v12, v20;
	v20 =	vld [tilespmem:s20+$0x280]  }
0x6b: {  	v6 =	vadd.f32 v6, v21;
	v21 =	vld [tilespmem:s20+$0x290]  }
0x6c: {  	[tilespmem:s20+$0x200] =	vst v12;
	v8 =	vadd.f32 v8, v22;
	v12 =	vld [tilespmem:s20+$0x2A0]  }
0x6d: {  	[tilespmem:s20+$0x210] =	vst v6;
	v6 =	vadd.f32 v9, v23;
	v9 =	vld [tilespmem:s20+$0x2B0]  }
0x6e: {  	[tilespmem:s20+$0x220] =	vst v8;
	v8 =	vsub.f32 v24, v10;
	v10 =	vld [tilespmem:s20+$0x2C0]  }
0x6f: {  	[tilespmem:s20+$0x230] =	vst v6;
	v6 =	vadd.f32 v7, v20;
	v20 =	vld [tilespmem:s20+$0x300]  }
0x70: {  	[tilespmem:s20+$0x240] =	vst v8;
	v7 =	vadd.f32 v11, v21;
	v8 =	vld [tilespmem:s20+$0x310]  }
0x71: {  	[tilespmem:s20+$0x280] =	vst v6;
	v6 =	vadd.f32 v13, v12;
	v11 =	vld [tilespmem:s20+$0x320]  }
0x72: {  	[tilespmem:s20+$0x290] =	vst v7;
	v9 =	vadd.f32 v14, v9;
	v13 =	vld [tilespmem:s20+$0x330]  }
.Ltmp3:
0x73: {  	[tilespmem:s20+$0x2A0] =	vst v6;
	v10 =	vsub.f32 v10, v15;
	v7 =	vld [tilespmem:s20+$0x340];
	(pc) =	sbr.rel @p1 .LBB2_6-.Ltmp3, $4  }
0x74: {  	[tilespmem:s20+$0x2B0] =	vst v9;
	v9 =	vadd.f32 v16, v20;
	v6 =	vld [tilespmem:s20+$0x380]  }
0x75: {  	[tilespmem:s20+$0x2C0] =	vst v10;
	v10 =	vadd.f32 v17, v8;
	v8 =	vld [tilespmem:s20+$0x390]  }
0x76: {  	[tilespmem:s20+$0x300] =	vst v9;
	v12 =	vadd.f32 v18, v11;
	v9 =	vld [tilespmem:s20+$0x3A0]  }
0x77: {  	s21 =	sadd.s32 $0x800, s21;
	[tilespmem:s20+$0x310] =	vst v10;
	v11 =	vadd.f32 v19, v13;
	v10 =	vld [tilespmem:s20+$0x3B0]  }
0x78: {  	[tilespmem:s20+$0x320] =	vst v12;
	v5 =	vsub.f32 v7, v5;
	v63 =	vld [tilespmem:s20+$0x3C0]  }
0x79: {  	[tilespmem:s20+$0x330] =	vst v11;
	v4 =	vadd.f32 v4, v6  }
0x7a: {  	[tilespmem:s20+$0x340] =	vst v5;
	v3 =	vadd.f32 v3, v8  }
0x7b: {  	[tilespmem:s20+$0x380] =	vst v4;
	v2 =	vadd.f32 v2, v9  }
0x7c: {  	[tilespmem:s20+$0x390] =	vst v3;
	v1 =	vadd.f32 v1, v10  }
0x7d: {  	[tilespmem:s20+$0x3A0] =	vst v2;
	v0 =	vsub.f32 v63, v0  }
0x7e: {  	s18 =	sshll.u32 s18, $0x4;
	s19 =	sadd.s32 $0x1, s19;
	[tilespmem:s20+$0x3B0] =	vst v1  }
0x7f: {  	s18 =	sadd.s32 s9, s18;
	p1 =	sne.s32 s19, $0x32;
	[tilespmem:s20+$0x3C0] =	vst v0  }
0x80: {  	[hbm4b:s18+s2] =	stream.linear.scatter [tilespmem:s14], [sflag:$0x2], $0x8000, $0x38;
	[tilespmem:$0x10200] =	vst v63  }
.Ltmp4:
0x81: {  	_ = 	snop;
	(pc) =	sbr.rel @p1 .LBB2_5-.Ltmp4, $4  }
.Ltmp5:
0x82: {  	_ = 	snop;
	(pc) =	sbr.rel @!p1 .LBB2_8-.Ltmp5, $4  }
0x83: {  	_ =	swait.ge [sflag:s12], $0x8000  }
0x84: {  	[sflag:s12] =	ssyncset.done $0x0  }
0x85: {  	[sflag:s12] =	ssyncadd.s32 $0xFFFF8000  }
0x86: {  	_ = 	snop  }
.LBB2_2:
0x87: {  	s19 =	sshll.u32 s18, $0x8  }
0x88: {  	s19 =	sadd.s32 s10, s19  }
0x89: {  	s20 =	sshrl.u32 s19, $0x3  }
0x8a: {  	s22 =	simm.s32 $0x0;
	s21 =	sadd.s32 s1, s20  }
0x8b: {  	[tilespmem:s22], [sflag:$0x2] =	stream.linear.gather [hbm4b:s21+s22], $0x100, $0x38;
	[tilespmem:$0x10200] =	vst v63  }
0x8c: {  	_ =	swait.ge [sflag:s12], $0x100  }
0x8d: {  	[sflag:s12] =	ssyncset.done $0x0  }
0x8e: {  	s20 =	sadd.s32 s8, s20;
	[sflag:s12] =	ssyncadd.s32 $0xFFFFFF00  }
0x8f: {  	[tilespmem:s13], [sflag:$0x2] =	stream.linear.gather [hbm4b:s20+s22], $0x100, $0x38;
	[tilespmem:$0x10200] =	vst v63  }
0x90: {  	_ =	swait.ge [sflag:s12], $0x100  }
0x91: {  	[sflag:s12] =	ssyncset.done $0x0  }
0x92: {  	[sflag:s12] =	ssyncadd.s32 $0xFFFFFF00  }
0x93: {  	[tilespmem:s14], [sflag:$0x1] =	stream.indirect.gather [hbm4b:s3+s13], $0x80, s22, s13, $0xb8;
	[tilespmem:$0x10200] =	vst v63  }
0x94: {  	_ = 	snop  }
0x95: {  	[tilespmem:s15], [sflag:$0x1] =	stream.indirect.gather [hbm4b:s5+s13], $0x80, s13, s13, $0xb8;
	[tilespmem:$0x10200] =	vst v63  }
0x96: {  	_ =	swait.ge [sflag:s16], $0x8000  }
0x97: {  	[sflag:s16] =	ssyncset.done $0x0  }
0x98: {  	[sflag:s16] =	ssyncadd.s32 $0xFFFF8000  }
0x99: {  	_ =	swait.ge [sflag:s16], $0x8000  }
0x9a: {  	[sflag:s16] =	ssyncset.done $0x0  }
0x9b: {  	s20 =	simm.s32 $0x0;
	[sflag:s16] =	ssyncadd.s32 $0xFFFF8000  }
0x9c: {  	v6 =	vld [tilespmem:s20+$0x8200]  }
0x9d: {  	v7 =	vld [tilespmem:s20+$0x8210]  }
0x9e: {  	v8 =	vld [tilespmem:s20+$0x8220]  }
0x9f: {  	v9 =	vld [tilespmem:s20+$0x8230]  }
0xa0: {  	v10 =	vld [tilespmem:s20+$0x8240]  }
0xa1: {  	v11 =	vld [tilespmem:s20+$0x8280]  }
0xa2: {  	v12 =	vld [tilespmem:s20+$0x8290]  }
0xa3: {  	v13 =	vld [tilespmem:s20+$0x82A0]  }
0xa4: {  	v14 =	vld [tilespmem:s20+$0x82B0]  }
0xa5: {  	v15 =	vld [tilespmem:s20+$0x82C0]  }
0xa6: {  	v16 =	vld [tilespmem:s20+$0x8300]  }
0xa7: {  	v17 =	vld [tilespmem:s20+$0x8310]  }
0xa8: {  	v18 =	vld [tilespmem:s20+$0x8320]  }
0xa9: {  	v19 =	vld [tilespmem:s20+$0x8330]  }
0xaa: {  	v5 =	vld [tilespmem:s20+$0x8340]  }
0xab: {  	v4 =	vld [tilespmem:s20+$0x8380]  }
0xac: {  	v3 =	vld [tilespmem:s20+$0x8390]  }
0xad: {  	v2 =	vld [tilespmem:s20+$0x83A0]  }
0xae: {  	v1 =	vld [tilespmem:s20+$0x83B0]  }
0xaf: {  	v0 =	vld [tilespmem:s20+$0x83C0]  }
0xb0: {  	v20 =	vld [tilespmem:s20+$0x200]  }
0xb1: {  	v21 =	vld [tilespmem:s20+$0x210]  }
0xb2: {  	v22 =	vld [tilespmem:s20+$0x220]  }
0xb3: {  	v23 =	vld [tilespmem:s20+$0x230]  }
0xb4: {  	v24 =	vld [tilespmem:s20+$0x240]  }
0xb5: {  	v63 =	vld [tilespmem:s20+$0x280];
	v6 =	vadd.f32 v6, v20  }
0xb6: {  	v25 =	vld [tilespmem:s20+$0x290];
	v7 =	vadd.f32 v7, v21  }
0xb7: {  	v8 =	vadd.f32 v8, v22;
	[tilespmem:s20+$0x200] =	vst v6;
	v6 =	vld [tilespmem:s20+$0x2A0]  }
0xb8: {  	v9 =	vadd.f32 v9, v23;
	[tilespmem:s20+$0x210] =	vst v7;
	v7 =	vld [tilespmem:s20+$0x2B0]  }
0xb9: {  	v10 =	vsub.f32 v24, v10;
	[tilespmem:s20+$0x220] =	vst v8;
	v8 =	vld [tilespmem:s20+$0x2C0]  }
0xba: {  	v11 =	vadd.f32 v11, v63;
	[tilespmem:s20+$0x230] =	vst v9;
	v9 =	vld [tilespmem:s20+$0x300]  }
0xbb: {  	v12 =	vadd.f32 v12, v25;
	[tilespmem:s20+$0x240] =	vst v10;
	v10 =	vld [tilespmem:s20+$0x310]  }
0xbc: {  	[tilespmem:s20+$0x280] =	vst v11;
	v11 =	vld [tilespmem:s20+$0x320];
	v6 =	vadd.f32 v13, v6  }
0xbd: {  	[tilespmem:s20+$0x290] =	vst v12;
	v13 =	vld [tilespmem:s20+$0x330];
	v12 =	vadd.f32 v14, v7  }
0xbe: {  	v7 =	vld [tilespmem:s20+$0x340];
	v8 =	vsub.f32 v8, v15;
	[tilespmem:s20+$0x2A0] =	vst v6  }
0xbf: {  	v9 =	vadd.f32 v16, v9;
	[tilespmem:s20+$0x2B0] =	vst v12;
	v6 =	vld [tilespmem:s20+$0x380]  }
0xc0: {  	v10 =	vadd.f32 v17, v10;
	[tilespmem:s20+$0x2C0] =	vst v8;
	v8 =	vld [tilespmem:s20+$0x390]  }
0xc1: {  	[tilespmem:s20+$0x300] =	vst v9;
	v9 =	vld [tilespmem:s20+$0x3A0];
	v12 =	vadd.f32 v18, v11  }
0xc2: {  	s21 =	simm.s32 $0x800;
	[tilespmem:s20+$0x310] =	vst v10;
	v10 =	vld [tilespmem:s20+$0x3B0];
	v11 =	vadd.f32 v19, v13  }
.LBB2_3:
0xc3: {  	s22 =	sshra.s32 s21, $0x2;
	p1 =	sne.s32 s21, $0x1F800;
	[tilespmem:s20+$0x320] =	vst v12;
	v5 =	vsub.f32 v7, v5;
	v7 =	vld [tilespmem:s20+$0x3C0]  }
0xc4: {  	v12 =	vld [tilespmem:s22+$0x8200];
	[tilespmem:s20+$0x330] =	vst v11;
	v4 =	vadd.f32 v4, v6  }
0xc5: {  	v6 =	vld [tilespmem:s22+$0x8210];
	[tilespmem:s20+$0x340] =	vst v5;
	v3 =	vadd.f32 v3, v8  }
0xc6: {  	v8 =	vld [tilespmem:s22+$0x8220];
	[tilespmem:s20+$0x380] =	vst v4;
	v2 =	vadd.f32 v2, v9  }
0xc7: {  	v9 =	vld [tilespmem:s22+$0x8230];
	[tilespmem:s20+$0x390] =	vst v3;
	v1 =	vadd.f32 v1, v10  }
0xc8: {  	v10 =	vld [tilespmem:s22+$0x8240];
	[tilespmem:s20+$0x3A0] =	vst v2;
	v0 =	vsub.f32 v7, v0  }
0xc9: {  	v7 =	vld [tilespmem:s22+$0x8280];
	[tilespmem:s20+$0x3B0] =	vst v1  }
0xca: {  	v11 =	vld [tilespmem:s22+$0x8290];
	[tilespmem:s20+$0x3C0] =	vst v0;
	s20 =	smov.u32 s22  }
0xcb: {  	v13 =	vld [tilespmem:s20+$0x82A0]  }
0xcc: {  	v14 =	vld [tilespmem:s20+$0x82B0]  }
0xcd: {  	v15 =	vld [tilespmem:s20+$0x82C0]  }
0xce: {  	v16 =	vld [tilespmem:s20+$0x8300]  }
0xcf: {  	v17 =	vld [tilespmem:s20+$0x8310]  }
0xd0: {  	v18 =	vld [tilespmem:s20+$0x8320]  }
0xd1: {  	v19 =	vld [tilespmem:s20+$0x8330]  }
0xd2: {  	v5 =	vld [tilespmem:s20+$0x8340]  }
0xd3: {  	v4 =	vld [tilespmem:s20+$0x8380]  }
0xd4: {  	v3 =	vld [tilespmem:s20+$0x8390]  }
0xd5: {  	v2 =	vld [tilespmem:s20+$0x83A0]  }
0xd6: {  	v1 =	vld [tilespmem:s20+$0x83B0]  }
0xd7: {  	v0 =	vld [tilespmem:s20+$0x83C0]  }
0xd8: {  	v20 =	vld [tilespmem:s20+$0x200]  }
0xd9: {  	v21 =	vld [tilespmem:s20+$0x210]  }
0xda: {  	v22 =	vld [tilespmem:s20+$0x220]  }
0xdb: {  	v23 =	vld [tilespmem:s20+$0x230]  }
0xdc: {  	v24 =	vld [tilespmem:s20+$0x240]  }
0xdd: {  	v12 =	vadd.f32 v12, v20;
	v20 =	vld [tilespmem:s20+$0x280]  }
0xde: {  	v6 =	vadd.f32 v6, v21;
	v21 =	vld [tilespmem:s20+$0x290]  }
0xdf: {  	[tilespmem:s20+$0x200] =	vst v12;
	v8 =	vadd.f32 v8, v22;
	v12 =	vld [tilespmem:s20+$0x2A0]  }
0xe0: {  	[tilespmem:s20+$0x210] =	vst v6;
	v6 =	vadd.f32 v9, v23;
	v9 =	vld [tilespmem:s20+$0x2B0]  }
0xe1: {  	[tilespmem:s20+$0x220] =	vst v8;
	v8 =	vsub.f32 v24, v10;
	v10 =	vld [tilespmem:s20+$0x2C0]  }
0xe2: {  	[tilespmem:s20+$0x230] =	vst v6;
	v6 =	vadd.f32 v7, v20;
	v20 =	vld [tilespmem:s20+$0x300]  }
0xe3: {  	[tilespmem:s20+$0x240] =	vst v8;
	v7 =	vadd.f32 v11, v21;
	v8 =	vld [tilespmem:s20+$0x310]  }
0xe4: {  	[tilespmem:s20+$0x280] =	vst v6;
	v6 =	vadd.f32 v13, v12;
	v11 =	vld [tilespmem:s20+$0x320]  }
0xe5: {  	[tilespmem:s20+$0x290] =	vst v7;
	v9 =	vadd.f32 v14, v9;
	v13 =	vld [tilespmem:s20+$0x330]  }
.Ltmp6:
0xe6: {  	[tilespmem:s20+$0x2A0] =	vst v6;
	v10 =	vsub.f32 v10, v15;
	v7 =	vld [tilespmem:s20+$0x340];
	(pc) =	sbr.rel @p1 .LBB2_3-.Ltmp6, $4  }
0xe7: {  	[tilespmem:s20+$0x2B0] =	vst v9;
	v9 =	vadd.f32 v16, v20;
	v6 =	vld [tilespmem:s20+$0x380]  }
0xe8: {  	[tilespmem:s20+$0x2C0] =	vst v10;
	v10 =	vadd.f32 v17, v8;
	v8 =	vld [tilespmem:s20+$0x390]  }
0xe9: {  	[tilespmem:s20+$0x300] =	vst v9;
	v12 =	vadd.f32 v18, v11;
	v9 =	vld [tilespmem:s20+$0x3A0]  }
0xea: {  	s21 =	sadd.s32 $0x800, s21;
	[tilespmem:s20+$0x310] =	vst v10;
	v11 =	vadd.f32 v19, v13;
	v10 =	vld [tilespmem:s20+$0x3B0]  }
0xeb: {  	[tilespmem:s20+$0x320] =	vst v12;
	v5 =	vsub.f32 v7, v5;
	v63 =	vld [tilespmem:s20+$0x3C0]  }
0xec: {  	[tilespmem:s20+$0x330] =	vst v11;
	v4 =	vadd.f32 v4, v6  }
0xed: {  	[tilespmem:s20+$0x340] =	vst v5;
	v3 =	vadd.f32 v3, v8  }
0xee: {  	[tilespmem:s20+$0x380] =	vst v4;
	v2 =	vadd.f32 v2, v9  }
0xef: {  	[tilespmem:s20+$0x390] =	vst v3;
	v1 =	vadd.f32 v1, v10  }
0xf0: {  	[tilespmem:s20+$0x3A0] =	vst v2;
	v0 =	vsub.f32 v63, v0  }
0xf1: {  	s19 =	sshll.u32 s19, $0x4;
	s18 =	sadd.s32 $0x1, s18;
	[tilespmem:s20+$0x3B0] =	vst v1  }
0xf2: {  	s19 =	sadd.s32 s9, s19;
	p1 =	seq.s32 s18, $0x32;
	[tilespmem:s20+$0x3C0] =	vst v0  }
0xf3: {  	[hbm4b:s19+s2] =	stream.linear.scatter [tilespmem:s14], [sflag:$0x2], $0x8000, $0x38;
	[tilespmem:$0x10200] =	vst v63  }
.Ltmp7:
0xf4: {  	_ = 	snop;
	(pc) =	sbr.rel @!p1 .LBB2_2-.Ltmp7, $4  }
.Ltmp8:
0xf5: {  	_ = 	snop;
	(pc) =	sbr.rel @p1 .LBB2_8-.Ltmp8, $4  }
0xf6: {  	_ =	swait.ge [sflag:s12], $0x8000  }
0xf7: {  	[sflag:s12] =	ssyncset.done $0x0  }
0xf8: {  	[sflag:s12] =	ssyncadd.s32 $0xFFFF8000  }
0xf9: {  	_ = 	snop  }
.LBB2_9:
0xfa: {  	_ =	sfence.sel $0x180000  }
0xfb: {  	[bflag:$0x0] =	sbarrier.arrive $0xFFFF  }
0xfc: {  	p0 =	sne.s32 s4, $0x0;
	_ =	strace $0x9000004A  }
0xfd: {  	s0 =	sadd.s32 @!p0 $0x100000, s0;
	[bflag:$0x2] =	sbarrier.arrive $0xFFFF  }
0xfe: {  	[sflag:s0] =	ssyncadd.tile.s32 @!p0 $0x1;
	_ =	shalt  }
.Lfunc_end2:
_tile_overlayer_lowered:
.L_overlay_start_2:
0xff: {  	(tag) =	ssettag $0x2  }
0x100: {  	s0 =	rddreg [dreg:$0x0];
	s2 =	stileid.u32  }
0x101: {  	s1 =	rddreg [dreg:$0x1];
	p0 =	sne.s32 s2, $0x0  }
0x102: {  	s3 =	rddreg [dreg:$0x2];
	[bflag:$0x3] =	sbarrier.arrive $0xFFFF;
	s2 =	simm.s32 @!p0 $0x1C02  }
0x103: {  	[timem:s3], [sflag:s2] =	dma.local @!p0 [hbm:s0], s1  }
0x104: {  	s0 =	simm.s32 @!p0 $0x2  }
0x105: {  	_ =	swait.ge @!p0 [sflag:s0], s1  }
0x106: {  	s1 =	ssub.s32 @!p0 $0x0, s1;
	[sflag:s0] =	ssyncset.done @!p0 $0x0  }
0x107: {  	[sflag:s0] =	ssyncadd.s32 @!p0 s1  }
0x108: {  	[bflag:$0x3] =	sbarrier.arrive $0xFFFF  }
0x109: {  	_ =	shalt  }

// kernel: kernel.20.cloned.1.call-start
scs
__scs_entry_jumppad:
0x0: {  	(pc) =	sbr.rel $0x88, $3  }
0x1: {  	(tag) =	ssettag $0x0;
	lr =	simm.s32 $0x1  }
0x2: {  	[smem:$0x3F93] =	sst lr;
	_ =	strace $0xD0000000  }
0x3: {  	_ = 	snop  }
0x4: {  	_ = 	snop  }
0x5: {  	_ = 	snop  }
0x6: {  	_ = 	snop  }
0x7: {  	_ = 	snop  }
__scs_overlays_trampoline_lowered:
0x8: {  	[smem:$0x3FA2] =	sst s0  }
0x9: {  	[smem:$0x3FA3] =	sst s1  }
0xa: {  	[smem:$0x3FA4] =	sst s2  }
0xb: {  	[smem:$0x3FA5] =	sst s3  }
0xc: {  	[smem:$0x3FA6] =	sst s4  }
0xd: {  	[smem:$0x3FA7] =	sst s5  }
0xe: {  	[smem:$0x3FA8] =	sst s6  }
0xf: {  	[smem:$0x3FA9] =	sst s7  }
0x10: {  	[smem:$0x3FAA] =	sst s8  }
0x11: {  	[smem:$0x3FAB] =	sst s9;
	s0 =	simm.s32 @!p0 $0x0  }
0x12: {  	s1 =	sld [smem:$0x3F91];
	s0 =	simm.s32 @p0 $0x1  }
0x13: {  	[smem:$0x3FAC] =	sst s0;
	s0 =	simm.s32 @!p1 $0x0  }
0x14: {  	s2 =	sld [smem:$0x3F90];
	s0 =	simm.s32 @p1 $0x1  }
0x15: {  	[smem:$0x3FAD] =	sst s0;
	s0 =	simm.s32 @!p2 $0x0  }
0x16: {  	s3 =	sld [smem:$0x3FDB];
	s0 =	simm.s32 @p2 $0x1  }
0x17: {  	s4 =	simm.s32 $0x1BF5;
	[smem:$0x3FAF] =	sst s0  }
0x18: {  	s0 =	sld [smem:$0x3F92];
	_ =	swait.ge [sflag:s4], $0x0  }
0x19: {  	s7 =	sld [smem:$0x3F93]  }
0x1a: {  	s8 =	sadd.s32 $0xFFFFE003, lr  }
0x1b: {  	s9 =	sadd.s32 $0xFFFFFEF7, lr;
	s5 =	simm.s32 $0xFFFFFFFF;
	p2 =	slt.u32 s8, $0xFFFFF086  }
0x1c: {  	p1 =	slt.u32 s9, $0xF7A;
	s5 =	simm.s32 @!p2 $0x0  }
0x1d: {  	s5 =	simm.s32 @p1 $0x1;
	p0 =	seq.s32 s7, s2  }
0x1e: {  	s7 =	smul.u32 @!p0 $0xF7A, s2;
	p2 =	seq.s32 @!p0 s5, $0x0  }
0x1f: {  	s9 =	smul.u32 $0xF7A, s1;
	s8 =	simm.s32 @!p0 $0x1BF5;
	p2 =	por !p2, p0  }
0x20: {  	[sflag:s8] =	ssyncset.s32 @!p0 $0xFFFFF086;
	s6 =	sadd.s32 @!p0 s3, s7;
	s7 =	simm.s32 @!p0 $0x108  }
0x21: {  	s3 =	sadd.s32 s3, s9;
	s6 =	sadd.s32 @!p0 $0x88, s6;
	s7 =	simm.s32 @p2 $0x1082  }
0x22: {  	[simem:s7], [sflag:s8] =	dma.local @!p0 [hbm:s6], $0xF7A  }
0x23: {  	s9 =	sor.u32 $0xD0000000, s2;
	s6 =	simm.s32 $0x108;
	_ =	swait.ge @!p0 [sflag:s8], $0x0  }
0x24: {  	s3 =	sadd.s32 $0x88, s3;
	s6 =	simm.s32 @!p1 $0x1082;
	[sflag:s4] =	ssyncset.s32 $0xFFFFF086  }
0x25: {  	[simem:s6], [sflag:s4] =	dma.local [hbm:s3], $0xF7A  }
0x26: {  	[smem:$0x3F93] =	sst s1;
	(tag) =	ssettag s2;
	_ =	strace s9  }
0x27: {  	s1 =	sld [smem:$0x3FA3]  }
0x28: {  	s2 =	sld [smem:$0x3FA4]  }
0x29: {  	s4 =	sld [smem:$0x3FA6]  }
0x2a: {  	p0 =	seq.s32 s5, $0x0;
	s5 =	sld [smem:$0x3FA7]  }
0x2b: {  	s6 =	sld [smem:$0x3FA8]  }
0x2c: {  	s7 =	sld [smem:$0x3FA9]  }
0x2d: {  	s3 =	simm.s32 $0x108;
	s8 =	sld [smem:$0x3FAA]  }
0x2e: {  	s3 =	simm.s32 @!p0 $0x1082;
	s9 =	sld [smem:$0x3FAB]  }
0x2f: {  	lr =	sadd.s32 s0, s3;
	s0 =	sld [smem:$0x3FA2]  }
0x30: {  	s3 =	sld [smem:$0x3FA5]  }
0x31: {  	[smem:$0x3FAE] =	sst s10  }
0x32: {  	s10 =	sld [smem:$0x3FAC];
	_ =	sdelay $0x3  }
0x33: {  	p0 =	seq.s32 s10, $0x1;
	s10 =	sld [smem:$0x3FAE];
	_ =	sdelay $0x3  }
0x34: {  	[smem:$0x3FAE] =	sst s10  }
0x35: {  	s10 =	sld [smem:$0x3FAD];
	_ =	sdelay $0x3  }
0x36: {  	p1 =	seq.s32 s10, $0x1;
	s10 =	sld [smem:$0x3FAE];
	_ =	sdelay $0x3  }
0x37: {  	[smem:$0x3FAE] =	sst s10  }
0x38: {  	s10 =	sld [smem:$0x3FAF]  }
0x39: {  	_ = 	snop;
	(pc) =	sbr.ind lr, $3  }
0x3a: {  	_ = 	snop  }
0x3b: {  	_ = 	snop  }
0x3c: {  	p2 =	seq.s32 s10, $0x1;
	s10 =	sld [smem:$0x3FAE]  }
0x3d: {  	_ =	shalt  }
0x3e: {  	_ =	shalt  }
0x3f: {  	_ =	shalt  }
0x40: {  	_ =	shalt  }
0x41: {  	_ =	shalt  }
0x42: {  	_ =	shalt  }
0x43: {  	_ =	shalt  }
0x44: {  	_ =	shalt  }
0x45: {  	_ =	shalt  }
0x46: {  	_ =	shalt  }
0x47: {  	_ =	shalt  }
0x48: {  	_ =	shalt  }
0x49: {  	_ =	shalt  }
0x4a: {  	_ =	shalt  }
0x4b: {  	_ =	shalt  }
0x4c: {  	_ =	shalt  }
0x4d: {  	_ =	shalt  }
0x4e: {  	_ =	shalt  }
0x4f: {  	_ =	shalt  }
0x50: {  	_ =	shalt  }
0x51: {  	_ =	shalt  }
0x52: {  	_ =	shalt  }
0x53: {  	_ =	shalt  }
0x54: {  	_ =	shalt  }
0x55: {  	_ =	shalt  }
0x56: {  	_ =	shalt  }
0x57: {  	_ =	shalt  }
0x58: {  	_ =	shalt  }
0x59: {  	_ =	shalt  }
0x5a: {  	_ =	shalt  }
0x5b: {  	_ =	shalt  }
0x5c: {  	_ =	shalt  }
0x5d: {  	_ =	shalt  }
0x5e: {  	_ =	shalt  }
0x5f: {  	_ =	shalt  }
0x60: {  	_ =	shalt  }
0x61: {  	_ =	shalt  }
0x62: {  	_ =	shalt  }
0x63: {  	_ =	shalt  }
0x64: {  	_ =	shalt  }
0x65: {  	_ =	shalt  }
0x66: {  	_ =	shalt  }
0x67: {  	_ =	shalt  }
0x68: {  	_ =	shalt  }
0x69: {  	_ =	shalt  }
0x6a: {  	_ =	shalt  }
0x6b: {  	_ =	shalt  }
0x6c: {  	_ =	shalt  }
0x6d: {  	_ =	shalt  }
0x6e: {  	_ =	shalt  }
0x6f: {  	_ =	shalt  }
0x70: {  	_ =	shalt  }
0x71: {  	_ =	shalt  }
0x72: {  	_ =	shalt  }
0x73: {  	_ =	shalt  }
0x74: {  	_ =	shalt  }
0x75: {  	_ =	shalt  }
0x76: {  	_ =	shalt  }
0x77: {  	_ =	shalt  }
0x78: {  	_ =	shalt  }
0x79: {  	_ =	shalt  }
0x7a: {  	_ =	shalt  }
0x7b: {  	_ =	shalt  }
0x7c: {  	_ =	shalt  }
0x7d: {  	_ =	shalt  }
0x7e: {  	_ =	shalt  }
0x7f: {  	_ =	shalt  }
0x80: {  	_ =	shalt  }
0x81: {  	_ =	shalt  }
0x82: {  	_ =	shalt  }
0x83: {  	_ =	shalt  }
0x84: {  	_ =	shalt  }
0x85: {  	_ =	shalt  }
0x86: {  	_ =	shalt  }
0x87: {  	_ =	shalt  }
.Lfunc_end0:
.L_simem_size_0:
called_computation.3_lowered:
.L_overlay_start_0:
0x88: {  	s2 =	sld [smem:$0x3FD9]  }
0x89: {  	s3 =	sld [smem:$0x3FFE];
	_ =	sdelay $0x1  }
0x8a: {  	s1 =	srdreg.scid  }
0x8b: {  	s0 =	sand.u32 $0x1, s1  }
0x8c: {  	s17 =	sshll.u32 s0, $0xA;
	s2 =	sadd.s32 s3, s2  }
0x8d: {  	s2 =	sadd.s32 s2, s17  }
0x8e: {  	[smem:$0x3FBA] =	sst s2  }
0x8f: {  	_ = 	snop  }
0x90: {  	(tm) =	ssettm $0x1  }
0x91: {  	s18 =	sld [smem:$0x3FFB];
	_ =	sdelay $0x3  }
0x92: {  	_ =	strace s18  }
0x93: {  	s2 =	sld [smem:$0x3FFC];
	_ =	sdelay $0x3  }
0x94: {  	_ =	strace s2  }
0x95: {  	s2 =	sld [smem:$0x3FFD];
	_ =	sdelay $0x3  }
0x96: {  	_ =	strace s2  }
0x97: {  	_ =	strace $0x8FFFFFFF  }
0x98: {  	s19 =	sld [smem:$0x3FDB];
	_ =	sdelay $0x1  }
0x99: {  	s20 =	simm.s32 $_scs_section_size  }
0x9a: {  	s4 =	simm.s32 $_size__tile_overlayer_lowered;
	s5 =	simm.s32 $_tile_overlayer_lowered  }
0x9b: {  	s6 =	simm.s32 $0x1BFF;
	s21 =	sshll.u32 s5, $0x1;
	s3 =	sadd.s32 s20, s19  }
0x9c: {  	s22 =	simm.s32 $0x0;
	s4 =	sshll.u32 s4, $0x1;
	s5 =	sadd.s32 s21, s3  }
0x9d: {  	[timem:s22], [sflag:s6] =	dma.local [hbm:s5], s4  }
0x9e: {  	_ =	swait.ge [sflag:s6], s4  }
0x9f: {  	s4 =	ssub.s32 $0x0, s4;
	[sflag:s6] =	ssyncset.done $0x0  }
0xa0: {  	[sflag:s6] =	ssyncadd.s32 s4;
	_ =	sdelay $0x1  }
0xa1: {  	s23 =	simm.s32 $0x1B8B  }
0xa2: {  	_ =	swait.ge [sflag:s23], $0x1  }
0xa3: {  	[sflag:s23] =	ssyncset.done $0x0  }
0xa4: {  	[sflag:s23] =	ssyncadd.s32 $0xFFFFFFFF  }
0xa5: {  	s4 =	sld [smem:$0x0]  }
0xa6: {  	s5 =	sand.u32 $0xFFFFFFFE, s1  }
0xa7: {  	p0 =	sne.s32 s1, s5  }
0xa8: {  	s5 =	sshll.u32 @p0 s5, $0xE  }
0xa9: {  	s5 =	sadd.s32 @p0 $0x11B8D, s5;
	s6 =	sshll.u32 @p0 s4, $0x11  }
0xaa: {  	s5 =	sor.u32 @p0 s6, s5  }
0xab: {  	[sflag:s5] =	ssyncadd.remote.s32 @p0 $0x1;
	_ =	sdelay $0x1  }
0xac: {  	s5 =	simm.s32 @p0 $0x1B8D  }
0xad: {  	_ =	swait.eq @p0 [sflag:s5], $0x1  }
0xae: {  	[sflag:s5] =	ssyncadd.s32 @p0 $0xFFFFFFFF  }
0xaf: {  	s6 =	sshll.u32 @!p0 s1, $0xE  }
0xb0: {  	s6 =	sor.u32 @!p0 $0x4000, s6;
	s5 =	simm.s32 @!p0 $0x1B8D  }
0xb1: {  	s4 =	sshll.u32 @!p0 s4, $0x11;
	s6 =	sadd.s32 @!p0 $0x11B8D, s6;
	_ =	swait.eq @!p0 [sflag:s5], $0x1  }
0xb2: {  	s4 =	sor.u32 @!p0 s4, s6;
	[sflag:s5] =	ssyncadd.s32 @!p0 $0xFFFFFFFF  }
0xb3: {  	s25 =	simm.s32 $0x1B8E;
	s24 =	sld [smem:$0x3FFE];
	[sflag:s4] =	ssyncadd.remote.s32 @!p0 $0x1  }
0xb4: {  	s26 =	simm.s32 $execute0_lowered;
	[smem:$0x3FD2] =	sst s25  }
0xb5: {  	s5 =	sshll.u32 s26, $0x1;
	_ =	strace $0x80000052;
	[dreg:$0x1] =	wrdreg $0xFFFFFFFF  }
0xb6: {  	s28 =	simm.s32 $_size_execute0_lowered;
	s3 =	sadd.s32 s3, s5;
	[dreg:$0x0] =	wrdreg $0x0  }
0xb7: {  	s5 =	sshll.u32 s28, $0x1;
	[dreg:$0x2] =	wrdreg s3  }
0xb8: {  	[dreg:$0x3] =	wrdreg s5  }
0xb9: {  	[dreg:$0x4] =	wrdreg $0xC0  }
0xba: {  	_ =	task [dreg:s22], $0x5FFFF  }
0xbb: {  	[dreg:$0x1] =	wrdreg $0xFFFFFFFF  }
0xbc: {  	[dreg:$0x0] =	wrdreg $0x60  }
0xbd: {  	[dreg:$0x2] =	wrdreg s24  }
0xbe: {  	[dreg:$0x3] =	wrdreg $0x61000  }
0xbf: {  	[dreg:$0x4] =	wrdreg $0x9  }
0xc0: {  	_ =	task.clear_ibuf [dreg:s22], $0x5FFFF;
	_ =	strace $0x90000052  }
0xc1: {  	s29 =	simm.s32 $0x9;
	_ =	strace $0x80000054  }
0xc2: {  	_ =	swait.ge [sflag:s29], $0x1  }
0xc3: {  	[sflag:s29] =	ssyncadd.s32 $0xFFFFFFFF  }
0xc4: {  	_ =	strace $0x90000054  }
0xc5: {  	_ =	sfence  }
0xc6: {  	s30 =	sld [smem:$0x0];
	_ =	sdelay $0x2  }
0xc7: {  	s31 =	sshll.u32 s1, $0xD;
	s1 =	sshrl.u32 s1, $0x2  }
0xc8: {  	s4 =	sand.u32 $0x4000, s31;
	s1 =	sadd.s32 s1, s30  }
0xc9: {  	s0 =	sor.u32 s4, s0;
	s1 =	sshll.u32 s1, $0x11  }
0xca: {  	s0 =	sor.u32 s1, s0  }
0xcb: {  	s0 =	sadd.s32 $0x8F2B, s0  }
0xcc: {  	[sflag:s0] =	ssyncadd.remote.s32 $0x1  }
0xcd: {  	_ =	sfence.sel $0xFFFF  }
0xce: {  	[dreg:$0x0] =	wrdreg $0xFFFFFFFF;
	(pc) =	sbr.abs _section_cstart, $3  }
0xcf: {  	[dreg:$0x1] =	wrdreg $0xFFFFFFFF  }
0xd0: {  	_ =	task.clear_ibuf [dreg:s22], $0x2FFFF;
	_ =	strace $0x9FFFFFFF  }
0xd1: {  	(tm) =	ssettm $0x7FFFFFFF  }
tec
execute0_lowered:
.L_overlay_start_1:
0x0: {  	(tag) =	ssettag $0x1  }
0x1: {  	s0 =	rddreg [dreg:$0x0]  }
0x2: {  	s1 =	rddreg [dreg:$0x1];
	s2 =	simm.s32 $0x0  }
0x3: {  	s3 =	srdreg.scid;
	s23 =	stileid.u32;
	s28 =	simm.s32 $0x100  }
0x4: {  	s29 =	simm.s32 $0x80;
	s30 =	simm.s32 $0x0;
	s6 =	smul.u32 $0x62000, s23  }
0x5: {  	[smem:$0x7FF] =	sst s2;
	s4 =	sadd.s32 $0x1B1A00, s0;
	s20 =	smul.u32 $0x618, s23  }
0x6: {  	s3 =	sand.u32 $0x1, s3;
	s5 =	sadd.s32 $0x1A5200, s0;
	s21 =	smul.u32 $0x61800, s23  }
0x7: {  	s0 =	sadd.s32 $0x7F1A00, s0;
	s19 =	smul.u32 $0x6400, s23;
	p0 =	sne.s32 s23, $0x0  }
0x8: {  	_ =	strace $0x80000053;
	s7 =	ssub.s32 $0x2, s3;
	s26 =	smul.u32 $0x61A8, s3  }
0x9: {  	s3 =	smul.u32 $0x30D400, s3;
	s8 =	sshrl.u32 s7, $0x1;
	s6 =	sshrl.u32 s6, $0x2  }
0xa: {  	s21 =	sshrl.u32 s21, $0x2;
	s7 =	ssub.s32 s7, s8;
	s6 =	sadd.s32 s6, s1  }
0xb: {  	s20 =	sadd.s32 s20, s26;
	s3 =	sshrl.u32 s3, $0x4;
	s31 =	sadd.s32 s21, s1  }
0xc: {  	v0 =	vmov s26;
	s26 =	simm.s32 $0x1;
	s24 =	sadd.s32 $0x2000, s6;
	s25 =	sadd.s32 $0x4000, s6  }
0xd: {  	s9 =	sadd.s32 $0x6000, s6;
	s10 =	sadd.s32 $0x8000, s6;
	s11 =	sadd.s32 $0xA000, s6  }
0xe: {  	s12 =	sadd.s32 $0xC000, s6;
	s13 =	sadd.s32 $0xE000, s6;
	s14 =	sadd.s32 $0x10000, s6  }
0xf: {  	s15 =	sadd.s32 $0x12000, s6;
	s16 =	sadd.s32 $0x14000, s6;
	s17 =	sadd.s32 $0x16000, s6  }
0x10: {  	s18 =	sadd.s32 $0x18000, s6;
	s20 =	sshll.u32 s20, $0x3;
	s3 =	sadd.s32 s0, s3  }
0x11: {  	s22 =	smax.u32 s7, $0x1;
	s23 =	sshrl.u32 s31, $0x3;
	[dreg:$0x3] =	wrdreg s24  }
0x12: {  	[dreg:$0x4] =	wrdreg s25;
	s21 =	sadd.s32 $0x30C00, s3;
	s3 =	sadd.s32 $0x186000, s1  }
0x13: {  	v1 =	vimm.bf16 $0.0e+00;
	s20 =	sadd.s32 s0, s20;
	s25 =	simm.s32 $0x4100;
	s24 =	sshrl.u32 @!p0 s3, $0x3  }
.LBB2_1:
0x14: {  	s3 =	simm.s32 $0x100;
	s0 =	simm.s32 $0x0  }
.LBB2_2:
0x15: {  	p1 =	sne.s32 s3, $0x7F00;
	[tilespmem:s0+$0x4130] =	vst v1;
	s7 =	smov.u32 s3;
	s3 =	sadd.s32 $0x100, s3  }
.Ltmp0:
0x16: {  	[tilespmem:s0+$0x4120] =	vst v1;
	(pc) =	sbr.rel @p1 .LBB2_2-.Ltmp0, $3  }
0x17: {  	[tilespmem:s0+$0x4100] =	vst v1  }
0x18: {  	[tilespmem:s0+$0x4110] =	vst v1;
	_ =	sdelay $0x1  }
0x19: {  	s0 =	sshra.s32 s7, $0x2  }
0x1a: {  	[tilespmem:s0+$0x4130] =	vst v1  }
0x1b: {  	[tilespmem:s0+$0x4120] =	vst v1  }
0x1c: {  	[tilespmem:s0+$0x4100] =	vst v1  }
0x1d: {  	[tilespmem:s0+$0x4110] =	vst v1  }
0x1e: {  	[spmem:s6] =	stream.linear.scatter [tilespmem:s25], [sflag:$0x1], $0x2000, $0x38;
	[tilespmem:$0x1E900] =	vst v63  }
0x1f: {  	_ =	swait.ge [sflag:s26], $0x2000  }
0x20: {  	[sflag:s26] =	ssyncset.done $0x0  }
0x21: {  	s7 =	rddreg [dreg:$0x3];
	[sflag:s26] =	ssyncadd.s32 $0xFFFFE000  }
0x22: {  	[spmem:s7] =	stream.linear.scatter [tilespmem:s25], [sflag:$0x1], $0x2000, $0x38;
	[tilespmem:$0x1E900] =	vst v63  }
0x23: {  	_ =	swait.ge [sflag:s26], $0x2000  }
0x24: {  	[sflag:s26] =	ssyncset.done $0x0  }
0x25: {  	s8 =	rddreg [dreg:$0x4];
	[sflag:s26] =	ssyncadd.s32 $0xFFFFE000  }
0x26: {  	[spmem:s8] =	stream.linear.scatter [tilespmem:s25], [sflag:$0x1], $0x2000, $0x38;
	[tilespmem:$0x1E900] =	vst v63  }
0x27: {  	_ =	swait.ge [sflag:s26], $0x2000  }
0x28: {  	[sflag:s26] =	ssyncset.done $0x0  }
0x29: {  	[sflag:s26] =	ssyncadd.s32 $0xFFFFE000  }
0x2a: {  	[spmem:s9] =	stream.linear.scatter [tilespmem:s25], [sflag:$0x1], $0x2000, $0x38;
	[tilespmem:$0x1E900] =	vst v63  }
0x2b: {  	_ =	swait.ge [sflag:s26], $0x2000  }
0x2c: {  	[sflag:s26] =	ssyncset.done $0x0  }
0x2d: {  	[sflag:s26] =	ssyncadd.s32 $0xFFFFE000  }
0x2e: {  	[spmem:s10] =	stream.linear.scatter [tilespmem:s25], [sflag:$0x1], $0x2000, $0x38;
	[tilespmem:$0x1E900] =	vst v63  }
0x2f: {  	_ =	swait.ge [sflag:s26], $0x2000  }
0x30: {  	[sflag:s26] =	ssyncset.done $0x0  }
0x31: {  	[sflag:s26] =	ssyncadd.s32 $0xFFFFE000  }
0x32: {  	[spmem:s11] =	stream.linear.scatter [tilespmem:s25], [sflag:$0x1], $0x2000, $0x38;
	[tilespmem:$0x1E900] =	vst v63  }
0x33: {  	_ =	swait.ge [sflag:s26], $0x2000  }
0x34: {  	[sflag:s26] =	ssyncset.done $0x0  }
0x35: {  	[sflag:s26] =	ssyncadd.s32 $0xFFFFE000  }
0x36: {  	[spmem:s12] =	stream.linear.scatter [tilespmem:s25], [sflag:$0x1], $0x2000, $0x38;
	[tilespmem:$0x1E900] =	vst v63  }
0x37: {  	_ =	swait.ge [sflag:s26], $0x2000  }
0x38: {  	[sflag:s26] =	ssyncset.done $0x0  }
0x39: {  	[sflag:s26] =	ssyncadd.s32 $0xFFFFE000  }
0x3a: {  	[spmem:s13] =	stream.linear.scatter [tilespmem:s25], [sflag:$0x1], $0x2000, $0x38;
	[tilespmem:$0x1E900] =	vst v63  }
0x3b: {  	_ =	swait.ge [sflag:s26], $0x2000  }
0x3c: {  	[sflag:s26] =	ssyncset.done $0x0  }
0x3d: {  	[sflag:s26] =	ssyncadd.s32 $0xFFFFE000  }
0x3e: {  	[spmem:s14] =	stream.linear.scatter [tilespmem:s25], [sflag:$0x1], $0x2000, $0x38;
	[tilespmem:$0x1E900] =	vst v63  }
0x3f: {  	_ =	swait.ge [sflag:s26], $0x2000  }
0x40: {  	[sflag:s26] =	ssyncset.done $0x0  }
0x41: {  	[sflag:s26] =	ssyncadd.s32 $0xFFFFE000  }
0x42: {  	[spmem:s15] =	stream.linear.scatter [tilespmem:s25], [sflag:$0x1], $0x2000, $0x38;
	[tilespmem:$0x1E900] =	vst v63  }
0x43: {  	_ =	swait.ge [sflag:s26], $0x2000  }
0x44: {  	[sflag:s26] =	ssyncset.done $0x0  }
0x45: {  	[sflag:s26] =	ssyncadd.s32 $0xFFFFE000  }
0x46: {  	[spmem:s16] =	stream.linear.scatter [tilespmem:s25], [sflag:$0x1], $0x2000, $0x38;
	[tilespmem:$0x1E900] =	vst v63  }
0x47: {  	_ =	swait.ge [sflag:s26], $0x2000  }
0x48: {  	[sflag:s26] =	ssyncset.done $0x0  }
0x49: {  	[sflag:s26] =	ssyncadd.s32 $0xFFFFE000  }
0x4a: {  	[spmem:s17] =	stream.linear.scatter [tilespmem:s25], [sflag:$0x1], $0x2000, $0x38;
	[tilespmem:$0x1E900] =	vst v63  }
0x4b: {  	_ =	swait.ge [sflag:s26], $0x2000  }
0x4c: {  	[sflag:s26] =	ssyncset.done $0x0  }
0x4d: {  	[sflag:s26] =	ssyncadd.s32 $0xFFFFE000  }
0x4e: {  	[spmem:s18] =	stream.linear.scatter [tilespmem:s25], [sflag:$0x1], $0x800, $0x38;
	[tilespmem:$0x1E900] =	vst v63  }
0x4f: {  	_ =	swait.ge [sflag:s26], $0x800  }
0x50: {  	[sflag:s26] =	ssyncset.done $0x0  }
0x51: {  	[sflag:s26] =	ssyncadd.s32 $0xFFFFF800  }
0x52: {  	s31 =	simm.s32 $0x0;
	[bflag:$0x0] =	sbarrier.arrive $0xFFFF  }
.LBB2_4:
0x53: {  	s0 =	sshll.u32 s31, $0x7  }
0x54: {  	s0 =	sadd.s32 s19, s0  }
0x55: {  	s3 =	sshrl.u32 s0, $0x3  }
0x56: {  	s3 =	sadd.s32 s5, s3  }
0x57: {  	[tilespmem:s30], [sflag:$0x1] =	stream.linear.gather [hbm4b:s3+s30], $0x80, $0x38;
	[tilespmem:$0x1E900] =	vst v63  }
0x58: {  	_ =	swait.ge [sflag:s26], $0x80  }
0x59: {  	[sflag:s26] =	ssyncset.done $0x0  }
0x5a: {  	[sflag:s26] =	ssyncadd.s32 $0xFFFFFF80  }
0x5b: {  	v2 =	vld [tilespmem:$0x0]  }
0x5c: {  	v3 =	vld [tilespmem:$0x10]  }
0x5d: {  	v4 =	vld [tilespmem:$0x20]  }
0x5e: {  	v5 =	vld [tilespmem:$0x30]  }
0x5f: {  	v6 =	vld [tilespmem:$0x40]  }
0x60: {  	v7 =	vld [tilespmem:$0x50];
	v2 =	vsub.s32 v2, v0  }
0x61: {  	v8 =	vld [tilespmem:$0x60];
	v3 =	vsub.s32 v3, v0;
	v2 =	vmin.u32 v2, $0x61A8  }
0x62: {  	[tilespmem:$0x80] =	vst v2;
	v2 =	vmin.u32 v3, $0x61A8;
	v3 =	vsub.s32 v4, v0;
	v4 =	vld [tilespmem:$0x70]  }
0x63: {  	[tilespmem:$0x90] =	vst v2;
	v2 =	vmin.u32 v3, $0x61A8;
	v3 =	vsub.s32 v5, v0  }
0x64: {  	[tilespmem:$0xA0] =	vst v2;
	v2 =	vmin.u32 v3, $0x61A8;
	v3 =	vsub.s32 v6, v0  }
0x65: {  	[tilespmem:$0xB0] =	vst v2;
	v2 =	vmin.u32 v3, $0x61A8;
	v3 =	vsub.s32 v7, v0  }
0x66: {  	[tilespmem:$0xC0] =	vst v2;
	v2 =	vmin.u32 v3, $0x61A8;
	v3 =	vsub.s32 v8, v0  }
0x67: {  	[tilespmem:$0xD0] =	vst v2;
	v2 =	vmin.u32 v3, $0x61A8;
	v3 =	vsub.s32 v4, v0  }
0x68: {  	s0 =	sshll.u32 s0, $0x4;
	[tilespmem:$0xE0] =	vst v2;
	v2 =	vmin.u32 v3, $0x61A8  }
0x69: {  	s0 =	sadd.s32 s4, s0;
	[tilespmem:$0xF0] =	vst v2  }
0x6a: {  	[tilespmem:s28], [sflag:$0x1] =	stream.linear.gather [hbm4b:s0+s30], $0x4000, $0x38;
	[tilespmem:$0x1E900] =	vst v63  }
0x6b: {  	_ =	swait.ge [sflag:s26], $0x4000  }
0x6c: {  	[sflag:s26] =	ssyncset.done $0x0  }
0x6d: {  	s0 =	simm.s32 $0x130;
	[sflag:s26] =	ssyncadd.s32 $0xFFFFC000  }
0x6e: {  	v2 =	vld [tilespmem:s0+$0xFFFFFFD0]  }
0x6f: {  	v3 =	vld [tilespmem:s0+$0xFFFFFFE0];
	_ =	sdelay $0x4  }
0x70: {  	s7 =	simm.s32 $0x0;
	v2 =	vpack.i.f32.bf16 v3, v2  }
0x71: {  	[tilespmem:s7+$0x4100] =	vst v2  }
0x72: {  	v2 =	vld [tilespmem:s0+$0xFFFFFFF0]  }
0x73: {  	v3 =	vld [tilespmem:s0+$0x0];
	_ =	sdelay $0x4  }
0x74: {  	v2 =	vpack.i.f32.bf16 v3, v2  }
0x75: {  	[tilespmem:s7+$0x4110] =	vst v2  }
0x76: {  	v2 =	vld [tilespmem:s0+$0x10]  }
0x77: {  	s3 =	simm.s32 $0x100;
	v3 =	vld [tilespmem:s0+$0x20]  }
.LBB2_5:
0x78: {  	_ =	sdelay $0x1  }
0x79: {  	p1 =	sne.s32 s3, $0x7F00  }
0x7a: {  	s0 =	sadd.s32 $0x80, s0;
	s8 =	smov.u32 s3;
	s3 =	sadd.s32 $0x100, s3  }
0x7b: {  	v2 =	vpack.i.f32.bf16 v3, v2  }
0x7c: {  	[tilespmem:s7+$0x4120] =	vst v2  }
0x7d: {  	v2 =	vld [tilespmem:s0+$0xFFFFFFD0]  }
0x7e: {  	v3 =	vld [tilespmem:s0+$0xFFFFFFE0];
	_ =	sdelay $0x4  }
0x7f: {  	s7 =	sshra.s32 s8, $0x2;
	v2 =	vpack.i.f32.bf16 v3, v2  }
0x80: {  	[tilespmem:s7+$0x4100] =	vst v2  }
0x81: {  	v2 =	vld [tilespmem:s0+$0xFFFFFFF0]  }
0x82: {  	v3 =	vld [tilespmem:s0+$0x0];
	_ =	sdelay $0x3  }
.Ltmp1:
0x83: {  	(pc) =	sbr.rel @p1 .LBB2_5-.Ltmp1, $4  }
0x84: {  	v2 =	vpack.i.f32.bf16 v3, v2  }
0x85: {  	[tilespmem:s7+$0x4110] =	vst v2  }
0x86: {  	v2 =	vld [tilespmem:s0+$0x10]  }
0x87: {  	v3 =	vld [tilespmem:s0+$0x20]  }
0x88: {  	_ =	sdelay $0x2  }
0x89: {  	s31 =	sadd.s32 $0x1, s31  }
0x8a: {  	p1 =	sne.s32 s31, $0xC8;
	v2 =	vpack.i.f32.bf16 v3, v2  }
.Ltmp2:
0x8b: {  	[tilespmem:s7+$0x4120] =	vst v2;
	(pc) =	sbr.rel @p1 .LBB2_4-.Ltmp2, $4  }
0x8c: {  	[spmem:s1] =	stream.indirect.scatter.add.bf16 [tilespmem:s25], [sflag:$0x1], $0x40, s29, s29, $0xb8;
	[tilespmem:$0x1E900] =	vst v63  }
0x8d: {  	_ =	swait.ge [sflag:s26], $0x2000  }
0x8e: {  	[sflag:s26] =	ssyncset.done $0x0  }
0x8f: {  	[sflag:s26] =	ssyncadd.s32 $0xFFFFE000  }
0x90: {  	s0 =	stileid.u32  }
0x91: {  	s0 =	sshll.u32 s0, $0x6  }
0x92: {  	[bflag:$0x0] =	sbarrier.arrive $0xFFFF;
	s0 =	sor.u32 $0x1C01, s0  }
0x93: {  	[hbm:s20], [sflag:s0] =	dma.local [spmem:s23], $0x30C0  }
0x94: {  	_ =	swait.ge [sflag:s26], $0x30C0  }
0x95: {  	s2 =	sadd.s32 $0x1, s2;
	[sflag:s26] =	ssyncset.done $0x0  }
0x96: {  	p1 =	sne.s32 s2, s22;
	[sflag:s26] =	ssyncadd.s32 $0xFFFFCF40  }
0x97: {  	[hbm:s21], [sflag:s0] =	dma.local @!p0 [spmem:s24], $0x140  }
.Ltmp3:
0x98: {  	_ = 	snop;
	(pc) =	sbr.rel @p1 .LBB2_1-.Ltmp3, $4  }
0x99: {  	s0 =	simm.s32 @!p0 $0x1  }
0x9a: {  	_ =	swait.ge @!p0 [sflag:s0], $0x140  }
0x9b: {  	[sflag:s0] =	ssyncset.done @!p0 $0x0  }
0x9c: {  	[sflag:s0] =	ssyncadd.s32 @!p0 $0xFFFFFEC0  }
0x9d: {  	_ =	sfence.sel $0x180000  }
0x9e: {  	[bflag:$0x0] =	sbarrier.arrive $0xFFFF  }
0x9f: {  	_ =	strace $0x90000053  }
0xa0: {  	[bflag:$0x2] =	sbarrier.arrive $0xFFFF  }
0xa1: {  	s0 =	rddreg [dreg:$0x2]  }
0xa2: {  	s0 =	sadd.s32 @!p0 $0x100000, s0  }
0xa3: {  	[sflag:s0] =	ssyncadd.tile.s32 @!p0 $0x1;
	_ =	shalt  }
.Lfunc_end2:
_tile_overlayer_lowered:
.L_overlay_start_2:
0xa4: {  	(tag) =	ssettag $0x2  }
0xa5: {  	s0 =	rddreg [dreg:$0x0];
	s2 =	stileid.u32  }
0xa6: {  	s1 =	rddreg [dreg:$0x1];
	p0 =	sne.s32 s2, $0x0  }
0xa7: {  	s3 =	rddreg [dreg:$0x2];
	[bflag:$0x3] =	sbarrier.arrive $0xFFFF;
	s2 =	simm.s32 @!p0 $0x1C01  }
0xa8: {  	[timem:s3], [sflag:s2] =	dma.local @!p0 [hbm:s0], s1  }
0xa9: {  	s0 =	simm.s32 @!p0 $0x1  }
0xaa: {  	_ =	swait.ge @!p0 [sflag:s0], s1  }
0xab: {  	s1 =	ssub.s32 @!p0 $0x0, s1;
	[sflag:s0] =	ssyncset.done @!p0 $0x0  }
0xac: {  	[sflag:s0] =	ssyncadd.s32 @!p0 s1  }
0xad: {  	[bflag:$0x3] =	sbarrier.arrive $0xFFFF  }
0xae: {  	_ =	shalt  }

// kernel: kernel.23.cloned.1.call-start
scs
__scs_entry_jumppad:
0x0: {  	(pc) =	sbr.rel $0x88, $3  }
0x1: {  	(tag) =	ssettag $0x0;
	lr =	simm.s32 $0x1  }
0x2: {  	[smem:$0x3F93] =	sst lr;
	_ =	strace $0xD0000000  }
0x3: {  	_ = 	snop  }
0x4: {  	_ = 	snop  }
0x5: {  	_ = 	snop  }
0x6: {  	_ = 	snop  }
0x7: {  	_ = 	snop  }
__scs_overlays_trampoline_lowered:
0x8: {  	[smem:$0x3FA2] =	sst s0  }
0x9: {  	[smem:$0x3FA3] =	sst s1  }
0xa: {  	[smem:$0x3FA4] =	sst s2  }
0xb: {  	[smem:$0x3FA5] =	sst s3  }
0xc: {  	[smem:$0x3FA6] =	sst s4  }
0xd: {  	[smem:$0x3FA7] =	sst s5  }
0xe: {  	[smem:$0x3FA8] =	sst s6  }
0xf: {  	[smem:$0x3FA9] =	sst s7  }
0x10: {  	[smem:$0x3FAA] =	sst s8  }
0x11: {  	[smem:$0x3FAB] =	sst s9;
	s0 =	simm.s32 @!p0 $0x0  }
0x12: {  	s1 =	sld [smem:$0x3F91];
	s0 =	simm.s32 @p0 $0x1  }
0x13: {  	[smem:$0x3FAC] =	sst s0;
	s0 =	simm.s32 @!p1 $0x0  }
0x14: {  	s2 =	sld [smem:$0x3F90];
	s0 =	simm.s32 @p1 $0x1  }
0x15: {  	[smem:$0x3FAD] =	sst s0;
	s0 =	simm.s32 @!p2 $0x0  }
0x16: {  	s3 =	sld [smem:$0x3FDB];
	s0 =	simm.s32 @p2 $0x1  }
0x17: {  	s4 =	simm.s32 $0x1BF5;
	[smem:$0x3FAF] =	sst s0  }
0x18: {  	s0 =	sld [smem:$0x3F92];
	_ =	swait.ge [sflag:s4], $0x0  }
0x19: {  	s7 =	sld [smem:$0x3F93]  }
0x1a: {  	s8 =	sadd.s32 $0xFFFFE003, lr  }
0x1b: {  	s9 =	sadd.s32 $0xFFFFFEF7, lr;
	s5 =	simm.s32 $0xFFFFFFFF;
	p2 =	slt.u32 s8, $0xFFFFF086  }
0x1c: {  	p1 =	slt.u32 s9, $0xF7A;
	s5 =	simm.s32 @!p2 $0x0  }
0x1d: {  	s5 =	simm.s32 @p1 $0x1;
	p0 =	seq.s32 s7, s2  }
0x1e: {  	s7 =	smul.u32 @!p0 $0xF7A, s2;
	p2 =	seq.s32 @!p0 s5, $0x0  }
0x1f: {  	s9 =	smul.u32 $0xF7A, s1;
	s8 =	simm.s32 @!p0 $0x1BF5;
	p2 =	por !p2, p0  }
0x20: {  	[sflag:s8] =	ssyncset.s32 @!p0 $0xFFFFF086;
	s6 =	sadd.s32 @!p0 s3, s7;
	s7 =	simm.s32 @!p0 $0x108  }
0x21: {  	s3 =	sadd.s32 s3, s9;
	s6 =	sadd.s32 @!p0 $0x88, s6;
	s7 =	simm.s32 @p2 $0x1082  }
0x22: {  	[simem:s7], [sflag:s8] =	dma.local @!p0 [hbm:s6], $0xF7A  }
0x23: {  	s9 =	sor.u32 $0xD0000000, s2;
	s6 =	simm.s32 $0x108;
	_ =	swait.ge @!p0 [sflag:s8], $0x0  }
0x24: {  	s3 =	sadd.s32 $0x88, s3;
	s6 =	simm.s32 @!p1 $0x1082;
	[sflag:s4] =	ssyncset.s32 $0xFFFFF086  }
0x25: {  	[simem:s6], [sflag:s4] =	dma.local [hbm:s3], $0xF7A  }
0x26: {  	[smem:$0x3F93] =	sst s1;
	(tag) =	ssettag s2;
	_ =	strace s9  }
0x27: {  	s1 =	sld [smem:$0x3FA3]  }
0x28: {  	s2 =	sld [smem:$0x3FA4]  }
0x29: {  	s4 =	sld [smem:$0x3FA6]  }
0x2a: {  	p0 =	seq.s32 s5, $0x0;
	s5 =	sld [smem:$0x3FA7]  }
0x2b: {  	s6 =	sld [smem:$0x3FA8]  }
0x2c: {  	s7 =	sld [smem:$0x3FA9]  }
0x2d: {  	s3 =	simm.s32 $0x108;
	s8 =	sld [smem:$0x3FAA]  }
0x2e: {  	s3 =	simm.s32 @!p0 $0x1082;
	s9 =	sld [smem:$0x3FAB]  }
0x2f: {  	lr =	sadd.s32 s0, s3;
	s0 =	sld [smem:$0x3FA2]  }
0x30: {  	s3 =	sld [smem:$0x3FA5]  }
0x31: {  	[smem:$0x3FAE] =	sst s10  }
0x32: {  	s10 =	sld [smem:$0x3FAC];
	_ =	sdelay $0x3  }
0x33: {  	p0 =	seq.s32 s10, $0x1;
	s10 =	sld [smem:$0x3FAE];
	_ =	sdelay $0x3  }
0x34: {  	[smem:$0x3FAE] =	sst s10  }
0x35: {  	s10 =	sld [smem:$0x3FAD];
	_ =	sdelay $0x3  }
0x36: {  	p1 =	seq.s32 s10, $0x1;
	s10 =	sld [smem:$0x3FAE];
	_ =	sdelay $0x3  }
0x37: {  	[smem:$0x3FAE] =	sst s10  }
0x38: {  	s10 =	sld [smem:$0x3FAF]  }
0x39: {  	_ = 	snop;
	(pc) =	sbr.ind lr, $3  }
0x3a: {  	_ = 	snop  }
0x3b: {  	_ = 	snop  }
0x3c: {  	p2 =	seq.s32 s10, $0x1;
	s10 =	sld [smem:$0x3FAE]  }
0x3d: {  	_ =	shalt  }
0x3e: {  	_ =	shalt  }
0x3f: {  	_ =	shalt  }
0x40: {  	_ =	shalt  }
0x41: {  	_ =	shalt  }
0x42: {  	_ =	shalt  }
0x43: {  	_ =	shalt  }
0x44: {  	_ =	shalt  }
0x45: {  	_ =	shalt  }
0x46: {  	_ =	shalt  }
0x47: {  	_ =	shalt  }
0x48: {  	_ =	shalt  }
0x49: {  	_ =	shalt  }
0x4a: {  	_ =	shalt  }
0x4b: {  	_ =	shalt  }
0x4c: {  	_ =	shalt  }
0x4d: {  	_ =	shalt  }
0x4e: {  	_ =	shalt  }
0x4f: {  	_ =	shalt  }
0x50: {  	_ =	shalt  }
0x51: {  	_ =	shalt  }
0x52: {  	_ =	shalt  }
0x53: {  	_ =	shalt  }
0x54: {  	_ =	shalt  }
0x55: {  	_ =	shalt  }
0x56: {  	_ =	shalt  }
0x57: {  	_ =	shalt  }
0x58: {  	_ =	shalt  }
0x59: {  	_ =	shalt  }
0x5a: {  	_ =	shalt  }
0x5b: {  	_ =	shalt  }
0x5c: {  	_ =	shalt  }
0x5d: {  	_ =	shalt  }
0x5e: {  	_ =	shalt  }
0x5f: {  	_ =	shalt  }
0x60: {  	_ =	shalt  }
0x61: {  	_ =	shalt  }
0x62: {  	_ =	shalt  }
0x63: {  	_ =	shalt  }
0x64: {  	_ =	shalt  }
0x65: {  	_ =	shalt  }
0x66: {  	_ =	shalt  }
0x67: {  	_ =	shalt  }
0x68: {  	_ =	shalt  }
0x69: {  	_ =	shalt  }
0x6a: {  	_ =	shalt  }
0x6b: {  	_ =	shalt  }
0x6c: {  	_ =	shalt  }
0x6d: {  	_ =	shalt  }
0x6e: {  	_ =	shalt  }
0x6f: {  	_ =	shalt  }
0x70: {  	_ =	shalt  }
0x71: {  	_ =	shalt  }
0x72: {  	_ =	shalt  }
0x73: {  	_ =	shalt  }
0x74: {  	_ =	shalt  }
0x75: {  	_ =	shalt  }
0x76: {  	_ =	shalt  }
0x77: {  	_ =	shalt  }
0x78: {  	_ =	shalt  }
0x79: {  	_ =	shalt  }
0x7a: {  	_ =	shalt  }
0x7b: {  	_ =	shalt  }
0x7c: {  	_ =	shalt  }
0x7d: {  	_ =	shalt  }
0x7e: {  	_ =	shalt  }
0x7f: {  	_ =	shalt  }
0x80: {  	_ =	shalt  }
0x81: {  	_ =	shalt  }
0x82: {  	_ =	shalt  }
0x83: {  	_ =	shalt  }
0x84: {  	_ =	shalt  }
0x85: {  	_ =	shalt  }
0x86: {  	_ =	shalt  }
0x87: {  	_ =	shalt  }
.Lfunc_end0:
.L_simem_size_0:
called_computation.4_lowered:
.L_overlay_start_0:
0x88: {  	s2 =	sld [smem:$0x3FD9]  }
0x89: {  	s3 =	sld [smem:$0x3FFE];
	_ =	sdelay $0x1  }
0x8a: {  	s1 =	srdreg.scid  }
0x8b: {  	s0 =	sand.u32 $0x1, s1  }
0x8c: {  	s15 =	sshll.u32 s0, $0xA;
	s2 =	sadd.s32 s3, s2  }
0x8d: {  	s2 =	sadd.s32 s2, s15  }
0x8e: {  	[smem:$0x3FBA] =	sst s2  }
0x8f: {  	_ = 	snop  }
0x90: {  	s2 =	sld [smem:$0x3FD0];
	_ =	sdelay $0x2  }
0x91: {  	s16 =	simm.s32 $0xB;
	s4 =	simm.s32 $0x10  }
0x92: {  	[smem:s4], [sflag:s16] =	dma.local [hbm:s2], $0x1  }
0x93: {  	_ =	swait.eq [sflag:s16], $0x1  }
0x94: {  	[sflag:s16] =	ssyncset.done $0x0  }
0x95: {  	[sflag:s16] =	ssyncadd.s32 $0xFFFFFFFF  }
0x96: {  	s17 =	sld [smem:$0x10];
	(tm) =	ssettm $0x1  }
0x97: {  	s18 =	sld [smem:$0x3FFB];
	_ =	sdelay $0x3  }
0x98: {  	_ =	strace s18  }
0x99: {  	s2 =	sld [smem:$0x3FFC];
	_ =	sdelay $0x3  }
0x9a: {  	_ =	strace s2  }
0x9b: {  	s2 =	sld [smem:$0x3FFD];
	_ =	sdelay $0x3  }
0x9c: {  	_ =	strace s2  }
0x9d: {  	_ =	strace $0x8FFFFFFF  }
0x9e: {  	s19 =	sld [smem:$0x3FDB];
	_ =	sdelay $0x1  }
0x9f: {  	s20 =	simm.s32 $_scs_section_size  }
0xa0: {  	s5 =	simm.s32 $_size__tile_overlayer_lowered;
	s6 =	simm.s32 $_tile_overlayer_lowered  }
0xa1: {  	s7 =	simm.s32 $0x1BFF;
	s21 =	sshll.u32 s6, $0x1;
	s4 =	sadd.s32 s20, s19  }
0xa2: {  	s22 =	simm.s32 $0x0;
	s5 =	sshll.u32 s5, $0x1;
	s6 =	sadd.s32 s21, s4  }
0xa3: {  	[timem:s22], [sflag:s7] =	dma.local [hbm:s6], s5  }
0xa4: {  	_ =	swait.ge [sflag:s7], s5  }
0xa5: {  	s5 =	ssub.s32 $0x0, s5;
	[sflag:s7] =	ssyncset.done $0x0  }
0xa6: {  	[sflag:s7] =	ssyncadd.s32 s5;
	_ =	sdelay $0x1  }
0xa7: {  	s23 =	simm.s32 $0x1B8B  }
0xa8: {  	_ =	swait.ge [sflag:s23], $0x1  }
0xa9: {  	[sflag:s23] =	ssyncset.done $0x0  }
0xaa: {  	[sflag:s23] =	ssyncadd.s32 $0xFFFFFFFF  }
0xab: {  	s5 =	sld [smem:$0x0]  }
0xac: {  	s6 =	sand.u32 $0xFFFFFFFE, s1  }
0xad: {  	p0 =	sne.s32 s1, s6  }
0xae: {  	s6 =	sshll.u32 @p0 s6, $0xE  }
0xaf: {  	s6 =	sadd.s32 @p0 $0x11B8D, s6;
	s7 =	sshll.u32 @p0 s5, $0x11  }
0xb0: {  	s6 =	sor.u32 @p0 s7, s6  }
0xb1: {  	[sflag:s6] =	ssyncadd.remote.s32 @p0 $0x1;
	_ =	sdelay $0x1  }
0xb2: {  	s6 =	simm.s32 @p0 $0x1B8D  }
0xb3: {  	_ =	swait.eq @p0 [sflag:s6], $0x1  }
0xb4: {  	[sflag:s6] =	ssyncadd.s32 @p0 $0xFFFFFFFF  }
0xb5: {  	s7 =	sshll.u32 @!p0 s1, $0xE  }
0xb6: {  	s7 =	sor.u32 @!p0 $0x4000, s7;
	s6 =	simm.s32 @!p0 $0x1B8D  }
0xb7: {  	s5 =	sshll.u32 @!p0 s5, $0x11;
	s7 =	sadd.s32 @!p0 $0x11B8D, s7;
	_ =	swait.eq @!p0 [sflag:s6], $0x1  }
0xb8: {  	s5 =	sor.u32 @!p0 s5, s7;
	[sflag:s6] =	ssyncadd.s32 @!p0 $0xFFFFFFFF  }
0xb9: {  	s25 =	simm.s32 $0x1B8E;
	s24 =	sld [smem:$0x3FFE];
	[sflag:s5] =	ssyncadd.remote.s32 @!p0 $0x1  }
0xba: {  	s26 =	simm.s32 $execute0_lowered;
	[smem:$0x3FD2] =	sst s25  }
0xbb: {  	s6 =	sshll.u32 s26, $0x1;
	_ =	strace $0x8000004F;
	[dreg:$0x1] =	wrdreg $0xFFFFFFFF  }
0xbc: {  	s28 =	simm.s32 $_size_execute0_lowered;
	s4 =	sadd.s32 s4, s6;
	[dreg:$0x0] =	wrdreg $0x0  }
0xbd: {  	s6 =	sshll.u32 s28, $0x1;
	[dreg:$0x2] =	wrdreg s4  }
0xbe: {  	[dreg:$0x3] =	wrdreg s6  }
0xbf: {  	[dreg:$0x4] =	wrdreg $0xC0  }
0xc0: {  	_ =	task [dreg:s22], $0x5FFFF  }
0xc1: {  	[dreg:$0x1] =	wrdreg $0xFFFFFFFF  }
0xc2: {  	[dreg:$0x0] =	wrdreg $0x60  }
0xc3: {  	[dreg:$0x2] =	wrdreg s24  }
0xc4: {  	[dreg:$0x3] =	wrdreg s17  }
0xc5: {  	[dreg:$0x4] =	wrdreg $0x61000  }
0xc6: {  	[dreg:$0x5] =	wrdreg $0xA  }
0xc7: {  	_ =	task.clear_ibuf [dreg:s22], $0x6FFFF;
	_ =	strace $0x9000004F  }
0xc8: {  	s29 =	simm.s32 $0xA;
	_ =	strace $0x80000051  }
0xc9: {  	_ =	swait.ge [sflag:s29], $0x1  }
0xca: {  	[sflag:s29] =	ssyncadd.s32 $0xFFFFFFFF  }
0xcb: {  	_ =	strace $0x90000051  }
0xcc: {  	_ =	sfence  }
0xcd: {  	s30 =	sld [smem:$0x0];
	_ =	sdelay $0x2  }
0xce: {  	s31 =	sshll.u32 s1, $0xD;
	s1 =	sshrl.u32 s1, $0x2  }
0xcf: {  	s4 =	sand.u32 $0x4000, s31;
	s1 =	sadd.s32 s1, s30  }
0xd0: {  	s0 =	sor.u32 s4, s0;
	s1 =	sshll.u32 s1, $0x11  }
0xd1: {  	s0 =	sor.u32 s1, s0  }
0xd2: {  	s0 =	sadd.s32 $0x8F2B, s0  }
0xd3: {  	[sflag:s0] =	ssyncadd.remote.s32 $0x1  }
0xd4: {  	_ =	sfence.sel $0xFFFF  }
0xd5: {  	[dreg:$0x0] =	wrdreg $0xFFFFFFFF;
	(pc) =	sbr.abs _section_cstart, $3  }
0xd6: {  	[dreg:$0x1] =	wrdreg $0xFFFFFFFF  }
0xd7: {  	_ =	task.clear_ibuf [dreg:s22], $0x2FFFF;
	_ =	strace $0x9FFFFFFF  }
0xd8: {  	(tm) =	ssettm $0x7FFFFFFF  }
0xd9: {  	_ =	shalt  }
tec
execute0_lowered:
.L_overlay_start_1:
0x0: {  	(tag) =	ssettag $0x1  }
0x1: {  	s0 =	rddreg [dreg:$0x0]  }
0x2: {  	s3 =	rddreg [dreg:$0x1]  }
0x3: {  	s1 =	rddreg [dreg:$0x2]  }
0x4: {  	s2 =	simm.s32 $0x0;
	s4 =	srdreg.scid;
	s23 =	stileid.u32  }
0x5: {  	s28 =	simm.s32 $0x100;
	s29 =	simm.s32 $0x80;
	s6 =	smul.u32 $0x62000, s23  }
0x6: {  	s30 =	simm.s32 $0x0;
	[smem:$0x7FF] =	sst s2;
	s20 =	smul.u32 $0x618, s23  }
0x7: {  	s7 =	sand.u32 $0x1, s4;
	s4 =	sadd.s32 $0x12BC200, s0;
	s21 =	smul.u32 $0x61800, s23  }
0x8: {  	s5 =	sadd.s32 $0x18C200, s0;
	s19 =	smul.u32 $0x6400, s23;
	p0 =	sne.s32 s23, $0x0  }
0x9: {  	_ =	strace $0x80000050;
	s8 =	ssub.s32 $0x2, s7;
	s26 =	smul.u32 $0x61A8, s7  }
0xa: {  	s7 =	smul.u32 $0x30D400, s7;
	s22 =	sshrl.u32 s8, $0x1;
	s6 =	sshrl.u32 s6, $0x2  }
0xb: {  	s21 =	sshrl.u32 s21, $0x2;
	s0 =	ssub.s32 s8, s22;
	s6 =	sadd.s32 s6, s1  }
0xc: {  	s20 =	sadd.s32 s20, s26;
	s7 =	sshrl.u32 s7, $0x4;
	s31 =	sadd.s32 s21, s1  }
0xd: {  	v0 =	vmov s26;
	s26 =	simm.s32 $0x1;
	s24 =	sadd.s32 $0x2000, s6;
	s25 =	sadd.s32 $0x4000, s6  }
0xe: {  	s9 =	sadd.s32 $0x6000, s6;
	s10 =	sadd.s32 $0x8000, s6;
	s11 =	sadd.s32 $0xA000, s6  }
0xf: {  	s12 =	sadd.s32 $0xC000, s6;
	s13 =	sadd.s32 $0xE000, s6;
	s14 =	sadd.s32 $0x10000, s6  }
0x10: {  	s15 =	sadd.s32 $0x12000, s6;
	s16 =	sadd.s32 $0x14000, s6;
	s17 =	sadd.s32 $0x16000, s6  }
0x11: {  	s18 =	sadd.s32 $0x18000, s6;
	s20 =	sshll.u32 s20, $0x3;
	s7 =	sadd.s32 s3, s7  }
0x12: {  	s22 =	smax.u32 s0, $0x1;
	s23 =	sshrl.u32 s31, $0x3;
	[dreg:$0x4] =	wrdreg s24  }
0x13: {  	[dreg:$0x5] =	wrdreg s25;
	s21 =	sadd.s32 $0x30C00, s7;
	s7 =	sadd.s32 $0x186000, s1  }
0x14: {  	v1 =	vimm.bf16 $0.0e+00;
	s20 =	sadd.s32 s3, s20;
	s25 =	simm.s32 $0x4100;
	s24 =	sshrl.u32 @!p0 s7, $0x3  }
.LBB2_1:
0x15: {  	s3 =	simm.s32 $0x100;
	s0 =	simm.s32 $0x0  }
.LBB2_2:
0x16: {  	p1 =	sne.s32 s3, $0x7F00;
	[tilespmem:s0+$0x4130] =	vst v1;
	s7 =	smov.u32 s3;
	s3 =	sadd.s32 $0x100, s3  }
.Ltmp0:
0x17: {  	[tilespmem:s0+$0x4120] =	vst v1;
	(pc) =	sbr.rel @p1 .LBB2_2-.Ltmp0, $3  }
0x18: {  	[tilespmem:s0+$0x4100] =	vst v1  }
0x19: {  	[tilespmem:s0+$0x4110] =	vst v1;
	_ =	sdelay $0x1  }
0x1a: {  	s0 =	sshra.s32 s7, $0x2  }
0x1b: {  	[tilespmem:s0+$0x4130] =	vst v1  }
0x1c: {  	[tilespmem:s0+$0x4120] =	vst v1  }
0x1d: {  	[tilespmem:s0+$0x4100] =	vst v1  }
0x1e: {  	[tilespmem:s0+$0x4110] =	vst v1  }
0x1f: {  	[spmem:s6] =	stream.linear.scatter [tilespmem:s25], [sflag:$0x1], $0x2000, $0x38;
	[tilespmem:$0x1E900] =	vst v63  }
0x20: {  	_ =	swait.ge [sflag:s26], $0x2000  }
0x21: {  	[sflag:s26] =	ssyncset.done $0x0  }
0x22: {  	s7 =	rddreg [dreg:$0x4];
	[sflag:s26] =	ssyncadd.s32 $0xFFFFE000  }
0x23: {  	[spmem:s7] =	stream.linear.scatter [tilespmem:s25], [sflag:$0x1], $0x2000, $0x38;
	[tilespmem:$0x1E900] =	vst v63  }
0x24: {  	_ =	swait.ge [sflag:s26], $0x2000  }
0x25: {  	[sflag:s26] =	ssyncset.done $0x0  }
0x26: {  	s8 =	rddreg [dreg:$0x5];
	[sflag:s26] =	ssyncadd.s32 $0xFFFFE000  }
0x27: {  	[spmem:s8] =	stream.linear.scatter [tilespmem:s25], [sflag:$0x1], $0x2000, $0x38;
	[tilespmem:$0x1E900] =	vst v63  }
0x28: {  	_ =	swait.ge [sflag:s26], $0x2000  }
0x29: {  	[sflag:s26] =	ssyncset.done $0x0  }
0x2a: {  	[sflag:s26] =	ssyncadd.s32 $0xFFFFE000  }
0x2b: {  	[spmem:s9] =	stream.linear.scatter [tilespmem:s25], [sflag:$0x1], $0x2000, $0x38;
	[tilespmem:$0x1E900] =	vst v63  }
0x2c: {  	_ =	swait.ge [sflag:s26], $0x2000  }
0x2d: {  	[sflag:s26] =	ssyncset.done $0x0  }
0x2e: {  	[sflag:s26] =	ssyncadd.s32 $0xFFFFE000  }
0x2f: {  	[spmem:s10] =	stream.linear.scatter [tilespmem:s25], [sflag:$0x1], $0x2000, $0x38;
	[tilespmem:$0x1E900] =	vst v63  }
0x30: {  	_ =	swait.ge [sflag:s26], $0x2000  }
0x31: {  	[sflag:s26] =	ssyncset.done $0x0  }
0x32: {  	[sflag:s26] =	ssyncadd.s32 $0xFFFFE000  }
0x33: {  	[spmem:s11] =	stream.linear.scatter [tilespmem:s25], [sflag:$0x1], $0x2000, $0x38;
	[tilespmem:$0x1E900] =	vst v63  }
0x34: {  	_ =	swait.ge [sflag:s26], $0x2000  }
0x35: {  	[sflag:s26] =	ssyncset.done $0x0  }
0x36: {  	[sflag:s26] =	ssyncadd.s32 $0xFFFFE000  }
0x37: {  	[spmem:s12] =	stream.linear.scatter [tilespmem:s25], [sflag:$0x1], $0x2000, $0x38;
	[tilespmem:$0x1E900] =	vst v63  }
0x38: {  	_ =	swait.ge [sflag:s26], $0x2000  }
0x39: {  	[sflag:s26] =	ssyncset.done $0x0  }
0x3a: {  	[sflag:s26] =	ssyncadd.s32 $0xFFFFE000  }
0x3b: {  	[spmem:s13] =	stream.linear.scatter [tilespmem:s25], [sflag:$0x1], $0x2000, $0x38;
	[tilespmem:$0x1E900] =	vst v63  }
0x3c: {  	_ =	swait.ge [sflag:s26], $0x2000  }
0x3d: {  	[sflag:s26] =	ssyncset.done $0x0  }
0x3e: {  	[sflag:s26] =	ssyncadd.s32 $0xFFFFE000  }
0x3f: {  	[spmem:s14] =	stream.linear.scatter [tilespmem:s25], [sflag:$0x1], $0x2000, $0x38;
	[tilespmem:$0x1E900] =	vst v63  }
0x40: {  	_ =	swait.ge [sflag:s26], $0x2000  }
0x41: {  	[sflag:s26] =	ssyncset.done $0x0  }
0x42: {  	[sflag:s26] =	ssyncadd.s32 $0xFFFFE000  }
0x43: {  	[spmem:s15] =	stream.linear.scatter [tilespmem:s25], [sflag:$0x1], $0x2000, $0x38;
	[tilespmem:$0x1E900] =	vst v63  }
0x44: {  	_ =	swait.ge [sflag:s26], $0x2000  }
0x45: {  	[sflag:s26] =	ssyncset.done $0x0  }
0x46: {  	[sflag:s26] =	ssyncadd.s32 $0xFFFFE000  }
0x47: {  	[spmem:s16] =	stream.linear.scatter [tilespmem:s25], [sflag:$0x1], $0x2000, $0x38;
	[tilespmem:$0x1E900] =	vst v63  }
0x48: {  	_ =	swait.ge [sflag:s26], $0x2000  }
0x49: {  	[sflag:s26] =	ssyncset.done $0x0  }
0x4a: {  	[sflag:s26] =	ssyncadd.s32 $0xFFFFE000  }
0x4b: {  	[spmem:s17] =	stream.linear.scatter [tilespmem:s25], [sflag:$0x1], $0x2000, $0x38;
	[tilespmem:$0x1E900] =	vst v63  }
0x4c: {  	_ =	swait.ge [sflag:s26], $0x2000  }
0x4d: {  	[sflag:s26] =	ssyncset.done $0x0  }
0x4e: {  	[sflag:s26] =	ssyncadd.s32 $0xFFFFE000  }
0x4f: {  	[spmem:s18] =	stream.linear.scatter [tilespmem:s25], [sflag:$0x1], $0x800, $0x38;
	[tilespmem:$0x1E900] =	vst v63  }
0x50: {  	_ =	swait.ge [sflag:s26], $0x800  }
0x51: {  	[sflag:s26] =	ssyncset.done $0x0  }
0x52: {  	[sflag:s26] =	ssyncadd.s32 $0xFFFFF800  }
0x53: {  	s31 =	simm.s32 $0x0;
	[bflag:$0x0] =	sbarrier.arrive $0xFFFF  }
.LBB2_4:
0x54: {  	s0 =	sshll.u32 s31, $0x7  }
0x55: {  	s0 =	sadd.s32 s19, s0  }
0x56: {  	s3 =	sshrl.u32 s0, $0x3  }
0x57: {  	s3 =	sadd.s32 s5, s3  }
0x58: {  	[tilespmem:s30], [sflag:$0x1] =	stream.linear.gather [hbm4b:s3+s30], $0x80, $0x38;
	[tilespmem:$0x1E900] =	vst v63  }
0x59: {  	_ =	swait.ge [sflag:s26], $0x80  }
0x5a: {  	[sflag:s26] =	ssyncset.done $0x0  }
0x5b: {  	[sflag:s26] =	ssyncadd.s32 $0xFFFFFF80  }
0x5c: {  	v2 =	vld [tilespmem:$0x0]  }
0x5d: {  	v3 =	vld [tilespmem:$0x10]  }
0x5e: {  	v4 =	vld [tilespmem:$0x20]  }
0x5f: {  	v5 =	vld [tilespmem:$0x30]  }
0x60: {  	v6 =	vld [tilespmem:$0x40]  }
0x61: {  	v7 =	vld [tilespmem:$0x50];
	v2 =	vsub.s32 v2, v0  }
0x62: {  	v8 =	vld [tilespmem:$0x60];
	v3 =	vsub.s32 v3, v0;
	v2 =	vmin.u32 v2, $0x61A8  }
0x63: {  	[tilespmem:$0x80] =	vst v2;
	v2 =	vmin.u32 v3, $0x61A8;
	v3 =	vsub.s32 v4, v0;
	v4 =	vld [tilespmem:$0x70]  }
0x64: {  	[tilespmem:$0x90] =	vst v2;
	v2 =	vmin.u32 v3, $0x61A8;
	v3 =	vsub.s32 v5, v0  }
0x65: {  	[tilespmem:$0xA0] =	vst v2;
	v2 =	vmin.u32 v3, $0x61A8;
	v3 =	vsub.s32 v6, v0  }
0x66: {  	[tilespmem:$0xB0] =	vst v2;
	v2 =	vmin.u32 v3, $0x61A8;
	v3 =	vsub.s32 v7, v0  }
0x67: {  	[tilespmem:$0xC0] =	vst v2;
	v2 =	vmin.u32 v3, $0x61A8;
	v3 =	vsub.s32 v8, v0  }
0x68: {  	[tilespmem:$0xD0] =	vst v2;
	v2 =	vmin.u32 v3, $0x61A8;
	v3 =	vsub.s32 v4, v0  }
0x69: {  	s0 =	sshll.u32 s0, $0x4;
	[tilespmem:$0xE0] =	vst v2;
	v2 =	vmin.u32 v3, $0x61A8  }
0x6a: {  	s0 =	sadd.s32 s4, s0;
	[tilespmem:$0xF0] =	vst v2  }
0x6b: {  	[tilespmem:s28], [sflag:$0x1] =	stream.linear.gather [hbm4b:s0+s30], $0x4000, $0x38;
	[tilespmem:$0x1E900] =	vst v63  }
0x6c: {  	_ =	swait.ge [sflag:s26], $0x4000  }
0x6d: {  	[sflag:s26] =	ssyncset.done $0x0  }
0x6e: {  	s0 =	simm.s32 $0x130;
	[sflag:s26] =	ssyncadd.s32 $0xFFFFC000  }
0x6f: {  	v2 =	vld [tilespmem:s0+$0xFFFFFFD0]  }
0x70: {  	v3 =	vld [tilespmem:s0+$0xFFFFFFE0];
	_ =	sdelay $0x4  }
0x71: {  	s7 =	simm.s32 $0x0;
	v2 =	vpack.i.f32.bf16 v3, v2  }
0x72: {  	[tilespmem:s7+$0x4100] =	vst v2  }
0x73: {  	v2 =	vld [tilespmem:s0+$0xFFFFFFF0]  }
0x74: {  	v3 =	vld [tilespmem:s0+$0x0];
	_ =	sdelay $0x4  }
0x75: {  	v2 =	vpack.i.f32.bf16 v3, v2  }
0x76: {  	[tilespmem:s7+$0x4110] =	vst v2  }
0x77: {  	v2 =	vld [tilespmem:s0+$0x10]  }
0x78: {  	s3 =	simm.s32 $0x100;
	v3 =	vld [tilespmem:s0+$0x20]  }
.LBB2_5:
0x79: {  	_ =	sdelay $0x1  }
0x7a: {  	p1 =	sne.s32 s3, $0x7F00  }
0x7b: {  	s0 =	sadd.s32 $0x80, s0;
	s8 =	smov.u32 s3;
	s3 =	sadd.s32 $0x100, s3  }
0x7c: {  	v2 =	vpack.i.f32.bf16 v3, v2  }
0x7d: {  	[tilespmem:s7+$0x4120] =	vst v2  }
0x7e: {  	v2 =	vld [tilespmem:s0+$0xFFFFFFD0]  }
0x7f: {  	v3 =	vld [tilespmem:s0+$0xFFFFFFE0];
	_ =	sdelay $0x4  }
0x80: {  	s7 =	sshra.s32 s8, $0x2;
	v2 =	vpack.i.f32.bf16 v3, v2  }
0x81: {  	[tilespmem:s7+$0x4100] =	vst v2  }
0x82: {  	v2 =	vld [tilespmem:s0+$0xFFFFFFF0]  }
0x83: {  	v3 =	vld [tilespmem:s0+$0x0];
	_ =	sdelay $0x3  }
.Ltmp1:
0x84: {  	(pc) =	sbr.rel @p1 .LBB2_5-.Ltmp1, $4  }
0x85: {  	v2 =	vpack.i.f32.bf16 v3, v2  }
0x86: {  	[tilespmem:s7+$0x4110] =	vst v2  }
0x87: {  	v2 =	vld [tilespmem:s0+$0x10]  }
0x88: {  	v3 =	vld [tilespmem:s0+$0x20]  }
0x89: {  	_ =	sdelay $0x2  }
0x8a: {  	s31 =	sadd.s32 $0x1, s31  }
0x8b: {  	p1 =	sne.s32 s31, $0xC8;
	v2 =	vpack.i.f32.bf16 v3, v2  }
.Ltmp2:
0x8c: {  	[tilespmem:s7+$0x4120] =	vst v2;
	(pc) =	sbr.rel @p1 .LBB2_4-.Ltmp2, $4  }
0x8d: {  	[spmem:s1] =	stream.indirect.scatter.add.bf16 [tilespmem:s25], [sflag:$0x1], $0x40, s29, s29, $0xb8;
	[tilespmem:$0x1E900] =	vst v63  }
0x8e: {  	_ =	swait.ge [sflag:s26], $0x2000  }
0x8f: {  	[sflag:s26] =	ssyncset.done $0x0  }
0x90: {  	[sflag:s26] =	ssyncadd.s32 $0xFFFFE000  }
0x91: {  	s0 =	stileid.u32  }
0x92: {  	s0 =	sshll.u32 s0, $0x6  }
0x93: {  	[bflag:$0x0] =	sbarrier.arrive $0xFFFF;
	s0 =	sor.u32 $0x1C01, s0  }
0x94: {  	[hbm:s20], [sflag:s0] =	dma.local [spmem:s23], $0x30C0  }
0x95: {  	_ =	swait.ge [sflag:s26], $0x30C0  }
0x96: {  	s2 =	sadd.s32 $0x1, s2;
	[sflag:s26] =	ssyncset.done $0x0  }
0x97: {  	p1 =	sne.s32 s2, s22;
	[sflag:s26] =	ssyncadd.s32 $0xFFFFCF40  }
0x98: {  	[hbm:s21], [sflag:s0] =	dma.local @!p0 [spmem:s24], $0x140  }
.Ltmp3:
0x99: {  	_ = 	snop;
	(pc) =	sbr.rel @p1 .LBB2_1-.Ltmp3, $4  }
0x9a: {  	s0 =	simm.s32 @!p0 $0x1  }
0x9b: {  	_ =	swait.ge @!p0 [sflag:s0], $0x140  }
0x9c: {  	[sflag:s0] =	ssyncset.done @!p0 $0x0  }
0x9d: {  	[sflag:s0] =	ssyncadd.s32 @!p0 $0xFFFFFEC0  }
0x9e: {  	_ =	sfence.sel $0x180000  }
0x9f: {  	[bflag:$0x0] =	sbarrier.arrive $0xFFFF  }
0xa0: {  	_ =	strace $0x90000050  }
0xa1: {  	[bflag:$0x2] =	sbarrier.arrive $0xFFFF  }
0xa2: {  	s0 =	rddreg [dreg:$0x3]  }
0xa3: {  	s0 =	sadd.s32 @!p0 $0x100000, s0  }
0xa4: {  	[sflag:s0] =	ssyncadd.tile.s32 @!p0 $0x1;
	_ =	shalt  }
.Lfunc_end2:
_tile_overlayer_lowered:
.L_overlay_start_2:
0xa5: {  	(tag) =	ssettag $0x2  }
0xa6: {  	s0 =	rddreg [dreg:$0x0];
	s2 =	stileid.u32  }
0xa7: {  	s1 =	rddreg [dreg:$0x1];
	p0 =	sne.s32 s2, $0x0  }
0xa8: {  	s3 =	rddreg [dreg:$0x2];
	[bflag:$0x3] =	sbarrier.arrive $0xFFFF;
	s2 =	simm.s32 @!p0 $0x1C01  }
0xa9: {  	[timem:s3], [sflag:s2] =	dma.local @!p0 [hbm:s0], s1  }
0xaa: {  	s0 =	simm.s32 @!p0 $0x1  }
0xab: {  	_ =	swait.ge @!p0 [sflag:s0], s1  }
0xac: {  	s1 =	ssub.s32 @!p0 $0x0, s1;
	[sflag:s0] =	ssyncset.done @!p0 $0x0  }
0xad: {  	[sflag:s0] =	ssyncadd.s32 @!p0 s1  }
0xae: {  	[bflag:$0x3] =	sbarrier.arrive $0xFFFF  }
0xaf: {  	_ =	shalt  }

</sc_bundles>
